<compile_context>
chip_gen: v7x
topology: tpu7x:2x2x1
jax: 0.10.2.dev20260603
libtpu: 0.0.44.dev20260713+nightly
codegen_flags: <defaults>
</compile_context>

<pallas_src>
import functools

import jax
import jax.numpy as jnp
from jax import lax
from jax.experimental import pallas as pl
from jax.experimental.pallas import tpu as pltpu
from jax.experimental.pallas import tpu_sc as plsc

B = 4
P = 5
S = 2048
D = 1024
SLAB = S * D
NW = 32
PER_W = SLAB // NW
CHUNK = 8192
ROWS = CHUNK // D
NCHUNK = PER_W // CHUNK
LANES = 16


def _body(probes_hbm, scores_hbm, rexp_hbm, out_hbm,
          scores_v, rexp_v, x0, x1, ob):
    cid = lax.axis_index("c")
    sid = lax.axis_index("s")
    wid = sid * 2 + cid
    base = wid * PER_W

    pltpu.sync_copy(scores_hbm, scores_v)
    pltpu.sync_copy(rexp_hbm, rexp_v)

    sc_lo = scores_v[pl.ds(0, LANES)]
    sc_hi = scores_v[pl.ds(LANES, LANES)]

    for b in range(B):
        sv = [(sc_lo[P * b + i] if P * b + i < LANES else sc_hi[P * b + i - LANES])
              for i in range(P)]
        bv = sv[0]
        bi = jnp.int32(0)
        for i in range(1, P):
            better = sv[i] > bv
            bv = jnp.where(better, sv[i], bv)
            bi = jnp.where(better, jnp.int32(i), bi)
        b2v = jnp.float32(-jnp.inf)
        b2i = jnp.int32(0)
        for i in range(P):
            cand = jnp.logical_and(jnp.int32(i) != bi, sv[i] > b2v)
            b2v = jnp.where(cand, sv[i], b2v)
            b2i = jnp.where(cand, jnp.int32(i), b2i)
        delta = jnp.full((LANES,), b2v - bv, dtype=jnp.float32)
        e = jnp.exp(delta)
        w1v = e / (1.0 + e)
        w0v = 1.0 - w1v

        row0 = P * b + bi
        row1 = P * b + b2i

        def chunk_body(c, carry):
            off = base + c * CHUNK
            pltpu.sync_copy(probes_hbm.at[row0, pl.ds(off, CHUNK)], x0)
            pltpu.sync_copy(probes_hbm.at[row1, pl.ds(off, CHUNK)], x1)

            def jbody(j, carry2):
                col = j * LANES
                revs = [rexp_v[pl.ds(p * D + col, LANES)] for p in range(P)]
                for r in range(ROWS):
                    pos = r * D + col
                    v0 = x0[pl.ds(pos, LANES)]
                    v1 = x1[pl.ds(pos, LANES)]
                    m = w0v * v0 + w1v * v1
                    for p in range(P):
                        ob[pl.ds(p * CHUNK + pos, LANES)] = m + revs[p]
                return carry2

            lax.fori_loop(0, D // LANES, jbody, 0)
            for p in range(P):
                pltpu.sync_copy(ob.at[pl.ds(p * CHUNK, CHUNK)],
                                out_hbm.at[P * b + p, pl.ds(off, CHUNK)])
            return carry

        lax.fori_loop(0, NCHUNK, chunk_body, 0)


def kernel(probes, scores, re_expand):
    b, p, s, d = probes.shape
    probes2 = probes.reshape(b * p, s * d)
    scores_pad = jnp.zeros((32,), jnp.float32).at[: b * p].set(
        scores.reshape(-1).astype(jnp.float32))
    rexp = re_expand.reshape(-1).astype(jnp.float32)

    mesh = plsc.VectorSubcoreMesh(core_axis_name="c", subcore_axis_name="s")
    run = functools.partial(
        pl.kernel,
        mesh=mesh,
        out_type=jax.ShapeDtypeStruct((b * p, s * d), jnp.float32),
        scratch_types=[
            pltpu.VMEM((32,), jnp.float32),
            pltpu.VMEM((P * D,), jnp.float32),
            pltpu.VMEM((CHUNK,), jnp.float32),
            pltpu.VMEM((CHUNK,), jnp.float32),
            pltpu.VMEM((P * CHUNK,), jnp.float32),
        ],
    )(_body)
    out2 = run(probes2, scores_pad, rexp)
    return out2.reshape(b, p, s, d)

# --- scband reference (transcript-rebuilt; emitter-appended) ---
"""Pipeline reference for scband-probe-fold-77206332112981 (READ-ONLY COPY).

The authoritative reference and input builder live on the scoring server;
editing this copy changes nothing except your own understanding.
"""

import jax, jax.numpy as jnp
import numpy as np

NUM_PROBES = 5
TOP_K = 2
MODEL_DIM = 1024

def setup_inputs(seed: int = 0) -> dict:
    key = jax.random.key(seed)
    k1, k2, k3 = jax.random.split(key, 3)
    probes = jax.random.normal(k1, (4, NUM_PROBES, 2048, MODEL_DIM), dtype=jnp.float32)
    scores = jax.random.normal(k2, (4, NUM_PROBES), dtype=jnp.float32)
    re_expand = jax.random.normal(k3, (NUM_PROBES, MODEL_DIM), dtype=jnp.float32) * 0.02
    return {"probes": probes, "scores": scores, "re_expand": re_expand}

def reference(probes, scores, re_expand):
    B, P, S, D = probes.shape
    # top-k over probe dimension (scores: (B, P), last axis)
    top_scores, top_indices = jax.lax.top_k(scores, TOP_K)
    idx = jnp.broadcast_to(top_indices[:, :, None, None], (B, TOP_K, S, D))
    top_probes = jnp.take_along_axis(probes, idx, axis=1)
    weights = jax.nn.softmax(top_scores, axis=1)[:, :, None, None]
    merged = jnp.sum(top_probes * weights, axis=1)
    new_probes = jnp.broadcast_to(merged[:, None, :, :], (B, P, S, D))
    new_probes = new_probes + re_expand[None, :, None, :]
    return new_probes

if __name__ == "__main__":
    import jax
    _d = setup_inputs()
    print(jax.jit(kernel)(*tuple(_d.values())))

</pallas_src>

<mosaic_0001>
#map = affine_map<(d0, d1) -> (0, 0)>
#map1 = affine_map<(d0, d1) -> (0)>
module attributes {stable_mosaic.version = 14 : i64} {
  func.func @_body(%arg0: i32, %arg1: i32, %arg2: memref<20x2097152xf32, #tpu.memory_space<hbm>>, %arg3: memref<32xf32, #tpu.memory_space<hbm>>, %arg4: memref<5120xf32, #tpu.memory_space<hbm>>, %arg5: memref<20x2097152xf32, #tpu.memory_space<hbm>>, %arg6: memref<32xf32, #tpu.memory_space<vmem>>, %arg7: memref<5120xf32, #tpu.memory_space<vmem>>, %arg8: memref<8192xf32, #tpu.memory_space<vmem>>, %arg9: memref<8192xf32, #tpu.memory_space<vmem>>, %arg10: memref<40960xf32, #tpu.memory_space<vmem>>) attributes {dimension_semantics = [#tpu.dimension_semantics<core_parallel>, #tpu.dimension_semantics<subcore_parallel>], iteration_bounds = array<i64: 2, 16>, scalar_prefetch = 0 : i64, scratch_operands = 5 : i64, tpu.core_type = #tpu.core_type<sc_vector_subcore>, window_params = [{transform_indices = #map}, {transform_indices = #map1}, {transform_indices = #map1}, {transform_indices = #map}]} {
    %mul3A = arith.constant 2 : i32
    %mul3A_0 = arith.muli %arg1, %mul3A : i32
    %add3A = arith.addi %mul3A_0, %arg0 : i32
    %mul3A_1 = arith.constant 65536 : i32
    %mul3A_2 = arith.muli %add3A, %mul3A_1 : i32
    "tpu.region"() ({
      %run_scoped3A = tpu.sem_alloc : memref<!tpu.dma_semaphore, #tpu.memory_space<semaphore_mem>>
      tpu.enqueue_dma source(%arg3 : memref<32xf32, #tpu.memory_space<hbm>>) target(%arg6 : memref<32xf32, #tpu.memory_space<vmem>>) target_semaphore(%run_scoped3A : memref<!tpu.dma_semaphore, #tpu.memory_space<semaphore_mem>>)
      tpu.wait_dma2 semaphore(%run_scoped3A : memref<!tpu.dma_semaphore, #tpu.memory_space<semaphore_mem>>) src(%arg3 : memref<32xf32, #tpu.memory_space<hbm>>) dst(%arg6 : memref<32xf32, #tpu.memory_space<vmem>>)
      tpu.yield
    }) : () -> ()
    "tpu.region"() ({
      %run_scoped3A = tpu.sem_alloc : memref<!tpu.dma_semaphore, #tpu.memory_space<semaphore_mem>>
      tpu.enqueue_dma source(%arg4 : memref<5120xf32, #tpu.memory_space<hbm>>) target(%arg7 : memref<5120xf32, #tpu.memory_space<vmem>>) target_semaphore(%run_scoped3A : memref<!tpu.dma_semaphore, #tpu.memory_space<semaphore_mem>>)
      tpu.wait_dma2 semaphore(%run_scoped3A : memref<!tpu.dma_semaphore, #tpu.memory_space<semaphore_mem>>) src(%arg4 : memref<5120xf32, #tpu.memory_space<hbm>>) dst(%arg7 : memref<5120xf32, #tpu.memory_space<vmem>>)
      tpu.yield
    }) : () -> ()
    %get3A = arith.constant 0 : index
    %get3A_3 = tpu.vector_load %arg6[%get3A] {strides = array<i32>} : memref<32xf32, #tpu.memory_space<vmem>>, vector<16xf32>,
    %get3A_4 = vector.shape_cast %get3A_3 : vector<16xf32> to vector<16xf32>
    %get3A_5 = arith.constant 16 : index
    %get3A_6 = tpu.vector_load %arg6[%get3A_5] {strides = array<i32>} : memref<32xf32, #tpu.memory_space<vmem>>, vector<16xf32>,
    %get3A_7 = vector.shape_cast %get3A_6 : vector<16xf32> to vector<16xf32>
    %slice3A = vector.extract_strided_slice %get3A_4 {offsets = [0], sizes = [1], strides = [1]} : vector<16xf32> to vector<1xf32>
    %squeeze3A = vector.extract %slice3A[0] : f32 from vector<1xf32>
    %slice3A_8 = vector.extract_strided_slice %get3A_4 {offsets = [1], sizes = [1], strides = [1]} : vector<16xf32> to vector<1xf32>
    %squeeze3A_9 = vector.extract %slice3A_8[0] : f32 from vector<1xf32>
    %slice3A_10 = vector.extract_strided_slice %get3A_4 {offsets = [2], sizes = [1], strides = [1]} : vector<16xf32> to vector<1xf32>
    %squeeze3A_11 = vector.extract %slice3A_10[0] : f32 from vector<1xf32>
    %slice3A_12 = vector.extract_strided_slice %get3A_4 {offsets = [3], sizes = [1], strides = [1]} : vector<16xf32> to vector<1xf32>
    %squeeze3A_13 = vector.extract %slice3A_12[0] : f32 from vector<1xf32>
    %slice3A_14 = vector.extract_strided_slice %get3A_4 {offsets = [4], sizes = [1], strides = [1]} : vector<16xf32> to vector<1xf32>
    %squeeze3A_15 = vector.extract %slice3A_14[0] : f32 from vector<1xf32>
    %gt3A = arith.cmpf ogt, %squeeze3A_9, %squeeze3A : f32
    %select_n3A = arith.select %gt3A, %squeeze3A_9, %squeeze3A : f32
    %jit3A = arith.constant 1 : i32
    %jit3A_16 = arith.constant 0 : i32
    %select_n3A_17 = arith.select %gt3A, %jit3A, %jit3A_16 : i32
    %gt3A_18 = arith.cmpf ogt, %squeeze3A_11, %select_n3A : f32
    %select_n3A_19 = arith.select %gt3A_18, %squeeze3A_11, %select_n3A : f32
    %jit3A_20 = arith.constant 2 : i32
    %select_n3A_21 = arith.select %gt3A_18, %jit3A_20, %select_n3A_17 : i32
    %gt3A_22 = arith.cmpf ogt, %squeeze3A_13, %select_n3A_19 : f32
    %select_n3A_23 = arith.select %gt3A_22, %squeeze3A_13, %select_n3A_19 : f32
    %jit3A_24 = arith.constant 3 : i32
    %select_n3A_25 = arith.select %gt3A_22, %jit3A_24, %select_n3A_21 : i32
    %gt3A_26 = arith.cmpf ogt, %squeeze3A_15, %select_n3A_23 : f32
    %select_n3A_27 = arith.select %gt3A_26, %squeeze3A_15, %select_n3A_23 : f32
    %jit3A_28 = arith.constant 4 : i32
    %select_n3A_29 = arith.select %gt3A_26, %jit3A_28, %select_n3A_25 : i32
    %ne3A = arith.constant 0 : i32
    %ne3A_30 = arith.cmpi ne, %ne3A, %select_n3A_29 : i32
    %gt3A_31 = arith.constant 0xFF800000 : f32
    %gt3A_32 = arith.cmpf ogt, %squeeze3A, %gt3A_31 : f32
    %and3A = arith.andi %ne3A_30, %gt3A_32 : i1
    %jit3A_33 = arith.constant 0xFF800000 : f32
    %select_n3A_34 = arith.select %and3A, %squeeze3A, %jit3A_33 : f32
    %jit3A_35 = arith.constant 0 : i32
    %jit3A_36 = arith.constant 0 : i32
    %select_n3A_37 = arith.select %and3A, %jit3A_35, %jit3A_36 : i32
    %ne3A_38 = arith.constant 1 : i32
    %ne3A_39 = arith.cmpi ne, %ne3A_38, %select_n3A_29 : i32
    %gt3A_40 = arith.cmpf ogt, %squeeze3A_9, %select_n3A_34 : f32
    %and3A_41 = arith.andi %ne3A_39, %gt3A_40 : i1
    %select_n3A_42 = arith.select %and3A_41, %squeeze3A_9, %select_n3A_34 : f32
    %jit3A_43 = arith.constant 1 : i32
    %select_n3A_44 = arith.select %and3A_41, %jit3A_43, %select_n3A_37 : i32
    %ne3A_45 = arith.constant 2 : i32
    %ne3A_46 = arith.cmpi ne, %ne3A_45, %select_n3A_29 : i32
    %gt3A_47 = arith.cmpf ogt, %squeeze3A_11, %select_n3A_42 : f32
    %and3A_48 = arith.andi %ne3A_46, %gt3A_47 : i1
    %select_n3A_49 = arith.select %and3A_48, %squeeze3A_11, %select_n3A_42 : f32
    %jit3A_50 = arith.constant 2 : i32
    %select_n3A_51 = arith.select %and3A_48, %jit3A_50, %select_n3A_44 : i32
    %ne3A_52 = arith.constant 3 : i32
    %ne3A_53 = arith.cmpi ne, %ne3A_52, %select_n3A_29 : i32
    %gt3A_54 = arith.cmpf ogt, %squeeze3A_13, %select_n3A_49 : f32
    %and3A_55 = arith.andi %ne3A_53, %gt3A_54 : i1
    %select_n3A_56 = arith.select %and3A_55, %squeeze3A_13, %select_n3A_49 : f32
    %jit3A_57 = arith.constant 3 : i32
    %select_n3A_58 = arith.select %and3A_55, %jit3A_57, %select_n3A_51 : i32
    %ne3A_59 = arith.constant 4 : i32
    %ne3A_60 = arith.cmpi ne, %ne3A_59, %select_n3A_29 : i32
    %gt3A_61 = arith.cmpf ogt, %squeeze3A_15, %select_n3A_56 : f32
    %and3A_62 = arith.andi %ne3A_60, %gt3A_61 : i1
    %select_n3A_63 = arith.select %and3A_62, %squeeze3A_15, %select_n3A_56 : f32
    %jit3A_64 = arith.constant 4 : i32
    %select_n3A_65 = arith.select %and3A_62, %jit3A_64, %select_n3A_58 : i32
    %sub3A = arith.subf %select_n3A_63, %select_n3A_27 : f32
    %broadcast_in_dim3A = vector.broadcast %sub3A : f32 to vector<16xf32>
    %exp3A = math.exp %broadcast_in_dim3A : vector<16xf32>
    %add3A_66 = arith.constant 1.000000e+00 : f32
    %add3A_67 = vector.broadcast %add3A_66 : f32 to vector<16xf32>
    %add3A_68 = arith.addf %add3A_67, %exp3A : vector<16xf32>
    %div3A = arith.divf %exp3A, %add3A_68 : vector<16xf32>
    %sub3A_69 = arith.constant 1.000000e+00 : f32
    %sub3A_70 = vector.broadcast %sub3A_69 : f32 to vector<16xf32>
    %sub3A_71 = arith.subf %sub3A_70, %div3A : vector<16xf32>
    %add3A_72 = arith.constant 0 : i32
    %add3A_73 = arith.addi %add3A_72, %select_n3A_29 : i32
    %add3A_74 = arith.constant 0 : i32
    %add3A_75 = arith.addi %add3A_74, %select_n3A_65 : i32
    %scan3A = arith.constant 0 : i32
    %scan3A_76 = arith.constant 0 : i32
    %scan3A_77 = arith.constant 8 : i32
    %scan3A_78 = arith.addi %scan3A_76, %scan3A_77 : i32
    %scan3A_79 = arith.constant 1 : i32
    scf.for %scan3A_336 = %scan3A_76 to %scan3A_78 step %scan3A_79  : i32 {
      %mul3A_337 = arith.constant 8192 : i32
      %mul3A_338 = arith.muli %scan3A_336, %mul3A_337 : i32
      %add3A_339 = arith.addi %mul3A_2, %mul3A_338 : i32
      "tpu.region"() ({
        %run_scoped3A_350 = tpu.sem_alloc : memref<!tpu.dma_semaphore, #tpu.memory_space<semaphore_mem>>
        %dma_start3A = tpu.memref_slice %arg2[%add3A_73, %add3A_339] : memref<20x2097152xf32, #tpu.memory_space<hbm>> -> memref<1x8192xf32, #tpu.memory_space<hbm>>
        %dma_start3A_351 = tpu.memref_squeeze %dma_start3A : memref<1x8192xf32, #tpu.memory_space<hbm>> -> memref<8192xf32, #tpu.memory_space<hbm>>
        %dma_start3A_352 = tpu.memref_slice %arg2[%add3A_73, %add3A_339] : memref<20x2097152xf32, #tpu.memory_space<hbm>> -> memref<1x8192xf32, #tpu.memory_space<hbm>>
        %dma_start3A_353 = tpu.memref_squeeze %dma_start3A_352 : memref<1x8192xf32, #tpu.memory_space<hbm>> -> memref<8192xf32, #tpu.memory_space<hbm>>
        tpu.enqueue_dma source(%dma_start3A_353 : memref<8192xf32, #tpu.memory_space<hbm>>) target(%arg8 : memref<8192xf32, #tpu.memory_space<vmem>>) target_semaphore(%run_scoped3A_350 : memref<!tpu.dma_semaphore, #tpu.memory_space<semaphore_mem>>)
        %dma_wait3A = tpu.memref_slice %arg2[%add3A_73, %add3A_339] : memref<20x2097152xf32, #tpu.memory_space<hbm>> -> memref<1x8192xf32, #tpu.memory_space<hbm>>
        %dma_wait3A_354 = tpu.memref_squeeze %dma_wait3A : memref<1x8192xf32, #tpu.memory_space<hbm>> -> memref<8192xf32, #tpu.memory_space<hbm>>
        %dma_wait3A_355 = tpu.memref_slice %arg2[%add3A_73, %add3A_339] : memref<20x2097152xf32, #tpu.memory_space<hbm>> -> memref<1x8192xf32, #tpu.memory_space<hbm>>
        %dma_wait3A_356 = tpu.memref_squeeze %dma_wait3A_355 : memref<1x8192xf32, #tpu.memory_space<hbm>> -> memref<8192xf32, #tpu.memory_space<hbm>>
        tpu.wait_dma2 semaphore(%run_scoped3A_350 : memref<!tpu.dma_semaphore, #tpu.memory_space<semaphore_mem>>) src(%dma_wait3A_356 : memref<8192xf32, #tpu.memory_space<hbm>>) dst(%arg8 : memref<8192xf32, #tpu.memory_space<vmem>>)
        tpu.yield
      }) : () -> ()
      "tpu.region"() ({
        %run_scoped3A_350 = tpu.sem_alloc : memref<!tpu.dma_semaphore, #tpu.memory_space<semaphore_mem>>
        %dma_start3A = tpu.memref_slice %arg2[%add3A_75, %add3A_339] : memref<20x2097152xf32, #tpu.memory_space<hbm>> -> memref<1x8192xf32, #tpu.memory_space<hbm>>
        %dma_start3A_351 = tpu.memref_squeeze %dma_start3A : memref<1x8192xf32, #tpu.memory_space<hbm>> -> memref<8192xf32, #tpu.memory_space<hbm>>
        %dma_start3A_352 = tpu.memref_slice %arg2[%add3A_75, %add3A_339] : memref<20x2097152xf32, #tpu.memory_space<hbm>> -> memref<1x8192xf32, #tpu.memory_space<hbm>>
        %dma_start3A_353 = tpu.memref_squeeze %dma_start3A_352 : memref<1x8192xf32, #tpu.memory_space<hbm>> -> memref<8192xf32, #tpu.memory_space<hbm>>
        tpu.enqueue_dma source(%dma_start3A_353 : memref<8192xf32, #tpu.memory_space<hbm>>) target(%arg9 : memref<8192xf32, #tpu.memory_space<vmem>>) target_semaphore(%run_scoped3A_350 : memref<!tpu.dma_semaphore, #tpu.memory_space<semaphore_mem>>)
        %dma_wait3A = tpu.memref_slice %arg2[%add3A_75, %add3A_339] : memref<20x2097152xf32, #tpu.memory_space<hbm>> -> memref<1x8192xf32, #tpu.memory_space<hbm>>
        %dma_wait3A_354 = tpu.memref_squeeze %dma_wait3A : memref<1x8192xf32, #tpu.memory_space<hbm>> -> memref<8192xf32, #tpu.memory_space<hbm>>
        %dma_wait3A_355 = tpu.memref_slice %arg2[%add3A_75, %add3A_339] : memref<20x2097152xf32, #tpu.memory_space<hbm>> -> memref<1x8192xf32, #tpu.memory_space<hbm>>
        %dma_wait3A_356 = tpu.memref_squeeze %dma_wait3A_355 : memref<1x8192xf32, #tpu.memory_space<hbm>> -> memref<8192xf32, #tpu.memory_space<hbm>>
        tpu.wait_dma2 semaphore(%run_scoped3A_350 : memref<!tpu.dma_semaphore, #tpu.memory_space<semaphore_mem>>) src(%dma_wait3A_356 : memref<8192xf32, #tpu.memory_space<hbm>>) dst(%arg9 : memref<8192xf32, #tpu.memory_space<vmem>>)
        tpu.yield
      }) : () -> ()
      %scan3A_340 = arith.constant 0 : i32
      %scan3A_341 = arith.constant 0 : i32
      %scan3A_342 = arith.constant 64 : i32
      %scan3A_343 = arith.addi %scan3A_341, %scan3A_342 : i32
      %scan3A_344 = arith.constant 1 : i32
      scf.for %scan3A_350 = %scan3A_341 to %scan3A_343 step %scan3A_344  : i32 {
        %mul3A_351 = arith.constant 16 : i32
        %mul3A_352 = arith.muli %scan3A_350, %mul3A_351 : i32
        %add3A_353 = arith.constant 0 : i32
        %add3A_354 = arith.addi %add3A_353, %mul3A_352 : i32
        %get3A_355 = arith.index_cast %add3A_354 : i32 to index
        %get3A_356 = tpu.vector_load %arg7[%get3A_355] {strides = array<i32>} : memref<5120xf32, #tpu.memory_space<vmem>>, vector<16xf32>,
        %get3A_357 = vector.shape_cast %get3A_356 : vector<16xf32> to vector<16xf32>
        %add3A_358 = arith.constant 1024 : i32
        %add3A_359 = arith.addi %add3A_358, %mul3A_352 : i32
        %get3A_360 = arith.index_cast %add3A_359 : i32 to index
        %get3A_361 = tpu.vector_load %arg7[%get3A_360] {strides = array<i32>} : memref<5120xf32, #tpu.memory_space<vmem>>, vector<16xf32>,
        %get3A_362 = vector.shape_cast %get3A_361 : vector<16xf32> to vector<16xf32>
        %add3A_363 = arith.constant 2048 : i32
        %add3A_364 = arith.addi %add3A_363, %mul3A_352 : i32
        %get3A_365 = arith.index_cast %add3A_364 : i32 to index
        %get3A_366 = tpu.vector_load %arg7[%get3A_365] {strides = array<i32>} : memref<5120xf32, #tpu.memory_space<vmem>>, vector<16xf32>,
        %get3A_367 = vector.shape_cast %get3A_366 : vector<16xf32> to vector<16xf32>
        %add3A_368 = arith.constant 3072 : i32
        %add3A_369 = arith.addi %add3A_368, %mul3A_352 : i32
        %get3A_370 = arith.index_cast %add3A_369 : i32 to index
        %get3A_371 = tpu.vector_load %arg7[%get3A_370] {strides = array<i32>} : memref<5120xf32, #tpu.memory_space<vmem>>, vector<16xf32>,
        %get3A_372 = vector.shape_cast %get3A_371 : vector<16xf32> to vector<16xf32>
        %add3A_373 = arith.constant 4096 : i32
        %add3A_374 = arith.addi %add3A_373, %mul3A_352 : i32
        %get3A_375 = arith.index_cast %add3A_374 : i32 to index
        %get3A_376 = tpu.vector_load %arg7[%get3A_375] {strides = array<i32>} : memref<5120xf32, #tpu.memory_space<vmem>>, vector<16xf32>,
        %get3A_377 = vector.shape_cast %get3A_376 : vector<16xf32> to vector<16xf32>
        %add3A_378 = arith.constant 0 : i32
        %add3A_379 = arith.addi %add3A_378, %mul3A_352 : i32
        %get3A_380 = arith.index_cast %add3A_379 : i32 to index
        %get3A_381 = tpu.vector_load %arg8[%get3A_380] {strides = array<i32>} : memref<8192xf32, #tpu.memory_space<vmem>>, vector<16xf32>,
        %get3A_382 = vector.shape_cast %get3A_381 : vector<16xf32> to vector<16xf32>
        %get3A_383 = arith.index_cast %add3A_379 : i32 to index
        %get3A_384 = tpu.vector_load %arg9[%get3A_383] {strides = array<i32>} : memref<8192xf32, #tpu.memory_space<vmem>>, vector<16xf32>,
        %get3A_385 = vector.shape_cast %get3A_384 : vector<16xf32> to vector<16xf32>
        %mul3A_386 = arith.mulf %sub3A_71, %get3A_382 : vector<16xf32>
        %mul3A_387 = arith.mulf %div3A, %get3A_385 : vector<16xf32>
        %add3A_388 = arith.addf %mul3A_386, %mul3A_387 : vector<16xf32>
        %add3A_389 = arith.addf %add3A_388, %get3A_357 : vector<16xf32>
        %add3A_390 = arith.constant 0 : i32
        %add3A_391 = arith.addi %add3A_390, %add3A_379 : i32
        %swap3A = arith.index_cast %add3A_391 : i32 to index
        %swap3A_392 = tpu.vector_load %arg10[%swap3A] {strides = array<i32>} : memref<40960xf32, #tpu.memory_space<vmem>>, vector<16xf32>,
        %swap3A_393 = vector.shape_cast %swap3A_392 : vector<16xf32> to vector<16xf32>
        %swap3A_394 = vector.shape_cast %add3A_389 : vector<16xf32> to vector<16xf32>
        tpu.vector_store %arg10[%swap3A], %swap3A_394 {strides = array<i32>} : memref<40960xf32, #tpu.memory_space<vmem>>, vector<16xf32>,
        %add3A_395 = arith.addf %add3A_388, %get3A_362 : vector<16xf32>
        %add3A_396 = arith.constant 8192 : i32
        %add3A_397 = arith.addi %add3A_396, %add3A_379 : i32
        %swap3A_398 = arith.index_cast %add3A_397 : i32 to index
        %swap3A_399 = tpu.vector_load %arg10[%swap3A_398] {strides = array<i32>} : memref<40960xf32, #tpu.memory_space<vmem>>, vector<16xf32>,
        %swap3A_400 = vector.shape_cast %swap3A_399 : vector<16xf32> to vector<16xf32>
        %swap3A_401 = vector.shape_cast %add3A_395 : vector<16xf32> to vector<16xf32>
        tpu.vector_store %arg10[%swap3A_398], %swap3A_401 {strides = array<i32>} : memref<40960xf32, #tpu.memory_space<vmem>>, vector<16xf32>,
        %add3A_402 = arith.addf %add3A_388, %get3A_367 : vector<16xf32>
        %add3A_403 = arith.constant 16384 : i32
        %add3A_404 = arith.addi %add3A_403, %add3A_379 : i32
        %swap3A_405 = arith.index_cast %add3A_404 : i32 to index
        %swap3A_406 = tpu.vector_load %arg10[%swap3A_405] {strides = array<i32>} : memref<40960xf32, #tpu.memory_space<vmem>>, vector<16xf32>,
        %swap3A_407 = vector.shape_cast %swap3A_406 : vector<16xf32> to vector<16xf32>
        %swap3A_408 = vector.shape_cast %add3A_402 : vector<16xf32> to vector<16xf32>
        tpu.vector_store %arg10[%swap3A_405], %swap3A_408 {strides = array<i32>} : memref<40960xf32, #tpu.memory_space<vmem>>, vector<16xf32>,
        %add3A_409 = arith.addf %add3A_388, %get3A_372 : vector<16xf32>
        %add3A_410 = arith.constant 24576 : i32
        %add3A_411 = arith.addi %add3A_410, %add3A_379 : i32
        %swap3A_412 = arith.index_cast %add3A_411 : i32 to index
        %swap3A_413 = tpu.vector_load %arg10[%swap3A_412] {strides = array<i32>} : memref<40960xf32, #tpu.memory_space<vmem>>, vector<16xf32>,
        %swap3A_414 = vector.shape_cast %swap3A_413 : vector<16xf32> to vector<16xf32>
        %swap3A_415 = vector.shape_cast %add3A_409 : vector<16xf32> to vector<16xf32>
        tpu.vector_store %arg10[%swap3A_412], %swap3A_415 {strides = array<i32>} : memref<40960xf32, #tpu.memory_space<vmem>>, vector<16xf32>,
        %add3A_416 = arith.addf %add3A_388, %get3A_377 : vector<16xf32>
        %add3A_417 = arith.constant 32768 : i32
        %add3A_418 = arith.addi %add3A_417, %add3A_379 : i32
        %swap3A_419 = arith.index_cast %add3A_418 : i32 to index
        %swap3A_420 = tpu.vector_load %arg10[%swap3A_419] {strides = array<i32>} : memref<40960xf32, #tpu.memory_space<vmem>>, vector<16xf32>,
        %swap3A_421 = vector.shape_cast %swap3A_420 : vector<16xf32> to vector<16xf32>
        %swap3A_422 = vector.shape_cast %add3A_416 : vector<16xf32> to vector<16xf32>
        tpu.vector_store %arg10[%swap3A_419], %swap3A_422 {strides = array<i32>} : memref<40960xf32, #tpu.memory_space<vmem>>, vector<16xf32>,
        %add3A_423 = arith.constant 1024 : i32
        %add3A_424 = arith.addi %add3A_423, %mul3A_352 : i32
        %get3A_425 = arith.index_cast %add3A_424 : i32 to index
        %get3A_426 = tpu.vector_load %arg8[%get3A_425] {strides = array<i32>} : memref<8192xf32, #tpu.memory_space<vmem>>, vector<16xf32>,
        %get3A_427 = vector.shape_cast %get3A_426 : vector<16xf32> to vector<16xf32>
        %get3A_428 = arith.index_cast %add3A_424 : i32 to index
        %get3A_429 = tpu.vector_load %arg9[%get3A_428] {strides = array<i32>} : memref<8192xf32, #tpu.memory_space<vmem>>, vector<16xf32>,
        %get3A_430 = vector.shape_cast %get3A_429 : vector<16xf32> to vector<16xf32>
        %mul3A_431 = arith.mulf %sub3A_71, %get3A_427 : vector<16xf32>
        %mul3A_432 = arith.mulf %div3A, %get3A_430 : vector<16xf32>
        %add3A_433 = arith.addf %mul3A_431, %mul3A_432 : vector<16xf32>
        %add3A_434 = arith.addf %add3A_433, %get3A_357 : vector<16xf32>
        %add3A_435 = arith.constant 0 : i32
        %add3A_436 = arith.addi %add3A_435, %add3A_424 : i32
        %swap3A_437 = arith.index_cast %add3A_436 : i32 to index
        %swap3A_438 = tpu.vector_load %arg10[%swap3A_437] {strides = array<i32>} : memref<40960xf32, #tpu.memory_space<vmem>>, vector<16xf32>,
        %swap3A_439 = vector.shape_cast %swap3A_438 : vector<16xf32> to vector<16xf32>
        %swap3A_440 = vector.shape_cast %add3A_434 : vector<16xf32> to vector<16xf32>
        tpu.vector_store %arg10[%swap3A_437], %swap3A_440 {strides = array<i32>} : memref<40960xf32, #tpu.memory_space<vmem>>, vector<16xf32>,
        %add3A_441 = arith.addf %add3A_433, %get3A_362 : vector<16xf32>
        %add3A_442 = arith.constant 8192 : i32
        %add3A_443 = arith.addi %add3A_442, %add3A_424 : i32
        %swap3A_444 = arith.index_cast %add3A_443 : i32 to index
        %swap3A_445 = tpu.vector_load %arg10[%swap3A_444] {strides = array<i32>} : memref<40960xf32, #tpu.memory_space<vmem>>, vector<16xf32>,
        %swap3A_446 = vector.shape_cast %swap3A_445 : vector<16xf32> to vector<16xf32>
        %swap3A_447 = vector.shape_cast %add3A_441 : vector<16xf32> to vector<16xf32>
        tpu.vector_store %arg10[%swap3A_444], %swap3A_447 {strides = array<i32>} : memref<40960xf32, #tpu.memory_space<vmem>>, vector<16xf32>,
        %add3A_448 = arith.addf %add3A_433, %get3A_367 : vector<16xf32>
        %add3A_449 = arith.constant 16384 : i32
        %add3A_450 = arith.addi %add3A_449, %add3A_424 : i32
        %swap3A_451 = arith.index_cast %add3A_450 : i32 to index
        %swap3A_452 = tpu.vector_load %arg10[%swap3A_451] {strides = array<i32>} : memref<40960xf32, #tpu.memory_space<vmem>>, vector<16xf32>,
        %swap3A_453 = vector.shape_cast %swap3A_452 : vector<16xf32> to vector<16xf32>
        %swap3A_454 = vector.shape_cast %add3A_448 : vector<16xf32> to vector<16xf32>
        tpu.vector_store %arg10[%swap3A_451], %swap3A_454 {strides = array<i32>} : memref<40960xf32, #tpu.memory_space<vmem>>, vector<16xf32>,
        %add3A_455 = arith.addf %add3A_433, %get3A_372 : vector<16xf32>
        %add3A_456 = arith.constant 24576 : i32
        %add3A_457 = arith.addi %add3A_456, %add3A_424 : i32
        %swap3A_458 = arith.index_cast %add3A_457 : i32 to index
        %swap3A_459 = tpu.vector_load %arg10[%swap3A_458] {strides = array<i32>} : memref<40960xf32, #tpu.memory_space<vmem>>, vector<16xf32>,
        %swap3A_460 = vector.shape_cast %swap3A_459 : vector<16xf32> to vector<16xf32>
        %swap3A_461 = vector.shape_cast %add3A_455 : vector<16xf32> to vector<16xf32>
        tpu.vector_store %arg10[%swap3A_458], %swap3A_461 {strides = array<i32>} : memref<40960xf32, #tpu.memory_space<vmem>>, vector<16xf32>,
        %add3A_462 = arith.addf %add3A_433, %get3A_377 : vector<16xf32>
        %add3A_463 = arith.constant 32768 : i32
        %add3A_464 = arith.addi %add3A_463, %add3A_424 : i32
        %swap3A_465 = arith.index_cast %add3A_464 : i32 to index
        %swap3A_466 = tpu.vector_load %arg10[%swap3A_465] {strides = array<i32>} : memref<40960xf32, #tpu.memory_space<vmem>>, vector<16xf32>,
        %swap3A_467 = vector.shape_cast %swap3A_466 : vector<16xf32> to vector<16xf32>
        %swap3A_468 = vector.shape_cast %add3A_462 : vector<16xf32> to vector<16xf32>
        tpu.vector_store %arg10[%swap3A_465], %swap3A_468 {strides = array<i32>} : memref<40960xf32, #tpu.memory_space<vmem>>, vector<16xf32>,
        %add3A_469 = arith.constant 2048 : i32
        %add3A_470 = arith.addi %add3A_469, %mul3A_352 : i32
        %get3A_471 = arith.index_cast %add3A_470 : i32 to index
        %get3A_472 = tpu.vector_load %arg8[%get3A_471] {strides = array<i32>} : memref<8192xf32, #tpu.memory_space<vmem>>, vector<16xf32>,
        %get3A_473 = vector.shape_cast %get3A_472 : vector<16xf32> to vector<16xf32>
        %get3A_474 = arith.index_cast %add3A_470 : i32 to index
        %get3A_475 = tpu.vector_load %arg9[%get3A_474] {strides = array<i32>} : memref<8192xf32, #tpu.memory_space<vmem>>, vector<16xf32>,
        %get3A_476 = vector.shape_cast %get3A_475 : vector<16xf32> to vector<16xf32>
        %mul3A_477 = arith.mulf %sub3A_71, %get3A_473 : vector<16xf32>
        %mul3A_478 = arith.mulf %div3A, %get3A_476 : vector<16xf32>
        %add3A_479 = arith.addf %mul3A_477, %mul3A_478 : vector<16xf32>
        %add3A_480 = arith.addf %add3A_479, %get3A_357 : vector<16xf32>
        %add3A_481 = arith.constant 0 : i32
        %add3A_482 = arith.addi %add3A_481, %add3A_470 : i32
        %swap3A_483 = arith.index_cast %add3A_482 : i32 to index
        %swap3A_484 = tpu.vector_load %arg10[%swap3A_483] {strides = array<i32>} : memref<40960xf32, #tpu.memory_space<vmem>>, vector<16xf32>,
        %swap3A_485 = vector.shape_cast %swap3A_484 : vector<16xf32> to vector<16xf32>
        %swap3A_486 = vector.shape_cast %add3A_480 : vector<16xf32> to vector<16xf32>
        tpu.vector_store %arg10[%swap3A_483], %swap3A_486 {strides = array<i32>} : memref<40960xf32, #tpu.memory_space<vmem>>, vector<16xf32>,
        %add3A_487 = arith.addf %add3A_479, %get3A_362 : vector<16xf32>
        %add3A_488 = arith.constant 8192 : i32
        %add3A_489 = arith.addi %add3A_488, %add3A_470 : i32
        %swap3A_490 = arith.index_cast %add3A_489 : i32 to index
        %swap3A_491 = tpu.vector_load %arg10[%swap3A_490] {strides = array<i32>} : memref<40960xf32, #tpu.memory_space<vmem>>, vector<16xf32>,
        %swap3A_492 = vector.shape_cast %swap3A_491 : vector<16xf32> to vector<16xf32>
        %swap3A_493 = vector.shape_cast %add3A_487 : vector<16xf32> to vector<16xf32>
        tpu.vector_store %arg10[%swap3A_490], %swap3A_493 {strides = array<i32>} : memref<40960xf32, #tpu.memory_space<vmem>>, vector<16xf32>,
        %add3A_494 = arith.addf %add3A_479, %get3A_367 : vector<16xf32>
        %add3A_495 = arith.constant 16384 : i32
        %add3A_496 = arith.addi %add3A_495, %add3A_470 : i32
        %swap3A_497 = arith.index_cast %add3A_496 : i32 to index
        %swap3A_498 = tpu.vector_load %arg10[%swap3A_497] {strides = array<i32>} : memref<40960xf32, #tpu.memory_space<vmem>>, vector<16xf32>,
        %swap3A_499 = vector.shape_cast %swap3A_498 : vector<16xf32> to vector<16xf32>
        %swap3A_500 = vector.shape_cast %add3A_494 : vector<16xf32> to vector<16xf32>
        tpu.vector_store %arg10[%swap3A_497], %swap3A_500 {strides = array<i32>} : memref<40960xf32, #tpu.memory_space<vmem>>, vector<16xf32>,
        %add3A_501 = arith.addf %add3A_479, %get3A_372 : vector<16xf32>
        %add3A_502 = arith.constant 24576 : i32
        %add3A_503 = arith.addi %add3A_502, %add3A_470 : i32
        %swap3A_504 = arith.index_cast %add3A_503 : i32 to index
        %swap3A_505 = tpu.vector_load %arg10[%swap3A_504] {strides = array<i32>} : memref<40960xf32, #tpu.memory_space<vmem>>, vector<16xf32>,
        %swap3A_506 = vector.shape_cast %swap3A_505 : vector<16xf32> to vector<16xf32>
        %swap3A_507 = vector.shape_cast %add3A_501 : vector<16xf32> to vector<16xf32>
        tpu.vector_store %arg10[%swap3A_504], %swap3A_507 {strides = array<i32>} : memref<40960xf32, #tpu.memory_space<vmem>>, vector<16xf32>,
        %add3A_508 = arith.addf %add3A_479, %get3A_377 : vector<16xf32>
        %add3A_509 = arith.constant 32768 : i32
        %add3A_510 = arith.addi %add3A_509, %add3A_470 : i32
        %swap3A_511 = arith.index_cast %add3A_510 : i32 to index
        %swap3A_512 = tpu.vector_load %arg10[%swap3A_511] {strides = array<i32>} : memref<40960xf32, #tpu.memory_space<vmem>>, vector<16xf32>,
        %swap3A_513 = vector.shape_cast %swap3A_512 : vector<16xf32> to vector<16xf32>
        %swap3A_514 = vector.shape_cast %add3A_508 : vector<16xf32> to vector<16xf32>
        tpu.vector_store %arg10[%swap3A_511], %swap3A_514 {strides = array<i32>} : memref<40960xf32, #tpu.memory_space<vmem>>, vector<16xf32>,
        %add3A_515 = arith.constant 3072 : i32
        %add3A_516 = arith.addi %add3A_515, %mul3A_352 : i32
        %get3A_517 = arith.index_cast %add3A_516 : i32 to index
        %get3A_518 = tpu.vector_load %arg8[%get3A_517] {strides = array<i32>} : memref<8192xf32, #tpu.memory_space<vmem>>, vector<16xf32>,
        %get3A_519 = vector.shape_cast %get3A_518 : vector<16xf32> to vector<16xf32>
        %get3A_520 = arith.index_cast %add3A_516 : i32 to index
        %get3A_521 = tpu.vector_load %arg9[%get3A_520] {strides = array<i32>} : memref<8192xf32, #tpu.memory_space<vmem>>, vector<16xf32>,
        %get3A_522 = vector.shape_cast %get3A_521 : vector<16xf32> to vector<16xf32>
        %mul3A_523 = arith.mulf %sub3A_71, %get3A_519 : vector<16xf32>
        %mul3A_524 = arith.mulf %div3A, %get3A_522 : vector<16xf32>
        %add3A_525 = arith.addf %mul3A_523, %mul3A_524 : vector<16xf32>
        %add3A_526 = arith.addf %add3A_525, %get3A_357 : vector<16xf32>
        %add3A_527 = arith.constant 0 : i32
        %add3A_528 = arith.addi %add3A_527, %add3A_516 : i32
        %swap3A_529 = arith.index_cast %add3A_528 : i32 to index
        %swap3A_530 = tpu.vector_load %arg10[%swap3A_529] {strides = array<i32>} : memref<40960xf32, #tpu.memory_space<vmem>>, vector<16xf32>,
        %swap3A_531 = vector.shape_cast %swap3A_530 : vector<16xf32> to vector<16xf32>
        %swap3A_532 = vector.shape_cast %add3A_526 : vector<16xf32> to vector<16xf32>
        tpu.vector_store %arg10[%swap3A_529], %swap3A_532 {strides = array<i32>} : memref<40960xf32, #tpu.memory_space<vmem>>, vector<16xf32>,
        %add3A_533 = arith.addf %add3A_525, %get3A_362 : vector<16xf32>
        %add3A_534 = arith.constant 8192 : i32
        %add3A_535 = arith.addi %add3A_534, %add3A_516 : i32
        %swap3A_536 = arith.index_cast %add3A_535 : i32 to index
        %swap3A_537 = tpu.vector_load %arg10[%swap3A_536] {strides = array<i32>} : memref<40960xf32, #tpu.memory_space<vmem>>, vector<16xf32>,
        %swap3A_538 = vector.shape_cast %swap3A_537 : vector<16xf32> to vector<16xf32>
        %swap3A_539 = vector.shape_cast %add3A_533 : vector<16xf32> to vector<16xf32>
        tpu.vector_store %arg10[%swap3A_536], %swap3A_539 {strides = array<i32>} : memref<40960xf32, #tpu.memory_space<vmem>>, vector<16xf32>,
        %add3A_540 = arith.addf %add3A_525, %get3A_367 : vector<16xf32>
        %add3A_541 = arith.constant 16384 : i32
        %add3A_542 = arith.addi %add3A_541, %add3A_516 : i32
        %swap3A_543 = arith.index_cast %add3A_542 : i32 to index
        %swap3A_544 = tpu.vector_load %arg10[%swap3A_543] {strides = array<i32>} : memref<40960xf32, #tpu.memory_space<vmem>>, vector<16xf32>,
        %swap3A_545 = vector.shape_cast %swap3A_544 : vector<16xf32> to vector<16xf32>
        %swap3A_546 = vector.shape_cast %add3A_540 : vector<16xf32> to vector<16xf32>
        tpu.vector_store %arg10[%swap3A_543], %swap3A_546 {strides = array<i32>} : memref<40960xf32, #tpu.memory_space<vmem>>, vector<16xf32>,
        %add3A_547 = arith.addf %add3A_525, %get3A_372 : vector<16xf32>
        %add3A_548 = arith.constant 24576 : i32
        %add3A_549 = arith.addi %add3A_548, %add3A_516 : i32
        %swap3A_550 = arith.index_cast %add3A_549 : i32 to index
        %swap3A_551 = tpu.vector_load %arg10[%swap3A_550] {strides = array<i32>} : memref<40960xf32, #tpu.memory_space<vmem>>, vector<16xf32>,
        %swap3A_552 = vector.shape_cast %swap3A_551 : vector<16xf32> to vector<16xf32>
        %swap3A_553 = vector.shape_cast %add3A_547 : vector<16xf32> to vector<16xf32>
        tpu.vector_store %arg10[%swap3A_550], %swap3A_553 {strides = array<i32>} : memref<40960xf32, #tpu.memory_space<vmem>>, vector<16xf32>,
        %add3A_554 = arith.addf %add3A_525, %get3A_377 : vector<16xf32>
        %add3A_555 = arith.constant 32768 : i32
        %add3A_556 = arith.addi %add3A_555, %add3A_516 : i32
        %swap3A_557 = arith.index_cast %add3A_556 : i32 to index
        %swap3A_558 = tpu.vector_load %arg10[%swap3A_557] {strides = array<i32>} : memref<40960xf32, #tpu.memory_space<vmem>>, vector<16xf32>,
        %swap3A_559 = vector.shape_cast %swap3A_558 : vector<16xf32> to vector<16xf32>
        %swap3A_560 = vector.shape_cast %add3A_554 : vector<16xf32> to vector<16xf32>
        tpu.vector_store %arg10[%swap3A_557], %swap3A_560 {strides = array<i32>} : memref<40960xf32, #tpu.memory_space<vmem>>, vector<16xf32>,
        %add3A_561 = arith.constant 4096 : i32
        %add3A_562 = arith.addi %add3A_561, %mul3A_352 : i32
        %get3A_563 = arith.index_cast %add3A_562 : i32 to index
        %get3A_564 = tpu.vector_load %arg8[%get3A_563] {strides = array<i32>} : memref<8192xf32, #tpu.memory_space<vmem>>, vector<16xf32>,
        %get3A_565 = vector.shape_cast %get3A_564 : vector<16xf32> to vector<16xf32>
        %get3A_566 = arith.index_cast %add3A_562 : i32 to index
        %get3A_567 = tpu.vector_load %arg9[%get3A_566] {strides = array<i32>} : memref<8192xf32, #tpu.memory_space<vmem>>, vector<16xf32>,
        %get3A_568 = vector.shape_cast %get3A_567 : vector<16xf32> to vector<16xf32>
        %mul3A_569 = arith.mulf %sub3A_71, %get3A_565 : vector<16xf32>
        %mul3A_570 = arith.mulf %div3A, %get3A_568 : vector<16xf32>
        %add3A_571 = arith.addf %mul3A_569, %mul3A_570 : vector<16xf32>
        %add3A_572 = arith.addf %add3A_571, %get3A_357 : vector<16xf32>
        %add3A_573 = arith.constant 0 : i32
        %add3A_574 = arith.addi %add3A_573, %add3A_562 : i32
        %swap3A_575 = arith.index_cast %add3A_574 : i32 to index
        %swap3A_576 = tpu.vector_load %arg10[%swap3A_575] {strides = array<i32>} : memref<40960xf32, #tpu.memory_space<vmem>>, vector<16xf32>,
        %swap3A_577 = vector.shape_cast %swap3A_576 : vector<16xf32> to vector<16xf32>
        %swap3A_578 = vector.shape_cast %add3A_572 : vector<16xf32> to vector<16xf32>
        tpu.vector_store %arg10[%swap3A_575], %swap3A_578 {strides = array<i32>} : memref<40960xf32, #tpu.memory_space<vmem>>, vector<16xf32>,
        %add3A_579 = arith.addf %add3A_571, %get3A_362 : vector<16xf32>
        %add3A_580 = arith.constant 8192 : i32
        %add3A_581 = arith.addi %add3A_580, %add3A_562 : i32
        %swap3A_582 = arith.index_cast %add3A_581 : i32 to index
        %swap3A_583 = tpu.vector_load %arg10[%swap3A_582] {strides = array<i32>} : memref<40960xf32, #tpu.memory_space<vmem>>, vector<16xf32>,
        %swap3A_584 = vector.shape_cast %swap3A_583 : vector<16xf32> to vector<16xf32>
        %swap3A_585 = vector.shape_cast %add3A_579 : vector<16xf32> to vector<16xf32>
        tpu.vector_store %arg10[%swap3A_582], %swap3A_585 {strides = array<i32>} : memref<40960xf32, #tpu.memory_space<vmem>>, vector<16xf32>,
        %add3A_586 = arith.addf %add3A_571, %get3A_367 : vector<16xf32>
        %add3A_587 = arith.constant 16384 : i32
        %add3A_588 = arith.addi %add3A_587, %add3A_562 : i32
        %swap3A_589 = arith.index_cast %add3A_588 : i32 to index
        %swap3A_590 = tpu.vector_load %arg10[%swap3A_589] {strides = array<i32>} : memref<40960xf32, #tpu.memory_space<vmem>>, vector<16xf32>,
        %swap3A_591 = vector.shape_cast %swap3A_590 : vector<16xf32> to vector<16xf32>
        %swap3A_592 = vector.shape_cast %add3A_586 : vector<16xf32> to vector<16xf32>
        tpu.vector_store %arg10[%swap3A_589], %swap3A_592 {strides = array<i32>} : memref<40960xf32, #tpu.memory_space<vmem>>, vector<16xf32>,
        %add3A_593 = arith.addf %add3A_571, %get3A_372 : vector<16xf32>
        %add3A_594 = arith.constant 24576 : i32
        %add3A_595 = arith.addi %add3A_594, %add3A_562 : i32
        %swap3A_596 = arith.index_cast %add3A_595 : i32 to index
        %swap3A_597 = tpu.vector_load %arg10[%swap3A_596] {strides = array<i32>} : memref<40960xf32, #tpu.memory_space<vmem>>, vector<16xf32>,
        %swap3A_598 = vector.shape_cast %swap3A_597 : vector<16xf32> to vector<16xf32>
        %swap3A_599 = vector.shape_cast %add3A_593 : vector<16xf32> to vector<16xf32>
        tpu.vector_store %arg10[%swap3A_596], %swap3A_599 {strides = array<i32>} : memref<40960xf32, #tpu.memory_space<vmem>>, vector<16xf32>,
        %add3A_600 = arith.addf %add3A_571, %get3A_377 : vector<16xf32>
        %add3A_601 = arith.constant 32768 : i32
        %add3A_602 = arith.addi %add3A_601, %add3A_562 : i32
        %swap3A_603 = arith.index_cast %add3A_602 : i32 to index
        %swap3A_604 = tpu.vector_load %arg10[%swap3A_603] {strides = array<i32>} : memref<40960xf32, #tpu.memory_space<vmem>>, vector<16xf32>,
        %swap3A_605 = vector.shape_cast %swap3A_604 : vector<16xf32> to vector<16xf32>
        %swap3A_606 = vector.shape_cast %add3A_600 : vector<16xf32> to vector<16xf32>
        tpu.vector_store %arg10[%swap3A_603], %swap3A_606 {strides = array<i32>} : memref<40960xf32, #tpu.memory_space<vmem>>, vector<16xf32>,
        %add3A_607 = arith.constant 5120 : i32
        %add3A_608 = arith.addi %add3A_607, %mul3A_352 : i32
        %get3A_609 = arith.index_cast %add3A_608 : i32 to index
        %get3A_610 = tpu.vector_load %arg8[%get3A_609] {strides = array<i32>} : memref<8192xf32, #tpu.memory_space<vmem>>, vector<16xf32>,
        %get3A_611 = vector.shape_cast %get3A_610 : vector<16xf32> to vector<16xf32>
        %get3A_612 = arith.index_cast %add3A_608 : i32 to index
        %get3A_613 = tpu.vector_load %arg9[%get3A_612] {strides = array<i32>} : memref<8192xf32, #tpu.memory_space<vmem>>, vector<16xf32>,
        %get3A_614 = vector.shape_cast %get3A_613 : vector<16xf32> to vector<16xf32>
        %mul3A_615 = arith.mulf %sub3A_71, %get3A_611 : vector<16xf32>
        %mul3A_616 = arith.mulf %div3A, %get3A_614 : vector<16xf32>
        %add3A_617 = arith.addf %mul3A_615, %mul3A_616 : vector<16xf32>
        %add3A_618 = arith.addf %add3A_617, %get3A_357 : vector<16xf32>
        %add3A_619 = arith.constant 0 : i32
        %add3A_620 = arith.addi %add3A_619, %add3A_608 : i32
        %swap3A_621 = arith.index_cast %add3A_620 : i32 to index
        %swap3A_622 = tpu.vector_load %arg10[%swap3A_621] {strides = array<i32>} : memref<40960xf32, #tpu.memory_space<vmem>>, vector<16xf32>,
        %swap3A_623 = vector.shape_cast %swap3A_622 : vector<16xf32> to vector<16xf32>
        %swap3A_624 = vector.shape_cast %add3A_618 : vector<16xf32> to vector<16xf32>
        tpu.vector_store %arg10[%swap3A_621], %swap3A_624 {strides = array<i32>} : memref<40960xf32, #tpu.memory_space<vmem>>, vector<16xf32>,
        %add3A_625 = arith.addf %add3A_617, %get3A_362 : vector<16xf32>
        %add3A_626 = arith.constant 8192 : i32
        %add3A_627 = arith.addi %add3A_626, %add3A_608 : i32
        %swap3A_628 = arith.index_cast %add3A_627 : i32 to index
        %swap3A_629 = tpu.vector_load %arg10[%swap3A_628] {strides = array<i32>} : memref<40960xf32, #tpu.memory_space<vmem>>, vector<16xf32>,
        %swap3A_630 = vector.shape_cast %swap3A_629 : vector<16xf32> to vector<16xf32>
        %swap3A_631 = vector.shape_cast %add3A_625 : vector<16xf32> to vector<16xf32>
        tpu.vector_store %arg10[%swap3A_628], %swap3A_631 {strides = array<i32>} : memref<40960xf32, #tpu.memory_space<vmem>>, vector<16xf32>,
        %add3A_632 = arith.addf %add3A_617, %get3A_367 : vector<16xf32>
        %add3A_633 = arith.constant 16384 : i32
        %add3A_634 = arith.addi %add3A_633, %add3A_608 : i32
        %swap3A_635 = arith.index_cast %add3A_634 : i32 to index
        %swap3A_636 = tpu.vector_load %arg10[%swap3A_635] {strides = array<i32>} : memref<40960xf32, #tpu.memory_space<vmem>>, vector<16xf32>,
        %swap3A_637 = vector.shape_cast %swap3A_636 : vector<16xf32> to vector<16xf32>
        %swap3A_638 = vector.shape_cast %add3A_632 : vector<16xf32> to vector<16xf32>
        tpu.vector_store %arg10[%swap3A_635], %swap3A_638 {strides = array<i32>} : memref<40960xf32, #tpu.memory_space<vmem>>, vector<16xf32>,
        %add3A_639 = arith.addf %add3A_617, %get3A_372 : vector<16xf32>
        %add3A_640 = arith.constant 24576 : i32
        %add3A_641 = arith.addi %add3A_640, %add3A_608 : i32
        %swap3A_642 = arith.index_cast %add3A_641 : i32 to index
        %swap3A_643 = tpu.vector_load %arg10[%swap3A_642] {strides = array<i32>} : memref<40960xf32, #tpu.memory_space<vmem>>, vector<16xf32>,
        %swap3A_644 = vector.shape_cast %swap3A_643 : vector<16xf32> to vector<16xf32>
        %swap3A_645 = vector.shape_cast %add3A_639 : vector<16xf32> to vector<16xf32>
        tpu.vector_store %arg10[%swap3A_642], %swap3A_645 {strides = array<i32>} : memref<40960xf32, #tpu.memory_space<vmem>>, vector<16xf32>,
        %add3A_646 = arith.addf %add3A_617, %get3A_377 : vector<16xf32>
        %add3A_647 = arith.constant 32768 : i32
        %add3A_648 = arith.addi %add3A_647, %add3A_608 : i32
        %swap3A_649 = arith.index_cast %add3A_648 : i32 to index
        %swap3A_650 = tpu.vector_load %arg10[%swap3A_649] {strides = array<i32>} : memref<40960xf32, #tpu.memory_space<vmem>>, vector<16xf32>,
        %swap3A_651 = vector.shape_cast %swap3A_650 : vector<16xf32> to vector<16xf32>
        %swap3A_652 = vector.shape_cast %add3A_646 : vector<16xf32> to vector<16xf32>
        tpu.vector_store %arg10[%swap3A_649], %swap3A_652 {strides = array<i32>} : memref<40960xf32, #tpu.memory_space<vmem>>, vector<16xf32>,
        %add3A_653 = arith.constant 6144 : i32
        %add3A_654 = arith.addi %add3A_653, %mul3A_352 : i32
        %get3A_655 = arith.index_cast %add3A_654 : i32 to index
        %get3A_656 = tpu.vector_load %arg8[%get3A_655] {strides = array<i32>} : memref<8192xf32, #tpu.memory_space<vmem>>, vector<16xf32>,
        %get3A_657 = vector.shape_cast %get3A_656 : vector<16xf32> to vector<16xf32>
        %get3A_658 = arith.index_cast %add3A_654 : i32 to index
        %get3A_659 = tpu.vector_load %arg9[%get3A_658] {strides = array<i32>} : memref<8192xf32, #tpu.memory_space<vmem>>, vector<16xf32>,
        %get3A_660 = vector.shape_cast %get3A_659 : vector<16xf32> to vector<16xf32>
        %mul3A_661 = arith.mulf %sub3A_71, %get3A_657 : vector<16xf32>
        %mul3A_662 = arith.mulf %div3A, %get3A_660 : vector<16xf32>
        %add3A_663 = arith.addf %mul3A_661, %mul3A_662 : vector<16xf32>
        %add3A_664 = arith.addf %add3A_663, %get3A_357 : vector<16xf32>
        %add3A_665 = arith.constant 0 : i32
        %add3A_666 = arith.addi %add3A_665, %add3A_654 : i32
        %swap3A_667 = arith.index_cast %add3A_666 : i32 to index
        %swap3A_668 = tpu.vector_load %arg10[%swap3A_667] {strides = array<i32>} : memref<40960xf32, #tpu.memory_space<vmem>>, vector<16xf32>,
        %swap3A_669 = vector.shape_cast %swap3A_668 : vector<16xf32> to vector<16xf32>
        %swap3A_670 = vector.shape_cast %add3A_664 : vector<16xf32> to vector<16xf32>
        tpu.vector_store %arg10[%swap3A_667], %swap3A_670 {strides = array<i32>} : memref<40960xf32, #tpu.memory_space<vmem>>, vector<16xf32>,
        %add3A_671 = arith.addf %add3A_663, %get3A_362 : vector<16xf32>
        %add3A_672 = arith.constant 8192 : i32
        %add3A_673 = arith.addi %add3A_672, %add3A_654 : i32
        %swap3A_674 = arith.index_cast %add3A_673 : i32 to index
        %swap3A_675 = tpu.vector_load %arg10[%swap3A_674] {strides = array<i32>} : memref<40960xf32, #tpu.memory_space<vmem>>, vector<16xf32>,
        %swap3A_676 = vector.shape_cast %swap3A_675 : vector<16xf32> to vector<16xf32>
        %swap3A_677 = vector.shape_cast %add3A_671 : vector<16xf32> to vector<16xf32>
        tpu.vector_store %arg10[%swap3A_674], %swap3A_677 {strides = array<i32>} : memref<40960xf32, #tpu.memory_space<vmem>>, vector<16xf32>,
        %add3A_678 = arith.addf %add3A_663, %get3A_367 : vector<16xf32>
        %add3A_679 = arith.constant 16384 : i32
        %add3A_680 = arith.addi %add3A_679, %add3A_654 : i32
        %swap3A_681 = arith.index_cast %add3A_680 : i32 to index
        %swap3A_682 = tpu.vector_load %arg10[%swap3A_681] {strides = array<i32>} : memref<40960xf32, #tpu.memory_space<vmem>>, vector<16xf32>,
        %swap3A_683 = vector.shape_cast %swap3A_682 : vector<16xf32> to vector<16xf32>
        %swap3A_684 = vector.shape_cast %add3A_678 : vector<16xf32> to vector<16xf32>
        tpu.vector_store %arg10[%swap3A_681], %swap3A_684 {strides = array<i32>} : memref<40960xf32, #tpu.memory_space<vmem>>, vector<16xf32>,
        %add3A_685 = arith.addf %add3A_663, %get3A_372 : vector<16xf32>
        %add3A_686 = arith.constant 24576 : i32
        %add3A_687 = arith.addi %add3A_686, %add3A_654 : i32
        %swap3A_688 = arith.index_cast %add3A_687 : i32 to index
        %swap3A_689 = tpu.vector_load %arg10[%swap3A_688] {strides = array<i32>} : memref<40960xf32, #tpu.memory_space<vmem>>, vector<16xf32>,
        %swap3A_690 = vector.shape_cast %swap3A_689 : vector<16xf32> to vector<16xf32>
        %swap3A_691 = vector.shape_cast %add3A_685 : vector<16xf32> to vector<16xf32>
        tpu.vector_store %arg10[%swap3A_688], %swap3A_691 {strides = array<i32>} : memref<40960xf32, #tpu.memory_space<vmem>>, vector<16xf32>,
        %add3A_692 = arith.addf %add3A_663, %get3A_377 : vector<16xf32>
        %add3A_693 = arith.constant 32768 : i32
        %add3A_694 = arith.addi %add3A_693, %add3A_654 : i32
        %swap3A_695 = arith.index_cast %add3A_694 : i32 to index
        %swap3A_696 = tpu.vector_load %arg10[%swap3A_695] {strides = array<i32>} : memref<40960xf32, #tpu.memory_space<vmem>>, vector<16xf32>,
        %swap3A_697 = vector.shape_cast %swap3A_696 : vector<16xf32> to vector<16xf32>
        %swap3A_698 = vector.shape_cast %add3A_692 : vector<16xf32> to vector<16xf32>
        tpu.vector_store %arg10[%swap3A_695], %swap3A_698 {strides = array<i32>} : memref<40960xf32, #tpu.memory_space<vmem>>, vector<16xf32>,
        %add3A_699 = arith.constant 7168 : i32
        %add3A_700 = arith.addi %add3A_699, %mul3A_352 : i32
        %get3A_701 = arith.index_cast %add3A_700 : i32 to index
        %get3A_702 = tpu.vector_load %arg8[%get3A_701] {strides = array<i32>} : memref<8192xf32, #tpu.memory_space<vmem>>, vector<16xf32>,
        %get3A_703 = vector.shape_cast %get3A_702 : vector<16xf32> to vector<16xf32>
        %get3A_704 = arith.index_cast %add3A_700 : i32 to index
        %get3A_705 = tpu.vector_load %arg9[%get3A_704] {strides = array<i32>} : memref<8192xf32, #tpu.memory_space<vmem>>, vector<16xf32>,
        %get3A_706 = vector.shape_cast %get3A_705 : vector<16xf32> to vector<16xf32>
        %mul3A_707 = arith.mulf %sub3A_71, %get3A_703 : vector<16xf32>
        %mul3A_708 = arith.mulf %div3A, %get3A_706 : vector<16xf32>
        %add3A_709 = arith.addf %mul3A_707, %mul3A_708 : vector<16xf32>
        %add3A_710 = arith.addf %add3A_709, %get3A_357 : vector<16xf32>
        %add3A_711 = arith.constant 0 : i32
        %add3A_712 = arith.addi %add3A_711, %add3A_700 : i32
        %swap3A_713 = arith.index_cast %add3A_712 : i32 to index
        %swap3A_714 = tpu.vector_load %arg10[%swap3A_713] {strides = array<i32>} : memref<40960xf32, #tpu.memory_space<vmem>>, vector<16xf32>,
        %swap3A_715 = vector.shape_cast %swap3A_714 : vector<16xf32> to vector<16xf32>
        %swap3A_716 = vector.shape_cast %add3A_710 : vector<16xf32> to vector<16xf32>
        tpu.vector_store %arg10[%swap3A_713], %swap3A_716 {strides = array<i32>} : memref<40960xf32, #tpu.memory_space<vmem>>, vector<16xf32>,
        %add3A_717 = arith.addf %add3A_709, %get3A_362 : vector<16xf32>
        %add3A_718 = arith.constant 8192 : i32
        %add3A_719 = arith.addi %add3A_718, %add3A_700 : i32
        %swap3A_720 = arith.index_cast %add3A_719 : i32 to index
        %swap3A_721 = tpu.vector_load %arg10[%swap3A_720] {strides = array<i32>} : memref<40960xf32, #tpu.memory_space<vmem>>, vector<16xf32>,
        %swap3A_722 = vector.shape_cast %swap3A_721 : vector<16xf32> to vector<16xf32>
        %swap3A_723 = vector.shape_cast %add3A_717 : vector<16xf32> to vector<16xf32>
        tpu.vector_store %arg10[%swap3A_720], %swap3A_723 {strides = array<i32>} : memref<40960xf32, #tpu.memory_space<vmem>>, vector<16xf32>,
        %add3A_724 = arith.addf %add3A_709, %get3A_367 : vector<16xf32>
        %add3A_725 = arith.constant 16384 : i32
        %add3A_726 = arith.addi %add3A_725, %add3A_700 : i32
        %swap3A_727 = arith.index_cast %add3A_726 : i32 to index
        %swap3A_728 = tpu.vector_load %arg10[%swap3A_727] {strides = array<i32>} : memref<40960xf32, #tpu.memory_space<vmem>>, vector<16xf32>,
        %swap3A_729 = vector.shape_cast %swap3A_728 : vector<16xf32> to vector<16xf32>
        %swap3A_730 = vector.shape_cast %add3A_724 : vector<16xf32> to vector<16xf32>
        tpu.vector_store %arg10[%swap3A_727], %swap3A_730 {strides = array<i32>} : memref<40960xf32, #tpu.memory_space<vmem>>, vector<16xf32>,
        %add3A_731 = arith.addf %add3A_709, %get3A_372 : vector<16xf32>
        %add3A_732 = arith.constant 24576 : i32
        %add3A_733 = arith.addi %add3A_732, %add3A_700 : i32
        %swap3A_734 = arith.index_cast %add3A_733 : i32 to index
        %swap3A_735 = tpu.vector_load %arg10[%swap3A_734] {strides = array<i32>} : memref<40960xf32, #tpu.memory_space<vmem>>, vector<16xf32>,
        %swap3A_736 = vector.shape_cast %swap3A_735 : vector<16xf32> to vector<16xf32>
        %swap3A_737 = vector.shape_cast %add3A_731 : vector<16xf32> to vector<16xf32>
        tpu.vector_store %arg10[%swap3A_734], %swap3A_737 {strides = array<i32>} : memref<40960xf32, #tpu.memory_space<vmem>>, vector<16xf32>,
        %add3A_738 = arith.addf %add3A_709, %get3A_377 : vector<16xf32>
        %add3A_739 = arith.constant 32768 : i32
        %add3A_740 = arith.addi %add3A_739, %add3A_700 : i32
        %swap3A_741 = arith.index_cast %add3A_740 : i32 to index
        %swap3A_742 = tpu.vector_load %arg10[%swap3A_741] {strides = array<i32>} : memref<40960xf32, #tpu.memory_space<vmem>>, vector<16xf32>,
        %swap3A_743 = vector.shape_cast %swap3A_742 : vector<16xf32> to vector<16xf32>
        %swap3A_744 = vector.shape_cast %add3A_738 : vector<16xf32> to vector<16xf32>
        tpu.vector_store %arg10[%swap3A_741], %swap3A_744 {strides = array<i32>} : memref<40960xf32, #tpu.memory_space<vmem>>, vector<16xf32>,
      }
      %scan3A_345 = arith.constant 64 : i32
      %run_scoped3A = arith.constant 0 : i32
      "tpu.region"() ({
        %run_scoped3A_350 = tpu.sem_alloc : memref<!tpu.dma_semaphore, #tpu.memory_space<semaphore_mem>>
        %dma_start3A = arith.constant 0 : i32
        %dma_start3A_351 = tpu.memref_slice %arg10[%dma_start3A] : memref<40960xf32, #tpu.memory_space<vmem>> -> memref<8192xf32, #tpu.memory_space<vmem>>
        %dma_start3A_352 = tpu.memref_slice %arg5[%run_scoped3A, %add3A_339] : memref<20x2097152xf32, #tpu.memory_space<hbm>> -> memref<1x8192xf32, #tpu.memory_space<hbm>>
        %dma_start3A_353 = tpu.memref_squeeze %dma_start3A_352 : memref<1x8192xf32, #tpu.memory_space<hbm>> -> memref<8192xf32, #tpu.memory_space<hbm>>
        %dma_start3A_354 = tpu.memref_slice %arg5[%run_scoped3A, %add3A_339] : memref<20x2097152xf32, #tpu.memory_space<hbm>> -> memref<1x8192xf32, #tpu.memory_space<hbm>>
        %dma_start3A_355 = tpu.memref_squeeze %dma_start3A_354 : memref<1x8192xf32, #tpu.memory_space<hbm>> -> memref<8192xf32, #tpu.memory_space<hbm>>
        %dma_start3A_356 = arith.constant 0 : i32
        %dma_start3A_357 = tpu.memref_slice %arg10[%dma_start3A_356] : memref<40960xf32, #tpu.memory_space<vmem>> -> memref<8192xf32, #tpu.memory_space<vmem>>
        tpu.enqueue_dma source(%dma_start3A_357 : memref<8192xf32, #tpu.memory_space<vmem>>) target(%dma_start3A_355 : memref<8192xf32, #tpu.memory_space<hbm>>) target_semaphore(%run_scoped3A_350 : memref<!tpu.dma_semaphore, #tpu.memory_space<semaphore_mem>>)
        %dma_wait3A = arith.constant 0 : i32
        %dma_wait3A_358 = tpu.memref_slice %arg10[%dma_wait3A] : memref<40960xf32, #tpu.memory_space<vmem>> -> memref<8192xf32, #tpu.memory_space<vmem>>
        %dma_wait3A_359 = tpu.memref_slice %arg5[%run_scoped3A, %add3A_339] : memref<20x2097152xf32, #tpu.memory_space<hbm>> -> memref<1x8192xf32, #tpu.memory_space<hbm>>
        %dma_wait3A_360 = tpu.memref_squeeze %dma_wait3A_359 : memref<1x8192xf32, #tpu.memory_space<hbm>> -> memref<8192xf32, #tpu.memory_space<hbm>>
        %dma_wait3A_361 = tpu.memref_slice %arg5[%run_scoped3A, %add3A_339] : memref<20x2097152xf32, #tpu.memory_space<hbm>> -> memref<1x8192xf32, #tpu.memory_space<hbm>>
        %dma_wait3A_362 = tpu.memref_squeeze %dma_wait3A_361 : memref<1x8192xf32, #tpu.memory_space<hbm>> -> memref<8192xf32, #tpu.memory_space<hbm>>
        %dma_wait3A_363 = arith.constant 0 : i32
        %dma_wait3A_364 = tpu.memref_slice %arg10[%dma_wait3A_363] : memref<40960xf32, #tpu.memory_space<vmem>> -> memref<8192xf32, #tpu.memory_space<vmem>>
        tpu.wait_dma2 semaphore(%run_scoped3A_350 : memref<!tpu.dma_semaphore, #tpu.memory_space<semaphore_mem>>) src(%dma_wait3A_364 : memref<8192xf32, #tpu.memory_space<vmem>>) dst(%dma_wait3A_362 : memref<8192xf32, #tpu.memory_space<hbm>>)
        tpu.yield
      }) : () -> ()
      %run_scoped3A_346 = arith.constant 1 : i32
      "tpu.region"() ({
        %run_scoped3A_350 = tpu.sem_alloc : memref<!tpu.dma_semaphore, #tpu.memory_space<semaphore_mem>>
        %dma_start3A = arith.constant 8192 : i32
        %dma_start3A_351 = tpu.memref_slice %arg10[%dma_start3A] : memref<40960xf32, #tpu.memory_space<vmem>> -> memref<8192xf32, #tpu.memory_space<vmem>>
        %dma_start3A_352 = tpu.memref_slice %arg5[%run_scoped3A_346, %add3A_339] : memref<20x2097152xf32, #tpu.memory_space<hbm>> -> memref<1x8192xf32, #tpu.memory_space<hbm>>
        %dma_start3A_353 = tpu.memref_squeeze %dma_start3A_352 : memref<1x8192xf32, #tpu.memory_space<hbm>> -> memref<8192xf32, #tpu.memory_space<hbm>>
        %dma_start3A_354 = tpu.memref_slice %arg5[%run_scoped3A_346, %add3A_339] : memref<20x2097152xf32, #tpu.memory_space<hbm>> -> memref<1x8192xf32, #tpu.memory_space<hbm>>
        %dma_start3A_355 = tpu.memref_squeeze %dma_start3A_354 : memref<1x8192xf32, #tpu.memory_space<hbm>> -> memref<8192xf32, #tpu.memory_space<hbm>>
        %dma_start3A_356 = arith.constant 8192 : i32
        %dma_start3A_357 = tpu.memref_slice %arg10[%dma_start3A_356] : memref<40960xf32, #tpu.memory_space<vmem>> -> memref<8192xf32, #tpu.memory_space<vmem>>
        tpu.enqueue_dma source(%dma_start3A_357 : memref<8192xf32, #tpu.memory_space<vmem>>) target(%dma_start3A_355 : memref<8192xf32, #tpu.memory_space<hbm>>) target_semaphore(%run_scoped3A_350 : memref<!tpu.dma_semaphore, #tpu.memory_space<semaphore_mem>>)
        %dma_wait3A = arith.constant 8192 : i32
        %dma_wait3A_358 = tpu.memref_slice %arg10[%dma_wait3A] : memref<40960xf32, #tpu.memory_space<vmem>> -> memref<8192xf32, #tpu.memory_space<vmem>>
        %dma_wait3A_359 = tpu.memref_slice %arg5[%run_scoped3A_346, %add3A_339] : memref<20x2097152xf32, #tpu.memory_space<hbm>> -> memref<1x8192xf32, #tpu.memory_space<hbm>>
        %dma_wait3A_360 = tpu.memref_squeeze %dma_wait3A_359 : memref<1x8192xf32, #tpu.memory_space<hbm>> -> memref<8192xf32, #tpu.memory_space<hbm>>
        %dma_wait3A_361 = tpu.memref_slice %arg5[%run_scoped3A_346, %add3A_339] : memref<20x2097152xf32, #tpu.memory_space<hbm>> -> memref<1x8192xf32, #tpu.memory_space<hbm>>
        %dma_wait3A_362 = tpu.memref_squeeze %dma_wait3A_361 : memref<1x8192xf32, #tpu.memory_space<hbm>> -> memref<8192xf32, #tpu.memory_space<hbm>>
        %dma_wait3A_363 = arith.constant 8192 : i32
        %dma_wait3A_364 = tpu.memref_slice %arg10[%dma_wait3A_363] : memref<40960xf32, #tpu.memory_space<vmem>> -> memref<8192xf32, #tpu.memory_space<vmem>>
        tpu.wait_dma2 semaphore(%run_scoped3A_350 : memref<!tpu.dma_semaphore, #tpu.memory_space<semaphore_mem>>) src(%dma_wait3A_364 : memref<8192xf32, #tpu.memory_space<vmem>>) dst(%dma_wait3A_362 : memref<8192xf32, #tpu.memory_space<hbm>>)
        tpu.yield
      }) : () -> ()
      %run_scoped3A_347 = arith.constant 2 : i32
      "tpu.region"() ({
        %run_scoped3A_350 = tpu.sem_alloc : memref<!tpu.dma_semaphore, #tpu.memory_space<semaphore_mem>>
        %dma_start3A = arith.constant 16384 : i32
        %dma_start3A_351 = tpu.memref_slice %arg10[%dma_start3A] : memref<40960xf32, #tpu.memory_space<vmem>> -> memref<8192xf32, #tpu.memory_space<vmem>>
        %dma_start3A_352 = tpu.memref_slice %arg5[%run_scoped3A_347, %add3A_339] : memref<20x2097152xf32, #tpu.memory_space<hbm>> -> memref<1x8192xf32, #tpu.memory_space<hbm>>
        %dma_start3A_353 = tpu.memref_squeeze %dma_start3A_352 : memref<1x8192xf32, #tpu.memory_space<hbm>> -> memref<8192xf32, #tpu.memory_space<hbm>>
        %dma_start3A_354 = tpu.memref_slice %arg5[%run_scoped3A_347, %add3A_339] : memref<20x2097152xf32, #tpu.memory_space<hbm>> -> memref<1x8192xf32, #tpu.memory_space<hbm>>
        %dma_start3A_355 = tpu.memref_squeeze %dma_start3A_354 : memref<1x8192xf32, #tpu.memory_space<hbm>> -> memref<8192xf32, #tpu.memory_space<hbm>>
        %dma_start3A_356 = arith.constant 16384 : i32
        %dma_start3A_357 = tpu.memref_slice %arg10[%dma_start3A_356] : memref<40960xf32, #tpu.memory_space<vmem>> -> memref<8192xf32, #tpu.memory_space<vmem>>
        tpu.enqueue_dma source(%dma_start3A_357 : memref<8192xf32, #tpu.memory_space<vmem>>) target(%dma_start3A_355 : memref<8192xf32, #tpu.memory_space<hbm>>) target_semaphore(%run_scoped3A_350 : memref<!tpu.dma_semaphore, #tpu.memory_space<semaphore_mem>>)
        %dma_wait3A = arith.constant 16384 : i32
        %dma_wait3A_358 = tpu.memref_slice %arg10[%dma_wait3A] : memref<40960xf32, #tpu.memory_space<vmem>> -> memref<8192xf32, #tpu.memory_space<vmem>>
        %dma_wait3A_359 = tpu.memref_slice %arg5[%run_scoped3A_347, %add3A_339] : memref<20x2097152xf32, #tpu.memory_space<hbm>> -> memref<1x8192xf32, #tpu.memory_space<hbm>>
        %dma_wait3A_360 = tpu.memref_squeeze %dma_wait3A_359 : memref<1x8192xf32, #tpu.memory_space<hbm>> -> memref<8192xf32, #tpu.memory_space<hbm>>
        %dma_wait3A_361 = tpu.memref_slice %arg5[%run_scoped3A_347, %add3A_339] : memref<20x2097152xf32, #tpu.memory_space<hbm>> -> memref<1x8192xf32, #tpu.memory_space<hbm>>
        %dma_wait3A_362 = tpu.memref_squeeze %dma_wait3A_361 : memref<1x8192xf32, #tpu.memory_space<hbm>> -> memref<8192xf32, #tpu.memory_space<hbm>>
        %dma_wait3A_363 = arith.constant 16384 : i32
        %dma_wait3A_364 = tpu.memref_slice %arg10[%dma_wait3A_363] : memref<40960xf32, #tpu.memory_space<vmem>> -> memref<8192xf32, #tpu.memory_space<vmem>>
        tpu.wait_dma2 semaphore(%run_scoped3A_350 : memref<!tpu.dma_semaphore, #tpu.memory_space<semaphore_mem>>) src(%dma_wait3A_364 : memref<8192xf32, #tpu.memory_space<vmem>>) dst(%dma_wait3A_362 : memref<8192xf32, #tpu.memory_space<hbm>>)
        tpu.yield
      }) : () -> ()
      %run_scoped3A_348 = arith.constant 3 : i32
      "tpu.region"() ({
        %run_scoped3A_350 = tpu.sem_alloc : memref<!tpu.dma_semaphore, #tpu.memory_space<semaphore_mem>>
        %dma_start3A = arith.constant 24576 : i32
        %dma_start3A_351 = tpu.memref_slice %arg10[%dma_start3A] : memref<40960xf32, #tpu.memory_space<vmem>> -> memref<8192xf32, #tpu.memory_space<vmem>>
        %dma_start3A_352 = tpu.memref_slice %arg5[%run_scoped3A_348, %add3A_339] : memref<20x2097152xf32, #tpu.memory_space<hbm>> -> memref<1x8192xf32, #tpu.memory_space<hbm>>
        %dma_start3A_353 = tpu.memref_squeeze %dma_start3A_352 : memref<1x8192xf32, #tpu.memory_space<hbm>> -> memref<8192xf32, #tpu.memory_space<hbm>>
        %dma_start3A_354 = tpu.memref_slice %arg5[%run_scoped3A_348, %add3A_339] : memref<20x2097152xf32, #tpu.memory_space<hbm>> -> memref<1x8192xf32, #tpu.memory_space<hbm>>
        %dma_start3A_355 = tpu.memref_squeeze %dma_start3A_354 : memref<1x8192xf32, #tpu.memory_space<hbm>> -> memref<8192xf32, #tpu.memory_space<hbm>>
        %dma_start3A_356 = arith.constant 24576 : i32
        %dma_start3A_357 = tpu.memref_slice %arg10[%dma_start3A_356] : memref<40960xf32, #tpu.memory_space<vmem>> -> memref<8192xf32, #tpu.memory_space<vmem>>
        tpu.enqueue_dma source(%dma_start3A_357 : memref<8192xf32, #tpu.memory_space<vmem>>) target(%dma_start3A_355 : memref<8192xf32, #tpu.memory_space<hbm>>) target_semaphore(%run_scoped3A_350 : memref<!tpu.dma_semaphore, #tpu.memory_space<semaphore_mem>>)
        %dma_wait3A = arith.constant 24576 : i32
        %dma_wait3A_358 = tpu.memref_slice %arg10[%dma_wait3A] : memref<40960xf32, #tpu.memory_space<vmem>> -> memref<8192xf32, #tpu.memory_space<vmem>>
        %dma_wait3A_359 = tpu.memref_slice %arg5[%run_scoped3A_348, %add3A_339] : memref<20x2097152xf32, #tpu.memory_space<hbm>> -> memref<1x8192xf32, #tpu.memory_space<hbm>>
        %dma_wait3A_360 = tpu.memref_squeeze %dma_wait3A_359 : memref<1x8192xf32, #tpu.memory_space<hbm>> -> memref<8192xf32, #tpu.memory_space<hbm>>
        %dma_wait3A_361 = tpu.memref_slice %arg5[%run_scoped3A_348, %add3A_339] : memref<20x2097152xf32, #tpu.memory_space<hbm>> -> memref<1x8192xf32, #tpu.memory_space<hbm>>
        %dma_wait3A_362 = tpu.memref_squeeze %dma_wait3A_361 : memref<1x8192xf32, #tpu.memory_space<hbm>> -> memref<8192xf32, #tpu.memory_space<hbm>>
        %dma_wait3A_363 = arith.constant 24576 : i32
        %dma_wait3A_364 = tpu.memref_slice %arg10[%dma_wait3A_363] : memref<40960xf32, #tpu.memory_space<vmem>> -> memref<8192xf32, #tpu.memory_space<vmem>>
        tpu.wait_dma2 semaphore(%run_scoped3A_350 : memref<!tpu.dma_semaphore, #tpu.memory_space<semaphore_mem>>) src(%dma_wait3A_364 : memref<8192xf32, #tpu.memory_space<vmem>>) dst(%dma_wait3A_362 : memref<8192xf32, #tpu.memory_space<hbm>>)
        tpu.yield
      }) : () -> ()
      %run_scoped3A_349 = arith.constant 4 : i32
      "tpu.region"() ({
        %run_scoped3A_350 = tpu.sem_alloc : memref<!tpu.dma_semaphore, #tpu.memory_space<semaphore_mem>>
        %dma_start3A = arith.constant 32768 : i32
        %dma_start3A_351 = tpu.memref_slice %arg10[%dma_start3A] : memref<40960xf32, #tpu.memory_space<vmem>> -> memref<8192xf32, #tpu.memory_space<vmem>>
        %dma_start3A_352 = tpu.memref_slice %arg5[%run_scoped3A_349, %add3A_339] : memref<20x2097152xf32, #tpu.memory_space<hbm>> -> memref<1x8192xf32, #tpu.memory_space<hbm>>
        %dma_start3A_353 = tpu.memref_squeeze %dma_start3A_352 : memref<1x8192xf32, #tpu.memory_space<hbm>> -> memref<8192xf32, #tpu.memory_space<hbm>>
        %dma_start3A_354 = tpu.memref_slice %arg5[%run_scoped3A_349, %add3A_339] : memref<20x2097152xf32, #tpu.memory_space<hbm>> -> memref<1x8192xf32, #tpu.memory_space<hbm>>
        %dma_start3A_355 = tpu.memref_squeeze %dma_start3A_354 : memref<1x8192xf32, #tpu.memory_space<hbm>> -> memref<8192xf32, #tpu.memory_space<hbm>>
        %dma_start3A_356 = arith.constant 32768 : i32
        %dma_start3A_357 = tpu.memref_slice %arg10[%dma_start3A_356] : memref<40960xf32, #tpu.memory_space<vmem>> -> memref<8192xf32, #tpu.memory_space<vmem>>
        tpu.enqueue_dma source(%dma_start3A_357 : memref<8192xf32, #tpu.memory_space<vmem>>) target(%dma_start3A_355 : memref<8192xf32, #tpu.memory_space<hbm>>) target_semaphore(%run_scoped3A_350 : memref<!tpu.dma_semaphore, #tpu.memory_space<semaphore_mem>>)
        %dma_wait3A = arith.constant 32768 : i32
        %dma_wait3A_358 = tpu.memref_slice %arg10[%dma_wait3A] : memref<40960xf32, #tpu.memory_space<vmem>> -> memref<8192xf32, #tpu.memory_space<vmem>>
        %dma_wait3A_359 = tpu.memref_slice %arg5[%run_scoped3A_349, %add3A_339] : memref<20x2097152xf32, #tpu.memory_space<hbm>> -> memref<1x8192xf32, #tpu.memory_space<hbm>>
        %dma_wait3A_360 = tpu.memref_squeeze %dma_wait3A_359 : memref<1x8192xf32, #tpu.memory_space<hbm>> -> memref<8192xf32, #tpu.memory_space<hbm>>
        %dma_wait3A_361 = tpu.memref_slice %arg5[%run_scoped3A_349, %add3A_339] : memref<20x2097152xf32, #tpu.memory_space<hbm>> -> memref<1x8192xf32, #tpu.memory_space<hbm>>
        %dma_wait3A_362 = tpu.memref_squeeze %dma_wait3A_361 : memref<1x8192xf32, #tpu.memory_space<hbm>> -> memref<8192xf32, #tpu.memory_space<hbm>>
        %dma_wait3A_363 = arith.constant 32768 : i32
        %dma_wait3A_364 = tpu.memref_slice %arg10[%dma_wait3A_363] : memref<40960xf32, #tpu.memory_space<vmem>> -> memref<8192xf32, #tpu.memory_space<vmem>>
        tpu.wait_dma2 semaphore(%run_scoped3A_350 : memref<!tpu.dma_semaphore, #tpu.memory_space<semaphore_mem>>) src(%dma_wait3A_364 : memref<8192xf32, #tpu.memory_space<vmem>>) dst(%dma_wait3A_362 : memref<8192xf32, #tpu.memory_space<hbm>>)
        tpu.yield
      }) : () -> ()
    }
    %scan3A_80 = arith.constant 8 : i32
    %slice3A_81 = vector.extract_strided_slice %get3A_4 {offsets = [5], sizes = [1], strides = [1]} : vector<16xf32> to vector<1xf32>
    %squeeze3A_82 = vector.extract %slice3A_81[0] : f32 from vector<1xf32>
    %slice3A_83 = vector.extract_strided_slice %get3A_4 {offsets = [6], sizes = [1], strides = [1]} : vector<16xf32> to vector<1xf32>
    %squeeze3A_84 = vector.extract %slice3A_83[0] : f32 from vector<1xf32>
    %slice3A_85 = vector.extract_strided_slice %get3A_4 {offsets = [7], sizes = [1], strides = [1]} : vector<16xf32> to vector<1xf32>
    %squeeze3A_86 = vector.extract %slice3A_85[0] : f32 from vector<1xf32>
    %slice3A_87 = vector.extract_strided_slice %get3A_4 {offsets = [8], sizes = [1], strides = [1]} : vector<16xf32> to vector<1xf32>
    %squeeze3A_88 = vector.extract %slice3A_87[0] : f32 from vector<1xf32>
    %slice3A_89 = vector.extract_strided_slice %get3A_4 {offsets = [9], sizes = [1], strides = [1]} : vector<16xf32> to vector<1xf32>
    %squeeze3A_90 = vector.extract %slice3A_89[0] : f32 from vector<1xf32>
    %gt3A_91 = arith.cmpf ogt, %squeeze3A_84, %squeeze3A_82 : f32
    %select_n3A_92 = arith.select %gt3A_91, %squeeze3A_84, %squeeze3A_82 : f32
    %jit3A_93 = arith.constant 1 : i32
    %jit3A_94 = arith.constant 0 : i32
    %select_n3A_95 = arith.select %gt3A_91, %jit3A_93, %jit3A_94 : i32
    %gt3A_96 = arith.cmpf ogt, %squeeze3A_86, %select_n3A_92 : f32
    %select_n3A_97 = arith.select %gt3A_96, %squeeze3A_86, %select_n3A_92 : f32
    %jit3A_98 = arith.constant 2 : i32
    %select_n3A_99 = arith.select %gt3A_96, %jit3A_98, %select_n3A_95 : i32
    %gt3A_100 = arith.cmpf ogt, %squeeze3A_88, %select_n3A_97 : f32
    %select_n3A_101 = arith.select %gt3A_100, %squeeze3A_88, %select_n3A_97 : f32
    %jit3A_102 = arith.constant 3 : i32
    %select_n3A_103 = arith.select %gt3A_100, %jit3A_102, %select_n3A_99 : i32
    %gt3A_104 = arith.cmpf ogt, %squeeze3A_90, %select_n3A_101 : f32
    %select_n3A_105 = arith.select %gt3A_104, %squeeze3A_90, %select_n3A_101 : f32
    %jit3A_106 = arith.constant 4 : i32
    %select_n3A_107 = arith.select %gt3A_104, %jit3A_106, %select_n3A_103 : i32
    %ne3A_108 = arith.constant 0 : i32
    %ne3A_109 = arith.cmpi ne, %ne3A_108, %select_n3A_107 : i32
    %gt3A_110 = arith.constant 0xFF800000 : f32
    %gt3A_111 = arith.cmpf ogt, %squeeze3A_82, %gt3A_110 : f32
    %and3A_112 = arith.andi %ne3A_109, %gt3A_111 : i1
    %jit3A_113 = arith.constant 0xFF800000 : f32
    %select_n3A_114 = arith.select %and3A_112, %squeeze3A_82, %jit3A_113 : f32
    %jit3A_115 = arith.constant 0 : i32
    %jit3A_116 = arith.constant 0 : i32
    %select_n3A_117 = arith.select %and3A_112, %jit3A_115, %jit3A_116 : i32
    %ne3A_118 = arith.constant 1 : i32
    %ne3A_119 = arith.cmpi ne, %ne3A_118, %select_n3A_107 : i32
    %gt3A_120 = arith.cmpf ogt, %squeeze3A_84, %select_n3A_114 : f32
    %and3A_121 = arith.andi %ne3A_119, %gt3A_120 : i1
    %select_n3A_122 = arith.select %and3A_121, %squeeze3A_84, %select_n3A_114 : f32
    %jit3A_123 = arith.constant 1 : i32
    %select_n3A_124 = arith.select %and3A_121, %jit3A_123, %select_n3A_117 : i32
    %ne3A_125 = arith.constant 2 : i32
    %ne3A_126 = arith.cmpi ne, %ne3A_125, %select_n3A_107 : i32
    %gt3A_127 = arith.cmpf ogt, %squeeze3A_86, %select_n3A_122 : f32
    %and3A_128 = arith.andi %ne3A_126, %gt3A_127 : i1
    %select_n3A_129 = arith.select %and3A_128, %squeeze3A_86, %select_n3A_122 : f32
    %jit3A_130 = arith.constant 2 : i32
    %select_n3A_131 = arith.select %and3A_128, %jit3A_130, %select_n3A_124 : i32
    %ne3A_132 = arith.constant 3 : i32
    %ne3A_133 = arith.cmpi ne, %ne3A_132, %select_n3A_107 : i32
    %gt3A_134 = arith.cmpf ogt, %squeeze3A_88, %select_n3A_129 : f32
    %and3A_135 = arith.andi %ne3A_133, %gt3A_134 : i1
    %select_n3A_136 = arith.select %and3A_135, %squeeze3A_88, %select_n3A_129 : f32
    %jit3A_137 = arith.constant 3 : i32
    %select_n3A_138 = arith.select %and3A_135, %jit3A_137, %select_n3A_131 : i32
    %ne3A_139 = arith.constant 4 : i32
    %ne3A_140 = arith.cmpi ne, %ne3A_139, %select_n3A_107 : i32
    %gt3A_141 = arith.cmpf ogt, %squeeze3A_90, %select_n3A_136 : f32
    %and3A_142 = arith.andi %ne3A_140, %gt3A_141 : i1
    %select_n3A_143 = arith.select %and3A_142, %squeeze3A_90, %select_n3A_136 : f32
    %jit3A_144 = arith.constant 4 : i32
    %select_n3A_145 = arith.select %and3A_142, %jit3A_144, %select_n3A_138 : i32
    %sub3A_146 = arith.subf %select_n3A_143, %select_n3A_105 : f32
    %broadcast_in_dim3A_147 = vector.broadcast %sub3A_146 : f32 to vector<16xf32>
    %exp3A_148 = math.exp %broadcast_in_dim3A_147 : vector<16xf32>
    %add3A_149 = arith.constant 1.000000e+00 : f32
    %add3A_150 = vector.broadcast %add3A_149 : f32 to vector<16xf32>
    %add3A_151 = arith.addf %add3A_150, %exp3A_148 : vector<16xf32>
    %div3A_152 = arith.divf %exp3A_148, %add3A_151 : vector<16xf32>
    %sub3A_153 = arith.constant 1.000000e+00 : f32
    %sub3A_154 = vector.broadcast %sub3A_153 : f32 to vector<16xf32>
    %sub3A_155 = arith.subf %sub3A_154, %div3A_152 : vector<16xf32>
    %add3A_156 = arith.constant 5 : i32
    %add3A_157 = arith.addi %add3A_156, %select_n3A_107 : i32
    %add3A_158 = arith.constant 5 : i32
    %add3A_159 = arith.addi %add3A_158, %select_n3A_145 : i32
    %scan3A_160 = arith.constant 0 : i32
    %scan3A_161 = arith.constant 0 : i32
    %scan3A_162 = arith.constant 8 : i32
    %scan3A_163 = arith.addi %scan3A_161, %scan3A_162 : i32
    %scan3A_164 = arith.constant 1 : i32
    scf.for %scan3A_336 = %scan3A_161 to %scan3A_163 step %scan3A_164  : i32 {
      %mul3A_337 = arith.constant 8192 : i32
      %mul3A_338 = arith.muli %scan3A_336, %mul3A_337 : i32
      %add3A_339 = arith.addi %mul3A_2, %mul3A_338 : i32
      "tpu.region"() ({
        %run_scoped3A_350 = tpu.sem_alloc : memref<!tpu.dma_semaphore, #tpu.memory_space<semaphore_mem>>
        %dma_start3A = tpu.memref_slice %arg2[%add3A_157, %add3A_339] : memref<20x2097152xf32, #tpu.memory_space<hbm>> -> memref<1x8192xf32, #tpu.memory_space<hbm>>
        %dma_start3A_351 = tpu.memref_squeeze %dma_start3A : memref<1x8192xf32, #tpu.memory_space<hbm>> -> memref<8192xf32, #tpu.memory_space<hbm>>
        %dma_start3A_352 = tpu.memref_slice %arg2[%add3A_157, %add3A_339] : memref<20x2097152xf32, #tpu.memory_space<hbm>> -> memref<1x8192xf32, #tpu.memory_space<hbm>>
        %dma_start3A_353 = tpu.memref_squeeze %dma_start3A_352 : memref<1x8192xf32, #tpu.memory_space<hbm>> -> memref<8192xf32, #tpu.memory_space<hbm>>
        tpu.enqueue_dma source(%dma_start3A_353 : memref<8192xf32, #tpu.memory_space<hbm>>) target(%arg8 : memref<8192xf32, #tpu.memory_space<vmem>>) target_semaphore(%run_scoped3A_350 : memref<!tpu.dma_semaphore, #tpu.memory_space<semaphore_mem>>)
        %dma_wait3A = tpu.memref_slice %arg2[%add3A_157, %add3A_339] : memref<20x2097152xf32, #tpu.memory_space<hbm>> -> memref<1x8192xf32, #tpu.memory_space<hbm>>
        %dma_wait3A_354 = tpu.memref_squeeze %dma_wait3A : memref<1x8192xf32, #tpu.memory_space<hbm>> -> memref<8192xf32, #tpu.memory_space<hbm>>
        %dma_wait3A_355 = tpu.memref_slice %arg2[%add3A_157, %add3A_339] : memref<20x2097152xf32, #tpu.memory_space<hbm>> -> memref<1x8192xf32, #tpu.memory_space<hbm>>
        %dma_wait3A_356 = tpu.memref_squeeze %dma_wait3A_355 : memref<1x8192xf32, #tpu.memory_space<hbm>> -> memref<8192xf32, #tpu.memory_space<hbm>>
        tpu.wait_dma2 semaphore(%run_scoped3A_350 : memref<!tpu.dma_semaphore, #tpu.memory_space<semaphore_mem>>) src(%dma_wait3A_356 : memref<8192xf32, #tpu.memory_space<hbm>>) dst(%arg8 : memref<8192xf32, #tpu.memory_space<vmem>>)
        tpu.yield
      }) : () -> ()
      "tpu.region"() ({
        %run_scoped3A_350 = tpu.sem_alloc : memref<!tpu.dma_semaphore, #tpu.memory_space<semaphore_mem>>
        %dma_start3A = tpu.memref_slice %arg2[%add3A_159, %add3A_339] : memref<20x2097152xf32, #tpu.memory_space<hbm>> -> memref<1x8192xf32, #tpu.memory_space<hbm>>
        %dma_start3A_351 = tpu.memref_squeeze %dma_start3A : memref<1x8192xf32, #tpu.memory_space<hbm>> -> memref<8192xf32, #tpu.memory_space<hbm>>
        %dma_start3A_352 = tpu.memref_slice %arg2[%add3A_159, %add3A_339] : memref<20x2097152xf32, #tpu.memory_space<hbm>> -> memref<1x8192xf32, #tpu.memory_space<hbm>>
        %dma_start3A_353 = tpu.memref_squeeze %dma_start3A_352 : memref<1x8192xf32, #tpu.memory_space<hbm>> -> memref<8192xf32, #tpu.memory_space<hbm>>
        tpu.enqueue_dma source(%dma_start3A_353 : memref<8192xf32, #tpu.memory_space<hbm>>) target(%arg9 : memref<8192xf32, #tpu.memory_space<vmem>>) target_semaphore(%run_scoped3A_350 : memref<!tpu.dma_semaphore, #tpu.memory_space<semaphore_mem>>)
        %dma_wait3A = tpu.memref_slice %arg2[%add3A_159, %add3A_339] : memref<20x2097152xf32, #tpu.memory_space<hbm>> -> memref<1x8192xf32, #tpu.memory_space<hbm>>
        %dma_wait3A_354 = tpu.memref_squeeze %dma_wait3A : memref<1x8192xf32, #tpu.memory_space<hbm>> -> memref<8192xf32, #tpu.memory_space<hbm>>
        %dma_wait3A_355 = tpu.memref_slice %arg2[%add3A_159, %add3A_339] : memref<20x2097152xf32, #tpu.memory_space<hbm>> -> memref<1x8192xf32, #tpu.memory_space<hbm>>
        %dma_wait3A_356 = tpu.memref_squeeze %dma_wait3A_355 : memref<1x8192xf32, #tpu.memory_space<hbm>> -> memref<8192xf32, #tpu.memory_space<hbm>>
        tpu.wait_dma2 semaphore(%run_scoped3A_350 : memref<!tpu.dma_semaphore, #tpu.memory_space<semaphore_mem>>) src(%dma_wait3A_356 : memref<8192xf32, #tpu.memory_space<hbm>>) dst(%arg9 : memref<8192xf32, #tpu.memory_space<vmem>>)
        tpu.yield
      }) : () -> ()
      %scan3A_340 = arith.constant 0 : i32
      %scan3A_341 = arith.constant 0 : i32
      %scan3A_342 = arith.constant 64 : i32
      %scan3A_343 = arith.addi %scan3A_341, %scan3A_342 : i32
      %scan3A_344 = arith.constant 1 : i32
      scf.for %scan3A_350 = %scan3A_341 to %scan3A_343 step %scan3A_344  : i32 {
        %mul3A_351 = arith.constant 16 : i32
        %mul3A_352 = arith.muli %scan3A_350, %mul3A_351 : i32
        %add3A_353 = arith.constant 0 : i32
        %add3A_354 = arith.addi %add3A_353, %mul3A_352 : i32
        %get3A_355 = arith.index_cast %add3A_354 : i32 to index
        %get3A_356 = tpu.vector_load %arg7[%get3A_355] {strides = array<i32>} : memref<5120xf32, #tpu.memory_space<vmem>>, vector<16xf32>,
        %get3A_357 = vector.shape_cast %get3A_356 : vector<16xf32> to vector<16xf32>
        %add3A_358 = arith.constant 1024 : i32
        %add3A_359 = arith.addi %add3A_358, %mul3A_352 : i32
        %get3A_360 = arith.index_cast %add3A_359 : i32 to index
        %get3A_361 = tpu.vector_load %arg7[%get3A_360] {strides = array<i32>} : memref<5120xf32, #tpu.memory_space<vmem>>, vector<16xf32>,
        %get3A_362 = vector.shape_cast %get3A_361 : vector<16xf32> to vector<16xf32>
        %add3A_363 = arith.constant 2048 : i32
        %add3A_364 = arith.addi %add3A_363, %mul3A_352 : i32
        %get3A_365 = arith.index_cast %add3A_364 : i32 to index
        %get3A_366 = tpu.vector_load %arg7[%get3A_365] {strides = array<i32>} : memref<5120xf32, #tpu.memory_space<vmem>>, vector<16xf32>,
        %get3A_367 = vector.shape_cast %get3A_366 : vector<16xf32> to vector<16xf32>
        %add3A_368 = arith.constant 3072 : i32
        %add3A_369 = arith.addi %add3A_368, %mul3A_352 : i32
        %get3A_370 = arith.index_cast %add3A_369 : i32 to index
        %get3A_371 = tpu.vector_load %arg7[%get3A_370] {strides = array<i32>} : memref<5120xf32, #tpu.memory_space<vmem>>, vector<16xf32>,
        %get3A_372 = vector.shape_cast %get3A_371 : vector<16xf32> to vector<16xf32>
        %add3A_373 = arith.constant 4096 : i32
        %add3A_374 = arith.addi %add3A_373, %mul3A_352 : i32
        %get3A_375 = arith.index_cast %add3A_374 : i32 to index
        %get3A_376 = tpu.vector_load %arg7[%get3A_375] {strides = array<i32>} : memref<5120xf32, #tpu.memory_space<vmem>>, vector<16xf32>,
        %get3A_377 = vector.shape_cast %get3A_376 : vector<16xf32> to vector<16xf32>
        %add3A_378 = arith.constant 0 : i32
        %add3A_379 = arith.addi %add3A_378, %mul3A_352 : i32
        %get3A_380 = arith.index_cast %add3A_379 : i32 to index
        %get3A_381 = tpu.vector_load %arg8[%get3A_380] {strides = array<i32>} : memref<8192xf32, #tpu.memory_space<vmem>>, vector<16xf32>,
        %get3A_382 = vector.shape_cast %get3A_381 : vector<16xf32> to vector<16xf32>
        %get3A_383 = arith.index_cast %add3A_379 : i32 to index
        %get3A_384 = tpu.vector_load %arg9[%get3A_383] {strides = array<i32>} : memref<8192xf32, #tpu.memory_space<vmem>>, vector<16xf32>,
        %get3A_385 = vector.shape_cast %get3A_384 : vector<16xf32> to vector<16xf32>
        %mul3A_386 = arith.mulf %sub3A_155, %get3A_382 : vector<16xf32>
        %mul3A_387 = arith.mulf %div3A_152, %get3A_385 : vector<16xf32>
        %add3A_388 = arith.addf %mul3A_386, %mul3A_387 : vector<16xf32>
        %add3A_389 = arith.addf %add3A_388, %get3A_357 : vector<16xf32>
        %add3A_390 = arith.constant 0 : i32
        %add3A_391 = arith.addi %add3A_390, %add3A_379 : i32
        %swap3A = arith.index_cast %add3A_391 : i32 to index
        %swap3A_392 = tpu.vector_load %arg10[%swap3A] {strides = array<i32>} : memref<40960xf32, #tpu.memory_space<vmem>>, vector<16xf32>,
        %swap3A_393 = vector.shape_cast %swap3A_392 : vector<16xf32> to vector<16xf32>
        %swap3A_394 = vector.shape_cast %add3A_389 : vector<16xf32> to vector<16xf32>
        tpu.vector_store %arg10[%swap3A], %swap3A_394 {strides = array<i32>} : memref<40960xf32, #tpu.memory_space<vmem>>, vector<16xf32>,
        %add3A_395 = arith.addf %add3A_388, %get3A_362 : vector<16xf32>
        %add3A_396 = arith.constant 8192 : i32
        %add3A_397 = arith.addi %add3A_396, %add3A_379 : i32
        %swap3A_398 = arith.index_cast %add3A_397 : i32 to index
        %swap3A_399 = tpu.vector_load %arg10[%swap3A_398] {strides = array<i32>} : memref<40960xf32, #tpu.memory_space<vmem>>, vector<16xf32>,
        %swap3A_400 = vector.shape_cast %swap3A_399 : vector<16xf32> to vector<16xf32>
        %swap3A_401 = vector.shape_cast %add3A_395 : vector<16xf32> to vector<16xf32>
        tpu.vector_store %arg10[%swap3A_398], %swap3A_401 {strides = array<i32>} : memref<40960xf32, #tpu.memory_space<vmem>>, vector<16xf32>,
        %add3A_402 = arith.addf %add3A_388, %get3A_367 : vector<16xf32>
        %add3A_403 = arith.constant 16384 : i32
        %add3A_404 = arith.addi %add3A_403, %add3A_379 : i32
        %swap3A_405 = arith.index_cast %add3A_404 : i32 to index
        %swap3A_406 = tpu.vector_load %arg10[%swap3A_405] {strides = array<i32>} : memref<40960xf32, #tpu.memory_space<vmem>>, vector<16xf32>,
        %swap3A_407 = vector.shape_cast %swap3A_406 : vector<16xf32> to vector<16xf32>
        %swap3A_408 = vector.shape_cast %add3A_402 : vector<16xf32> to vector<16xf32>
        tpu.vector_store %arg10[%swap3A_405], %swap3A_408 {strides = array<i32>} : memref<40960xf32, #tpu.memory_space<vmem>>, vector<16xf32>,
        %add3A_409 = arith.addf %add3A_388, %get3A_372 : vector<16xf32>
        %add3A_410 = arith.constant 24576 : i32
        %add3A_411 = arith.addi %add3A_410, %add3A_379 : i32
        %swap3A_412 = arith.index_cast %add3A_411 : i32 to index
        %swap3A_413 = tpu.vector_load %arg10[%swap3A_412] {strides = array<i32>} : memref<40960xf32, #tpu.memory_space<vmem>>, vector<16xf32>,
        %swap3A_414 = vector.shape_cast %swap3A_413 : vector<16xf32> to vector<16xf32>
        %swap3A_415 = vector.shape_cast %add3A_409 : vector<16xf32> to vector<16xf32>
        tpu.vector_store %arg10[%swap3A_412], %swap3A_415 {strides = array<i32>} : memref<40960xf32, #tpu.memory_space<vmem>>, vector<16xf32>,
        %add3A_416 = arith.addf %add3A_388, %get3A_377 : vector<16xf32>
        %add3A_417 = arith.constant 32768 : i32
        %add3A_418 = arith.addi %add3A_417, %add3A_379 : i32
        %swap3A_419 = arith.index_cast %add3A_418 : i32 to index
        %swap3A_420 = tpu.vector_load %arg10[%swap3A_419] {strides = array<i32>} : memref<40960xf32, #tpu.memory_space<vmem>>, vector<16xf32>,
        %swap3A_421 = vector.shape_cast %swap3A_420 : vector<16xf32> to vector<16xf32>
        %swap3A_422 = vector.shape_cast %add3A_416 : vector<16xf32> to vector<16xf32>
        tpu.vector_store %arg10[%swap3A_419], %swap3A_422 {strides = array<i32>} : memref<40960xf32, #tpu.memory_space<vmem>>, vector<16xf32>,
        %add3A_423 = arith.constant 1024 : i32
        %add3A_424 = arith.addi %add3A_423, %mul3A_352 : i32
        %get3A_425 = arith.index_cast %add3A_424 : i32 to index
        %get3A_426 = tpu.vector_load %arg8[%get3A_425] {strides = array<i32>} : memref<8192xf32, #tpu.memory_space<vmem>>, vector<16xf32>,
        %get3A_427 = vector.shape_cast %get3A_426 : vector<16xf32> to vector<16xf32>
        %get3A_428 = arith.index_cast %add3A_424 : i32 to index
        %get3A_429 = tpu.vector_load %arg9[%get3A_428] {strides = array<i32>} : memref<8192xf32, #tpu.memory_space<vmem>>, vector<16xf32>,
        %get3A_430 = vector.shape_cast %get3A_429 : vector<16xf32> to vector<16xf32>
        %mul3A_431 = arith.mulf %sub3A_155, %get3A_427 : vector<16xf32>
        %mul3A_432 = arith.mulf %div3A_152, %get3A_430 : vector<16xf32>
        %add3A_433 = arith.addf %mul3A_431, %mul3A_432 : vector<16xf32>
        %add3A_434 = arith.addf %add3A_433, %get3A_357 : vector<16xf32>
        %add3A_435 = arith.constant 0 : i32
        %add3A_436 = arith.addi %add3A_435, %add3A_424 : i32
        %swap3A_437 = arith.index_cast %add3A_436 : i32 to index
        %swap3A_438 = tpu.vector_load %arg10[%swap3A_437] {strides = array<i32>} : memref<40960xf32, #tpu.memory_space<vmem>>, vector<16xf32>,
        %swap3A_439 = vector.shape_cast %swap3A_438 : vector<16xf32> to vector<16xf32>
        %swap3A_440 = vector.shape_cast %add3A_434 : vector<16xf32> to vector<16xf32>
        tpu.vector_store %arg10[%swap3A_437], %swap3A_440 {strides = array<i32>} : memref<40960xf32, #tpu.memory_space<vmem>>, vector<16xf32>,
        %add3A_441 = arith.addf %add3A_433, %get3A_362 : vector<16xf32>
        %add3A_442 = arith.constant 8192 : i32
        %add3A_443 = arith.addi %add3A_442, %add3A_424 : i32
        %swap3A_444 = arith.index_cast %add3A_443 : i32 to index
        %swap3A_445 = tpu.vector_load %arg10[%swap3A_444] {strides = array<i32>} : memref<40960xf32, #tpu.memory_space<vmem>>, vector<16xf32>,
        %swap3A_446 = vector.shape_cast %swap3A_445 : vector<16xf32> to vector<16xf32>
        %swap3A_447 = vector.shape_cast %add3A_441 : vector<16xf32> to vector<16xf32>
        tpu.vector_store %arg10[%swap3A_444], %swap3A_447 {strides = array<i32>} : memref<40960xf32, #tpu.memory_space<vmem>>, vector<16xf32>,
        %add3A_448 = arith.addf %add3A_433, %get3A_367 : vector<16xf32>
        %add3A_449 = arith.constant 16384 : i32
        %add3A_450 = arith.addi %add3A_449, %add3A_424 : i32
        %swap3A_451 = arith.index_cast %add3A_450 : i32 to index
        %swap3A_452 = tpu.vector_load %arg10[%swap3A_451] {strides = array<i32>} : memref<40960xf32, #tpu.memory_space<vmem>>, vector<16xf32>,
        %swap3A_453 = vector.shape_cast %swap3A_452 : vector<16xf32> to vector<16xf32>
        %swap3A_454 = vector.shape_cast %add3A_448 : vector<16xf32> to vector<16xf32>
        tpu.vector_store %arg10[%swap3A_451], %swap3A_454 {strides = array<i32>} : memref<40960xf32, #tpu.memory_space<vmem>>, vector<16xf32>,
        %add3A_455 = arith.addf %add3A_433, %get3A_372 : vector<16xf32>
        %add3A_456 = arith.constant 24576 : i32
        %add3A_457 = arith.addi %add3A_456, %add3A_424 : i32
        %swap3A_458 = arith.index_cast %add3A_457 : i32 to index
        %swap3A_459 = tpu.vector_load %arg10[%swap3A_458] {strides = array<i32>} : memref<40960xf32, #tpu.memory_space<vmem>>, vector<16xf32>,
        %swap3A_460 = vector.shape_cast %swap3A_459 : vector<16xf32> to vector<16xf32>
        %swap3A_461 = vector.shape_cast %add3A_455 : vector<16xf32> to vector<16xf32>
        tpu.vector_store %arg10[%swap3A_458], %swap3A_461 {strides = array<i32>} : memref<40960xf32, #tpu.memory_space<vmem>>, vector<16xf32>,
        %add3A_462 = arith.addf %add3A_433, %get3A_377 : vector<16xf32>
        %add3A_463 = arith.constant 32768 : i32
        %add3A_464 = arith.addi %add3A_463, %add3A_424 : i32
        %swap3A_465 = arith.index_cast %add3A_464 : i32 to index
        %swap3A_466 = tpu.vector_load %arg10[%swap3A_465] {strides = array<i32>} : memref<40960xf32, #tpu.memory_space<vmem>>, vector<16xf32>,
        %swap3A_467 = vector.shape_cast %swap3A_466 : vector<16xf32> to vector<16xf32>
        %swap3A_468 = vector.shape_cast %add3A_462 : vector<16xf32> to vector<16xf32>
        tpu.vector_store %arg10[%swap3A_465], %swap3A_468 {strides = array<i32>} : memref<40960xf32, #tpu.memory_space<vmem>>, vector<16xf32>,
        %add3A_469 = arith.constant 2048 : i32
        %add3A_470 = arith.addi %add3A_469, %mul3A_352 : i32
        %get3A_471 = arith.index_cast %add3A_470 : i32 to index
        %get3A_472 = tpu.vector_load %arg8[%get3A_471] {strides = array<i32>} : memref<8192xf32, #tpu.memory_space<vmem>>, vector<16xf32>,
        %get3A_473 = vector.shape_cast %get3A_472 : vector<16xf32> to vector<16xf32>
        %get3A_474 = arith.index_cast %add3A_470 : i32 to index
        %get3A_475 = tpu.vector_load %arg9[%get3A_474] {strides = array<i32>} : memref<8192xf32, #tpu.memory_space<vmem>>, vector<16xf32>,
        %get3A_476 = vector.shape_cast %get3A_475 : vector<16xf32> to vector<16xf32>
        %mul3A_477 = arith.mulf %sub3A_155, %get3A_473 : vector<16xf32>
        %mul3A_478 = arith.mulf %div3A_152, %get3A_476 : vector<16xf32>
        %add3A_479 = arith.addf %mul3A_477, %mul3A_478 : vector<16xf32>
        %add3A_480 = arith.addf %add3A_479, %get3A_357 : vector<16xf32>
        %add3A_481 = arith.constant 0 : i32
        %add3A_482 = arith.addi %add3A_481, %add3A_470 : i32
        %swap3A_483 = arith.index_cast %add3A_482 : i32 to index
        %swap3A_484 = tpu.vector_load %arg10[%swap3A_483] {strides = array<i32>} : memref<40960xf32, #tpu.memory_space<vmem>>, vector<16xf32>,
        %swap3A_485 = vector.shape_cast %swap3A_484 : vector<16xf32> to vector<16xf32>
        %swap3A_486 = vector.shape_cast %add3A_480 : vector<16xf32> to vector<16xf32>
        tpu.vector_store %arg10[%swap3A_483], %swap3A_486 {strides = array<i32>} : memref<40960xf32, #tpu.memory_space<vmem>>, vector<16xf32>,
        %add3A_487 = arith.addf %add3A_479, %get3A_362 : vector<16xf32>
        %add3A_488 = arith.constant 8192 : i32
        %add3A_489 = arith.addi %add3A_488, %add3A_470 : i32
        %swap3A_490 = arith.index_cast %add3A_489 : i32 to index
        %swap3A_491 = tpu.vector_load %arg10[%swap3A_490] {strides = array<i32>} : memref<40960xf32, #tpu.memory_space<vmem>>, vector<16xf32>,
        %swap3A_492 = vector.shape_cast %swap3A_491 : vector<16xf32> to vector<16xf32>
        %swap3A_493 = vector.shape_cast %add3A_487 : vector<16xf32> to vector<16xf32>
        tpu.vector_store %arg10[%swap3A_490], %swap3A_493 {strides = array<i32>} : memref<40960xf32, #tpu.memory_space<vmem>>, vector<16xf32>,
        %add3A_494 = arith.addf %add3A_479, %get3A_367 : vector<16xf32>
        %add3A_495 = arith.constant 16384 : i32
        %add3A_496 = arith.addi %add3A_495, %add3A_470 : i32
        %swap3A_497 = arith.index_cast %add3A_496 : i32 to index
        %swap3A_498 = tpu.vector_load %arg10[%swap3A_497] {strides = array<i32>} : memref<40960xf32, #tpu.memory_space<vmem>>, vector<16xf32>,
        %swap3A_499 = vector.shape_cast %swap3A_498 : vector<16xf32> to vector<16xf32>
        %swap3A_500 = vector.shape_cast %add3A_494 : vector<16xf32> to vector<16xf32>
        tpu.vector_store %arg10[%swap3A_497], %swap3A_500 {strides = array<i32>} : memref<40960xf32, #tpu.memory_space<vmem>>, vector<16xf32>,
        %add3A_501 = arith.addf %add3A_479, %get3A_372 : vector<16xf32>
        %add3A_502 = arith.constant 24576 : i32
        %add3A_503 = arith.addi %add3A_502, %add3A_470 : i32
        %swap3A_504 = arith.index_cast %add3A_503 : i32 to index
        %swap3A_505 = tpu.vector_load %arg10[%swap3A_504] {strides = array<i32>} : memref<40960xf32, #tpu.memory_space<vmem>>, vector<16xf32>,
        %swap3A_506 = vector.shape_cast %swap3A_505 : vector<16xf32> to vector<16xf32>
        %swap3A_507 = vector.shape_cast %add3A_501 : vector<16xf32> to vector<16xf32>
        tpu.vector_store %arg10[%swap3A_504], %swap3A_507 {strides = array<i32>} : memref<40960xf32, #tpu.memory_space<vmem>>, vector<16xf32>,
        %add3A_508 = arith.addf %add3A_479, %get3A_377 : vector<16xf32>
        %add3A_509 = arith.constant 32768 : i32
        %add3A_510 = arith.addi %add3A_509, %add3A_470 : i32
        %swap3A_511 = arith.index_cast %add3A_510 : i32 to index
        %swap3A_512 = tpu.vector_load %arg10[%swap3A_511] {strides = array<i32>} : memref<40960xf32, #tpu.memory_space<vmem>>, vector<16xf32>,
        %swap3A_513 = vector.shape_cast %swap3A_512 : vector<16xf32> to vector<16xf32>
        %swap3A_514 = vector.shape_cast %add3A_508 : vector<16xf32> to vector<16xf32>
        tpu.vector_store %arg10[%swap3A_511], %swap3A_514 {strides = array<i32>} : memref<40960xf32, #tpu.memory_space<vmem>>, vector<16xf32>,
        %add3A_515 = arith.constant 3072 : i32
        %add3A_516 = arith.addi %add3A_515, %mul3A_352 : i32
        %get3A_517 = arith.index_cast %add3A_516 : i32 to index
        %get3A_518 = tpu.vector_load %arg8[%get3A_517] {strides = array<i32>} : memref<8192xf32, #tpu.memory_space<vmem>>, vector<16xf32>,
        %get3A_519 = vector.shape_cast %get3A_518 : vector<16xf32> to vector<16xf32>
        %get3A_520 = arith.index_cast %add3A_516 : i32 to index
        %get3A_521 = tpu.vector_load %arg9[%get3A_520] {strides = array<i32>} : memref<8192xf32, #tpu.memory_space<vmem>>, vector<16xf32>,
        %get3A_522 = vector.shape_cast %get3A_521 : vector<16xf32> to vector<16xf32>
        %mul3A_523 = arith.mulf %sub3A_155, %get3A_519 : vector<16xf32>
        %mul3A_524 = arith.mulf %div3A_152, %get3A_522 : vector<16xf32>
        %add3A_525 = arith.addf %mul3A_523, %mul3A_524 : vector<16xf32>
        %add3A_526 = arith.addf %add3A_525, %get3A_357 : vector<16xf32>
        %add3A_527 = arith.constant 0 : i32
        %add3A_528 = arith.addi %add3A_527, %add3A_516 : i32
        %swap3A_529 = arith.index_cast %add3A_528 : i32 to index
        %swap3A_530 = tpu.vector_load %arg10[%swap3A_529] {strides = array<i32>} : memref<40960xf32, #tpu.memory_space<vmem>>, vector<16xf32>,
        %swap3A_531 = vector.shape_cast %swap3A_530 : vector<16xf32> to vector<16xf32>
        %swap3A_532 = vector.shape_cast %add3A_526 : vector<16xf32> to vector<16xf32>
        tpu.vector_store %arg10[%swap3A_529], %swap3A_532 {strides = array<i32>} : memref<40960xf32, #tpu.memory_space<vmem>>, vector<16xf32>,
        %add3A_533 = arith.addf %add3A_525, %get3A_362 : vector<16xf32>
        %add3A_534 = arith.constant 8192 : i32
        %add3A_535 = arith.addi %add3A_534, %add3A_516 : i32
        %swap3A_536 = arith.index_cast %add3A_535 : i32 to index
        %swap3A_537 = tpu.vector_load %arg10[%swap3A_536] {strides = array<i32>} : memref<40960xf32, #tpu.memory_space<vmem>>, vector<16xf32>,
        %swap3A_538 = vector.shape_cast %swap3A_537 : vector<16xf32> to vector<16xf32>
        %swap3A_539 = vector.shape_cast %add3A_533 : vector<16xf32> to vector<16xf32>
        tpu.vector_store %arg10[%swap3A_536], %swap3A_539 {strides = array<i32>} : memref<40960xf32, #tpu.memory_space<vmem>>, vector<16xf32>,
        %add3A_540 = arith.addf %add3A_525, %get3A_367 : vector<16xf32>
        %add3A_541 = arith.constant 16384 : i32
        %add3A_542 = arith.addi %add3A_541, %add3A_516 : i32
        %swap3A_543 = arith.index_cast %add3A_542 : i32 to index
        %swap3A_544 = tpu.vector_load %arg10[%swap3A_543] {strides = array<i32>} : memref<40960xf32, #tpu.memory_space<vmem>>, vector<16xf32>,
        %swap3A_545 = vector.shape_cast %swap3A_544 : vector<16xf32> to vector<16xf32>
        %swap3A_546 = vector.shape_cast %add3A_540 : vector<16xf32> to vector<16xf32>
        tpu.vector_store %arg10[%swap3A_543], %swap3A_546 {strides = array<i32>} : memref<40960xf32, #tpu.memory_space<vmem>>, vector<16xf32>,
        %add3A_547 = arith.addf %add3A_525, %get3A_372 : vector<16xf32>
        %add3A_548 = arith.constant 24576 : i32
        %add3A_549 = arith.addi %add3A_548, %add3A_516 : i32
        %swap3A_550 = arith.index_cast %add3A_549 : i32 to index
        %swap3A_551 = tpu.vector_load %arg10[%swap3A_550] {strides = array<i32>} : memref<40960xf32, #tpu.memory_space<vmem>>, vector<16xf32>,
        %swap3A_552 = vector.shape_cast %swap3A_551 : vector<16xf32> to vector<16xf32>
        %swap3A_553 = vector.shape_cast %add3A_547 : vector<16xf32> to vector<16xf32>
        tpu.vector_store %arg10[%swap3A_550], %swap3A_553 {strides = array<i32>} : memref<40960xf32, #tpu.memory_space<vmem>>, vector<16xf32>,
        %add3A_554 = arith.addf %add3A_525, %get3A_377 : vector<16xf32>
        %add3A_555 = arith.constant 32768 : i32
        %add3A_556 = arith.addi %add3A_555, %add3A_516 : i32
        %swap3A_557 = arith.index_cast %add3A_556 : i32 to index
        %swap3A_558 = tpu.vector_load %arg10[%swap3A_557] {strides = array<i32>} : memref<40960xf32, #tpu.memory_space<vmem>>, vector<16xf32>,
        %swap3A_559 = vector.shape_cast %swap3A_558 : vector<16xf32> to vector<16xf32>
        %swap3A_560 = vector.shape_cast %add3A_554 : vector<16xf32> to vector<16xf32>
        tpu.vector_store %arg10[%swap3A_557], %swap3A_560 {strides = array<i32>} : memref<40960xf32, #tpu.memory_space<vmem>>, vector<16xf32>,
        %add3A_561 = arith.constant 4096 : i32
        %add3A_562 = arith.addi %add3A_561, %mul3A_352 : i32
        %get3A_563 = arith.index_cast %add3A_562 : i32 to index
        %get3A_564 = tpu.vector_load %arg8[%get3A_563] {strides = array<i32>} : memref<8192xf32, #tpu.memory_space<vmem>>, vector<16xf32>,
        %get3A_565 = vector.shape_cast %get3A_564 : vector<16xf32> to vector<16xf32>
        %get3A_566 = arith.index_cast %add3A_562 : i32 to index
        %get3A_567 = tpu.vector_load %arg9[%get3A_566] {strides = array<i32>} : memref<8192xf32, #tpu.memory_space<vmem>>, vector<16xf32>,
        %get3A_568 = vector.shape_cast %get3A_567 : vector<16xf32> to vector<16xf32>
        %mul3A_569 = arith.mulf %sub3A_155, %get3A_565 : vector<16xf32>
        %mul3A_570 = arith.mulf %div3A_152, %get3A_568 : vector<16xf32>
        %add3A_571 = arith.addf %mul3A_569, %mul3A_570 : vector<16xf32>
        %add3A_572 = arith.addf %add3A_571, %get3A_357 : vector<16xf32>
        %add3A_573 = arith.constant 0 : i32
        %add3A_574 = arith.addi %add3A_573, %add3A_562 : i32
        %swap3A_575 = arith.index_cast %add3A_574 : i32 to index
        %swap3A_576 = tpu.vector_load %arg10[%swap3A_575] {strides = array<i32>} : memref<40960xf32, #tpu.memory_space<vmem>>, vector<16xf32>,
        %swap3A_577 = vector.shape_cast %swap3A_576 : vector<16xf32> to vector<16xf32>
        %swap3A_578 = vector.shape_cast %add3A_572 : vector<16xf32> to vector<16xf32>
        tpu.vector_store %arg10[%swap3A_575], %swap3A_578 {strides = array<i32>} : memref<40960xf32, #tpu.memory_space<vmem>>, vector<16xf32>,
        %add3A_579 = arith.addf %add3A_571, %get3A_362 : vector<16xf32>
        %add3A_580 = arith.constant 8192 : i32
        %add3A_581 = arith.addi %add3A_580, %add3A_562 : i32
        %swap3A_582 = arith.index_cast %add3A_581 : i32 to index
        %swap3A_583 = tpu.vector_load %arg10[%swap3A_582] {strides = array<i32>} : memref<40960xf32, #tpu.memory_space<vmem>>, vector<16xf32>,
        %swap3A_584 = vector.shape_cast %swap3A_583 : vector<16xf32> to vector<16xf32>
        %swap3A_585 = vector.shape_cast %add3A_579 : vector<16xf32> to vector<16xf32>
        tpu.vector_store %arg10[%swap3A_582], %swap3A_585 {strides = array<i32>} : memref<40960xf32, #tpu.memory_space<vmem>>, vector<16xf32>,
        %add3A_586 = arith.addf %add3A_571, %get3A_367 : vector<16xf32>
        %add3A_587 = arith.constant 16384 : i32
        %add3A_588 = arith.addi %add3A_587, %add3A_562 : i32
        %swap3A_589 = arith.index_cast %add3A_588 : i32 to index
        %swap3A_590 = tpu.vector_load %arg10[%swap3A_589] {strides = array<i32>} : memref<40960xf32, #tpu.memory_space<vmem>>, vector<16xf32>,
        %swap3A_591 = vector.shape_cast %swap3A_590 : vector<16xf32> to vector<16xf32>
        %swap3A_592 = vector.shape_cast %add3A_586 : vector<16xf32> to vector<16xf32>
        tpu.vector_store %arg10[%swap3A_589], %swap3A_592 {strides = array<i32>} : memref<40960xf32, #tpu.memory_space<vmem>>, vector<16xf32>,
        %add3A_593 = arith.addf %add3A_571, %get3A_372 : vector<16xf32>
        %add3A_594 = arith.constant 24576 : i32
        %add3A_595 = arith.addi %add3A_594, %add3A_562 : i32
        %swap3A_596 = arith.index_cast %add3A_595 : i32 to index
        %swap3A_597 = tpu.vector_load %arg10[%swap3A_596] {strides = array<i32>} : memref<40960xf32, #tpu.memory_space<vmem>>, vector<16xf32>,
        %swap3A_598 = vector.shape_cast %swap3A_597 : vector<16xf32> to vector<16xf32>
        %swap3A_599 = vector.shape_cast %add3A_593 : vector<16xf32> to vector<16xf32>
        tpu.vector_store %arg10[%swap3A_596], %swap3A_599 {strides = array<i32>} : memref<40960xf32, #tpu.memory_space<vmem>>, vector<16xf32>,
        %add3A_600 = arith.addf %add3A_571, %get3A_377 : vector<16xf32>
        %add3A_601 = arith.constant 32768 : i32
        %add3A_602 = arith.addi %add3A_601, %add3A_562 : i32
        %swap3A_603 = arith.index_cast %add3A_602 : i32 to index
        %swap3A_604 = tpu.vector_load %arg10[%swap3A_603] {strides = array<i32>} : memref<40960xf32, #tpu.memory_space<vmem>>, vector<16xf32>,
        %swap3A_605 = vector.shape_cast %swap3A_604 : vector<16xf32> to vector<16xf32>
        %swap3A_606 = vector.shape_cast %add3A_600 : vector<16xf32> to vector<16xf32>
        tpu.vector_store %arg10[%swap3A_603], %swap3A_606 {strides = array<i32>} : memref<40960xf32, #tpu.memory_space<vmem>>, vector<16xf32>,
        %add3A_607 = arith.constant 5120 : i32
        %add3A_608 = arith.addi %add3A_607, %mul3A_352 : i32
        %get3A_609 = arith.index_cast %add3A_608 : i32 to index
        %get3A_610 = tpu.vector_load %arg8[%get3A_609] {strides = array<i32>} : memref<8192xf32, #tpu.memory_space<vmem>>, vector<16xf32>,
        %get3A_611 = vector.shape_cast %get3A_610 : vector<16xf32> to vector<16xf32>
        %get3A_612 = arith.index_cast %add3A_608 : i32 to index
        %get3A_613 = tpu.vector_load %arg9[%get3A_612] {strides = array<i32>} : memref<8192xf32, #tpu.memory_space<vmem>>, vector<16xf32>,
        %get3A_614 = vector.shape_cast %get3A_613 : vector<16xf32> to vector<16xf32>
        %mul3A_615 = arith.mulf %sub3A_155, %get3A_611 : vector<16xf32>
        %mul3A_616 = arith.mulf %div3A_152, %get3A_614 : vector<16xf32>
        %add3A_617 = arith.addf %mul3A_615, %mul3A_616 : vector<16xf32>
        %add3A_618 = arith.addf %add3A_617, %get3A_357 : vector<16xf32>
        %add3A_619 = arith.constant 0 : i32
        %add3A_620 = arith.addi %add3A_619, %add3A_608 : i32
        %swap3A_621 = arith.index_cast %add3A_620 : i32 to index
        %swap3A_622 = tpu.vector_load %arg10[%swap3A_621] {strides = array<i32>} : memref<40960xf32, #tpu.memory_space<vmem>>, vector<16xf32>,
        %swap3A_623 = vector.shape_cast %swap3A_622 : vector<16xf32> to vector<16xf32>
        %swap3A_624 = vector.shape_cast %add3A_618 : vector<16xf32> to vector<16xf32>
        tpu.vector_store %arg10[%swap3A_621], %swap3A_624 {strides = array<i32>} : memref<40960xf32, #tpu.memory_space<vmem>>, vector<16xf32>,
        %add3A_625 = arith.addf %add3A_617, %get3A_362 : vector<16xf32>
        %add3A_626 = arith.constant 8192 : i32
        %add3A_627 = arith.addi %add3A_626, %add3A_608 : i32
        %swap3A_628 = arith.index_cast %add3A_627 : i32 to index
        %swap3A_629 = tpu.vector_load %arg10[%swap3A_628] {strides = array<i32>} : memref<40960xf32, #tpu.memory_space<vmem>>, vector<16xf32>,
        %swap3A_630 = vector.shape_cast %swap3A_629 : vector<16xf32> to vector<16xf32>
        %swap3A_631 = vector.shape_cast %add3A_625 : vector<16xf32> to vector<16xf32>
        tpu.vector_store %arg10[%swap3A_628], %swap3A_631 {strides = array<i32>} : memref<40960xf32, #tpu.memory_space<vmem>>, vector<16xf32>,
        %add3A_632 = arith.addf %add3A_617, %get3A_367 : vector<16xf32>
        %add3A_633 = arith.constant 16384 : i32
        %add3A_634 = arith.addi %add3A_633, %add3A_608 : i32
        %swap3A_635 = arith.index_cast %add3A_634 : i32 to index
        %swap3A_636 = tpu.vector_load %arg10[%swap3A_635] {strides = array<i32>} : memref<40960xf32, #tpu.memory_space<vmem>>, vector<16xf32>,
        %swap3A_637 = vector.shape_cast %swap3A_636 : vector<16xf32> to vector<16xf32>
        %swap3A_638 = vector.shape_cast %add3A_632 : vector<16xf32> to vector<16xf32>
        tpu.vector_store %arg10[%swap3A_635], %swap3A_638 {strides = array<i32>} : memref<40960xf32, #tpu.memory_space<vmem>>, vector<16xf32>,
        %add3A_639 = arith.addf %add3A_617, %get3A_372 : vector<16xf32>
        %add3A_640 = arith.constant 24576 : i32
        %add3A_641 = arith.addi %add3A_640, %add3A_608 : i32
        %swap3A_642 = arith.index_cast %add3A_641 : i32 to index
        %swap3A_643 = tpu.vector_load %arg10[%swap3A_642] {strides = array<i32>} : memref<40960xf32, #tpu.memory_space<vmem>>, vector<16xf32>,
        %swap3A_644 = vector.shape_cast %swap3A_643 : vector<16xf32> to vector<16xf32>
        %swap3A_645 = vector.shape_cast %add3A_639 : vector<16xf32> to vector<16xf32>
        tpu.vector_store %arg10[%swap3A_642], %swap3A_645 {strides = array<i32>} : memref<40960xf32, #tpu.memory_space<vmem>>, vector<16xf32>,
        %add3A_646 = arith.addf %add3A_617, %get3A_377 : vector<16xf32>
        %add3A_647 = arith.constant 32768 : i32
        %add3A_648 = arith.addi %add3A_647, %add3A_608 : i32
        %swap3A_649 = arith.index_cast %add3A_648 : i32 to index
        %swap3A_650 = tpu.vector_load %arg10[%swap3A_649] {strides = array<i32>} : memref<40960xf32, #tpu.memory_space<vmem>>, vector<16xf32>,
        %swap3A_651 = vector.shape_cast %swap3A_650 : vector<16xf32> to vector<16xf32>
        %swap3A_652 = vector.shape_cast %add3A_646 : vector<16xf32> to vector<16xf32>
        tpu.vector_store %arg10[%swap3A_649], %swap3A_652 {strides = array<i32>} : memref<40960xf32, #tpu.memory_space<vmem>>, vector<16xf32>,
        %add3A_653 = arith.constant 6144 : i32
        %add3A_654 = arith.addi %add3A_653, %mul3A_352 : i32
        %get3A_655 = arith.index_cast %add3A_654 : i32 to index
        %get3A_656 = tpu.vector_load %arg8[%get3A_655] {strides = array<i32>} : memref<8192xf32, #tpu.memory_space<vmem>>, vector<16xf32>,
        %get3A_657 = vector.shape_cast %get3A_656 : vector<16xf32> to vector<16xf32>
        %get3A_658 = arith.index_cast %add3A_654 : i32 to index
        %get3A_659 = tpu.vector_load %arg9[%get3A_658] {strides = array<i32>} : memref<8192xf32, #tpu.memory_space<vmem>>, vector<16xf32>,
        %get3A_660 = vector.shape_cast %get3A_659 : vector<16xf32> to vector<16xf32>
        %mul3A_661 = arith.mulf %sub3A_155, %get3A_657 : vector<16xf32>
        %mul3A_662 = arith.mulf %div3A_152, %get3A_660 : vector<16xf32>
        %add3A_663 = arith.addf %mul3A_661, %mul3A_662 : vector<16xf32>
        %add3A_664 = arith.addf %add3A_663, %get3A_357 : vector<16xf32>
        %add3A_665 = arith.constant 0 : i32
        %add3A_666 = arith.addi %add3A_665, %add3A_654 : i32
        %swap3A_667 = arith.index_cast %add3A_666 : i32 to index
        %swap3A_668 = tpu.vector_load %arg10[%swap3A_667] {strides = array<i32>} : memref<40960xf32, #tpu.memory_space<vmem>>, vector<16xf32>,
        %swap3A_669 = vector.shape_cast %swap3A_668 : vector<16xf32> to vector<16xf32>
        %swap3A_670 = vector.shape_cast %add3A_664 : vector<16xf32> to vector<16xf32>
        tpu.vector_store %arg10[%swap3A_667], %swap3A_670 {strides = array<i32>} : memref<40960xf32, #tpu.memory_space<vmem>>, vector<16xf32>,
        %add3A_671 = arith.addf %add3A_663, %get3A_362 : vector<16xf32>
        %add3A_672 = arith.constant 8192 : i32
        %add3A_673 = arith.addi %add3A_672, %add3A_654 : i32
        %swap3A_674 = arith.index_cast %add3A_673 : i32 to index
        %swap3A_675 = tpu.vector_load %arg10[%swap3A_674] {strides = array<i32>} : memref<40960xf32, #tpu.memory_space<vmem>>, vector<16xf32>,
        %swap3A_676 = vector.shape_cast %swap3A_675 : vector<16xf32> to vector<16xf32>
        %swap3A_677 = vector.shape_cast %add3A_671 : vector<16xf32> to vector<16xf32>
        tpu.vector_store %arg10[%swap3A_674], %swap3A_677 {strides = array<i32>} : memref<40960xf32, #tpu.memory_space<vmem>>, vector<16xf32>,
        %add3A_678 = arith.addf %add3A_663, %get3A_367 : vector<16xf32>
        %add3A_679 = arith.constant 16384 : i32
        %add3A_680 = arith.addi %add3A_679, %add3A_654 : i32
        %swap3A_681 = arith.index_cast %add3A_680 : i32 to index
        %swap3A_682 = tpu.vector_load %arg10[%swap3A_681] {strides = array<i32>} : memref<40960xf32, #tpu.memory_space<vmem>>, vector<16xf32>,
        %swap3A_683 = vector.shape_cast %swap3A_682 : vector<16xf32> to vector<16xf32>
        %swap3A_684 = vector.shape_cast %add3A_678 : vector<16xf32> to vector<16xf32>
        tpu.vector_store %arg10[%swap3A_681], %swap3A_684 {strides = array<i32>} : memref<40960xf32, #tpu.memory_space<vmem>>, vector<16xf32>,
        %add3A_685 = arith.addf %add3A_663, %get3A_372 : vector<16xf32>
        %add3A_686 = arith.constant 24576 : i32
        %add3A_687 = arith.addi %add3A_686, %add3A_654 : i32
        %swap3A_688 = arith.index_cast %add3A_687 : i32 to index
        %swap3A_689 = tpu.vector_load %arg10[%swap3A_688] {strides = array<i32>} : memref<40960xf32, #tpu.memory_space<vmem>>, vector<16xf32>,
        %swap3A_690 = vector.shape_cast %swap3A_689 : vector<16xf32> to vector<16xf32>
        %swap3A_691 = vector.shape_cast %add3A_685 : vector<16xf32> to vector<16xf32>
        tpu.vector_store %arg10[%swap3A_688], %swap3A_691 {strides = array<i32>} : memref<40960xf32, #tpu.memory_space<vmem>>, vector<16xf32>,
        %add3A_692 = arith.addf %add3A_663, %get3A_377 : vector<16xf32>
        %add3A_693 = arith.constant 32768 : i32
        %add3A_694 = arith.addi %add3A_693, %add3A_654 : i32
        %swap3A_695 = arith.index_cast %add3A_694 : i32 to index
        %swap3A_696 = tpu.vector_load %arg10[%swap3A_695] {strides = array<i32>} : memref<40960xf32, #tpu.memory_space<vmem>>, vector<16xf32>,
        %swap3A_697 = vector.shape_cast %swap3A_696 : vector<16xf32> to vector<16xf32>
        %swap3A_698 = vector.shape_cast %add3A_692 : vector<16xf32> to vector<16xf32>
        tpu.vector_store %arg10[%swap3A_695], %swap3A_698 {strides = array<i32>} : memref<40960xf32, #tpu.memory_space<vmem>>, vector<16xf32>,
        %add3A_699 = arith.constant 7168 : i32
        %add3A_700 = arith.addi %add3A_699, %mul3A_352 : i32
        %get3A_701 = arith.index_cast %add3A_700 : i32 to index
        %get3A_702 = tpu.vector_load %arg8[%get3A_701] {strides = array<i32>} : memref<8192xf32, #tpu.memory_space<vmem>>, vector<16xf32>,
        %get3A_703 = vector.shape_cast %get3A_702 : vector<16xf32> to vector<16xf32>
        %get3A_704 = arith.index_cast %add3A_700 : i32 to index
        %get3A_705 = tpu.vector_load %arg9[%get3A_704] {strides = array<i32>} : memref<8192xf32, #tpu.memory_space<vmem>>, vector<16xf32>,
        %get3A_706 = vector.shape_cast %get3A_705 : vector<16xf32> to vector<16xf32>
        %mul3A_707 = arith.mulf %sub3A_155, %get3A_703 : vector<16xf32>
        %mul3A_708 = arith.mulf %div3A_152, %get3A_706 : vector<16xf32>
        %add3A_709 = arith.addf %mul3A_707, %mul3A_708 : vector<16xf32>
        %add3A_710 = arith.addf %add3A_709, %get3A_357 : vector<16xf32>
        %add3A_711 = arith.constant 0 : i32
        %add3A_712 = arith.addi %add3A_711, %add3A_700 : i32
        %swap3A_713 = arith.index_cast %add3A_712 : i32 to index
        %swap3A_714 = tpu.vector_load %arg10[%swap3A_713] {strides = array<i32>} : memref<40960xf32, #tpu.memory_space<vmem>>, vector<16xf32>,
        %swap3A_715 = vector.shape_cast %swap3A_714 : vector<16xf32> to vector<16xf32>
        %swap3A_716 = vector.shape_cast %add3A_710 : vector<16xf32> to vector<16xf32>
        tpu.vector_store %arg10[%swap3A_713], %swap3A_716 {strides = array<i32>} : memref<40960xf32, #tpu.memory_space<vmem>>, vector<16xf32>,
        %add3A_717 = arith.addf %add3A_709, %get3A_362 : vector<16xf32>
        %add3A_718 = arith.constant 8192 : i32
        %add3A_719 = arith.addi %add3A_718, %add3A_700 : i32
        %swap3A_720 = arith.index_cast %add3A_719 : i32 to index
        %swap3A_721 = tpu.vector_load %arg10[%swap3A_720] {strides = array<i32>} : memref<40960xf32, #tpu.memory_space<vmem>>, vector<16xf32>,
        %swap3A_722 = vector.shape_cast %swap3A_721 : vector<16xf32> to vector<16xf32>
        %swap3A_723 = vector.shape_cast %add3A_717 : vector<16xf32> to vector<16xf32>
        tpu.vector_store %arg10[%swap3A_720], %swap3A_723 {strides = array<i32>} : memref<40960xf32, #tpu.memory_space<vmem>>, vector<16xf32>,
        %add3A_724 = arith.addf %add3A_709, %get3A_367 : vector<16xf32>
        %add3A_725 = arith.constant 16384 : i32
        %add3A_726 = arith.addi %add3A_725, %add3A_700 : i32
        %swap3A_727 = arith.index_cast %add3A_726 : i32 to index
        %swap3A_728 = tpu.vector_load %arg10[%swap3A_727] {strides = array<i32>} : memref<40960xf32, #tpu.memory_space<vmem>>, vector<16xf32>,
        %swap3A_729 = vector.shape_cast %swap3A_728 : vector<16xf32> to vector<16xf32>
        %swap3A_730 = vector.shape_cast %add3A_724 : vector<16xf32> to vector<16xf32>
        tpu.vector_store %arg10[%swap3A_727], %swap3A_730 {strides = array<i32>} : memref<40960xf32, #tpu.memory_space<vmem>>, vector<16xf32>,
        %add3A_731 = arith.addf %add3A_709, %get3A_372 : vector<16xf32>
        %add3A_732 = arith.constant 24576 : i32
        %add3A_733 = arith.addi %add3A_732, %add3A_700 : i32
        %swap3A_734 = arith.index_cast %add3A_733 : i32 to index
        %swap3A_735 = tpu.vector_load %arg10[%swap3A_734] {strides = array<i32>} : memref<40960xf32, #tpu.memory_space<vmem>>, vector<16xf32>,
        %swap3A_736 = vector.shape_cast %swap3A_735 : vector<16xf32> to vector<16xf32>
        %swap3A_737 = vector.shape_cast %add3A_731 : vector<16xf32> to vector<16xf32>
        tpu.vector_store %arg10[%swap3A_734], %swap3A_737 {strides = array<i32>} : memref<40960xf32, #tpu.memory_space<vmem>>, vector<16xf32>,
        %add3A_738 = arith.addf %add3A_709, %get3A_377 : vector<16xf32>
        %add3A_739 = arith.constant 32768 : i32
        %add3A_740 = arith.addi %add3A_739, %add3A_700 : i32
        %swap3A_741 = arith.index_cast %add3A_740 : i32 to index
        %swap3A_742 = tpu.vector_load %arg10[%swap3A_741] {strides = array<i32>} : memref<40960xf32, #tpu.memory_space<vmem>>, vector<16xf32>,
        %swap3A_743 = vector.shape_cast %swap3A_742 : vector<16xf32> to vector<16xf32>
        %swap3A_744 = vector.shape_cast %add3A_738 : vector<16xf32> to vector<16xf32>
        tpu.vector_store %arg10[%swap3A_741], %swap3A_744 {strides = array<i32>} : memref<40960xf32, #tpu.memory_space<vmem>>, vector<16xf32>,
      }
      %scan3A_345 = arith.constant 64 : i32
      %run_scoped3A = arith.constant 5 : i32
      "tpu.region"() ({
        %run_scoped3A_350 = tpu.sem_alloc : memref<!tpu.dma_semaphore, #tpu.memory_space<semaphore_mem>>
        %dma_start3A = arith.constant 0 : i32
        %dma_start3A_351 = tpu.memref_slice %arg10[%dma_start3A] : memref<40960xf32, #tpu.memory_space<vmem>> -> memref<8192xf32, #tpu.memory_space<vmem>>
        %dma_start3A_352 = tpu.memref_slice %arg5[%run_scoped3A, %add3A_339] : memref<20x2097152xf32, #tpu.memory_space<hbm>> -> memref<1x8192xf32, #tpu.memory_space<hbm>>
        %dma_start3A_353 = tpu.memref_squeeze %dma_start3A_352 : memref<1x8192xf32, #tpu.memory_space<hbm>> -> memref<8192xf32, #tpu.memory_space<hbm>>
        %dma_start3A_354 = tpu.memref_slice %arg5[%run_scoped3A, %add3A_339] : memref<20x2097152xf32, #tpu.memory_space<hbm>> -> memref<1x8192xf32, #tpu.memory_space<hbm>>
        %dma_start3A_355 = tpu.memref_squeeze %dma_start3A_354 : memref<1x8192xf32, #tpu.memory_space<hbm>> -> memref<8192xf32, #tpu.memory_space<hbm>>
        %dma_start3A_356 = arith.constant 0 : i32
        %dma_start3A_357 = tpu.memref_slice %arg10[%dma_start3A_356] : memref<40960xf32, #tpu.memory_space<vmem>> -> memref<8192xf32, #tpu.memory_space<vmem>>
        tpu.enqueue_dma source(%dma_start3A_357 : memref<8192xf32, #tpu.memory_space<vmem>>) target(%dma_start3A_355 : memref<8192xf32, #tpu.memory_space<hbm>>) target_semaphore(%run_scoped3A_350 : memref<!tpu.dma_semaphore, #tpu.memory_space<semaphore_mem>>)
        %dma_wait3A = arith.constant 0 : i32
        %dma_wait3A_358 = tpu.memref_slice %arg10[%dma_wait3A] : memref<40960xf32, #tpu.memory_space<vmem>> -> memref<8192xf32, #tpu.memory_space<vmem>>
        %dma_wait3A_359 = tpu.memref_slice %arg5[%run_scoped3A, %add3A_339] : memref<20x2097152xf32, #tpu.memory_space<hbm>> -> memref<1x8192xf32, #tpu.memory_space<hbm>>
        %dma_wait3A_360 = tpu.memref_squeeze %dma_wait3A_359 : memref<1x8192xf32, #tpu.memory_space<hbm>> -> memref<8192xf32, #tpu.memory_space<hbm>>
        %dma_wait3A_361 = tpu.memref_slice %arg5[%run_scoped3A, %add3A_339] : memref<20x2097152xf32, #tpu.memory_space<hbm>> -> memref<1x8192xf32, #tpu.memory_space<hbm>>
        %dma_wait3A_362 = tpu.memref_squeeze %dma_wait3A_361 : memref<1x8192xf32, #tpu.memory_space<hbm>> -> memref<8192xf32, #tpu.memory_space<hbm>>
        %dma_wait3A_363 = arith.constant 0 : i32
        %dma_wait3A_364 = tpu.memref_slice %arg10[%dma_wait3A_363] : memref<40960xf32, #tpu.memory_space<vmem>> -> memref<8192xf32, #tpu.memory_space<vmem>>
        tpu.wait_dma2 semaphore(%run_scoped3A_350 : memref<!tpu.dma_semaphore, #tpu.memory_space<semaphore_mem>>) src(%dma_wait3A_364 : memref<8192xf32, #tpu.memory_space<vmem>>) dst(%dma_wait3A_362 : memref<8192xf32, #tpu.memory_space<hbm>>)
        tpu.yield
      }) : () -> ()
      %run_scoped3A_346 = arith.constant 6 : i32
      "tpu.region"() ({
        %run_scoped3A_350 = tpu.sem_alloc : memref<!tpu.dma_semaphore, #tpu.memory_space<semaphore_mem>>
        %dma_start3A = arith.constant 8192 : i32
        %dma_start3A_351 = tpu.memref_slice %arg10[%dma_start3A] : memref<40960xf32, #tpu.memory_space<vmem>> -> memref<8192xf32, #tpu.memory_space<vmem>>
        %dma_start3A_352 = tpu.memref_slice %arg5[%run_scoped3A_346, %add3A_339] : memref<20x2097152xf32, #tpu.memory_space<hbm>> -> memref<1x8192xf32, #tpu.memory_space<hbm>>
        %dma_start3A_353 = tpu.memref_squeeze %dma_start3A_352 : memref<1x8192xf32, #tpu.memory_space<hbm>> -> memref<8192xf32, #tpu.memory_space<hbm>>
        %dma_start3A_354 = tpu.memref_slice %arg5[%run_scoped3A_346, %add3A_339] : memref<20x2097152xf32, #tpu.memory_space<hbm>> -> memref<1x8192xf32, #tpu.memory_space<hbm>>
        %dma_start3A_355 = tpu.memref_squeeze %dma_start3A_354 : memref<1x8192xf32, #tpu.memory_space<hbm>> -> memref<8192xf32, #tpu.memory_space<hbm>>
        %dma_start3A_356 = arith.constant 8192 : i32
        %dma_start3A_357 = tpu.memref_slice %arg10[%dma_start3A_356] : memref<40960xf32, #tpu.memory_space<vmem>> -> memref<8192xf32, #tpu.memory_space<vmem>>
        tpu.enqueue_dma source(%dma_start3A_357 : memref<8192xf32, #tpu.memory_space<vmem>>) target(%dma_start3A_355 : memref<8192xf32, #tpu.memory_space<hbm>>) target_semaphore(%run_scoped3A_350 : memref<!tpu.dma_semaphore, #tpu.memory_space<semaphore_mem>>)
        %dma_wait3A = arith.constant 8192 : i32
        %dma_wait3A_358 = tpu.memref_slice %arg10[%dma_wait3A] : memref<40960xf32, #tpu.memory_space<vmem>> -> memref<8192xf32, #tpu.memory_space<vmem>>
        %dma_wait3A_359 = tpu.memref_slice %arg5[%run_scoped3A_346, %add3A_339] : memref<20x2097152xf32, #tpu.memory_space<hbm>> -> memref<1x8192xf32, #tpu.memory_space<hbm>>
        %dma_wait3A_360 = tpu.memref_squeeze %dma_wait3A_359 : memref<1x8192xf32, #tpu.memory_space<hbm>> -> memref<8192xf32, #tpu.memory_space<hbm>>
        %dma_wait3A_361 = tpu.memref_slice %arg5[%run_scoped3A_346, %add3A_339] : memref<20x2097152xf32, #tpu.memory_space<hbm>> -> memref<1x8192xf32, #tpu.memory_space<hbm>>
        %dma_wait3A_362 = tpu.memref_squeeze %dma_wait3A_361 : memref<1x8192xf32, #tpu.memory_space<hbm>> -> memref<8192xf32, #tpu.memory_space<hbm>>
        %dma_wait3A_363 = arith.constant 8192 : i32
        %dma_wait3A_364 = tpu.memref_slice %arg10[%dma_wait3A_363] : memref<40960xf32, #tpu.memory_space<vmem>> -> memref<8192xf32, #tpu.memory_space<vmem>>
        tpu.wait_dma2 semaphore(%run_scoped3A_350 : memref<!tpu.dma_semaphore, #tpu.memory_space<semaphore_mem>>) src(%dma_wait3A_364 : memref<8192xf32, #tpu.memory_space<vmem>>) dst(%dma_wait3A_362 : memref<8192xf32, #tpu.memory_space<hbm>>)
        tpu.yield
      }) : () -> ()
      %run_scoped3A_347 = arith.constant 7 : i32
      "tpu.region"() ({
        %run_scoped3A_350 = tpu.sem_alloc : memref<!tpu.dma_semaphore, #tpu.memory_space<semaphore_mem>>
        %dma_start3A = arith.constant 16384 : i32
        %dma_start3A_351 = tpu.memref_slice %arg10[%dma_start3A] : memref<40960xf32, #tpu.memory_space<vmem>> -> memref<8192xf32, #tpu.memory_space<vmem>>
        %dma_start3A_352 = tpu.memref_slice %arg5[%run_scoped3A_347, %add3A_339] : memref<20x2097152xf32, #tpu.memory_space<hbm>> -> memref<1x8192xf32, #tpu.memory_space<hbm>>
        %dma_start3A_353 = tpu.memref_squeeze %dma_start3A_352 : memref<1x8192xf32, #tpu.memory_space<hbm>> -> memref<8192xf32, #tpu.memory_space<hbm>>
        %dma_start3A_354 = tpu.memref_slice %arg5[%run_scoped3A_347, %add3A_339] : memref<20x2097152xf32, #tpu.memory_space<hbm>> -> memref<1x8192xf32, #tpu.memory_space<hbm>>
        %dma_start3A_355 = tpu.memref_squeeze %dma_start3A_354 : memref<1x8192xf32, #tpu.memory_space<hbm>> -> memref<8192xf32, #tpu.memory_space<hbm>>
        %dma_start3A_356 = arith.constant 16384 : i32
        %dma_start3A_357 = tpu.memref_slice %arg10[%dma_start3A_356] : memref<40960xf32, #tpu.memory_space<vmem>> -> memref<8192xf32, #tpu.memory_space<vmem>>
        tpu.enqueue_dma source(%dma_start3A_357 : memref<8192xf32, #tpu.memory_space<vmem>>) target(%dma_start3A_355 : memref<8192xf32, #tpu.memory_space<hbm>>) target_semaphore(%run_scoped3A_350 : memref<!tpu.dma_semaphore, #tpu.memory_space<semaphore_mem>>)
        %dma_wait3A = arith.constant 16384 : i32
        %dma_wait3A_358 = tpu.memref_slice %arg10[%dma_wait3A] : memref<40960xf32, #tpu.memory_space<vmem>> -> memref<8192xf32, #tpu.memory_space<vmem>>
        %dma_wait3A_359 = tpu.memref_slice %arg5[%run_scoped3A_347, %add3A_339] : memref<20x2097152xf32, #tpu.memory_space<hbm>> -> memref<1x8192xf32, #tpu.memory_space<hbm>>
        %dma_wait3A_360 = tpu.memref_squeeze %dma_wait3A_359 : memref<1x8192xf32, #tpu.memory_space<hbm>> -> memref<8192xf32, #tpu.memory_space<hbm>>
        %dma_wait3A_361 = tpu.memref_slice %arg5[%run_scoped3A_347, %add3A_339] : memref<20x2097152xf32, #tpu.memory_space<hbm>> -> memref<1x8192xf32, #tpu.memory_space<hbm>>
        %dma_wait3A_362 = tpu.memref_squeeze %dma_wait3A_361 : memref<1x8192xf32, #tpu.memory_space<hbm>> -> memref<8192xf32, #tpu.memory_space<hbm>>
        %dma_wait3A_363 = arith.constant 16384 : i32
        %dma_wait3A_364 = tpu.memref_slice %arg10[%dma_wait3A_363] : memref<40960xf32, #tpu.memory_space<vmem>> -> memref<8192xf32, #tpu.memory_space<vmem>>
        tpu.wait_dma2 semaphore(%run_scoped3A_350 : memref<!tpu.dma_semaphore, #tpu.memory_space<semaphore_mem>>) src(%dma_wait3A_364 : memref<8192xf32, #tpu.memory_space<vmem>>) dst(%dma_wait3A_362 : memref<8192xf32, #tpu.memory_space<hbm>>)
        tpu.yield
      }) : () -> ()
      %run_scoped3A_348 = arith.constant 8 : i32
      "tpu.region"() ({
        %run_scoped3A_350 = tpu.sem_alloc : memref<!tpu.dma_semaphore, #tpu.memory_space<semaphore_mem>>
        %dma_start3A = arith.constant 24576 : i32
        %dma_start3A_351 = tpu.memref_slice %arg10[%dma_start3A] : memref<40960xf32, #tpu.memory_space<vmem>> -> memref<8192xf32, #tpu.memory_space<vmem>>
        %dma_start3A_352 = tpu.memref_slice %arg5[%run_scoped3A_348, %add3A_339] : memref<20x2097152xf32, #tpu.memory_space<hbm>> -> memref<1x8192xf32, #tpu.memory_space<hbm>>
        %dma_start3A_353 = tpu.memref_squeeze %dma_start3A_352 : memref<1x8192xf32, #tpu.memory_space<hbm>> -> memref<8192xf32, #tpu.memory_space<hbm>>
        %dma_start3A_354 = tpu.memref_slice %arg5[%run_scoped3A_348, %add3A_339] : memref<20x2097152xf32, #tpu.memory_space<hbm>> -> memref<1x8192xf32, #tpu.memory_space<hbm>>
        %dma_start3A_355 = tpu.memref_squeeze %dma_start3A_354 : memref<1x8192xf32, #tpu.memory_space<hbm>> -> memref<8192xf32, #tpu.memory_space<hbm>>
        %dma_start3A_356 = arith.constant 24576 : i32
        %dma_start3A_357 = tpu.memref_slice %arg10[%dma_start3A_356] : memref<40960xf32, #tpu.memory_space<vmem>> -> memref<8192xf32, #tpu.memory_space<vmem>>
        tpu.enqueue_dma source(%dma_start3A_357 : memref<8192xf32, #tpu.memory_space<vmem>>) target(%dma_start3A_355 : memref<8192xf32, #tpu.memory_space<hbm>>) target_semaphore(%run_scoped3A_350 : memref<!tpu.dma_semaphore, #tpu.memory_space<semaphore_mem>>)
        %dma_wait3A = arith.constant 24576 : i32
        %dma_wait3A_358 = tpu.memref_slice %arg10[%dma_wait3A] : memref<40960xf32, #tpu.memory_space<vmem>> -> memref<8192xf32, #tpu.memory_space<vmem>>
        %dma_wait3A_359 = tpu.memref_slice %arg5[%run_scoped3A_348, %add3A_339] : memref<20x2097152xf32, #tpu.memory_space<hbm>> -> memref<1x8192xf32, #tpu.memory_space<hbm>>
        %dma_wait3A_360 = tpu.memref_squeeze %dma_wait3A_359 : memref<1x8192xf32, #tpu.memory_space<hbm>> -> memref<8192xf32, #tpu.memory_space<hbm>>
        %dma_wait3A_361 = tpu.memref_slice %arg5[%run_scoped3A_348, %add3A_339] : memref<20x2097152xf32, #tpu.memory_space<hbm>> -> memref<1x8192xf32, #tpu.memory_space<hbm>>
        %dma_wait3A_362 = tpu.memref_squeeze %dma_wait3A_361 : memref<1x8192xf32, #tpu.memory_space<hbm>> -> memref<8192xf32, #tpu.memory_space<hbm>>
        %dma_wait3A_363 = arith.constant 24576 : i32
        %dma_wait3A_364 = tpu.memref_slice %arg10[%dma_wait3A_363] : memref<40960xf32, #tpu.memory_space<vmem>> -> memref<8192xf32, #tpu.memory_space<vmem>>
        tpu.wait_dma2 semaphore(%run_scoped3A_350 : memref<!tpu.dma_semaphore, #tpu.memory_space<semaphore_mem>>) src(%dma_wait3A_364 : memref<8192xf32, #tpu.memory_space<vmem>>) dst(%dma_wait3A_362 : memref<8192xf32, #tpu.memory_space<hbm>>)
        tpu.yield
      }) : () -> ()
      %run_scoped3A_349 = arith.constant 9 : i32
      "tpu.region"() ({
        %run_scoped3A_350 = tpu.sem_alloc : memref<!tpu.dma_semaphore, #tpu.memory_space<semaphore_mem>>
        %dma_start3A = arith.constant 32768 : i32
        %dma_start3A_351 = tpu.memref_slice %arg10[%dma_start3A] : memref<40960xf32, #tpu.memory_space<vmem>> -> memref<8192xf32, #tpu.memory_space<vmem>>
        %dma_start3A_352 = tpu.memref_slice %arg5[%run_scoped3A_349, %add3A_339] : memref<20x2097152xf32, #tpu.memory_space<hbm>> -> memref<1x8192xf32, #tpu.memory_space<hbm>>
        %dma_start3A_353 = tpu.memref_squeeze %dma_start3A_352 : memref<1x8192xf32, #tpu.memory_space<hbm>> -> memref<8192xf32, #tpu.memory_space<hbm>>
        %dma_start3A_354 = tpu.memref_slice %arg5[%run_scoped3A_349, %add3A_339] : memref<20x2097152xf32, #tpu.memory_space<hbm>> -> memref<1x8192xf32, #tpu.memory_space<hbm>>
        %dma_start3A_355 = tpu.memref_squeeze %dma_start3A_354 : memref<1x8192xf32, #tpu.memory_space<hbm>> -> memref<8192xf32, #tpu.memory_space<hbm>>
        %dma_start3A_356 = arith.constant 32768 : i32
        %dma_start3A_357 = tpu.memref_slice %arg10[%dma_start3A_356] : memref<40960xf32, #tpu.memory_space<vmem>> -> memref<8192xf32, #tpu.memory_space<vmem>>
        tpu.enqueue_dma source(%dma_start3A_357 : memref<8192xf32, #tpu.memory_space<vmem>>) target(%dma_start3A_355 : memref<8192xf32, #tpu.memory_space<hbm>>) target_semaphore(%run_scoped3A_350 : memref<!tpu.dma_semaphore, #tpu.memory_space<semaphore_mem>>)
        %dma_wait3A = arith.constant 32768 : i32
        %dma_wait3A_358 = tpu.memref_slice %arg10[%dma_wait3A] : memref<40960xf32, #tpu.memory_space<vmem>> -> memref<8192xf32, #tpu.memory_space<vmem>>
        %dma_wait3A_359 = tpu.memref_slice %arg5[%run_scoped3A_349, %add3A_339] : memref<20x2097152xf32, #tpu.memory_space<hbm>> -> memref<1x8192xf32, #tpu.memory_space<hbm>>
        %dma_wait3A_360 = tpu.memref_squeeze %dma_wait3A_359 : memref<1x8192xf32, #tpu.memory_space<hbm>> -> memref<8192xf32, #tpu.memory_space<hbm>>
        %dma_wait3A_361 = tpu.memref_slice %arg5[%run_scoped3A_349, %add3A_339] : memref<20x2097152xf32, #tpu.memory_space<hbm>> -> memref<1x8192xf32, #tpu.memory_space<hbm>>
        %dma_wait3A_362 = tpu.memref_squeeze %dma_wait3A_361 : memref<1x8192xf32, #tpu.memory_space<hbm>> -> memref<8192xf32, #tpu.memory_space<hbm>>
        %dma_wait3A_363 = arith.constant 32768 : i32
        %dma_wait3A_364 = tpu.memref_slice %arg10[%dma_wait3A_363] : memref<40960xf32, #tpu.memory_space<vmem>> -> memref<8192xf32, #tpu.memory_space<vmem>>
        tpu.wait_dma2 semaphore(%run_scoped3A_350 : memref<!tpu.dma_semaphore, #tpu.memory_space<semaphore_mem>>) src(%dma_wait3A_364 : memref<8192xf32, #tpu.memory_space<vmem>>) dst(%dma_wait3A_362 : memref<8192xf32, #tpu.memory_space<hbm>>)
        tpu.yield
      }) : () -> ()
    }
    %scan3A_165 = arith.constant 8 : i32
    %slice3A_166 = vector.extract_strided_slice %get3A_4 {offsets = [10], sizes = [1], strides = [1]} : vector<16xf32> to vector<1xf32>
    %squeeze3A_167 = vector.extract %slice3A_166[0] : f32 from vector<1xf32>
    %slice3A_168 = vector.extract_strided_slice %get3A_4 {offsets = [11], sizes = [1], strides = [1]} : vector<16xf32> to vector<1xf32>
    %squeeze3A_169 = vector.extract %slice3A_168[0] : f32 from vector<1xf32>
    %slice3A_170 = vector.extract_strided_slice %get3A_4 {offsets = [12], sizes = [1], strides = [1]} : vector<16xf32> to vector<1xf32>
    %squeeze3A_171 = vector.extract %slice3A_170[0] : f32 from vector<1xf32>
    %slice3A_172 = vector.extract_strided_slice %get3A_4 {offsets = [13], sizes = [1], strides = [1]} : vector<16xf32> to vector<1xf32>
    %squeeze3A_173 = vector.extract %slice3A_172[0] : f32 from vector<1xf32>
    %slice3A_174 = vector.extract_strided_slice %get3A_4 {offsets = [14], sizes = [1], strides = [1]} : vector<16xf32> to vector<1xf32>
    %squeeze3A_175 = vector.extract %slice3A_174[0] : f32 from vector<1xf32>
    %gt3A_176 = arith.cmpf ogt, %squeeze3A_169, %squeeze3A_167 : f32
    %select_n3A_177 = arith.select %gt3A_176, %squeeze3A_169, %squeeze3A_167 : f32
    %jit3A_178 = arith.constant 1 : i32
    %jit3A_179 = arith.constant 0 : i32
    %select_n3A_180 = arith.select %gt3A_176, %jit3A_178, %jit3A_179 : i32
    %gt3A_181 = arith.cmpf ogt, %squeeze3A_171, %select_n3A_177 : f32
    %select_n3A_182 = arith.select %gt3A_181, %squeeze3A_171, %select_n3A_177 : f32
    %jit3A_183 = arith.constant 2 : i32
    %select_n3A_184 = arith.select %gt3A_181, %jit3A_183, %select_n3A_180 : i32
    %gt3A_185 = arith.cmpf ogt, %squeeze3A_173, %select_n3A_182 : f32
    %select_n3A_186 = arith.select %gt3A_185, %squeeze3A_173, %select_n3A_182 : f32
    %jit3A_187 = arith.constant 3 : i32
    %select_n3A_188 = arith.select %gt3A_185, %jit3A_187, %select_n3A_184 : i32
    %gt3A_189 = arith.cmpf ogt, %squeeze3A_175, %select_n3A_186 : f32
    %select_n3A_190 = arith.select %gt3A_189, %squeeze3A_175, %select_n3A_186 : f32
    %jit3A_191 = arith.constant 4 : i32
    %select_n3A_192 = arith.select %gt3A_189, %jit3A_191, %select_n3A_188 : i32
    %ne3A_193 = arith.constant 0 : i32
    %ne3A_194 = arith.cmpi ne, %ne3A_193, %select_n3A_192 : i32
    %gt3A_195 = arith.constant 0xFF800000 : f32
    %gt3A_196 = arith.cmpf ogt, %squeeze3A_167, %gt3A_195 : f32
    %and3A_197 = arith.andi %ne3A_194, %gt3A_196 : i1
    %jit3A_198 = arith.constant 0xFF800000 : f32
    %select_n3A_199 = arith.select %and3A_197, %squeeze3A_167, %jit3A_198 : f32
    %jit3A_200 = arith.constant 0 : i32
    %jit3A_201 = arith.constant 0 : i32
    %select_n3A_202 = arith.select %and3A_197, %jit3A_200, %jit3A_201 : i32
    %ne3A_203 = arith.constant 1 : i32
    %ne3A_204 = arith.cmpi ne, %ne3A_203, %select_n3A_192 : i32
    %gt3A_205 = arith.cmpf ogt, %squeeze3A_169, %select_n3A_199 : f32
    %and3A_206 = arith.andi %ne3A_204, %gt3A_205 : i1
    %select_n3A_207 = arith.select %and3A_206, %squeeze3A_169, %select_n3A_199 : f32
    %jit3A_208 = arith.constant 1 : i32
    %select_n3A_209 = arith.select %and3A_206, %jit3A_208, %select_n3A_202 : i32
    %ne3A_210 = arith.constant 2 : i32
    %ne3A_211 = arith.cmpi ne, %ne3A_210, %select_n3A_192 : i32
    %gt3A_212 = arith.cmpf ogt, %squeeze3A_171, %select_n3A_207 : f32
    %and3A_213 = arith.andi %ne3A_211, %gt3A_212 : i1
    %select_n3A_214 = arith.select %and3A_213, %squeeze3A_171, %select_n3A_207 : f32
    %jit3A_215 = arith.constant 2 : i32
    %select_n3A_216 = arith.select %and3A_213, %jit3A_215, %select_n3A_209 : i32
    %ne3A_217 = arith.constant 3 : i32
    %ne3A_218 = arith.cmpi ne, %ne3A_217, %select_n3A_192 : i32
    %gt3A_219 = arith.cmpf ogt, %squeeze3A_173, %select_n3A_214 : f32
    %and3A_220 = arith.andi %ne3A_218, %gt3A_219 : i1
    %select_n3A_221 = arith.select %and3A_220, %squeeze3A_173, %select_n3A_214 : f32
    %jit3A_222 = arith.constant 3 : i32
    %select_n3A_223 = arith.select %and3A_220, %jit3A_222, %select_n3A_216 : i32
    %ne3A_224 = arith.constant 4 : i32
    %ne3A_225 = arith.cmpi ne, %ne3A_224, %select_n3A_192 : i32
    %gt3A_226 = arith.cmpf ogt, %squeeze3A_175, %select_n3A_221 : f32
    %and3A_227 = arith.andi %ne3A_225, %gt3A_226 : i1
    %select_n3A_228 = arith.select %and3A_227, %squeeze3A_175, %select_n3A_221 : f32
    %jit3A_229 = arith.constant 4 : i32
    %select_n3A_230 = arith.select %and3A_227, %jit3A_229, %select_n3A_223 : i32
    %sub3A_231 = arith.subf %select_n3A_228, %select_n3A_190 : f32
    %broadcast_in_dim3A_232 = vector.broadcast %sub3A_231 : f32 to vector<16xf32>
    %exp3A_233 = math.exp %broadcast_in_dim3A_232 : vector<16xf32>
    %add3A_234 = arith.constant 1.000000e+00 : f32
    %add3A_235 = vector.broadcast %add3A_234 : f32 to vector<16xf32>
    %add3A_236 = arith.addf %add3A_235, %exp3A_233 : vector<16xf32>
    %div3A_237 = arith.divf %exp3A_233, %add3A_236 : vector<16xf32>
    %sub3A_238 = arith.constant 1.000000e+00 : f32
    %sub3A_239 = vector.broadcast %sub3A_238 : f32 to vector<16xf32>
    %sub3A_240 = arith.subf %sub3A_239, %div3A_237 : vector<16xf32>
    %add3A_241 = arith.constant 10 : i32
    %add3A_242 = arith.addi %add3A_241, %select_n3A_192 : i32
    %add3A_243 = arith.constant 10 : i32
    %add3A_244 = arith.addi %add3A_243, %select_n3A_230 : i32
    %scan3A_245 = arith.constant 0 : i32
    %scan3A_246 = arith.constant 0 : i32
    %scan3A_247 = arith.constant 8 : i32
    %scan3A_248 = arith.addi %scan3A_246, %scan3A_247 : i32
    %scan3A_249 = arith.constant 1 : i32
    scf.for %scan3A_336 = %scan3A_246 to %scan3A_248 step %scan3A_249  : i32 {
      %mul3A_337 = arith.constant 8192 : i32
      %mul3A_338 = arith.muli %scan3A_336, %mul3A_337 : i32
      %add3A_339 = arith.addi %mul3A_2, %mul3A_338 : i32
      "tpu.region"() ({
        %run_scoped3A_350 = tpu.sem_alloc : memref<!tpu.dma_semaphore, #tpu.memory_space<semaphore_mem>>
        %dma_start3A = tpu.memref_slice %arg2[%add3A_242, %add3A_339] : memref<20x2097152xf32, #tpu.memory_space<hbm>> -> memref<1x8192xf32, #tpu.memory_space<hbm>>
        %dma_start3A_351 = tpu.memref_squeeze %dma_start3A : memref<1x8192xf32, #tpu.memory_space<hbm>> -> memref<8192xf32, #tpu.memory_space<hbm>>
        %dma_start3A_352 = tpu.memref_slice %arg2[%add3A_242, %add3A_339] : memref<20x2097152xf32, #tpu.memory_space<hbm>> -> memref<1x8192xf32, #tpu.memory_space<hbm>>
        %dma_start3A_353 = tpu.memref_squeeze %dma_start3A_352 : memref<1x8192xf32, #tpu.memory_space<hbm>> -> memref<8192xf32, #tpu.memory_space<hbm>>
        tpu.enqueue_dma source(%dma_start3A_353 : memref<8192xf32, #tpu.memory_space<hbm>>) target(%arg8 : memref<8192xf32, #tpu.memory_space<vmem>>) target_semaphore(%run_scoped3A_350 : memref<!tpu.dma_semaphore, #tpu.memory_space<semaphore_mem>>)
        %dma_wait3A = tpu.memref_slice %arg2[%add3A_242, %add3A_339] : memref<20x2097152xf32, #tpu.memory_space<hbm>> -> memref<1x8192xf32, #tpu.memory_space<hbm>>
        %dma_wait3A_354 = tpu.memref_squeeze %dma_wait3A : memref<1x8192xf32, #tpu.memory_space<hbm>> -> memref<8192xf32, #tpu.memory_space<hbm>>
        %dma_wait3A_355 = tpu.memref_slice %arg2[%add3A_242, %add3A_339] : memref<20x2097152xf32, #tpu.memory_space<hbm>> -> memref<1x8192xf32, #tpu.memory_space<hbm>>
        %dma_wait3A_356 = tpu.memref_squeeze %dma_wait3A_355 : memref<1x8192xf32, #tpu.memory_space<hbm>> -> memref<8192xf32, #tpu.memory_space<hbm>>
        tpu.wait_dma2 semaphore(%run_scoped3A_350 : memref<!tpu.dma_semaphore, #tpu.memory_space<semaphore_mem>>) src(%dma_wait3A_356 : memref<8192xf32, #tpu.memory_space<hbm>>) dst(%arg8 : memref<8192xf32, #tpu.memory_space<vmem>>)
        tpu.yield
      }) : () -> ()
      "tpu.region"() ({
        %run_scoped3A_350 = tpu.sem_alloc : memref<!tpu.dma_semaphore, #tpu.memory_space<semaphore_mem>>
        %dma_start3A = tpu.memref_slice %arg2[%add3A_244, %add3A_339] : memref<20x2097152xf32, #tpu.memory_space<hbm>> -> memref<1x8192xf32, #tpu.memory_space<hbm>>
        %dma_start3A_351 = tpu.memref_squeeze %dma_start3A : memref<1x8192xf32, #tpu.memory_space<hbm>> -> memref<8192xf32, #tpu.memory_space<hbm>>
        %dma_start3A_352 = tpu.memref_slice %arg2[%add3A_244, %add3A_339] : memref<20x2097152xf32, #tpu.memory_space<hbm>> -> memref<1x8192xf32, #tpu.memory_space<hbm>>
        %dma_start3A_353 = tpu.memref_squeeze %dma_start3A_352 : memref<1x8192xf32, #tpu.memory_space<hbm>> -> memref<8192xf32, #tpu.memory_space<hbm>>
        tpu.enqueue_dma source(%dma_start3A_353 : memref<8192xf32, #tpu.memory_space<hbm>>) target(%arg9 : memref<8192xf32, #tpu.memory_space<vmem>>) target_semaphore(%run_scoped3A_350 : memref<!tpu.dma_semaphore, #tpu.memory_space<semaphore_mem>>)
        %dma_wait3A = tpu.memref_slice %arg2[%add3A_244, %add3A_339] : memref<20x2097152xf32, #tpu.memory_space<hbm>> -> memref<1x8192xf32, #tpu.memory_space<hbm>>
        %dma_wait3A_354 = tpu.memref_squeeze %dma_wait3A : memref<1x8192xf32, #tpu.memory_space<hbm>> -> memref<8192xf32, #tpu.memory_space<hbm>>
        %dma_wait3A_355 = tpu.memref_slice %arg2[%add3A_244, %add3A_339] : memref<20x2097152xf32, #tpu.memory_space<hbm>> -> memref<1x8192xf32, #tpu.memory_space<hbm>>
        %dma_wait3A_356 = tpu.memref_squeeze %dma_wait3A_355 : memref<1x8192xf32, #tpu.memory_space<hbm>> -> memref<8192xf32, #tpu.memory_space<hbm>>
        tpu.wait_dma2 semaphore(%run_scoped3A_350 : memref<!tpu.dma_semaphore, #tpu.memory_space<semaphore_mem>>) src(%dma_wait3A_356 : memref<8192xf32, #tpu.memory_space<hbm>>) dst(%arg9 : memref<8192xf32, #tpu.memory_space<vmem>>)
        tpu.yield
      }) : () -> ()
      %scan3A_340 = arith.constant 0 : i32
      %scan3A_341 = arith.constant 0 : i32
      %scan3A_342 = arith.constant 64 : i32
      %scan3A_343 = arith.addi %scan3A_341, %scan3A_342 : i32
      %scan3A_344 = arith.constant 1 : i32
      scf.for %scan3A_350 = %scan3A_341 to %scan3A_343 step %scan3A_344  : i32 {
        %mul3A_351 = arith.constant 16 : i32
        %mul3A_352 = arith.muli %scan3A_350, %mul3A_351 : i32
        %add3A_353 = arith.constant 0 : i32
        %add3A_354 = arith.addi %add3A_353, %mul3A_352 : i32
        %get3A_355 = arith.index_cast %add3A_354 : i32 to index
        %get3A_356 = tpu.vector_load %arg7[%get3A_355] {strides = array<i32>} : memref<5120xf32, #tpu.memory_space<vmem>>, vector<16xf32>,
        %get3A_357 = vector.shape_cast %get3A_356 : vector<16xf32> to vector<16xf32>
        %add3A_358 = arith.constant 1024 : i32
        %add3A_359 = arith.addi %add3A_358, %mul3A_352 : i32
        %get3A_360 = arith.index_cast %add3A_359 : i32 to index
        %get3A_361 = tpu.vector_load %arg7[%get3A_360] {strides = array<i32>} : memref<5120xf32, #tpu.memory_space<vmem>>, vector<16xf32>,
        %get3A_362 = vector.shape_cast %get3A_361 : vector<16xf32> to vector<16xf32>
        %add3A_363 = arith.constant 2048 : i32
        %add3A_364 = arith.addi %add3A_363, %mul3A_352 : i32
        %get3A_365 = arith.index_cast %add3A_364 : i32 to index
        %get3A_366 = tpu.vector_load %arg7[%get3A_365] {strides = array<i32>} : memref<5120xf32, #tpu.memory_space<vmem>>, vector<16xf32>,
        %get3A_367 = vector.shape_cast %get3A_366 : vector<16xf32> to vector<16xf32>
        %add3A_368 = arith.constant 3072 : i32
        %add3A_369 = arith.addi %add3A_368, %mul3A_352 : i32
        %get3A_370 = arith.index_cast %add3A_369 : i32 to index
        %get3A_371 = tpu.vector_load %arg7[%get3A_370] {strides = array<i32>} : memref<5120xf32, #tpu.memory_space<vmem>>, vector<16xf32>,
        %get3A_372 = vector.shape_cast %get3A_371 : vector<16xf32> to vector<16xf32>
        %add3A_373 = arith.constant 4096 : i32
        %add3A_374 = arith.addi %add3A_373, %mul3A_352 : i32
        %get3A_375 = arith.index_cast %add3A_374 : i32 to index
        %get3A_376 = tpu.vector_load %arg7[%get3A_375] {strides = array<i32>} : memref<5120xf32, #tpu.memory_space<vmem>>, vector<16xf32>,
        %get3A_377 = vector.shape_cast %get3A_376 : vector<16xf32> to vector<16xf32>
        %add3A_378 = arith.constant 0 : i32
        %add3A_379 = arith.addi %add3A_378, %mul3A_352 : i32
        %get3A_380 = arith.index_cast %add3A_379 : i32 to index
        %get3A_381 = tpu.vector_load %arg8[%get3A_380] {strides = array<i32>} : memref<8192xf32, #tpu.memory_space<vmem>>, vector<16xf32>,
        %get3A_382 = vector.shape_cast %get3A_381 : vector<16xf32> to vector<16xf32>
        %get3A_383 = arith.index_cast %add3A_379 : i32 to index
        %get3A_384 = tpu.vector_load %arg9[%get3A_383] {strides = array<i32>} : memref<8192xf32, #tpu.memory_space<vmem>>, vector<16xf32>,
        %get3A_385 = vector.shape_cast %get3A_384 : vector<16xf32> to vector<16xf32>
        %mul3A_386 = arith.mulf %sub3A_240, %get3A_382 : vector<16xf32>
        %mul3A_387 = arith.mulf %div3A_237, %get3A_385 : vector<16xf32>
        %add3A_388 = arith.addf %mul3A_386, %mul3A_387 : vector<16xf32>
        %add3A_389 = arith.addf %add3A_388, %get3A_357 : vector<16xf32>
        %add3A_390 = arith.constant 0 : i32
        %add3A_391 = arith.addi %add3A_390, %add3A_379 : i32
        %swap3A = arith.index_cast %add3A_391 : i32 to index
        %swap3A_392 = tpu.vector_load %arg10[%swap3A] {strides = array<i32>} : memref<40960xf32, #tpu.memory_space<vmem>>, vector<16xf32>,
        %swap3A_393 = vector.shape_cast %swap3A_392 : vector<16xf32> to vector<16xf32>
        %swap3A_394 = vector.shape_cast %add3A_389 : vector<16xf32> to vector<16xf32>
        tpu.vector_store %arg10[%swap3A], %swap3A_394 {strides = array<i32>} : memref<40960xf32, #tpu.memory_space<vmem>>, vector<16xf32>,
        %add3A_395 = arith.addf %add3A_388, %get3A_362 : vector<16xf32>
        %add3A_396 = arith.constant 8192 : i32
        %add3A_397 = arith.addi %add3A_396, %add3A_379 : i32
        %swap3A_398 = arith.index_cast %add3A_397 : i32 to index
        %swap3A_399 = tpu.vector_load %arg10[%swap3A_398] {strides = array<i32>} : memref<40960xf32, #tpu.memory_space<vmem>>, vector<16xf32>,
        %swap3A_400 = vector.shape_cast %swap3A_399 : vector<16xf32> to vector<16xf32>
        %swap3A_401 = vector.shape_cast %add3A_395 : vector<16xf32> to vector<16xf32>
        tpu.vector_store %arg10[%swap3A_398], %swap3A_401 {strides = array<i32>} : memref<40960xf32, #tpu.memory_space<vmem>>, vector<16xf32>,
        %add3A_402 = arith.addf %add3A_388, %get3A_367 : vector<16xf32>
        %add3A_403 = arith.constant 16384 : i32
        %add3A_404 = arith.addi %add3A_403, %add3A_379 : i32
        %swap3A_405 = arith.index_cast %add3A_404 : i32 to index
        %swap3A_406 = tpu.vector_load %arg10[%swap3A_405] {strides = array<i32>} : memref<40960xf32, #tpu.memory_space<vmem>>, vector<16xf32>,
        %swap3A_407 = vector.shape_cast %swap3A_406 : vector<16xf32> to vector<16xf32>
        %swap3A_408 = vector.shape_cast %add3A_402 : vector<16xf32> to vector<16xf32>
        tpu.vector_store %arg10[%swap3A_405], %swap3A_408 {strides = array<i32>} : memref<40960xf32, #tpu.memory_space<vmem>>, vector<16xf32>,
        %add3A_409 = arith.addf %add3A_388, %get3A_372 : vector<16xf32>
        %add3A_410 = arith.constant 24576 : i32
        %add3A_411 = arith.addi %add3A_410, %add3A_379 : i32
        %swap3A_412 = arith.index_cast %add3A_411 : i32 to index
        %swap3A_413 = tpu.vector_load %arg10[%swap3A_412] {strides = array<i32>} : memref<40960xf32, #tpu.memory_space<vmem>>, vector<16xf32>,
        %swap3A_414 = vector.shape_cast %swap3A_413 : vector<16xf32> to vector<16xf32>
        %swap3A_415 = vector.shape_cast %add3A_409 : vector<16xf32> to vector<16xf32>
        tpu.vector_store %arg10[%swap3A_412], %swap3A_415 {strides = array<i32>} : memref<40960xf32, #tpu.memory_space<vmem>>, vector<16xf32>,
        %add3A_416 = arith.addf %add3A_388, %get3A_377 : vector<16xf32>
        %add3A_417 = arith.constant 32768 : i32
        %add3A_418 = arith.addi %add3A_417, %add3A_379 : i32
        %swap3A_419 = arith.index_cast %add3A_418 : i32 to index
        %swap3A_420 = tpu.vector_load %arg10[%swap3A_419] {strides = array<i32>} : memref<40960xf32, #tpu.memory_space<vmem>>, vector<16xf32>,
        %swap3A_421 = vector.shape_cast %swap3A_420 : vector<16xf32> to vector<16xf32>
        %swap3A_422 = vector.shape_cast %add3A_416 : vector<16xf32> to vector<16xf32>
        tpu.vector_store %arg10[%swap3A_419], %swap3A_422 {strides = array<i32>} : memref<40960xf32, #tpu.memory_space<vmem>>, vector<16xf32>,
        %add3A_423 = arith.constant 1024 : i32
        %add3A_424 = arith.addi %add3A_423, %mul3A_352 : i32
        %get3A_425 = arith.index_cast %add3A_424 : i32 to index
        %get3A_426 = tpu.vector_load %arg8[%get3A_425] {strides = array<i32>} : memref<8192xf32, #tpu.memory_space<vmem>>, vector<16xf32>,
        %get3A_427 = vector.shape_cast %get3A_426 : vector<16xf32> to vector<16xf32>
        %get3A_428 = arith.index_cast %add3A_424 : i32 to index
        %get3A_429 = tpu.vector_load %arg9[%get3A_428] {strides = array<i32>} : memref<8192xf32, #tpu.memory_space<vmem>>, vector<16xf32>,
        %get3A_430 = vector.shape_cast %get3A_429 : vector<16xf32> to vector<16xf32>
        %mul3A_431 = arith.mulf %sub3A_240, %get3A_427 : vector<16xf32>
        %mul3A_432 = arith.mulf %div3A_237, %get3A_430 : vector<16xf32>
        %add3A_433 = arith.addf %mul3A_431, %mul3A_432 : vector<16xf32>
        %add3A_434 = arith.addf %add3A_433, %get3A_357 : vector<16xf32>
        %add3A_435 = arith.constant 0 : i32
        %add3A_436 = arith.addi %add3A_435, %add3A_424 : i32
        %swap3A_437 = arith.index_cast %add3A_436 : i32 to index
        %swap3A_438 = tpu.vector_load %arg10[%swap3A_437] {strides = array<i32>} : memref<40960xf32, #tpu.memory_space<vmem>>, vector<16xf32>,
        %swap3A_439 = vector.shape_cast %swap3A_438 : vector<16xf32> to vector<16xf32>
        %swap3A_440 = vector.shape_cast %add3A_434 : vector<16xf32> to vector<16xf32>
        tpu.vector_store %arg10[%swap3A_437], %swap3A_440 {strides = array<i32>} : memref<40960xf32, #tpu.memory_space<vmem>>, vector<16xf32>,
        %add3A_441 = arith.addf %add3A_433, %get3A_362 : vector<16xf32>
        %add3A_442 = arith.constant 8192 : i32
        %add3A_443 = arith.addi %add3A_442, %add3A_424 : i32
        %swap3A_444 = arith.index_cast %add3A_443 : i32 to index
        %swap3A_445 = tpu.vector_load %arg10[%swap3A_444] {strides = array<i32>} : memref<40960xf32, #tpu.memory_space<vmem>>, vector<16xf32>,
        %swap3A_446 = vector.shape_cast %swap3A_445 : vector<16xf32> to vector<16xf32>
        %swap3A_447 = vector.shape_cast %add3A_441 : vector<16xf32> to vector<16xf32>
        tpu.vector_store %arg10[%swap3A_444], %swap3A_447 {strides = array<i32>} : memref<40960xf32, #tpu.memory_space<vmem>>, vector<16xf32>,
        %add3A_448 = arith.addf %add3A_433, %get3A_367 : vector<16xf32>
        %add3A_449 = arith.constant 16384 : i32
        %add3A_450 = arith.addi %add3A_449, %add3A_424 : i32
        %swap3A_451 = arith.index_cast %add3A_450 : i32 to index
        %swap3A_452 = tpu.vector_load %arg10[%swap3A_451] {strides = array<i32>} : memref<40960xf32, #tpu.memory_space<vmem>>, vector<16xf32>,
        %swap3A_453 = vector.shape_cast %swap3A_452 : vector<16xf32> to vector<16xf32>
        %swap3A_454 = vector.shape_cast %add3A_448 : vector<16xf32> to vector<16xf32>
        tpu.vector_store %arg10[%swap3A_451], %swap3A_454 {strides = array<i32>} : memref<40960xf32, #tpu.memory_space<vmem>>, vector<16xf32>,
        %add3A_455 = arith.addf %add3A_433, %get3A_372 : vector<16xf32>
        %add3A_456 = arith.constant 24576 : i32
        %add3A_457 = arith.addi %add3A_456, %add3A_424 : i32
        %swap3A_458 = arith.index_cast %add3A_457 : i32 to index
        %swap3A_459 = tpu.vector_load %arg10[%swap3A_458] {strides = array<i32>} : memref<40960xf32, #tpu.memory_space<vmem>>, vector<16xf32>,
        %swap3A_460 = vector.shape_cast %swap3A_459 : vector<16xf32> to vector<16xf32>
        %swap3A_461 = vector.shape_cast %add3A_455 : vector<16xf32> to vector<16xf32>
        tpu.vector_store %arg10[%swap3A_458], %swap3A_461 {strides = array<i32>} : memref<40960xf32, #tpu.memory_space<vmem>>, vector<16xf32>,
        %add3A_462 = arith.addf %add3A_433, %get3A_377 : vector<16xf32>
        %add3A_463 = arith.constant 32768 : i32
        %add3A_464 = arith.addi %add3A_463, %add3A_424 : i32
        %swap3A_465 = arith.index_cast %add3A_464 : i32 to index
        %swap3A_466 = tpu.vector_load %arg10[%swap3A_465] {strides = array<i32>} : memref<40960xf32, #tpu.memory_space<vmem>>, vector<16xf32>,
        %swap3A_467 = vector.shape_cast %swap3A_466 : vector<16xf32> to vector<16xf32>
        %swap3A_468 = vector.shape_cast %add3A_462 : vector<16xf32> to vector<16xf32>
        tpu.vector_store %arg10[%swap3A_465], %swap3A_468 {strides = array<i32>} : memref<40960xf32, #tpu.memory_space<vmem>>, vector<16xf32>,
        %add3A_469 = arith.constant 2048 : i32
        %add3A_470 = arith.addi %add3A_469, %mul3A_352 : i32
        %get3A_471 = arith.index_cast %add3A_470 : i32 to index
        %get3A_472 = tpu.vector_load %arg8[%get3A_471] {strides = array<i32>} : memref<8192xf32, #tpu.memory_space<vmem>>, vector<16xf32>,
        %get3A_473 = vector.shape_cast %get3A_472 : vector<16xf32> to vector<16xf32>
        %get3A_474 = arith.index_cast %add3A_470 : i32 to index
        %get3A_475 = tpu.vector_load %arg9[%get3A_474] {strides = array<i32>} : memref<8192xf32, #tpu.memory_space<vmem>>, vector<16xf32>,
        %get3A_476 = vector.shape_cast %get3A_475 : vector<16xf32> to vector<16xf32>
        %mul3A_477 = arith.mulf %sub3A_240, %get3A_473 : vector<16xf32>
        %mul3A_478 = arith.mulf %div3A_237, %get3A_476 : vector<16xf32>
        %add3A_479 = arith.addf %mul3A_477, %mul3A_478 : vector<16xf32>
        %add3A_480 = arith.addf %add3A_479, %get3A_357 : vector<16xf32>
        %add3A_481 = arith.constant 0 : i32
        %add3A_482 = arith.addi %add3A_481, %add3A_470 : i32
        %swap3A_483 = arith.index_cast %add3A_482 : i32 to index
        %swap3A_484 = tpu.vector_load %arg10[%swap3A_483] {strides = array<i32>} : memref<40960xf32, #tpu.memory_space<vmem>>, vector<16xf32>,
        %swap3A_485 = vector.shape_cast %swap3A_484 : vector<16xf32> to vector<16xf32>
        %swap3A_486 = vector.shape_cast %add3A_480 : vector<16xf32> to vector<16xf32>
        tpu.vector_store %arg10[%swap3A_483], %swap3A_486 {strides = array<i32>} : memref<40960xf32, #tpu.memory_space<vmem>>, vector<16xf32>,
        %add3A_487 = arith.addf %add3A_479, %get3A_362 : vector<16xf32>
        %add3A_488 = arith.constant 8192 : i32
        %add3A_489 = arith.addi %add3A_488, %add3A_470 : i32
        %swap3A_490 = arith.index_cast %add3A_489 : i32 to index
        %swap3A_491 = tpu.vector_load %arg10[%swap3A_490] {strides = array<i32>} : memref<40960xf32, #tpu.memory_space<vmem>>, vector<16xf32>,
        %swap3A_492 = vector.shape_cast %swap3A_491 : vector<16xf32> to vector<16xf32>
        %swap3A_493 = vector.shape_cast %add3A_487 : vector<16xf32> to vector<16xf32>
        tpu.vector_store %arg10[%swap3A_490], %swap3A_493 {strides = array<i32>} : memref<40960xf32, #tpu.memory_space<vmem>>, vector<16xf32>,
        %add3A_494 = arith.addf %add3A_479, %get3A_367 : vector<16xf32>
        %add3A_495 = arith.constant 16384 : i32
        %add3A_496 = arith.addi %add3A_495, %add3A_470 : i32
        %swap3A_497 = arith.index_cast %add3A_496 : i32 to index
        %swap3A_498 = tpu.vector_load %arg10[%swap3A_497] {strides = array<i32>} : memref<40960xf32, #tpu.memory_space<vmem>>, vector<16xf32>,
        %swap3A_499 = vector.shape_cast %swap3A_498 : vector<16xf32> to vector<16xf32>
        %swap3A_500 = vector.shape_cast %add3A_494 : vector<16xf32> to vector<16xf32>
        tpu.vector_store %arg10[%swap3A_497], %swap3A_500 {strides = array<i32>} : memref<40960xf32, #tpu.memory_space<vmem>>, vector<16xf32>,
        %add3A_501 = arith.addf %add3A_479, %get3A_372 : vector<16xf32>
        %add3A_502 = arith.constant 24576 : i32
        %add3A_503 = arith.addi %add3A_502, %add3A_470 : i32
        %swap3A_504 = arith.index_cast %add3A_503 : i32 to index
        %swap3A_505 = tpu.vector_load %arg10[%swap3A_504] {strides = array<i32>} : memref<40960xf32, #tpu.memory_space<vmem>>, vector<16xf32>,
        %swap3A_506 = vector.shape_cast %swap3A_505 : vector<16xf32> to vector<16xf32>
        %swap3A_507 = vector.shape_cast %add3A_501 : vector<16xf32> to vector<16xf32>
        tpu.vector_store %arg10[%swap3A_504], %swap3A_507 {strides = array<i32>} : memref<40960xf32, #tpu.memory_space<vmem>>, vector<16xf32>,
        %add3A_508 = arith.addf %add3A_479, %get3A_377 : vector<16xf32>
        %add3A_509 = arith.constant 32768 : i32
        %add3A_510 = arith.addi %add3A_509, %add3A_470 : i32
        %swap3A_511 = arith.index_cast %add3A_510 : i32 to index
        %swap3A_512 = tpu.vector_load %arg10[%swap3A_511] {strides = array<i32>} : memref<40960xf32, #tpu.memory_space<vmem>>, vector<16xf32>,
        %swap3A_513 = vector.shape_cast %swap3A_512 : vector<16xf32> to vector<16xf32>
        %swap3A_514 = vector.shape_cast %add3A_508 : vector<16xf32> to vector<16xf32>
        tpu.vector_store %arg10[%swap3A_511], %swap3A_514 {strides = array<i32>} : memref<40960xf32, #tpu.memory_space<vmem>>, vector<16xf32>,
        %add3A_515 = arith.constant 3072 : i32
        %add3A_516 = arith.addi %add3A_515, %mul3A_352 : i32
        %get3A_517 = arith.index_cast %add3A_516 : i32 to index
        %get3A_518 = tpu.vector_load %arg8[%get3A_517] {strides = array<i32>} : memref<8192xf32, #tpu.memory_space<vmem>>, vector<16xf32>,
        %get3A_519 = vector.shape_cast %get3A_518 : vector<16xf32> to vector<16xf32>
        %get3A_520 = arith.index_cast %add3A_516 : i32 to index
        %get3A_521 = tpu.vector_load %arg9[%get3A_520] {strides = array<i32>} : memref<8192xf32, #tpu.memory_space<vmem>>, vector<16xf32>,
        %get3A_522 = vector.shape_cast %get3A_521 : vector<16xf32> to vector<16xf32>
        %mul3A_523 = arith.mulf %sub3A_240, %get3A_519 : vector<16xf32>
        %mul3A_524 = arith.mulf %div3A_237, %get3A_522 : vector<16xf32>
        %add3A_525 = arith.addf %mul3A_523, %mul3A_524 : vector<16xf32>
        %add3A_526 = arith.addf %add3A_525, %get3A_357 : vector<16xf32>
        %add3A_527 = arith.constant 0 : i32
        %add3A_528 = arith.addi %add3A_527, %add3A_516 : i32
        %swap3A_529 = arith.index_cast %add3A_528 : i32 to index
        %swap3A_530 = tpu.vector_load %arg10[%swap3A_529] {strides = array<i32>} : memref<40960xf32, #tpu.memory_space<vmem>>, vector<16xf32>,
        %swap3A_531 = vector.shape_cast %swap3A_530 : vector<16xf32> to vector<16xf32>
        %swap3A_532 = vector.shape_cast %add3A_526 : vector<16xf32> to vector<16xf32>
        tpu.vector_store %arg10[%swap3A_529], %swap3A_532 {strides = array<i32>} : memref<40960xf32, #tpu.memory_space<vmem>>, vector<16xf32>,
        %add3A_533 = arith.addf %add3A_525, %get3A_362 : vector<16xf32>
        %add3A_534 = arith.constant 8192 : i32
        %add3A_535 = arith.addi %add3A_534, %add3A_516 : i32
        %swap3A_536 = arith.index_cast %add3A_535 : i32 to index
        %swap3A_537 = tpu.vector_load %arg10[%swap3A_536] {strides = array<i32>} : memref<40960xf32, #tpu.memory_space<vmem>>, vector<16xf32>,
        %swap3A_538 = vector.shape_cast %swap3A_537 : vector<16xf32> to vector<16xf32>
        %swap3A_539 = vector.shape_cast %add3A_533 : vector<16xf32> to vector<16xf32>
        tpu.vector_store %arg10[%swap3A_536], %swap3A_539 {strides = array<i32>} : memref<40960xf32, #tpu.memory_space<vmem>>, vector<16xf32>,
        %add3A_540 = arith.addf %add3A_525, %get3A_367 : vector<16xf32>
        %add3A_541 = arith.constant 16384 : i32
        %add3A_542 = arith.addi %add3A_541, %add3A_516 : i32
        %swap3A_543 = arith.index_cast %add3A_542 : i32 to index
        %swap3A_544 = tpu.vector_load %arg10[%swap3A_543] {strides = array<i32>} : memref<40960xf32, #tpu.memory_space<vmem>>, vector<16xf32>,
        %swap3A_545 = vector.shape_cast %swap3A_544 : vector<16xf32> to vector<16xf32>
        %swap3A_546 = vector.shape_cast %add3A_540 : vector<16xf32> to vector<16xf32>
        tpu.vector_store %arg10[%swap3A_543], %swap3A_546 {strides = array<i32>} : memref<40960xf32, #tpu.memory_space<vmem>>, vector<16xf32>,
        %add3A_547 = arith.addf %add3A_525, %get3A_372 : vector<16xf32>
        %add3A_548 = arith.constant 24576 : i32
        %add3A_549 = arith.addi %add3A_548, %add3A_516 : i32
        %swap3A_550 = arith.index_cast %add3A_549 : i32 to index
        %swap3A_551 = tpu.vector_load %arg10[%swap3A_550] {strides = array<i32>} : memref<40960xf32, #tpu.memory_space<vmem>>, vector<16xf32>,
        %swap3A_552 = vector.shape_cast %swap3A_551 : vector<16xf32> to vector<16xf32>
        %swap3A_553 = vector.shape_cast %add3A_547 : vector<16xf32> to vector<16xf32>
        tpu.vector_store %arg10[%swap3A_550], %swap3A_553 {strides = array<i32>} : memref<40960xf32, #tpu.memory_space<vmem>>, vector<16xf32>,
        %add3A_554 = arith.addf %add3A_525, %get3A_377 : vector<16xf32>
        %add3A_555 = arith.constant 32768 : i32
        %add3A_556 = arith.addi %add3A_555, %add3A_516 : i32
        %swap3A_557 = arith.index_cast %add3A_556 : i32 to index
        %swap3A_558 = tpu.vector_load %arg10[%swap3A_557] {strides = array<i32>} : memref<40960xf32, #tpu.memory_space<vmem>>, vector<16xf32>,
        %swap3A_559 = vector.shape_cast %swap3A_558 : vector<16xf32> to vector<16xf32>
        %swap3A_560 = vector.shape_cast %add3A_554 : vector<16xf32> to vector<16xf32>
        tpu.vector_store %arg10[%swap3A_557], %swap3A_560 {strides = array<i32>} : memref<40960xf32, #tpu.memory_space<vmem>>, vector<16xf32>,
        %add3A_561 = arith.constant 4096 : i32
        %add3A_562 = arith.addi %add3A_561, %mul3A_352 : i32
        %get3A_563 = arith.index_cast %add3A_562 : i32 to index
        %get3A_564 = tpu.vector_load %arg8[%get3A_563] {strides = array<i32>} : memref<8192xf32, #tpu.memory_space<vmem>>, vector<16xf32>,
        %get3A_565 = vector.shape_cast %get3A_564 : vector<16xf32> to vector<16xf32>
        %get3A_566 = arith.index_cast %add3A_562 : i32 to index
        %get3A_567 = tpu.vector_load %arg9[%get3A_566] {strides = array<i32>} : memref<8192xf32, #tpu.memory_space<vmem>>, vector<16xf32>,
        %get3A_568 = vector.shape_cast %get3A_567 : vector<16xf32> to vector<16xf32>
        %mul3A_569 = arith.mulf %sub3A_240, %get3A_565 : vector<16xf32>
        %mul3A_570 = arith.mulf %div3A_237, %get3A_568 : vector<16xf32>
        %add3A_571 = arith.addf %mul3A_569, %mul3A_570 : vector<16xf32>
        %add3A_572 = arith.addf %add3A_571, %get3A_357 : vector<16xf32>
        %add3A_573 = arith.constant 0 : i32
        %add3A_574 = arith.addi %add3A_573, %add3A_562 : i32
        %swap3A_575 = arith.index_cast %add3A_574 : i32 to index
        %swap3A_576 = tpu.vector_load %arg10[%swap3A_575] {strides = array<i32>} : memref<40960xf32, #tpu.memory_space<vmem>>, vector<16xf32>,
        %swap3A_577 = vector.shape_cast %swap3A_576 : vector<16xf32> to vector<16xf32>
        %swap3A_578 = vector.shape_cast %add3A_572 : vector<16xf32> to vector<16xf32>
        tpu.vector_store %arg10[%swap3A_575], %swap3A_578 {strides = array<i32>} : memref<40960xf32, #tpu.memory_space<vmem>>, vector<16xf32>,
        %add3A_579 = arith.addf %add3A_571, %get3A_362 : vector<16xf32>
        %add3A_580 = arith.constant 8192 : i32
        %add3A_581 = arith.addi %add3A_580, %add3A_562 : i32
        %swap3A_582 = arith.index_cast %add3A_581 : i32 to index
        %swap3A_583 = tpu.vector_load %arg10[%swap3A_582] {strides = array<i32>} : memref<40960xf32, #tpu.memory_space<vmem>>, vector<16xf32>,
        %swap3A_584 = vector.shape_cast %swap3A_583 : vector<16xf32> to vector<16xf32>
        %swap3A_585 = vector.shape_cast %add3A_579 : vector<16xf32> to vector<16xf32>
        tpu.vector_store %arg10[%swap3A_582], %swap3A_585 {strides = array<i32>} : memref<40960xf32, #tpu.memory_space<vmem>>, vector<16xf32>,
        %add3A_586 = arith.addf %add3A_571, %get3A_367 : vector<16xf32>
        %add3A_587 = arith.constant 16384 : i32
        %add3A_588 = arith.addi %add3A_587, %add3A_562 : i32
        %swap3A_589 = arith.index_cast %add3A_588 : i32 to index
        %swap3A_590 = tpu.vector_load %arg10[%swap3A_589] {strides = array<i32>} : memref<40960xf32, #tpu.memory_space<vmem>>, vector<16xf32>,
        %swap3A_591 = vector.shape_cast %swap3A_590 : vector<16xf32> to vector<16xf32>
        %swap3A_592 = vector.shape_cast %add3A_586 : vector<16xf32> to vector<16xf32>
        tpu.vector_store %arg10[%swap3A_589], %swap3A_592 {strides = array<i32>} : memref<40960xf32, #tpu.memory_space<vmem>>, vector<16xf32>,
        %add3A_593 = arith.addf %add3A_571, %get3A_372 : vector<16xf32>
        %add3A_594 = arith.constant 24576 : i32
        %add3A_595 = arith.addi %add3A_594, %add3A_562 : i32
        %swap3A_596 = arith.index_cast %add3A_595 : i32 to index
        %swap3A_597 = tpu.vector_load %arg10[%swap3A_596] {strides = array<i32>} : memref<40960xf32, #tpu.memory_space<vmem>>, vector<16xf32>,
        %swap3A_598 = vector.shape_cast %swap3A_597 : vector<16xf32> to vector<16xf32>
        %swap3A_599 = vector.shape_cast %add3A_593 : vector<16xf32> to vector<16xf32>
        tpu.vector_store %arg10[%swap3A_596], %swap3A_599 {strides = array<i32>} : memref<40960xf32, #tpu.memory_space<vmem>>, vector<16xf32>,
        %add3A_600 = arith.addf %add3A_571, %get3A_377 : vector<16xf32>
        %add3A_601 = arith.constant 32768 : i32
        %add3A_602 = arith.addi %add3A_601, %add3A_562 : i32
        %swap3A_603 = arith.index_cast %add3A_602 : i32 to index
        %swap3A_604 = tpu.vector_load %arg10[%swap3A_603] {strides = array<i32>} : memref<40960xf32, #tpu.memory_space<vmem>>, vector<16xf32>,
        %swap3A_605 = vector.shape_cast %swap3A_604 : vector<16xf32> to vector<16xf32>
        %swap3A_606 = vector.shape_cast %add3A_600 : vector<16xf32> to vector<16xf32>
        tpu.vector_store %arg10[%swap3A_603], %swap3A_606 {strides = array<i32>} : memref<40960xf32, #tpu.memory_space<vmem>>, vector<16xf32>,
        %add3A_607 = arith.constant 5120 : i32
        %add3A_608 = arith.addi %add3A_607, %mul3A_352 : i32
        %get3A_609 = arith.index_cast %add3A_608 : i32 to index
        %get3A_610 = tpu.vector_load %arg8[%get3A_609] {strides = array<i32>} : memref<8192xf32, #tpu.memory_space<vmem>>, vector<16xf32>,
        %get3A_611 = vector.shape_cast %get3A_610 : vector<16xf32> to vector<16xf32>
        %get3A_612 = arith.index_cast %add3A_608 : i32 to index
        %get3A_613 = tpu.vector_load %arg9[%get3A_612] {strides = array<i32>} : memref<8192xf32, #tpu.memory_space<vmem>>, vector<16xf32>,
        %get3A_614 = vector.shape_cast %get3A_613 : vector<16xf32> to vector<16xf32>
        %mul3A_615 = arith.mulf %sub3A_240, %get3A_611 : vector<16xf32>
        %mul3A_616 = arith.mulf %div3A_237, %get3A_614 : vector<16xf32>
        %add3A_617 = arith.addf %mul3A_615, %mul3A_616 : vector<16xf32>
        %add3A_618 = arith.addf %add3A_617, %get3A_357 : vector<16xf32>
        %add3A_619 = arith.constant 0 : i32
        %add3A_620 = arith.addi %add3A_619, %add3A_608 : i32
        %swap3A_621 = arith.index_cast %add3A_620 : i32 to index
        %swap3A_622 = tpu.vector_load %arg10[%swap3A_621] {strides = array<i32>} : memref<40960xf32, #tpu.memory_space<vmem>>, vector<16xf32>,
        %swap3A_623 = vector.shape_cast %swap3A_622 : vector<16xf32> to vector<16xf32>
        %swap3A_624 = vector.shape_cast %add3A_618 : vector<16xf32> to vector<16xf32>
        tpu.vector_store %arg10[%swap3A_621], %swap3A_624 {strides = array<i32>} : memref<40960xf32, #tpu.memory_space<vmem>>, vector<16xf32>,
        %add3A_625 = arith.addf %add3A_617, %get3A_362 : vector<16xf32>
        %add3A_626 = arith.constant 8192 : i32
        %add3A_627 = arith.addi %add3A_626, %add3A_608 : i32
        %swap3A_628 = arith.index_cast %add3A_627 : i32 to index
        %swap3A_629 = tpu.vector_load %arg10[%swap3A_628] {strides = array<i32>} : memref<40960xf32, #tpu.memory_space<vmem>>, vector<16xf32>,
        %swap3A_630 = vector.shape_cast %swap3A_629 : vector<16xf32> to vector<16xf32>
        %swap3A_631 = vector.shape_cast %add3A_625 : vector<16xf32> to vector<16xf32>
        tpu.vector_store %arg10[%swap3A_628], %swap3A_631 {strides = array<i32>} : memref<40960xf32, #tpu.memory_space<vmem>>, vector<16xf32>,
        %add3A_632 = arith.addf %add3A_617, %get3A_367 : vector<16xf32>
        %add3A_633 = arith.constant 16384 : i32
        %add3A_634 = arith.addi %add3A_633, %add3A_608 : i32
        %swap3A_635 = arith.index_cast %add3A_634 : i32 to index
        %swap3A_636 = tpu.vector_load %arg10[%swap3A_635] {strides = array<i32>} : memref<40960xf32, #tpu.memory_space<vmem>>, vector<16xf32>,
        %swap3A_637 = vector.shape_cast %swap3A_636 : vector<16xf32> to vector<16xf32>
        %swap3A_638 = vector.shape_cast %add3A_632 : vector<16xf32> to vector<16xf32>
        tpu.vector_store %arg10[%swap3A_635], %swap3A_638 {strides = array<i32>} : memref<40960xf32, #tpu.memory_space<vmem>>, vector<16xf32>,
        %add3A_639 = arith.addf %add3A_617, %get3A_372 : vector<16xf32>
        %add3A_640 = arith.constant 24576 : i32
        %add3A_641 = arith.addi %add3A_640, %add3A_608 : i32
        %swap3A_642 = arith.index_cast %add3A_641 : i32 to index
        %swap3A_643 = tpu.vector_load %arg10[%swap3A_642] {strides = array<i32>} : memref<40960xf32, #tpu.memory_space<vmem>>, vector<16xf32>,
        %swap3A_644 = vector.shape_cast %swap3A_643 : vector<16xf32> to vector<16xf32>
        %swap3A_645 = vector.shape_cast %add3A_639 : vector<16xf32> to vector<16xf32>
        tpu.vector_store %arg10[%swap3A_642], %swap3A_645 {strides = array<i32>} : memref<40960xf32, #tpu.memory_space<vmem>>, vector<16xf32>,
        %add3A_646 = arith.addf %add3A_617, %get3A_377 : vector<16xf32>
        %add3A_647 = arith.constant 32768 : i32
        %add3A_648 = arith.addi %add3A_647, %add3A_608 : i32
        %swap3A_649 = arith.index_cast %add3A_648 : i32 to index
        %swap3A_650 = tpu.vector_load %arg10[%swap3A_649] {strides = array<i32>} : memref<40960xf32, #tpu.memory_space<vmem>>, vector<16xf32>,
        %swap3A_651 = vector.shape_cast %swap3A_650 : vector<16xf32> to vector<16xf32>
        %swap3A_652 = vector.shape_cast %add3A_646 : vector<16xf32> to vector<16xf32>
        tpu.vector_store %arg10[%swap3A_649], %swap3A_652 {strides = array<i32>} : memref<40960xf32, #tpu.memory_space<vmem>>, vector<16xf32>,
        %add3A_653 = arith.constant 6144 : i32
        %add3A_654 = arith.addi %add3A_653, %mul3A_352 : i32
        %get3A_655 = arith.index_cast %add3A_654 : i32 to index
        %get3A_656 = tpu.vector_load %arg8[%get3A_655] {strides = array<i32>} : memref<8192xf32, #tpu.memory_space<vmem>>, vector<16xf32>,
        %get3A_657 = vector.shape_cast %get3A_656 : vector<16xf32> to vector<16xf32>
        %get3A_658 = arith.index_cast %add3A_654 : i32 to index
        %get3A_659 = tpu.vector_load %arg9[%get3A_658] {strides = array<i32>} : memref<8192xf32, #tpu.memory_space<vmem>>, vector<16xf32>,
        %get3A_660 = vector.shape_cast %get3A_659 : vector<16xf32> to vector<16xf32>
        %mul3A_661 = arith.mulf %sub3A_240, %get3A_657 : vector<16xf32>
        %mul3A_662 = arith.mulf %div3A_237, %get3A_660 : vector<16xf32>
        %add3A_663 = arith.addf %mul3A_661, %mul3A_662 : vector<16xf32>
        %add3A_664 = arith.addf %add3A_663, %get3A_357 : vector<16xf32>
        %add3A_665 = arith.constant 0 : i32
        %add3A_666 = arith.addi %add3A_665, %add3A_654 : i32
        %swap3A_667 = arith.index_cast %add3A_666 : i32 to index
        %swap3A_668 = tpu.vector_load %arg10[%swap3A_667] {strides = array<i32>} : memref<40960xf32, #tpu.memory_space<vmem>>, vector<16xf32>,
        %swap3A_669 = vector.shape_cast %swap3A_668 : vector<16xf32> to vector<16xf32>
        %swap3A_670 = vector.shape_cast %add3A_664 : vector<16xf32> to vector<16xf32>
        tpu.vector_store %arg10[%swap3A_667], %swap3A_670 {strides = array<i32>} : memref<40960xf32, #tpu.memory_space<vmem>>, vector<16xf32>,
        %add3A_671 = arith.addf %add3A_663, %get3A_362 : vector<16xf32>
        %add3A_672 = arith.constant 8192 : i32
        %add3A_673 = arith.addi %add3A_672, %add3A_654 : i32
        %swap3A_674 = arith.index_cast %add3A_673 : i32 to index
        %swap3A_675 = tpu.vector_load %arg10[%swap3A_674] {strides = array<i32>} : memref<40960xf32, #tpu.memory_space<vmem>>, vector<16xf32>,
        %swap3A_676 = vector.shape_cast %swap3A_675 : vector<16xf32> to vector<16xf32>
        %swap3A_677 = vector.shape_cast %add3A_671 : vector<16xf32> to vector<16xf32>
        tpu.vector_store %arg10[%swap3A_674], %swap3A_677 {strides = array<i32>} : memref<40960xf32, #tpu.memory_space<vmem>>, vector<16xf32>,
        %add3A_678 = arith.addf %add3A_663, %get3A_367 : vector<16xf32>
        %add3A_679 = arith.constant 16384 : i32
        %add3A_680 = arith.addi %add3A_679, %add3A_654 : i32
        %swap3A_681 = arith.index_cast %add3A_680 : i32 to index
        %swap3A_682 = tpu.vector_load %arg10[%swap3A_681] {strides = array<i32>} : memref<40960xf32, #tpu.memory_space<vmem>>, vector<16xf32>,
        %swap3A_683 = vector.shape_cast %swap3A_682 : vector<16xf32> to vector<16xf32>
        %swap3A_684 = vector.shape_cast %add3A_678 : vector<16xf32> to vector<16xf32>
        tpu.vector_store %arg10[%swap3A_681], %swap3A_684 {strides = array<i32>} : memref<40960xf32, #tpu.memory_space<vmem>>, vector<16xf32>,
        %add3A_685 = arith.addf %add3A_663, %get3A_372 : vector<16xf32>
        %add3A_686 = arith.constant 24576 : i32
        %add3A_687 = arith.addi %add3A_686, %add3A_654 : i32
        %swap3A_688 = arith.index_cast %add3A_687 : i32 to index
        %swap3A_689 = tpu.vector_load %arg10[%swap3A_688] {strides = array<i32>} : memref<40960xf32, #tpu.memory_space<vmem>>, vector<16xf32>,
        %swap3A_690 = vector.shape_cast %swap3A_689 : vector<16xf32> to vector<16xf32>
        %swap3A_691 = vector.shape_cast %add3A_685 : vector<16xf32> to vector<16xf32>
        tpu.vector_store %arg10[%swap3A_688], %swap3A_691 {strides = array<i32>} : memref<40960xf32, #tpu.memory_space<vmem>>, vector<16xf32>,
        %add3A_692 = arith.addf %add3A_663, %get3A_377 : vector<16xf32>
        %add3A_693 = arith.constant 32768 : i32
        %add3A_694 = arith.addi %add3A_693, %add3A_654 : i32
        %swap3A_695 = arith.index_cast %add3A_694 : i32 to index
        %swap3A_696 = tpu.vector_load %arg10[%swap3A_695] {strides = array<i32>} : memref<40960xf32, #tpu.memory_space<vmem>>, vector<16xf32>,
        %swap3A_697 = vector.shape_cast %swap3A_696 : vector<16xf32> to vector<16xf32>
        %swap3A_698 = vector.shape_cast %add3A_692 : vector<16xf32> to vector<16xf32>
        tpu.vector_store %arg10[%swap3A_695], %swap3A_698 {strides = array<i32>} : memref<40960xf32, #tpu.memory_space<vmem>>, vector<16xf32>,
        %add3A_699 = arith.constant 7168 : i32
        %add3A_700 = arith.addi %add3A_699, %mul3A_352 : i32
        %get3A_701 = arith.index_cast %add3A_700 : i32 to index
        %get3A_702 = tpu.vector_load %arg8[%get3A_701] {strides = array<i32>} : memref<8192xf32, #tpu.memory_space<vmem>>, vector<16xf32>,
        %get3A_703 = vector.shape_cast %get3A_702 : vector<16xf32> to vector<16xf32>
        %get3A_704 = arith.index_cast %add3A_700 : i32 to index
        %get3A_705 = tpu.vector_load %arg9[%get3A_704] {strides = array<i32>} : memref<8192xf32, #tpu.memory_space<vmem>>, vector<16xf32>,
        %get3A_706 = vector.shape_cast %get3A_705 : vector<16xf32> to vector<16xf32>
        %mul3A_707 = arith.mulf %sub3A_240, %get3A_703 : vector<16xf32>
        %mul3A_708 = arith.mulf %div3A_237, %get3A_706 : vector<16xf32>
        %add3A_709 = arith.addf %mul3A_707, %mul3A_708 : vector<16xf32>
        %add3A_710 = arith.addf %add3A_709, %get3A_357 : vector<16xf32>
        %add3A_711 = arith.constant 0 : i32
        %add3A_712 = arith.addi %add3A_711, %add3A_700 : i32
        %swap3A_713 = arith.index_cast %add3A_712 : i32 to index
        %swap3A_714 = tpu.vector_load %arg10[%swap3A_713] {strides = array<i32>} : memref<40960xf32, #tpu.memory_space<vmem>>, vector<16xf32>,
        %swap3A_715 = vector.shape_cast %swap3A_714 : vector<16xf32> to vector<16xf32>
        %swap3A_716 = vector.shape_cast %add3A_710 : vector<16xf32> to vector<16xf32>
        tpu.vector_store %arg10[%swap3A_713], %swap3A_716 {strides = array<i32>} : memref<40960xf32, #tpu.memory_space<vmem>>, vector<16xf32>,
        %add3A_717 = arith.addf %add3A_709, %get3A_362 : vector<16xf32>
        %add3A_718 = arith.constant 8192 : i32
        %add3A_719 = arith.addi %add3A_718, %add3A_700 : i32
        %swap3A_720 = arith.index_cast %add3A_719 : i32 to index
        %swap3A_721 = tpu.vector_load %arg10[%swap3A_720] {strides = array<i32>} : memref<40960xf32, #tpu.memory_space<vmem>>, vector<16xf32>,
        %swap3A_722 = vector.shape_cast %swap3A_721 : vector<16xf32> to vector<16xf32>
        %swap3A_723 = vector.shape_cast %add3A_717 : vector<16xf32> to vector<16xf32>
        tpu.vector_store %arg10[%swap3A_720], %swap3A_723 {strides = array<i32>} : memref<40960xf32, #tpu.memory_space<vmem>>, vector<16xf32>,
        %add3A_724 = arith.addf %add3A_709, %get3A_367 : vector<16xf32>
        %add3A_725 = arith.constant 16384 : i32
        %add3A_726 = arith.addi %add3A_725, %add3A_700 : i32
        %swap3A_727 = arith.index_cast %add3A_726 : i32 to index
        %swap3A_728 = tpu.vector_load %arg10[%swap3A_727] {strides = array<i32>} : memref<40960xf32, #tpu.memory_space<vmem>>, vector<16xf32>,
        %swap3A_729 = vector.shape_cast %swap3A_728 : vector<16xf32> to vector<16xf32>
        %swap3A_730 = vector.shape_cast %add3A_724 : vector<16xf32> to vector<16xf32>
        tpu.vector_store %arg10[%swap3A_727], %swap3A_730 {strides = array<i32>} : memref<40960xf32, #tpu.memory_space<vmem>>, vector<16xf32>,
        %add3A_731 = arith.addf %add3A_709, %get3A_372 : vector<16xf32>
        %add3A_732 = arith.constant 24576 : i32
        %add3A_733 = arith.addi %add3A_732, %add3A_700 : i32
        %swap3A_734 = arith.index_cast %add3A_733 : i32 to index
        %swap3A_735 = tpu.vector_load %arg10[%swap3A_734] {strides = array<i32>} : memref<40960xf32, #tpu.memory_space<vmem>>, vector<16xf32>,
        %swap3A_736 = vector.shape_cast %swap3A_735 : vector<16xf32> to vector<16xf32>
        %swap3A_737 = vector.shape_cast %add3A_731 : vector<16xf32> to vector<16xf32>
        tpu.vector_store %arg10[%swap3A_734], %swap3A_737 {strides = array<i32>} : memref<40960xf32, #tpu.memory_space<vmem>>, vector<16xf32>,
        %add3A_738 = arith.addf %add3A_709, %get3A_377 : vector<16xf32>
        %add3A_739 = arith.constant 32768 : i32
        %add3A_740 = arith.addi %add3A_739, %add3A_700 : i32
        %swap3A_741 = arith.index_cast %add3A_740 : i32 to index
        %swap3A_742 = tpu.vector_load %arg10[%swap3A_741] {strides = array<i32>} : memref<40960xf32, #tpu.memory_space<vmem>>, vector<16xf32>,
        %swap3A_743 = vector.shape_cast %swap3A_742 : vector<16xf32> to vector<16xf32>
        %swap3A_744 = vector.shape_cast %add3A_738 : vector<16xf32> to vector<16xf32>
        tpu.vector_store %arg10[%swap3A_741], %swap3A_744 {strides = array<i32>} : memref<40960xf32, #tpu.memory_space<vmem>>, vector<16xf32>,
      }
      %scan3A_345 = arith.constant 64 : i32
      %run_scoped3A = arith.constant 10 : i32
      "tpu.region"() ({
        %run_scoped3A_350 = tpu.sem_alloc : memref<!tpu.dma_semaphore, #tpu.memory_space<semaphore_mem>>
        %dma_start3A = arith.constant 0 : i32
        %dma_start3A_351 = tpu.memref_slice %arg10[%dma_start3A] : memref<40960xf32, #tpu.memory_space<vmem>> -> memref<8192xf32, #tpu.memory_space<vmem>>
        %dma_start3A_352 = tpu.memref_slice %arg5[%run_scoped3A, %add3A_339] : memref<20x2097152xf32, #tpu.memory_space<hbm>> -> memref<1x8192xf32, #tpu.memory_space<hbm>>
        %dma_start3A_353 = tpu.memref_squeeze %dma_start3A_352 : memref<1x8192xf32, #tpu.memory_space<hbm>> -> memref<8192xf32, #tpu.memory_space<hbm>>
        %dma_start3A_354 = tpu.memref_slice %arg5[%run_scoped3A, %add3A_339] : memref<20x2097152xf32, #tpu.memory_space<hbm>> -> memref<1x8192xf32, #tpu.memory_space<hbm>>
        %dma_start3A_355 = tpu.memref_squeeze %dma_start3A_354 : memref<1x8192xf32, #tpu.memory_space<hbm>> -> memref<8192xf32, #tpu.memory_space<hbm>>
        %dma_start3A_356 = arith.constant 0 : i32
        %dma_start3A_357 = tpu.memref_slice %arg10[%dma_start3A_356] : memref<40960xf32, #tpu.memory_space<vmem>> -> memref<8192xf32, #tpu.memory_space<vmem>>
        tpu.enqueue_dma source(%dma_start3A_357 : memref<8192xf32, #tpu.memory_space<vmem>>) target(%dma_start3A_355 : memref<8192xf32, #tpu.memory_space<hbm>>) target_semaphore(%run_scoped3A_350 : memref<!tpu.dma_semaphore, #tpu.memory_space<semaphore_mem>>)
        %dma_wait3A = arith.constant 0 : i32
        %dma_wait3A_358 = tpu.memref_slice %arg10[%dma_wait3A] : memref<40960xf32, #tpu.memory_space<vmem>> -> memref<8192xf32, #tpu.memory_space<vmem>>
        %dma_wait3A_359 = tpu.memref_slice %arg5[%run_scoped3A, %add3A_339] : memref<20x2097152xf32, #tpu.memory_space<hbm>> -> memref<1x8192xf32, #tpu.memory_space<hbm>>
        %dma_wait3A_360 = tpu.memref_squeeze %dma_wait3A_359 : memref<1x8192xf32, #tpu.memory_space<hbm>> -> memref<8192xf32, #tpu.memory_space<hbm>>
        %dma_wait3A_361 = tpu.memref_slice %arg5[%run_scoped3A, %add3A_339] : memref<20x2097152xf32, #tpu.memory_space<hbm>> -> memref<1x8192xf32, #tpu.memory_space<hbm>>
        %dma_wait3A_362 = tpu.memref_squeeze %dma_wait3A_361 : memref<1x8192xf32, #tpu.memory_space<hbm>> -> memref<8192xf32, #tpu.memory_space<hbm>>
        %dma_wait3A_363 = arith.constant 0 : i32
        %dma_wait3A_364 = tpu.memref_slice %arg10[%dma_wait3A_363] : memref<40960xf32, #tpu.memory_space<vmem>> -> memref<8192xf32, #tpu.memory_space<vmem>>
        tpu.wait_dma2 semaphore(%run_scoped3A_350 : memref<!tpu.dma_semaphore, #tpu.memory_space<semaphore_mem>>) src(%dma_wait3A_364 : memref<8192xf32, #tpu.memory_space<vmem>>) dst(%dma_wait3A_362 : memref<8192xf32, #tpu.memory_space<hbm>>)
        tpu.yield
      }) : () -> ()
      %run_scoped3A_346 = arith.constant 11 : i32
      "tpu.region"() ({
        %run_scoped3A_350 = tpu.sem_alloc : memref<!tpu.dma_semaphore, #tpu.memory_space<semaphore_mem>>
        %dma_start3A = arith.constant 8192 : i32
        %dma_start3A_351 = tpu.memref_slice %arg10[%dma_start3A] : memref<40960xf32, #tpu.memory_space<vmem>> -> memref<8192xf32, #tpu.memory_space<vmem>>
        %dma_start3A_352 = tpu.memref_slice %arg5[%run_scoped3A_346, %add3A_339] : memref<20x2097152xf32, #tpu.memory_space<hbm>> -> memref<1x8192xf32, #tpu.memory_space<hbm>>
        %dma_start3A_353 = tpu.memref_squeeze %dma_start3A_352 : memref<1x8192xf32, #tpu.memory_space<hbm>> -> memref<8192xf32, #tpu.memory_space<hbm>>
        %dma_start3A_354 = tpu.memref_slice %arg5[%run_scoped3A_346, %add3A_339] : memref<20x2097152xf32, #tpu.memory_space<hbm>> -> memref<1x8192xf32, #tpu.memory_space<hbm>>
        %dma_start3A_355 = tpu.memref_squeeze %dma_start3A_354 : memref<1x8192xf32, #tpu.memory_space<hbm>> -> memref<8192xf32, #tpu.memory_space<hbm>>
        %dma_start3A_356 = arith.constant 8192 : i32
        %dma_start3A_357 = tpu.memref_slice %arg10[%dma_start3A_356] : memref<40960xf32, #tpu.memory_space<vmem>> -> memref<8192xf32, #tpu.memory_space<vmem>>
        tpu.enqueue_dma source(%dma_start3A_357 : memref<8192xf32, #tpu.memory_space<vmem>>) target(%dma_start3A_355 : memref<8192xf32, #tpu.memory_space<hbm>>) target_semaphore(%run_scoped3A_350 : memref<!tpu.dma_semaphore, #tpu.memory_space<semaphore_mem>>)
        %dma_wait3A = arith.constant 8192 : i32
        %dma_wait3A_358 = tpu.memref_slice %arg10[%dma_wait3A] : memref<40960xf32, #tpu.memory_space<vmem>> -> memref<8192xf32, #tpu.memory_space<vmem>>
        %dma_wait3A_359 = tpu.memref_slice %arg5[%run_scoped3A_346, %add3A_339] : memref<20x2097152xf32, #tpu.memory_space<hbm>> -> memref<1x8192xf32, #tpu.memory_space<hbm>>
        %dma_wait3A_360 = tpu.memref_squeeze %dma_wait3A_359 : memref<1x8192xf32, #tpu.memory_space<hbm>> -> memref<8192xf32, #tpu.memory_space<hbm>>
        %dma_wait3A_361 = tpu.memref_slice %arg5[%run_scoped3A_346, %add3A_339] : memref<20x2097152xf32, #tpu.memory_space<hbm>> -> memref<1x8192xf32, #tpu.memory_space<hbm>>
        %dma_wait3A_362 = tpu.memref_squeeze %dma_wait3A_361 : memref<1x8192xf32, #tpu.memory_space<hbm>> -> memref<8192xf32, #tpu.memory_space<hbm>>
        %dma_wait3A_363 = arith.constant 8192 : i32
        %dma_wait3A_364 = tpu.memref_slice %arg10[%dma_wait3A_363] : memref<40960xf32, #tpu.memory_space<vmem>> -> memref<8192xf32, #tpu.memory_space<vmem>>
        tpu.wait_dma2 semaphore(%run_scoped3A_350 : memref<!tpu.dma_semaphore, #tpu.memory_space<semaphore_mem>>) src(%dma_wait3A_364 : memref<8192xf32, #tpu.memory_space<vmem>>) dst(%dma_wait3A_362 : memref<8192xf32, #tpu.memory_space<hbm>>)
        tpu.yield
      }) : () -> ()
      %run_scoped3A_347 = arith.constant 12 : i32
      "tpu.region"() ({
        %run_scoped3A_350 = tpu.sem_alloc : memref<!tpu.dma_semaphore, #tpu.memory_space<semaphore_mem>>
        %dma_start3A = arith.constant 16384 : i32
        %dma_start3A_351 = tpu.memref_slice %arg10[%dma_start3A] : memref<40960xf32, #tpu.memory_space<vmem>> -> memref<8192xf32, #tpu.memory_space<vmem>>
        %dma_start3A_352 = tpu.memref_slice %arg5[%run_scoped3A_347, %add3A_339] : memref<20x2097152xf32, #tpu.memory_space<hbm>> -> memref<1x8192xf32, #tpu.memory_space<hbm>>
        %dma_start3A_353 = tpu.memref_squeeze %dma_start3A_352 : memref<1x8192xf32, #tpu.memory_space<hbm>> -> memref<8192xf32, #tpu.memory_space<hbm>>
        %dma_start3A_354 = tpu.memref_slice %arg5[%run_scoped3A_347, %add3A_339] : memref<20x2097152xf32, #tpu.memory_space<hbm>> -> memref<1x8192xf32, #tpu.memory_space<hbm>>
        %dma_start3A_355 = tpu.memref_squeeze %dma_start3A_354 : memref<1x8192xf32, #tpu.memory_space<hbm>> -> memref<8192xf32, #tpu.memory_space<hbm>>
        %dma_start3A_356 = arith.constant 16384 : i32
        %dma_start3A_357 = tpu.memref_slice %arg10[%dma_start3A_356] : memref<40960xf32, #tpu.memory_space<vmem>> -> memref<8192xf32, #tpu.memory_space<vmem>>
        tpu.enqueue_dma source(%dma_start3A_357 : memref<8192xf32, #tpu.memory_space<vmem>>) target(%dma_start3A_355 : memref<8192xf32, #tpu.memory_space<hbm>>) target_semaphore(%run_scoped3A_350 : memref<!tpu.dma_semaphore, #tpu.memory_space<semaphore_mem>>)
        %dma_wait3A = arith.constant 16384 : i32
        %dma_wait3A_358 = tpu.memref_slice %arg10[%dma_wait3A] : memref<40960xf32, #tpu.memory_space<vmem>> -> memref<8192xf32, #tpu.memory_space<vmem>>
        %dma_wait3A_359 = tpu.memref_slice %arg5[%run_scoped3A_347, %add3A_339] : memref<20x2097152xf32, #tpu.memory_space<hbm>> -> memref<1x8192xf32, #tpu.memory_space<hbm>>
        %dma_wait3A_360 = tpu.memref_squeeze %dma_wait3A_359 : memref<1x8192xf32, #tpu.memory_space<hbm>> -> memref<8192xf32, #tpu.memory_space<hbm>>
        %dma_wait3A_361 = tpu.memref_slice %arg5[%run_scoped3A_347, %add3A_339] : memref<20x2097152xf32, #tpu.memory_space<hbm>> -> memref<1x8192xf32, #tpu.memory_space<hbm>>
        %dma_wait3A_362 = tpu.memref_squeeze %dma_wait3A_361 : memref<1x8192xf32, #tpu.memory_space<hbm>> -> memref<8192xf32, #tpu.memory_space<hbm>>
        %dma_wait3A_363 = arith.constant 16384 : i32
        %dma_wait3A_364 = tpu.memref_slice %arg10[%dma_wait3A_363] : memref<40960xf32, #tpu.memory_space<vmem>> -> memref<8192xf32, #tpu.memory_space<vmem>>
        tpu.wait_dma2 semaphore(%run_scoped3A_350 : memref<!tpu.dma_semaphore, #tpu.memory_space<semaphore_mem>>) src(%dma_wait3A_364 : memref<8192xf32, #tpu.memory_space<vmem>>) dst(%dma_wait3A_362 : memref<8192xf32, #tpu.memory_space<hbm>>)
        tpu.yield
      }) : () -> ()
      %run_scoped3A_348 = arith.constant 13 : i32
      "tpu.region"() ({
        %run_scoped3A_350 = tpu.sem_alloc : memref<!tpu.dma_semaphore, #tpu.memory_space<semaphore_mem>>
        %dma_start3A = arith.constant 24576 : i32
        %dma_start3A_351 = tpu.memref_slice %arg10[%dma_start3A] : memref<40960xf32, #tpu.memory_space<vmem>> -> memref<8192xf32, #tpu.memory_space<vmem>>
        %dma_start3A_352 = tpu.memref_slice %arg5[%run_scoped3A_348, %add3A_339] : memref<20x2097152xf32, #tpu.memory_space<hbm>> -> memref<1x8192xf32, #tpu.memory_space<hbm>>
        %dma_start3A_353 = tpu.memref_squeeze %dma_start3A_352 : memref<1x8192xf32, #tpu.memory_space<hbm>> -> memref<8192xf32, #tpu.memory_space<hbm>>
        %dma_start3A_354 = tpu.memref_slice %arg5[%run_scoped3A_348, %add3A_339] : memref<20x2097152xf32, #tpu.memory_space<hbm>> -> memref<1x8192xf32, #tpu.memory_space<hbm>>
        %dma_start3A_355 = tpu.memref_squeeze %dma_start3A_354 : memref<1x8192xf32, #tpu.memory_space<hbm>> -> memref<8192xf32, #tpu.memory_space<hbm>>
        %dma_start3A_356 = arith.constant 24576 : i32
        %dma_start3A_357 = tpu.memref_slice %arg10[%dma_start3A_356] : memref<40960xf32, #tpu.memory_space<vmem>> -> memref<8192xf32, #tpu.memory_space<vmem>>
        tpu.enqueue_dma source(%dma_start3A_357 : memref<8192xf32, #tpu.memory_space<vmem>>) target(%dma_start3A_355 : memref<8192xf32, #tpu.memory_space<hbm>>) target_semaphore(%run_scoped3A_350 : memref<!tpu.dma_semaphore, #tpu.memory_space<semaphore_mem>>)
        %dma_wait3A = arith.constant 24576 : i32
        %dma_wait3A_358 = tpu.memref_slice %arg10[%dma_wait3A] : memref<40960xf32, #tpu.memory_space<vmem>> -> memref<8192xf32, #tpu.memory_space<vmem>>
        %dma_wait3A_359 = tpu.memref_slice %arg5[%run_scoped3A_348, %add3A_339] : memref<20x2097152xf32, #tpu.memory_space<hbm>> -> memref<1x8192xf32, #tpu.memory_space<hbm>>
        %dma_wait3A_360 = tpu.memref_squeeze %dma_wait3A_359 : memref<1x8192xf32, #tpu.memory_space<hbm>> -> memref<8192xf32, #tpu.memory_space<hbm>>
        %dma_wait3A_361 = tpu.memref_slice %arg5[%run_scoped3A_348, %add3A_339] : memref<20x2097152xf32, #tpu.memory_space<hbm>> -> memref<1x8192xf32, #tpu.memory_space<hbm>>
        %dma_wait3A_362 = tpu.memref_squeeze %dma_wait3A_361 : memref<1x8192xf32, #tpu.memory_space<hbm>> -> memref<8192xf32, #tpu.memory_space<hbm>>
        %dma_wait3A_363 = arith.constant 24576 : i32
        %dma_wait3A_364 = tpu.memref_slice %arg10[%dma_wait3A_363] : memref<40960xf32, #tpu.memory_space<vmem>> -> memref<8192xf32, #tpu.memory_space<vmem>>
        tpu.wait_dma2 semaphore(%run_scoped3A_350 : memref<!tpu.dma_semaphore, #tpu.memory_space<semaphore_mem>>) src(%dma_wait3A_364 : memref<8192xf32, #tpu.memory_space<vmem>>) dst(%dma_wait3A_362 : memref<8192xf32, #tpu.memory_space<hbm>>)
        tpu.yield
      }) : () -> ()
      %run_scoped3A_349 = arith.constant 14 : i32
      "tpu.region"() ({
        %run_scoped3A_350 = tpu.sem_alloc : memref<!tpu.dma_semaphore, #tpu.memory_space<semaphore_mem>>
        %dma_start3A = arith.constant 32768 : i32
        %dma_start3A_351 = tpu.memref_slice %arg10[%dma_start3A] : memref<40960xf32, #tpu.memory_space<vmem>> -> memref<8192xf32, #tpu.memory_space<vmem>>
        %dma_start3A_352 = tpu.memref_slice %arg5[%run_scoped3A_349, %add3A_339] : memref<20x2097152xf32, #tpu.memory_space<hbm>> -> memref<1x8192xf32, #tpu.memory_space<hbm>>
        %dma_start3A_353 = tpu.memref_squeeze %dma_start3A_352 : memref<1x8192xf32, #tpu.memory_space<hbm>> -> memref<8192xf32, #tpu.memory_space<hbm>>
        %dma_start3A_354 = tpu.memref_slice %arg5[%run_scoped3A_349, %add3A_339] : memref<20x2097152xf32, #tpu.memory_space<hbm>> -> memref<1x8192xf32, #tpu.memory_space<hbm>>
        %dma_start3A_355 = tpu.memref_squeeze %dma_start3A_354 : memref<1x8192xf32, #tpu.memory_space<hbm>> -> memref<8192xf32, #tpu.memory_space<hbm>>
        %dma_start3A_356 = arith.constant 32768 : i32
        %dma_start3A_357 = tpu.memref_slice %arg10[%dma_start3A_356] : memref<40960xf32, #tpu.memory_space<vmem>> -> memref<8192xf32, #tpu.memory_space<vmem>>
        tpu.enqueue_dma source(%dma_start3A_357 : memref<8192xf32, #tpu.memory_space<vmem>>) target(%dma_start3A_355 : memref<8192xf32, #tpu.memory_space<hbm>>) target_semaphore(%run_scoped3A_350 : memref<!tpu.dma_semaphore, #tpu.memory_space<semaphore_mem>>)
        %dma_wait3A = arith.constant 32768 : i32
        %dma_wait3A_358 = tpu.memref_slice %arg10[%dma_wait3A] : memref<40960xf32, #tpu.memory_space<vmem>> -> memref<8192xf32, #tpu.memory_space<vmem>>
        %dma_wait3A_359 = tpu.memref_slice %arg5[%run_scoped3A_349, %add3A_339] : memref<20x2097152xf32, #tpu.memory_space<hbm>> -> memref<1x8192xf32, #tpu.memory_space<hbm>>
        %dma_wait3A_360 = tpu.memref_squeeze %dma_wait3A_359 : memref<1x8192xf32, #tpu.memory_space<hbm>> -> memref<8192xf32, #tpu.memory_space<hbm>>
        %dma_wait3A_361 = tpu.memref_slice %arg5[%run_scoped3A_349, %add3A_339] : memref<20x2097152xf32, #tpu.memory_space<hbm>> -> memref<1x8192xf32, #tpu.memory_space<hbm>>
        %dma_wait3A_362 = tpu.memref_squeeze %dma_wait3A_361 : memref<1x8192xf32, #tpu.memory_space<hbm>> -> memref<8192xf32, #tpu.memory_space<hbm>>
        %dma_wait3A_363 = arith.constant 32768 : i32
        %dma_wait3A_364 = tpu.memref_slice %arg10[%dma_wait3A_363] : memref<40960xf32, #tpu.memory_space<vmem>> -> memref<8192xf32, #tpu.memory_space<vmem>>
        tpu.wait_dma2 semaphore(%run_scoped3A_350 : memref<!tpu.dma_semaphore, #tpu.memory_space<semaphore_mem>>) src(%dma_wait3A_364 : memref<8192xf32, #tpu.memory_space<vmem>>) dst(%dma_wait3A_362 : memref<8192xf32, #tpu.memory_space<hbm>>)
        tpu.yield
      }) : () -> ()
    }
    %scan3A_250 = arith.constant 8 : i32
    %slice3A_251 = vector.extract_strided_slice %get3A_4 {offsets = [15], sizes = [1], strides = [1]} : vector<16xf32> to vector<1xf32>
    %squeeze3A_252 = vector.extract %slice3A_251[0] : f32 from vector<1xf32>
    %slice3A_253 = vector.extract_strided_slice %get3A_7 {offsets = [0], sizes = [1], strides = [1]} : vector<16xf32> to vector<1xf32>
    %squeeze3A_254 = vector.extract %slice3A_253[0] : f32 from vector<1xf32>
    %slice3A_255 = vector.extract_strided_slice %get3A_7 {offsets = [1], sizes = [1], strides = [1]} : vector<16xf32> to vector<1xf32>
    %squeeze3A_256 = vector.extract %slice3A_255[0] : f32 from vector<1xf32>
    %slice3A_257 = vector.extract_strided_slice %get3A_7 {offsets = [2], sizes = [1], strides = [1]} : vector<16xf32> to vector<1xf32>
    %squeeze3A_258 = vector.extract %slice3A_257[0] : f32 from vector<1xf32>
    %slice3A_259 = vector.extract_strided_slice %get3A_7 {offsets = [3], sizes = [1], strides = [1]} : vector<16xf32> to vector<1xf32>
    %squeeze3A_260 = vector.extract %slice3A_259[0] : f32 from vector<1xf32>
    %gt3A_261 = arith.cmpf ogt, %squeeze3A_254, %squeeze3A_252 : f32
    %select_n3A_262 = arith.select %gt3A_261, %squeeze3A_254, %squeeze3A_252 : f32
    %jit3A_263 = arith.constant 1 : i32
    %jit3A_264 = arith.constant 0 : i32
    %select_n3A_265 = arith.select %gt3A_261, %jit3A_263, %jit3A_264 : i32
    %gt3A_266 = arith.cmpf ogt, %squeeze3A_256, %select_n3A_262 : f32
    %select_n3A_267 = arith.select %gt3A_266, %squeeze3A_256, %select_n3A_262 : f32
    %jit3A_268 = arith.constant 2 : i32
    %select_n3A_269 = arith.select %gt3A_266, %jit3A_268, %select_n3A_265 : i32
    %gt3A_270 = arith.cmpf ogt, %squeeze3A_258, %select_n3A_267 : f32
    %select_n3A_271 = arith.select %gt3A_270, %squeeze3A_258, %select_n3A_267 : f32
    %jit3A_272 = arith.constant 3 : i32
    %select_n3A_273 = arith.select %gt3A_270, %jit3A_272, %select_n3A_269 : i32
    %gt3A_274 = arith.cmpf ogt, %squeeze3A_260, %select_n3A_271 : f32
    %select_n3A_275 = arith.select %gt3A_274, %squeeze3A_260, %select_n3A_271 : f32
    %jit3A_276 = arith.constant 4 : i32
    %select_n3A_277 = arith.select %gt3A_274, %jit3A_276, %select_n3A_273 : i32
    %ne3A_278 = arith.constant 0 : i32
    %ne3A_279 = arith.cmpi ne, %ne3A_278, %select_n3A_277 : i32
    %gt3A_280 = arith.constant 0xFF800000 : f32
    %gt3A_281 = arith.cmpf ogt, %squeeze3A_252, %gt3A_280 : f32
    %and3A_282 = arith.andi %ne3A_279, %gt3A_281 : i1
    %jit3A_283 = arith.constant 0xFF800000 : f32
    %select_n3A_284 = arith.select %and3A_282, %squeeze3A_252, %jit3A_283 : f32
    %jit3A_285 = arith.constant 0 : i32
    %jit3A_286 = arith.constant 0 : i32
    %select_n3A_287 = arith.select %and3A_282, %jit3A_285, %jit3A_286 : i32
    %ne3A_288 = arith.constant 1 : i32
    %ne3A_289 = arith.cmpi ne, %ne3A_288, %select_n3A_277 : i32
    %gt3A_290 = arith.cmpf ogt, %squeeze3A_254, %select_n3A_284 : f32
    %and3A_291 = arith.andi %ne3A_289, %gt3A_290 : i1
    %select_n3A_292 = arith.select %and3A_291, %squeeze3A_254, %select_n3A_284 : f32
    %jit3A_293 = arith.constant 1 : i32
    %select_n3A_294 = arith.select %and3A_291, %jit3A_293, %select_n3A_287 : i32
    %ne3A_295 = arith.constant 2 : i32
    %ne3A_296 = arith.cmpi ne, %ne3A_295, %select_n3A_277 : i32
    %gt3A_297 = arith.cmpf ogt, %squeeze3A_256, %select_n3A_292 : f32
    %and3A_298 = arith.andi %ne3A_296, %gt3A_297 : i1
    %select_n3A_299 = arith.select %and3A_298, %squeeze3A_256, %select_n3A_292 : f32
    %jit3A_300 = arith.constant 2 : i32
    %select_n3A_301 = arith.select %and3A_298, %jit3A_300, %select_n3A_294 : i32
    %ne3A_302 = arith.constant 3 : i32
    %ne3A_303 = arith.cmpi ne, %ne3A_302, %select_n3A_277 : i32
    %gt3A_304 = arith.cmpf ogt, %squeeze3A_258, %select_n3A_299 : f32
    %and3A_305 = arith.andi %ne3A_303, %gt3A_304 : i1
    %select_n3A_306 = arith.select %and3A_305, %squeeze3A_258, %select_n3A_299 : f32
    %jit3A_307 = arith.constant 3 : i32
    %select_n3A_308 = arith.select %and3A_305, %jit3A_307, %select_n3A_301 : i32
    %ne3A_309 = arith.constant 4 : i32
    %ne3A_310 = arith.cmpi ne, %ne3A_309, %select_n3A_277 : i32
    %gt3A_311 = arith.cmpf ogt, %squeeze3A_260, %select_n3A_306 : f32
    %and3A_312 = arith.andi %ne3A_310, %gt3A_311 : i1
    %select_n3A_313 = arith.select %and3A_312, %squeeze3A_260, %select_n3A_306 : f32
    %jit3A_314 = arith.constant 4 : i32
    %select_n3A_315 = arith.select %and3A_312, %jit3A_314, %select_n3A_308 : i32
    %sub3A_316 = arith.subf %select_n3A_313, %select_n3A_275 : f32
    %broadcast_in_dim3A_317 = vector.broadcast %sub3A_316 : f32 to vector<16xf32>
    %exp3A_318 = math.exp %broadcast_in_dim3A_317 : vector<16xf32>
    %add3A_319 = arith.constant 1.000000e+00 : f32
    %add3A_320 = vector.broadcast %add3A_319 : f32 to vector<16xf32>
    %add3A_321 = arith.addf %add3A_320, %exp3A_318 : vector<16xf32>
    %div3A_322 = arith.divf %exp3A_318, %add3A_321 : vector<16xf32>
    %sub3A_323 = arith.constant 1.000000e+00 : f32
    %sub3A_324 = vector.broadcast %sub3A_323 : f32 to vector<16xf32>
    %sub3A_325 = arith.subf %sub3A_324, %div3A_322 : vector<16xf32>
    %add3A_326 = arith.constant 15 : i32
    %add3A_327 = arith.addi %add3A_326, %select_n3A_277 : i32
    %add3A_328 = arith.constant 15 : i32
    %add3A_329 = arith.addi %add3A_328, %select_n3A_315 : i32
    %scan3A_330 = arith.constant 0 : i32
    %scan3A_331 = arith.constant 0 : i32
    %scan3A_332 = arith.constant 8 : i32
    %scan3A_333 = arith.addi %scan3A_331, %scan3A_332 : i32
    %scan3A_334 = arith.constant 1 : i32
    scf.for %scan3A_336 = %scan3A_331 to %scan3A_333 step %scan3A_334  : i32 {
      %mul3A_337 = arith.constant 8192 : i32
      %mul3A_338 = arith.muli %scan3A_336, %mul3A_337 : i32
      %add3A_339 = arith.addi %mul3A_2, %mul3A_338 : i32
      "tpu.region"() ({
        %run_scoped3A_350 = tpu.sem_alloc : memref<!tpu.dma_semaphore, #tpu.memory_space<semaphore_mem>>
        %dma_start3A = tpu.memref_slice %arg2[%add3A_327, %add3A_339] : memref<20x2097152xf32, #tpu.memory_space<hbm>> -> memref<1x8192xf32, #tpu.memory_space<hbm>>
        %dma_start3A_351 = tpu.memref_squeeze %dma_start3A : memref<1x8192xf32, #tpu.memory_space<hbm>> -> memref<8192xf32, #tpu.memory_space<hbm>>
        %dma_start3A_352 = tpu.memref_slice %arg2[%add3A_327, %add3A_339] : memref<20x2097152xf32, #tpu.memory_space<hbm>> -> memref<1x8192xf32, #tpu.memory_space<hbm>>
        %dma_start3A_353 = tpu.memref_squeeze %dma_start3A_352 : memref<1x8192xf32, #tpu.memory_space<hbm>> -> memref<8192xf32, #tpu.memory_space<hbm>>
        tpu.enqueue_dma source(%dma_start3A_353 : memref<8192xf32, #tpu.memory_space<hbm>>) target(%arg8 : memref<8192xf32, #tpu.memory_space<vmem>>) target_semaphore(%run_scoped3A_350 : memref<!tpu.dma_semaphore, #tpu.memory_space<semaphore_mem>>)
        %dma_wait3A = tpu.memref_slice %arg2[%add3A_327, %add3A_339] : memref<20x2097152xf32, #tpu.memory_space<hbm>> -> memref<1x8192xf32, #tpu.memory_space<hbm>>
        %dma_wait3A_354 = tpu.memref_squeeze %dma_wait3A : memref<1x8192xf32, #tpu.memory_space<hbm>> -> memref<8192xf32, #tpu.memory_space<hbm>>
        %dma_wait3A_355 = tpu.memref_slice %arg2[%add3A_327, %add3A_339] : memref<20x2097152xf32, #tpu.memory_space<hbm>> -> memref<1x8192xf32, #tpu.memory_space<hbm>>
        %dma_wait3A_356 = tpu.memref_squeeze %dma_wait3A_355 : memref<1x8192xf32, #tpu.memory_space<hbm>> -> memref<8192xf32, #tpu.memory_space<hbm>>
        tpu.wait_dma2 semaphore(%run_scoped3A_350 : memref<!tpu.dma_semaphore, #tpu.memory_space<semaphore_mem>>) src(%dma_wait3A_356 : memref<8192xf32, #tpu.memory_space<hbm>>) dst(%arg8 : memref<8192xf32, #tpu.memory_space<vmem>>)
        tpu.yield
      }) : () -> ()
      "tpu.region"() ({
        %run_scoped3A_350 = tpu.sem_alloc : memref<!tpu.dma_semaphore, #tpu.memory_space<semaphore_mem>>
        %dma_start3A = tpu.memref_slice %arg2[%add3A_329, %add3A_339] : memref<20x2097152xf32, #tpu.memory_space<hbm>> -> memref<1x8192xf32, #tpu.memory_space<hbm>>
        %dma_start3A_351 = tpu.memref_squeeze %dma_start3A : memref<1x8192xf32, #tpu.memory_space<hbm>> -> memref<8192xf32, #tpu.memory_space<hbm>>
        %dma_start3A_352 = tpu.memref_slice %arg2[%add3A_329, %add3A_339] : memref<20x2097152xf32, #tpu.memory_space<hbm>> -> memref<1x8192xf32, #tpu.memory_space<hbm>>
        %dma_start3A_353 = tpu.memref_squeeze %dma_start3A_352 : memref<1x8192xf32, #tpu.memory_space<hbm>> -> memref<8192xf32, #tpu.memory_space<hbm>>
        tpu.enqueue_dma source(%dma_start3A_353 : memref<8192xf32, #tpu.memory_space<hbm>>) target(%arg9 : memref<8192xf32, #tpu.memory_space<vmem>>) target_semaphore(%run_scoped3A_350 : memref<!tpu.dma_semaphore, #tpu.memory_space<semaphore_mem>>)
        %dma_wait3A = tpu.memref_slice %arg2[%add3A_329, %add3A_339] : memref<20x2097152xf32, #tpu.memory_space<hbm>> -> memref<1x8192xf32, #tpu.memory_space<hbm>>
        %dma_wait3A_354 = tpu.memref_squeeze %dma_wait3A : memref<1x8192xf32, #tpu.memory_space<hbm>> -> memref<8192xf32, #tpu.memory_space<hbm>>
        %dma_wait3A_355 = tpu.memref_slice %arg2[%add3A_329, %add3A_339] : memref<20x2097152xf32, #tpu.memory_space<hbm>> -> memref<1x8192xf32, #tpu.memory_space<hbm>>
        %dma_wait3A_356 = tpu.memref_squeeze %dma_wait3A_355 : memref<1x8192xf32, #tpu.memory_space<hbm>> -> memref<8192xf32, #tpu.memory_space<hbm>>
        tpu.wait_dma2 semaphore(%run_scoped3A_350 : memref<!tpu.dma_semaphore, #tpu.memory_space<semaphore_mem>>) src(%dma_wait3A_356 : memref<8192xf32, #tpu.memory_space<hbm>>) dst(%arg9 : memref<8192xf32, #tpu.memory_space<vmem>>)
        tpu.yield
      }) : () -> ()
      %scan3A_340 = arith.constant 0 : i32
      %scan3A_341 = arith.constant 0 : i32
      %scan3A_342 = arith.constant 64 : i32
      %scan3A_343 = arith.addi %scan3A_341, %scan3A_342 : i32
      %scan3A_344 = arith.constant 1 : i32
      scf.for %scan3A_350 = %scan3A_341 to %scan3A_343 step %scan3A_344  : i32 {
        %mul3A_351 = arith.constant 16 : i32
        %mul3A_352 = arith.muli %scan3A_350, %mul3A_351 : i32
        %add3A_353 = arith.constant 0 : i32
        %add3A_354 = arith.addi %add3A_353, %mul3A_352 : i32
        %get3A_355 = arith.index_cast %add3A_354 : i32 to index
        %get3A_356 = tpu.vector_load %arg7[%get3A_355] {strides = array<i32>} : memref<5120xf32, #tpu.memory_space<vmem>>, vector<16xf32>,
        %get3A_357 = vector.shape_cast %get3A_356 : vector<16xf32> to vector<16xf32>
        %add3A_358 = arith.constant 1024 : i32
        %add3A_359 = arith.addi %add3A_358, %mul3A_352 : i32
        %get3A_360 = arith.index_cast %add3A_359 : i32 to index
        %get3A_361 = tpu.vector_load %arg7[%get3A_360] {strides = array<i32>} : memref<5120xf32, #tpu.memory_space<vmem>>, vector<16xf32>,
        %get3A_362 = vector.shape_cast %get3A_361 : vector<16xf32> to vector<16xf32>
        %add3A_363 = arith.constant 2048 : i32
        %add3A_364 = arith.addi %add3A_363, %mul3A_352 : i32
        %get3A_365 = arith.index_cast %add3A_364 : i32 to index
        %get3A_366 = tpu.vector_load %arg7[%get3A_365] {strides = array<i32>} : memref<5120xf32, #tpu.memory_space<vmem>>, vector<16xf32>,
        %get3A_367 = vector.shape_cast %get3A_366 : vector<16xf32> to vector<16xf32>
        %add3A_368 = arith.constant 3072 : i32
        %add3A_369 = arith.addi %add3A_368, %mul3A_352 : i32
        %get3A_370 = arith.index_cast %add3A_369 : i32 to index
        %get3A_371 = tpu.vector_load %arg7[%get3A_370] {strides = array<i32>} : memref<5120xf32, #tpu.memory_space<vmem>>, vector<16xf32>,
        %get3A_372 = vector.shape_cast %get3A_371 : vector<16xf32> to vector<16xf32>
        %add3A_373 = arith.constant 4096 : i32
        %add3A_374 = arith.addi %add3A_373, %mul3A_352 : i32
        %get3A_375 = arith.index_cast %add3A_374 : i32 to index
        %get3A_376 = tpu.vector_load %arg7[%get3A_375] {strides = array<i32>} : memref<5120xf32, #tpu.memory_space<vmem>>, vector<16xf32>,
        %get3A_377 = vector.shape_cast %get3A_376 : vector<16xf32> to vector<16xf32>
        %add3A_378 = arith.constant 0 : i32
        %add3A_379 = arith.addi %add3A_378, %mul3A_352 : i32
        %get3A_380 = arith.index_cast %add3A_379 : i32 to index
        %get3A_381 = tpu.vector_load %arg8[%get3A_380] {strides = array<i32>} : memref<8192xf32, #tpu.memory_space<vmem>>, vector<16xf32>,
        %get3A_382 = vector.shape_cast %get3A_381 : vector<16xf32> to vector<16xf32>
        %get3A_383 = arith.index_cast %add3A_379 : i32 to index
        %get3A_384 = tpu.vector_load %arg9[%get3A_383] {strides = array<i32>} : memref<8192xf32, #tpu.memory_space<vmem>>, vector<16xf32>,
        %get3A_385 = vector.shape_cast %get3A_384 : vector<16xf32> to vector<16xf32>
        %mul3A_386 = arith.mulf %sub3A_325, %get3A_382 : vector<16xf32>
        %mul3A_387 = arith.mulf %div3A_322, %get3A_385 : vector<16xf32>
        %add3A_388 = arith.addf %mul3A_386, %mul3A_387 : vector<16xf32>
        %add3A_389 = arith.addf %add3A_388, %get3A_357 : vector<16xf32>
        %add3A_390 = arith.constant 0 : i32
        %add3A_391 = arith.addi %add3A_390, %add3A_379 : i32
        %swap3A = arith.index_cast %add3A_391 : i32 to index
        %swap3A_392 = tpu.vector_load %arg10[%swap3A] {strides = array<i32>} : memref<40960xf32, #tpu.memory_space<vmem>>, vector<16xf32>,
        %swap3A_393 = vector.shape_cast %swap3A_392 : vector<16xf32> to vector<16xf32>
        %swap3A_394 = vector.shape_cast %add3A_389 : vector<16xf32> to vector<16xf32>
        tpu.vector_store %arg10[%swap3A], %swap3A_394 {strides = array<i32>} : memref<40960xf32, #tpu.memory_space<vmem>>, vector<16xf32>,
        %add3A_395 = arith.addf %add3A_388, %get3A_362 : vector<16xf32>
        %add3A_396 = arith.constant 8192 : i32
        %add3A_397 = arith.addi %add3A_396, %add3A_379 : i32
        %swap3A_398 = arith.index_cast %add3A_397 : i32 to index
        %swap3A_399 = tpu.vector_load %arg10[%swap3A_398] {strides = array<i32>} : memref<40960xf32, #tpu.memory_space<vmem>>, vector<16xf32>,
        %swap3A_400 = vector.shape_cast %swap3A_399 : vector<16xf32> to vector<16xf32>
        %swap3A_401 = vector.shape_cast %add3A_395 : vector<16xf32> to vector<16xf32>
        tpu.vector_store %arg10[%swap3A_398], %swap3A_401 {strides = array<i32>} : memref<40960xf32, #tpu.memory_space<vmem>>, vector<16xf32>,
        %add3A_402 = arith.addf %add3A_388, %get3A_367 : vector<16xf32>
        %add3A_403 = arith.constant 16384 : i32
        %add3A_404 = arith.addi %add3A_403, %add3A_379 : i32
        %swap3A_405 = arith.index_cast %add3A_404 : i32 to index
        %swap3A_406 = tpu.vector_load %arg10[%swap3A_405] {strides = array<i32>} : memref<40960xf32, #tpu.memory_space<vmem>>, vector<16xf32>,
        %swap3A_407 = vector.shape_cast %swap3A_406 : vector<16xf32> to vector<16xf32>
        %swap3A_408 = vector.shape_cast %add3A_402 : vector<16xf32> to vector<16xf32>
        tpu.vector_store %arg10[%swap3A_405], %swap3A_408 {strides = array<i32>} : memref<40960xf32, #tpu.memory_space<vmem>>, vector<16xf32>,
        %add3A_409 = arith.addf %add3A_388, %get3A_372 : vector<16xf32>
        %add3A_410 = arith.constant 24576 : i32
        %add3A_411 = arith.addi %add3A_410, %add3A_379 : i32
        %swap3A_412 = arith.index_cast %add3A_411 : i32 to index
        %swap3A_413 = tpu.vector_load %arg10[%swap3A_412] {strides = array<i32>} : memref<40960xf32, #tpu.memory_space<vmem>>, vector<16xf32>,
        %swap3A_414 = vector.shape_cast %swap3A_413 : vector<16xf32> to vector<16xf32>
        %swap3A_415 = vector.shape_cast %add3A_409 : vector<16xf32> to vector<16xf32>
        tpu.vector_store %arg10[%swap3A_412], %swap3A_415 {strides = array<i32>} : memref<40960xf32, #tpu.memory_space<vmem>>, vector<16xf32>,
        %add3A_416 = arith.addf %add3A_388, %get3A_377 : vector<16xf32>
        %add3A_417 = arith.constant 32768 : i32
        %add3A_418 = arith.addi %add3A_417, %add3A_379 : i32
        %swap3A_419 = arith.index_cast %add3A_418 : i32 to index
        %swap3A_420 = tpu.vector_load %arg10[%swap3A_419] {strides = array<i32>} : memref<40960xf32, #tpu.memory_space<vmem>>, vector<16xf32>,
        %swap3A_421 = vector.shape_cast %swap3A_420 : vector<16xf32> to vector<16xf32>
        %swap3A_422 = vector.shape_cast %add3A_416 : vector<16xf32> to vector<16xf32>
        tpu.vector_store %arg10[%swap3A_419], %swap3A_422 {strides = array<i32>} : memref<40960xf32, #tpu.memory_space<vmem>>, vector<16xf32>,
        %add3A_423 = arith.constant 1024 : i32
        %add3A_424 = arith.addi %add3A_423, %mul3A_352 : i32
        %get3A_425 = arith.index_cast %add3A_424 : i32 to index
        %get3A_426 = tpu.vector_load %arg8[%get3A_425] {strides = array<i32>} : memref<8192xf32, #tpu.memory_space<vmem>>, vector<16xf32>,
        %get3A_427 = vector.shape_cast %get3A_426 : vector<16xf32> to vector<16xf32>
        %get3A_428 = arith.index_cast %add3A_424 : i32 to index
        %get3A_429 = tpu.vector_load %arg9[%get3A_428] {strides = array<i32>} : memref<8192xf32, #tpu.memory_space<vmem>>, vector<16xf32>,
        %get3A_430 = vector.shape_cast %get3A_429 : vector<16xf32> to vector<16xf32>
        %mul3A_431 = arith.mulf %sub3A_325, %get3A_427 : vector<16xf32>
        %mul3A_432 = arith.mulf %div3A_322, %get3A_430 : vector<16xf32>
        %add3A_433 = arith.addf %mul3A_431, %mul3A_432 : vector<16xf32>
        %add3A_434 = arith.addf %add3A_433, %get3A_357 : vector<16xf32>
        %add3A_435 = arith.constant 0 : i32
        %add3A_436 = arith.addi %add3A_435, %add3A_424 : i32
        %swap3A_437 = arith.index_cast %add3A_436 : i32 to index
        %swap3A_438 = tpu.vector_load %arg10[%swap3A_437] {strides = array<i32>} : memref<40960xf32, #tpu.memory_space<vmem>>, vector<16xf32>,
        %swap3A_439 = vector.shape_cast %swap3A_438 : vector<16xf32> to vector<16xf32>
        %swap3A_440 = vector.shape_cast %add3A_434 : vector<16xf32> to vector<16xf32>
        tpu.vector_store %arg10[%swap3A_437], %swap3A_440 {strides = array<i32>} : memref<40960xf32, #tpu.memory_space<vmem>>, vector<16xf32>,
        %add3A_441 = arith.addf %add3A_433, %get3A_362 : vector<16xf32>
        %add3A_442 = arith.constant 8192 : i32
        %add3A_443 = arith.addi %add3A_442, %add3A_424 : i32
        %swap3A_444 = arith.index_cast %add3A_443 : i32 to index
        %swap3A_445 = tpu.vector_load %arg10[%swap3A_444] {strides = array<i32>} : memref<40960xf32, #tpu.memory_space<vmem>>, vector<16xf32>,
        %swap3A_446 = vector.shape_cast %swap3A_445 : vector<16xf32> to vector<16xf32>
        %swap3A_447 = vector.shape_cast %add3A_441 : vector<16xf32> to vector<16xf32>
        tpu.vector_store %arg10[%swap3A_444], %swap3A_447 {strides = array<i32>} : memref<40960xf32, #tpu.memory_space<vmem>>, vector<16xf32>,
        %add3A_448 = arith.addf %add3A_433, %get3A_367 : vector<16xf32>
        %add3A_449 = arith.constant 16384 : i32
        %add3A_450 = arith.addi %add3A_449, %add3A_424 : i32
        %swap3A_451 = arith.index_cast %add3A_450 : i32 to index
        %swap3A_452 = tpu.vector_load %arg10[%swap3A_451] {strides = array<i32>} : memref<40960xf32, #tpu.memory_space<vmem>>, vector<16xf32>,
        %swap3A_453 = vector.shape_cast %swap3A_452 : vector<16xf32> to vector<16xf32>
        %swap3A_454 = vector.shape_cast %add3A_448 : vector<16xf32> to vector<16xf32>
        tpu.vector_store %arg10[%swap3A_451], %swap3A_454 {strides = array<i32>} : memref<40960xf32, #tpu.memory_space<vmem>>, vector<16xf32>,
        %add3A_455 = arith.addf %add3A_433, %get3A_372 : vector<16xf32>
        %add3A_456 = arith.constant 24576 : i32
        %add3A_457 = arith.addi %add3A_456, %add3A_424 : i32
        %swap3A_458 = arith.index_cast %add3A_457 : i32 to index
        %swap3A_459 = tpu.vector_load %arg10[%swap3A_458] {strides = array<i32>} : memref<40960xf32, #tpu.memory_space<vmem>>, vector<16xf32>,
        %swap3A_460 = vector.shape_cast %swap3A_459 : vector<16xf32> to vector<16xf32>
        %swap3A_461 = vector.shape_cast %add3A_455 : vector<16xf32> to vector<16xf32>
        tpu.vector_store %arg10[%swap3A_458], %swap3A_461 {strides = array<i32>} : memref<40960xf32, #tpu.memory_space<vmem>>, vector<16xf32>,
        %add3A_462 = arith.addf %add3A_433, %get3A_377 : vector<16xf32>
        %add3A_463 = arith.constant 32768 : i32
        %add3A_464 = arith.addi %add3A_463, %add3A_424 : i32
        %swap3A_465 = arith.index_cast %add3A_464 : i32 to index
        %swap3A_466 = tpu.vector_load %arg10[%swap3A_465] {strides = array<i32>} : memref<40960xf32, #tpu.memory_space<vmem>>, vector<16xf32>,
        %swap3A_467 = vector.shape_cast %swap3A_466 : vector<16xf32> to vector<16xf32>
        %swap3A_468 = vector.shape_cast %add3A_462 : vector<16xf32> to vector<16xf32>
        tpu.vector_store %arg10[%swap3A_465], %swap3A_468 {strides = array<i32>} : memref<40960xf32, #tpu.memory_space<vmem>>, vector<16xf32>,
        %add3A_469 = arith.constant 2048 : i32
        %add3A_470 = arith.addi %add3A_469, %mul3A_352 : i32
        %get3A_471 = arith.index_cast %add3A_470 : i32 to index
        %get3A_472 = tpu.vector_load %arg8[%get3A_471] {strides = array<i32>} : memref<8192xf32, #tpu.memory_space<vmem>>, vector<16xf32>,
        %get3A_473 = vector.shape_cast %get3A_472 : vector<16xf32> to vector<16xf32>
        %get3A_474 = arith.index_cast %add3A_470 : i32 to index
        %get3A_475 = tpu.vector_load %arg9[%get3A_474] {strides = array<i32>} : memref<8192xf32, #tpu.memory_space<vmem>>, vector<16xf32>,
        %get3A_476 = vector.shape_cast %get3A_475 : vector<16xf32> to vector<16xf32>
        %mul3A_477 = arith.mulf %sub3A_325, %get3A_473 : vector<16xf32>
        %mul3A_478 = arith.mulf %div3A_322, %get3A_476 : vector<16xf32>
        %add3A_479 = arith.addf %mul3A_477, %mul3A_478 : vector<16xf32>
        %add3A_480 = arith.addf %add3A_479, %get3A_357 : vector<16xf32>
        %add3A_481 = arith.constant 0 : i32
        %add3A_482 = arith.addi %add3A_481, %add3A_470 : i32
        %swap3A_483 = arith.index_cast %add3A_482 : i32 to index
        %swap3A_484 = tpu.vector_load %arg10[%swap3A_483] {strides = array<i32>} : memref<40960xf32, #tpu.memory_space<vmem>>, vector<16xf32>,
        %swap3A_485 = vector.shape_cast %swap3A_484 : vector<16xf32> to vector<16xf32>
        %swap3A_486 = vector.shape_cast %add3A_480 : vector<16xf32> to vector<16xf32>
        tpu.vector_store %arg10[%swap3A_483], %swap3A_486 {strides = array<i32>} : memref<40960xf32, #tpu.memory_space<vmem>>, vector<16xf32>,
        %add3A_487 = arith.addf %add3A_479, %get3A_362 : vector<16xf32>
        %add3A_488 = arith.constant 8192 : i32
        %add3A_489 = arith.addi %add3A_488, %add3A_470 : i32
        %swap3A_490 = arith.index_cast %add3A_489 : i32 to index
        %swap3A_491 = tpu.vector_load %arg10[%swap3A_490] {strides = array<i32>} : memref<40960xf32, #tpu.memory_space<vmem>>, vector<16xf32>,
        %swap3A_492 = vector.shape_cast %swap3A_491 : vector<16xf32> to vector<16xf32>
        %swap3A_493 = vector.shape_cast %add3A_487 : vector<16xf32> to vector<16xf32>
        tpu.vector_store %arg10[%swap3A_490], %swap3A_493 {strides = array<i32>} : memref<40960xf32, #tpu.memory_space<vmem>>, vector<16xf32>,
        %add3A_494 = arith.addf %add3A_479, %get3A_367 : vector<16xf32>
        %add3A_495 = arith.constant 16384 : i32
        %add3A_496 = arith.addi %add3A_495, %add3A_470 : i32
        %swap3A_497 = arith.index_cast %add3A_496 : i32 to index
        %swap3A_498 = tpu.vector_load %arg10[%swap3A_497] {strides = array<i32>} : memref<40960xf32, #tpu.memory_space<vmem>>, vector<16xf32>,
        %swap3A_499 = vector.shape_cast %swap3A_498 : vector<16xf32> to vector<16xf32>
        %swap3A_500 = vector.shape_cast %add3A_494 : vector<16xf32> to vector<16xf32>
        tpu.vector_store %arg10[%swap3A_497], %swap3A_500 {strides = array<i32>} : memref<40960xf32, #tpu.memory_space<vmem>>, vector<16xf32>,
        %add3A_501 = arith.addf %add3A_479, %get3A_372 : vector<16xf32>
        %add3A_502 = arith.constant 24576 : i32
        %add3A_503 = arith.addi %add3A_502, %add3A_470 : i32
        %swap3A_504 = arith.index_cast %add3A_503 : i32 to index
        %swap3A_505 = tpu.vector_load %arg10[%swap3A_504] {strides = array<i32>} : memref<40960xf32, #tpu.memory_space<vmem>>, vector<16xf32>,
        %swap3A_506 = vector.shape_cast %swap3A_505 : vector<16xf32> to vector<16xf32>
        %swap3A_507 = vector.shape_cast %add3A_501 : vector<16xf32> to vector<16xf32>
        tpu.vector_store %arg10[%swap3A_504], %swap3A_507 {strides = array<i32>} : memref<40960xf32, #tpu.memory_space<vmem>>, vector<16xf32>,
        %add3A_508 = arith.addf %add3A_479, %get3A_377 : vector<16xf32>
        %add3A_509 = arith.constant 32768 : i32
        %add3A_510 = arith.addi %add3A_509, %add3A_470 : i32
        %swap3A_511 = arith.index_cast %add3A_510 : i32 to index
        %swap3A_512 = tpu.vector_load %arg10[%swap3A_511] {strides = array<i32>} : memref<40960xf32, #tpu.memory_space<vmem>>, vector<16xf32>,
        %swap3A_513 = vector.shape_cast %swap3A_512 : vector<16xf32> to vector<16xf32>
        %swap3A_514 = vector.shape_cast %add3A_508 : vector<16xf32> to vector<16xf32>
        tpu.vector_store %arg10[%swap3A_511], %swap3A_514 {strides = array<i32>} : memref<40960xf32, #tpu.memory_space<vmem>>, vector<16xf32>,
        %add3A_515 = arith.constant 3072 : i32
        %add3A_516 = arith.addi %add3A_515, %mul3A_352 : i32
        %get3A_517 = arith.index_cast %add3A_516 : i32 to index
        %get3A_518 = tpu.vector_load %arg8[%get3A_517] {strides = array<i32>} : memref<8192xf32, #tpu.memory_space<vmem>>, vector<16xf32>,
        %get3A_519 = vector.shape_cast %get3A_518 : vector<16xf32> to vector<16xf32>
        %get3A_520 = arith.index_cast %add3A_516 : i32 to index
        %get3A_521 = tpu.vector_load %arg9[%get3A_520] {strides = array<i32>} : memref<8192xf32, #tpu.memory_space<vmem>>, vector<16xf32>,
        %get3A_522 = vector.shape_cast %get3A_521 : vector<16xf32> to vector<16xf32>
        %mul3A_523 = arith.mulf %sub3A_325, %get3A_519 : vector<16xf32>
        %mul3A_524 = arith.mulf %div3A_322, %get3A_522 : vector<16xf32>
        %add3A_525 = arith.addf %mul3A_523, %mul3A_524 : vector<16xf32>
        %add3A_526 = arith.addf %add3A_525, %get3A_357 : vector<16xf32>
        %add3A_527 = arith.constant 0 : i32
        %add3A_528 = arith.addi %add3A_527, %add3A_516 : i32
        %swap3A_529 = arith.index_cast %add3A_528 : i32 to index
        %swap3A_530 = tpu.vector_load %arg10[%swap3A_529] {strides = array<i32>} : memref<40960xf32, #tpu.memory_space<vmem>>, vector<16xf32>,
        %swap3A_531 = vector.shape_cast %swap3A_530 : vector<16xf32> to vector<16xf32>
        %swap3A_532 = vector.shape_cast %add3A_526 : vector<16xf32> to vector<16xf32>
        tpu.vector_store %arg10[%swap3A_529], %swap3A_532 {strides = array<i32>} : memref<40960xf32, #tpu.memory_space<vmem>>, vector<16xf32>,
        %add3A_533 = arith.addf %add3A_525, %get3A_362 : vector<16xf32>
        %add3A_534 = arith.constant 8192 : i32
        %add3A_535 = arith.addi %add3A_534, %add3A_516 : i32
        %swap3A_536 = arith.index_cast %add3A_535 : i32 to index
        %swap3A_537 = tpu.vector_load %arg10[%swap3A_536] {strides = array<i32>} : memref<40960xf32, #tpu.memory_space<vmem>>, vector<16xf32>,
        %swap3A_538 = vector.shape_cast %swap3A_537 : vector<16xf32> to vector<16xf32>
        %swap3A_539 = vector.shape_cast %add3A_533 : vector<16xf32> to vector<16xf32>
        tpu.vector_store %arg10[%swap3A_536], %swap3A_539 {strides = array<i32>} : memref<40960xf32, #tpu.memory_space<vmem>>, vector<16xf32>,
        %add3A_540 = arith.addf %add3A_525, %get3A_367 : vector<16xf32>
        %add3A_541 = arith.constant 16384 : i32
        %add3A_542 = arith.addi %add3A_541, %add3A_516 : i32
        %swap3A_543 = arith.index_cast %add3A_542 : i32 to index
        %swap3A_544 = tpu.vector_load %arg10[%swap3A_543] {strides = array<i32>} : memref<40960xf32, #tpu.memory_space<vmem>>, vector<16xf32>,
        %swap3A_545 = vector.shape_cast %swap3A_544 : vector<16xf32> to vector<16xf32>
        %swap3A_546 = vector.shape_cast %add3A_540 : vector<16xf32> to vector<16xf32>
        tpu.vector_store %arg10[%swap3A_543], %swap3A_546 {strides = array<i32>} : memref<40960xf32, #tpu.memory_space<vmem>>, vector<16xf32>,
        %add3A_547 = arith.addf %add3A_525, %get3A_372 : vector<16xf32>
        %add3A_548 = arith.constant 24576 : i32
        %add3A_549 = arith.addi %add3A_548, %add3A_516 : i32
        %swap3A_550 = arith.index_cast %add3A_549 : i32 to index
        %swap3A_551 = tpu.vector_load %arg10[%swap3A_550] {strides = array<i32>} : memref<40960xf32, #tpu.memory_space<vmem>>, vector<16xf32>,
        %swap3A_552 = vector.shape_cast %swap3A_551 : vector<16xf32> to vector<16xf32>
        %swap3A_553 = vector.shape_cast %add3A_547 : vector<16xf32> to vector<16xf32>
        tpu.vector_store %arg10[%swap3A_550], %swap3A_553 {strides = array<i32>} : memref<40960xf32, #tpu.memory_space<vmem>>, vector<16xf32>,
        %add3A_554 = arith.addf %add3A_525, %get3A_377 : vector<16xf32>
        %add3A_555 = arith.constant 32768 : i32
        %add3A_556 = arith.addi %add3A_555, %add3A_516 : i32
        %swap3A_557 = arith.index_cast %add3A_556 : i32 to index
        %swap3A_558 = tpu.vector_load %arg10[%swap3A_557] {strides = array<i32>} : memref<40960xf32, #tpu.memory_space<vmem>>, vector<16xf32>,
        %swap3A_559 = vector.shape_cast %swap3A_558 : vector<16xf32> to vector<16xf32>
        %swap3A_560 = vector.shape_cast %add3A_554 : vector<16xf32> to vector<16xf32>
        tpu.vector_store %arg10[%swap3A_557], %swap3A_560 {strides = array<i32>} : memref<40960xf32, #tpu.memory_space<vmem>>, vector<16xf32>,
        %add3A_561 = arith.constant 4096 : i32
        %add3A_562 = arith.addi %add3A_561, %mul3A_352 : i32
        %get3A_563 = arith.index_cast %add3A_562 : i32 to index
        %get3A_564 = tpu.vector_load %arg8[%get3A_563] {strides = array<i32>} : memref<8192xf32, #tpu.memory_space<vmem>>, vector<16xf32>,
        %get3A_565 = vector.shape_cast %get3A_564 : vector<16xf32> to vector<16xf32>
        %get3A_566 = arith.index_cast %add3A_562 : i32 to index
        %get3A_567 = tpu.vector_load %arg9[%get3A_566] {strides = array<i32>} : memref<8192xf32, #tpu.memory_space<vmem>>, vector<16xf32>,
        %get3A_568 = vector.shape_cast %get3A_567 : vector<16xf32> to vector<16xf32>
        %mul3A_569 = arith.mulf %sub3A_325, %get3A_565 : vector<16xf32>
        %mul3A_570 = arith.mulf %div3A_322, %get3A_568 : vector<16xf32>
        %add3A_571 = arith.addf %mul3A_569, %mul3A_570 : vector<16xf32>
        %add3A_572 = arith.addf %add3A_571, %get3A_357 : vector<16xf32>
        %add3A_573 = arith.constant 0 : i32
        %add3A_574 = arith.addi %add3A_573, %add3A_562 : i32
        %swap3A_575 = arith.index_cast %add3A_574 : i32 to index
        %swap3A_576 = tpu.vector_load %arg10[%swap3A_575] {strides = array<i32>} : memref<40960xf32, #tpu.memory_space<vmem>>, vector<16xf32>,
        %swap3A_577 = vector.shape_cast %swap3A_576 : vector<16xf32> to vector<16xf32>
        %swap3A_578 = vector.shape_cast %add3A_572 : vector<16xf32> to vector<16xf32>
        tpu.vector_store %arg10[%swap3A_575], %swap3A_578 {strides = array<i32>} : memref<40960xf32, #tpu.memory_space<vmem>>, vector<16xf32>,
        %add3A_579 = arith.addf %add3A_571, %get3A_362 : vector<16xf32>
        %add3A_580 = arith.constant 8192 : i32
        %add3A_581 = arith.addi %add3A_580, %add3A_562 : i32
        %swap3A_582 = arith.index_cast %add3A_581 : i32 to index
        %swap3A_583 = tpu.vector_load %arg10[%swap3A_582] {strides = array<i32>} : memref<40960xf32, #tpu.memory_space<vmem>>, vector<16xf32>,
        %swap3A_584 = vector.shape_cast %swap3A_583 : vector<16xf32> to vector<16xf32>
        %swap3A_585 = vector.shape_cast %add3A_579 : vector<16xf32> to vector<16xf32>
        tpu.vector_store %arg10[%swap3A_582], %swap3A_585 {strides = array<i32>} : memref<40960xf32, #tpu.memory_space<vmem>>, vector<16xf32>,
        %add3A_586 = arith.addf %add3A_571, %get3A_367 : vector<16xf32>
        %add3A_587 = arith.constant 16384 : i32
        %add3A_588 = arith.addi %add3A_587, %add3A_562 : i32
        %swap3A_589 = arith.index_cast %add3A_588 : i32 to index
        %swap3A_590 = tpu.vector_load %arg10[%swap3A_589] {strides = array<i32>} : memref<40960xf32, #tpu.memory_space<vmem>>, vector<16xf32>,
        %swap3A_591 = vector.shape_cast %swap3A_590 : vector<16xf32> to vector<16xf32>
        %swap3A_592 = vector.shape_cast %add3A_586 : vector<16xf32> to vector<16xf32>
        tpu.vector_store %arg10[%swap3A_589], %swap3A_592 {strides = array<i32>} : memref<40960xf32, #tpu.memory_space<vmem>>, vector<16xf32>,
        %add3A_593 = arith.addf %add3A_571, %get3A_372 : vector<16xf32>
        %add3A_594 = arith.constant 24576 : i32
        %add3A_595 = arith.addi %add3A_594, %add3A_562 : i32
        %swap3A_596 = arith.index_cast %add3A_595 : i32 to index
        %swap3A_597 = tpu.vector_load %arg10[%swap3A_596] {strides = array<i32>} : memref<40960xf32, #tpu.memory_space<vmem>>, vector<16xf32>,
        %swap3A_598 = vector.shape_cast %swap3A_597 : vector<16xf32> to vector<16xf32>
        %swap3A_599 = vector.shape_cast %add3A_593 : vector<16xf32> to vector<16xf32>
        tpu.vector_store %arg10[%swap3A_596], %swap3A_599 {strides = array<i32>} : memref<40960xf32, #tpu.memory_space<vmem>>, vector<16xf32>,
        %add3A_600 = arith.addf %add3A_571, %get3A_377 : vector<16xf32>
        %add3A_601 = arith.constant 32768 : i32
        %add3A_602 = arith.addi %add3A_601, %add3A_562 : i32
        %swap3A_603 = arith.index_cast %add3A_602 : i32 to index
        %swap3A_604 = tpu.vector_load %arg10[%swap3A_603] {strides = array<i32>} : memref<40960xf32, #tpu.memory_space<vmem>>, vector<16xf32>,
        %swap3A_605 = vector.shape_cast %swap3A_604 : vector<16xf32> to vector<16xf32>
        %swap3A_606 = vector.shape_cast %add3A_600 : vector<16xf32> to vector<16xf32>
        tpu.vector_store %arg10[%swap3A_603], %swap3A_606 {strides = array<i32>} : memref<40960xf32, #tpu.memory_space<vmem>>, vector<16xf32>,
        %add3A_607 = arith.constant 5120 : i32
        %add3A_608 = arith.addi %add3A_607, %mul3A_352 : i32
        %get3A_609 = arith.index_cast %add3A_608 : i32 to index
        %get3A_610 = tpu.vector_load %arg8[%get3A_609] {strides = array<i32>} : memref<8192xf32, #tpu.memory_space<vmem>>, vector<16xf32>,
        %get3A_611 = vector.shape_cast %get3A_610 : vector<16xf32> to vector<16xf32>
        %get3A_612 = arith.index_cast %add3A_608 : i32 to index
        %get3A_613 = tpu.vector_load %arg9[%get3A_612] {strides = array<i32>} : memref<8192xf32, #tpu.memory_space<vmem>>, vector<16xf32>,
        %get3A_614 = vector.shape_cast %get3A_613 : vector<16xf32> to vector<16xf32>
        %mul3A_615 = arith.mulf %sub3A_325, %get3A_611 : vector<16xf32>
        %mul3A_616 = arith.mulf %div3A_322, %get3A_614 : vector<16xf32>
        %add3A_617 = arith.addf %mul3A_615, %mul3A_616 : vector<16xf32>
        %add3A_618 = arith.addf %add3A_617, %get3A_357 : vector<16xf32>
        %add3A_619 = arith.constant 0 : i32
        %add3A_620 = arith.addi %add3A_619, %add3A_608 : i32
        %swap3A_621 = arith.index_cast %add3A_620 : i32 to index
        %swap3A_622 = tpu.vector_load %arg10[%swap3A_621] {strides = array<i32>} : memref<40960xf32, #tpu.memory_space<vmem>>, vector<16xf32>,
        %swap3A_623 = vector.shape_cast %swap3A_622 : vector<16xf32> to vector<16xf32>
        %swap3A_624 = vector.shape_cast %add3A_618 : vector<16xf32> to vector<16xf32>
        tpu.vector_store %arg10[%swap3A_621], %swap3A_624 {strides = array<i32>} : memref<40960xf32, #tpu.memory_space<vmem>>, vector<16xf32>,
        %add3A_625 = arith.addf %add3A_617, %get3A_362 : vector<16xf32>
        %add3A_626 = arith.constant 8192 : i32
        %add3A_627 = arith.addi %add3A_626, %add3A_608 : i32
        %swap3A_628 = arith.index_cast %add3A_627 : i32 to index
        %swap3A_629 = tpu.vector_load %arg10[%swap3A_628] {strides = array<i32>} : memref<40960xf32, #tpu.memory_space<vmem>>, vector<16xf32>,
        %swap3A_630 = vector.shape_cast %swap3A_629 : vector<16xf32> to vector<16xf32>
        %swap3A_631 = vector.shape_cast %add3A_625 : vector<16xf32> to vector<16xf32>
        tpu.vector_store %arg10[%swap3A_628], %swap3A_631 {strides = array<i32>} : memref<40960xf32, #tpu.memory_space<vmem>>, vector<16xf32>,
        %add3A_632 = arith.addf %add3A_617, %get3A_367 : vector<16xf32>
        %add3A_633 = arith.constant 16384 : i32
        %add3A_634 = arith.addi %add3A_633, %add3A_608 : i32
        %swap3A_635 = arith.index_cast %add3A_634 : i32 to index
        %swap3A_636 = tpu.vector_load %arg10[%swap3A_635] {strides = array<i32>} : memref<40960xf32, #tpu.memory_space<vmem>>, vector<16xf32>,
        %swap3A_637 = vector.shape_cast %swap3A_636 : vector<16xf32> to vector<16xf32>
        %swap3A_638 = vector.shape_cast %add3A_632 : vector<16xf32> to vector<16xf32>
        tpu.vector_store %arg10[%swap3A_635], %swap3A_638 {strides = array<i32>} : memref<40960xf32, #tpu.memory_space<vmem>>, vector<16xf32>,
        %add3A_639 = arith.addf %add3A_617, %get3A_372 : vector<16xf32>
        %add3A_640 = arith.constant 24576 : i32
        %add3A_641 = arith.addi %add3A_640, %add3A_608 : i32
        %swap3A_642 = arith.index_cast %add3A_641 : i32 to index
        %swap3A_643 = tpu.vector_load %arg10[%swap3A_642] {strides = array<i32>} : memref<40960xf32, #tpu.memory_space<vmem>>, vector<16xf32>,
        %swap3A_644 = vector.shape_cast %swap3A_643 : vector<16xf32> to vector<16xf32>
        %swap3A_645 = vector.shape_cast %add3A_639 : vector<16xf32> to vector<16xf32>
        tpu.vector_store %arg10[%swap3A_642], %swap3A_645 {strides = array<i32>} : memref<40960xf32, #tpu.memory_space<vmem>>, vector<16xf32>,
        %add3A_646 = arith.addf %add3A_617, %get3A_377 : vector<16xf32>
        %add3A_647 = arith.constant 32768 : i32
        %add3A_648 = arith.addi %add3A_647, %add3A_608 : i32
        %swap3A_649 = arith.index_cast %add3A_648 : i32 to index
        %swap3A_650 = tpu.vector_load %arg10[%swap3A_649] {strides = array<i32>} : memref<40960xf32, #tpu.memory_space<vmem>>, vector<16xf32>,
        %swap3A_651 = vector.shape_cast %swap3A_650 : vector<16xf32> to vector<16xf32>
        %swap3A_652 = vector.shape_cast %add3A_646 : vector<16xf32> to vector<16xf32>
        tpu.vector_store %arg10[%swap3A_649], %swap3A_652 {strides = array<i32>} : memref<40960xf32, #tpu.memory_space<vmem>>, vector<16xf32>,
        %add3A_653 = arith.constant 6144 : i32
        %add3A_654 = arith.addi %add3A_653, %mul3A_352 : i32
        %get3A_655 = arith.index_cast %add3A_654 : i32 to index
        %get3A_656 = tpu.vector_load %arg8[%get3A_655] {strides = array<i32>} : memref<8192xf32, #tpu.memory_space<vmem>>, vector<16xf32>,
        %get3A_657 = vector.shape_cast %get3A_656 : vector<16xf32> to vector<16xf32>
        %get3A_658 = arith.index_cast %add3A_654 : i32 to index
        %get3A_659 = tpu.vector_load %arg9[%get3A_658] {strides = array<i32>} : memref<8192xf32, #tpu.memory_space<vmem>>, vector<16xf32>,
        %get3A_660 = vector.shape_cast %get3A_659 : vector<16xf32> to vector<16xf32>
        %mul3A_661 = arith.mulf %sub3A_325, %get3A_657 : vector<16xf32>
        %mul3A_662 = arith.mulf %div3A_322, %get3A_660 : vector<16xf32>
        %add3A_663 = arith.addf %mul3A_661, %mul3A_662 : vector<16xf32>
        %add3A_664 = arith.addf %add3A_663, %get3A_357 : vector<16xf32>
        %add3A_665 = arith.constant 0 : i32
        %add3A_666 = arith.addi %add3A_665, %add3A_654 : i32
        %swap3A_667 = arith.index_cast %add3A_666 : i32 to index
        %swap3A_668 = tpu.vector_load %arg10[%swap3A_667] {strides = array<i32>} : memref<40960xf32, #tpu.memory_space<vmem>>, vector<16xf32>,
        %swap3A_669 = vector.shape_cast %swap3A_668 : vector<16xf32> to vector<16xf32>
        %swap3A_670 = vector.shape_cast %add3A_664 : vector<16xf32> to vector<16xf32>
        tpu.vector_store %arg10[%swap3A_667], %swap3A_670 {strides = array<i32>} : memref<40960xf32, #tpu.memory_space<vmem>>, vector<16xf32>,
        %add3A_671 = arith.addf %add3A_663, %get3A_362 : vector<16xf32>
        %add3A_672 = arith.constant 8192 : i32
        %add3A_673 = arith.addi %add3A_672, %add3A_654 : i32
        %swap3A_674 = arith.index_cast %add3A_673 : i32 to index
        %swap3A_675 = tpu.vector_load %arg10[%swap3A_674] {strides = array<i32>} : memref<40960xf32, #tpu.memory_space<vmem>>, vector<16xf32>,
        %swap3A_676 = vector.shape_cast %swap3A_675 : vector<16xf32> to vector<16xf32>
        %swap3A_677 = vector.shape_cast %add3A_671 : vector<16xf32> to vector<16xf32>
        tpu.vector_store %arg10[%swap3A_674], %swap3A_677 {strides = array<i32>} : memref<40960xf32, #tpu.memory_space<vmem>>, vector<16xf32>,
        %add3A_678 = arith.addf %add3A_663, %get3A_367 : vector<16xf32>
        %add3A_679 = arith.constant 16384 : i32
        %add3A_680 = arith.addi %add3A_679, %add3A_654 : i32
        %swap3A_681 = arith.index_cast %add3A_680 : i32 to index
        %swap3A_682 = tpu.vector_load %arg10[%swap3A_681] {strides = array<i32>} : memref<40960xf32, #tpu.memory_space<vmem>>, vector<16xf32>,
        %swap3A_683 = vector.shape_cast %swap3A_682 : vector<16xf32> to vector<16xf32>
        %swap3A_684 = vector.shape_cast %add3A_678 : vector<16xf32> to vector<16xf32>
        tpu.vector_store %arg10[%swap3A_681], %swap3A_684 {strides = array<i32>} : memref<40960xf32, #tpu.memory_space<vmem>>, vector<16xf32>,
        %add3A_685 = arith.addf %add3A_663, %get3A_372 : vector<16xf32>
        %add3A_686 = arith.constant 24576 : i32
        %add3A_687 = arith.addi %add3A_686, %add3A_654 : i32
        %swap3A_688 = arith.index_cast %add3A_687 : i32 to index
        %swap3A_689 = tpu.vector_load %arg10[%swap3A_688] {strides = array<i32>} : memref<40960xf32, #tpu.memory_space<vmem>>, vector<16xf32>,
        %swap3A_690 = vector.shape_cast %swap3A_689 : vector<16xf32> to vector<16xf32>
        %swap3A_691 = vector.shape_cast %add3A_685 : vector<16xf32> to vector<16xf32>
        tpu.vector_store %arg10[%swap3A_688], %swap3A_691 {strides = array<i32>} : memref<40960xf32, #tpu.memory_space<vmem>>, vector<16xf32>,
        %add3A_692 = arith.addf %add3A_663, %get3A_377 : vector<16xf32>
        %add3A_693 = arith.constant 32768 : i32
        %add3A_694 = arith.addi %add3A_693, %add3A_654 : i32
        %swap3A_695 = arith.index_cast %add3A_694 : i32 to index
        %swap3A_696 = tpu.vector_load %arg10[%swap3A_695] {strides = array<i32>} : memref<40960xf32, #tpu.memory_space<vmem>>, vector<16xf32>,
        %swap3A_697 = vector.shape_cast %swap3A_696 : vector<16xf32> to vector<16xf32>
        %swap3A_698 = vector.shape_cast %add3A_692 : vector<16xf32> to vector<16xf32>
        tpu.vector_store %arg10[%swap3A_695], %swap3A_698 {strides = array<i32>} : memref<40960xf32, #tpu.memory_space<vmem>>, vector<16xf32>,
        %add3A_699 = arith.constant 7168 : i32
        %add3A_700 = arith.addi %add3A_699, %mul3A_352 : i32
        %get3A_701 = arith.index_cast %add3A_700 : i32 to index
        %get3A_702 = tpu.vector_load %arg8[%get3A_701] {strides = array<i32>} : memref<8192xf32, #tpu.memory_space<vmem>>, vector<16xf32>,
        %get3A_703 = vector.shape_cast %get3A_702 : vector<16xf32> to vector<16xf32>
        %get3A_704 = arith.index_cast %add3A_700 : i32 to index
        %get3A_705 = tpu.vector_load %arg9[%get3A_704] {strides = array<i32>} : memref<8192xf32, #tpu.memory_space<vmem>>, vector<16xf32>,
        %get3A_706 = vector.shape_cast %get3A_705 : vector<16xf32> to vector<16xf32>
        %mul3A_707 = arith.mulf %sub3A_325, %get3A_703 : vector<16xf32>
        %mul3A_708 = arith.mulf %div3A_322, %get3A_706 : vector<16xf32>
        %add3A_709 = arith.addf %mul3A_707, %mul3A_708 : vector<16xf32>
        %add3A_710 = arith.addf %add3A_709, %get3A_357 : vector<16xf32>
        %add3A_711 = arith.constant 0 : i32
        %add3A_712 = arith.addi %add3A_711, %add3A_700 : i32
        %swap3A_713 = arith.index_cast %add3A_712 : i32 to index
        %swap3A_714 = tpu.vector_load %arg10[%swap3A_713] {strides = array<i32>} : memref<40960xf32, #tpu.memory_space<vmem>>, vector<16xf32>,
        %swap3A_715 = vector.shape_cast %swap3A_714 : vector<16xf32> to vector<16xf32>
        %swap3A_716 = vector.shape_cast %add3A_710 : vector<16xf32> to vector<16xf32>
        tpu.vector_store %arg10[%swap3A_713], %swap3A_716 {strides = array<i32>} : memref<40960xf32, #tpu.memory_space<vmem>>, vector<16xf32>,
        %add3A_717 = arith.addf %add3A_709, %get3A_362 : vector<16xf32>
        %add3A_718 = arith.constant 8192 : i32
        %add3A_719 = arith.addi %add3A_718, %add3A_700 : i32
        %swap3A_720 = arith.index_cast %add3A_719 : i32 to index
        %swap3A_721 = tpu.vector_load %arg10[%swap3A_720] {strides = array<i32>} : memref<40960xf32, #tpu.memory_space<vmem>>, vector<16xf32>,
        %swap3A_722 = vector.shape_cast %swap3A_721 : vector<16xf32> to vector<16xf32>
        %swap3A_723 = vector.shape_cast %add3A_717 : vector<16xf32> to vector<16xf32>
        tpu.vector_store %arg10[%swap3A_720], %swap3A_723 {strides = array<i32>} : memref<40960xf32, #tpu.memory_space<vmem>>, vector<16xf32>,
        %add3A_724 = arith.addf %add3A_709, %get3A_367 : vector<16xf32>
        %add3A_725 = arith.constant 16384 : i32
        %add3A_726 = arith.addi %add3A_725, %add3A_700 : i32
        %swap3A_727 = arith.index_cast %add3A_726 : i32 to index
        %swap3A_728 = tpu.vector_load %arg10[%swap3A_727] {strides = array<i32>} : memref<40960xf32, #tpu.memory_space<vmem>>, vector<16xf32>,
        %swap3A_729 = vector.shape_cast %swap3A_728 : vector<16xf32> to vector<16xf32>
        %swap3A_730 = vector.shape_cast %add3A_724 : vector<16xf32> to vector<16xf32>
        tpu.vector_store %arg10[%swap3A_727], %swap3A_730 {strides = array<i32>} : memref<40960xf32, #tpu.memory_space<vmem>>, vector<16xf32>,
        %add3A_731 = arith.addf %add3A_709, %get3A_372 : vector<16xf32>
        %add3A_732 = arith.constant 24576 : i32
        %add3A_733 = arith.addi %add3A_732, %add3A_700 : i32
        %swap3A_734 = arith.index_cast %add3A_733 : i32 to index
        %swap3A_735 = tpu.vector_load %arg10[%swap3A_734] {strides = array<i32>} : memref<40960xf32, #tpu.memory_space<vmem>>, vector<16xf32>,
        %swap3A_736 = vector.shape_cast %swap3A_735 : vector<16xf32> to vector<16xf32>
        %swap3A_737 = vector.shape_cast %add3A_731 : vector<16xf32> to vector<16xf32>
        tpu.vector_store %arg10[%swap3A_734], %swap3A_737 {strides = array<i32>} : memref<40960xf32, #tpu.memory_space<vmem>>, vector<16xf32>,
        %add3A_738 = arith.addf %add3A_709, %get3A_377 : vector<16xf32>
        %add3A_739 = arith.constant 32768 : i32
        %add3A_740 = arith.addi %add3A_739, %add3A_700 : i32
        %swap3A_741 = arith.index_cast %add3A_740 : i32 to index
        %swap3A_742 = tpu.vector_load %arg10[%swap3A_741] {strides = array<i32>} : memref<40960xf32, #tpu.memory_space<vmem>>, vector<16xf32>,
        %swap3A_743 = vector.shape_cast %swap3A_742 : vector<16xf32> to vector<16xf32>
        %swap3A_744 = vector.shape_cast %add3A_738 : vector<16xf32> to vector<16xf32>
        tpu.vector_store %arg10[%swap3A_741], %swap3A_744 {strides = array<i32>} : memref<40960xf32, #tpu.memory_space<vmem>>, vector<16xf32>,
      }
      %scan3A_345 = arith.constant 64 : i32
      %run_scoped3A = arith.constant 15 : i32
      "tpu.region"() ({
        %run_scoped3A_350 = tpu.sem_alloc : memref<!tpu.dma_semaphore, #tpu.memory_space<semaphore_mem>>
        %dma_start3A = arith.constant 0 : i32
        %dma_start3A_351 = tpu.memref_slice %arg10[%dma_start3A] : memref<40960xf32, #tpu.memory_space<vmem>> -> memref<8192xf32, #tpu.memory_space<vmem>>
        %dma_start3A_352 = tpu.memref_slice %arg5[%run_scoped3A, %add3A_339] : memref<20x2097152xf32, #tpu.memory_space<hbm>> -> memref<1x8192xf32, #tpu.memory_space<hbm>>
        %dma_start3A_353 = tpu.memref_squeeze %dma_start3A_352 : memref<1x8192xf32, #tpu.memory_space<hbm>> -> memref<8192xf32, #tpu.memory_space<hbm>>
        %dma_start3A_354 = tpu.memref_slice %arg5[%run_scoped3A, %add3A_339] : memref<20x2097152xf32, #tpu.memory_space<hbm>> -> memref<1x8192xf32, #tpu.memory_space<hbm>>
        %dma_start3A_355 = tpu.memref_squeeze %dma_start3A_354 : memref<1x8192xf32, #tpu.memory_space<hbm>> -> memref<8192xf32, #tpu.memory_space<hbm>>
        %dma_start3A_356 = arith.constant 0 : i32
        %dma_start3A_357 = tpu.memref_slice %arg10[%dma_start3A_356] : memref<40960xf32, #tpu.memory_space<vmem>> -> memref<8192xf32, #tpu.memory_space<vmem>>
        tpu.enqueue_dma source(%dma_start3A_357 : memref<8192xf32, #tpu.memory_space<vmem>>) target(%dma_start3A_355 : memref<8192xf32, #tpu.memory_space<hbm>>) target_semaphore(%run_scoped3A_350 : memref<!tpu.dma_semaphore, #tpu.memory_space<semaphore_mem>>)
        %dma_wait3A = arith.constant 0 : i32
        %dma_wait3A_358 = tpu.memref_slice %arg10[%dma_wait3A] : memref<40960xf32, #tpu.memory_space<vmem>> -> memref<8192xf32, #tpu.memory_space<vmem>>
        %dma_wait3A_359 = tpu.memref_slice %arg5[%run_scoped3A, %add3A_339] : memref<20x2097152xf32, #tpu.memory_space<hbm>> -> memref<1x8192xf32, #tpu.memory_space<hbm>>
        %dma_wait3A_360 = tpu.memref_squeeze %dma_wait3A_359 : memref<1x8192xf32, #tpu.memory_space<hbm>> -> memref<8192xf32, #tpu.memory_space<hbm>>
        %dma_wait3A_361 = tpu.memref_slice %arg5[%run_scoped3A, %add3A_339] : memref<20x2097152xf32, #tpu.memory_space<hbm>> -> memref<1x8192xf32, #tpu.memory_space<hbm>>
        %dma_wait3A_362 = tpu.memref_squeeze %dma_wait3A_361 : memref<1x8192xf32, #tpu.memory_space<hbm>> -> memref<8192xf32, #tpu.memory_space<hbm>>
        %dma_wait3A_363 = arith.constant 0 : i32
        %dma_wait3A_364 = tpu.memref_slice %arg10[%dma_wait3A_363] : memref<40960xf32, #tpu.memory_space<vmem>> -> memref<8192xf32, #tpu.memory_space<vmem>>
        tpu.wait_dma2 semaphore(%run_scoped3A_350 : memref<!tpu.dma_semaphore, #tpu.memory_space<semaphore_mem>>) src(%dma_wait3A_364 : memref<8192xf32, #tpu.memory_space<vmem>>) dst(%dma_wait3A_362 : memref<8192xf32, #tpu.memory_space<hbm>>)
        tpu.yield
      }) : () -> ()
      %run_scoped3A_346 = arith.constant 16 : i32
      "tpu.region"() ({
        %run_scoped3A_350 = tpu.sem_alloc : memref<!tpu.dma_semaphore, #tpu.memory_space<semaphore_mem>>
        %dma_start3A = arith.constant 8192 : i32
        %dma_start3A_351 = tpu.memref_slice %arg10[%dma_start3A] : memref<40960xf32, #tpu.memory_space<vmem>> -> memref<8192xf32, #tpu.memory_space<vmem>>
        %dma_start3A_352 = tpu.memref_slice %arg5[%run_scoped3A_346, %add3A_339] : memref<20x2097152xf32, #tpu.memory_space<hbm>> -> memref<1x8192xf32, #tpu.memory_space<hbm>>
        %dma_start3A_353 = tpu.memref_squeeze %dma_start3A_352 : memref<1x8192xf32, #tpu.memory_space<hbm>> -> memref<8192xf32, #tpu.memory_space<hbm>>
        %dma_start3A_354 = tpu.memref_slice %arg5[%run_scoped3A_346, %add3A_339] : memref<20x2097152xf32, #tpu.memory_space<hbm>> -> memref<1x8192xf32, #tpu.memory_space<hbm>>
        %dma_start3A_355 = tpu.memref_squeeze %dma_start3A_354 : memref<1x8192xf32, #tpu.memory_space<hbm>> -> memref<8192xf32, #tpu.memory_space<hbm>>
        %dma_start3A_356 = arith.constant 8192 : i32
        %dma_start3A_357 = tpu.memref_slice %arg10[%dma_start3A_356] : memref<40960xf32, #tpu.memory_space<vmem>> -> memref<8192xf32, #tpu.memory_space<vmem>>
        tpu.enqueue_dma source(%dma_start3A_357 : memref<8192xf32, #tpu.memory_space<vmem>>) target(%dma_start3A_355 : memref<8192xf32, #tpu.memory_space<hbm>>) target_semaphore(%run_scoped3A_350 : memref<!tpu.dma_semaphore, #tpu.memory_space<semaphore_mem>>)
        %dma_wait3A = arith.constant 8192 : i32
        %dma_wait3A_358 = tpu.memref_slice %arg10[%dma_wait3A] : memref<40960xf32, #tpu.memory_space<vmem>> -> memref<8192xf32, #tpu.memory_space<vmem>>
        %dma_wait3A_359 = tpu.memref_slice %arg5[%run_scoped3A_346, %add3A_339] : memref<20x2097152xf32, #tpu.memory_space<hbm>> -> memref<1x8192xf32, #tpu.memory_space<hbm>>
        %dma_wait3A_360 = tpu.memref_squeeze %dma_wait3A_359 : memref<1x8192xf32, #tpu.memory_space<hbm>> -> memref<8192xf32, #tpu.memory_space<hbm>>
        %dma_wait3A_361 = tpu.memref_slice %arg5[%run_scoped3A_346, %add3A_339] : memref<20x2097152xf32, #tpu.memory_space<hbm>> -> memref<1x8192xf32, #tpu.memory_space<hbm>>
        %dma_wait3A_362 = tpu.memref_squeeze %dma_wait3A_361 : memref<1x8192xf32, #tpu.memory_space<hbm>> -> memref<8192xf32, #tpu.memory_space<hbm>>
        %dma_wait3A_363 = arith.constant 8192 : i32
        %dma_wait3A_364 = tpu.memref_slice %arg10[%dma_wait3A_363] : memref<40960xf32, #tpu.memory_space<vmem>> -> memref<8192xf32, #tpu.memory_space<vmem>>
        tpu.wait_dma2 semaphore(%run_scoped3A_350 : memref<!tpu.dma_semaphore, #tpu.memory_space<semaphore_mem>>) src(%dma_wait3A_364 : memref<8192xf32, #tpu.memory_space<vmem>>) dst(%dma_wait3A_362 : memref<8192xf32, #tpu.memory_space<hbm>>)
        tpu.yield
      }) : () -> ()
      %run_scoped3A_347 = arith.constant 17 : i32
      "tpu.region"() ({
        %run_scoped3A_350 = tpu.sem_alloc : memref<!tpu.dma_semaphore, #tpu.memory_space<semaphore_mem>>
        %dma_start3A = arith.constant 16384 : i32
        %dma_start3A_351 = tpu.memref_slice %arg10[%dma_start3A] : memref<40960xf32, #tpu.memory_space<vmem>> -> memref<8192xf32, #tpu.memory_space<vmem>>
        %dma_start3A_352 = tpu.memref_slice %arg5[%run_scoped3A_347, %add3A_339] : memref<20x2097152xf32, #tpu.memory_space<hbm>> -> memref<1x8192xf32, #tpu.memory_space<hbm>>
        %dma_start3A_353 = tpu.memref_squeeze %dma_start3A_352 : memref<1x8192xf32, #tpu.memory_space<hbm>> -> memref<8192xf32, #tpu.memory_space<hbm>>
        %dma_start3A_354 = tpu.memref_slice %arg5[%run_scoped3A_347, %add3A_339] : memref<20x2097152xf32, #tpu.memory_space<hbm>> -> memref<1x8192xf32, #tpu.memory_space<hbm>>
        %dma_start3A_355 = tpu.memref_squeeze %dma_start3A_354 : memref<1x8192xf32, #tpu.memory_space<hbm>> -> memref<8192xf32, #tpu.memory_space<hbm>>
        %dma_start3A_356 = arith.constant 16384 : i32
        %dma_start3A_357 = tpu.memref_slice %arg10[%dma_start3A_356] : memref<40960xf32, #tpu.memory_space<vmem>> -> memref<8192xf32, #tpu.memory_space<vmem>>
        tpu.enqueue_dma source(%dma_start3A_357 : memref<8192xf32, #tpu.memory_space<vmem>>) target(%dma_start3A_355 : memref<8192xf32, #tpu.memory_space<hbm>>) target_semaphore(%run_scoped3A_350 : memref<!tpu.dma_semaphore, #tpu.memory_space<semaphore_mem>>)
        %dma_wait3A = arith.constant 16384 : i32
        %dma_wait3A_358 = tpu.memref_slice %arg10[%dma_wait3A] : memref<40960xf32, #tpu.memory_space<vmem>> -> memref<8192xf32, #tpu.memory_space<vmem>>
        %dma_wait3A_359 = tpu.memref_slice %arg5[%run_scoped3A_347, %add3A_339] : memref<20x2097152xf32, #tpu.memory_space<hbm>> -> memref<1x8192xf32, #tpu.memory_space<hbm>>
        %dma_wait3A_360 = tpu.memref_squeeze %dma_wait3A_359 : memref<1x8192xf32, #tpu.memory_space<hbm>> -> memref<8192xf32, #tpu.memory_space<hbm>>
        %dma_wait3A_361 = tpu.memref_slice %arg5[%run_scoped3A_347, %add3A_339] : memref<20x2097152xf32, #tpu.memory_space<hbm>> -> memref<1x8192xf32, #tpu.memory_space<hbm>>
        %dma_wait3A_362 = tpu.memref_squeeze %dma_wait3A_361 : memref<1x8192xf32, #tpu.memory_space<hbm>> -> memref<8192xf32, #tpu.memory_space<hbm>>
        %dma_wait3A_363 = arith.constant 16384 : i32
        %dma_wait3A_364 = tpu.memref_slice %arg10[%dma_wait3A_363] : memref<40960xf32, #tpu.memory_space<vmem>> -> memref<8192xf32, #tpu.memory_space<vmem>>
        tpu.wait_dma2 semaphore(%run_scoped3A_350 : memref<!tpu.dma_semaphore, #tpu.memory_space<semaphore_mem>>) src(%dma_wait3A_364 : memref<8192xf32, #tpu.memory_space<vmem>>) dst(%dma_wait3A_362 : memref<8192xf32, #tpu.memory_space<hbm>>)
        tpu.yield
      }) : () -> ()
      %run_scoped3A_348 = arith.constant 18 : i32
      "tpu.region"() ({
        %run_scoped3A_350 = tpu.sem_alloc : memref<!tpu.dma_semaphore, #tpu.memory_space<semaphore_mem>>
        %dma_start3A = arith.constant 24576 : i32
        %dma_start3A_351 = tpu.memref_slice %arg10[%dma_start3A] : memref<40960xf32, #tpu.memory_space<vmem>> -> memref<8192xf32, #tpu.memory_space<vmem>>
        %dma_start3A_352 = tpu.memref_slice %arg5[%run_scoped3A_348, %add3A_339] : memref<20x2097152xf32, #tpu.memory_space<hbm>> -> memref<1x8192xf32, #tpu.memory_space<hbm>>
        %dma_start3A_353 = tpu.memref_squeeze %dma_start3A_352 : memref<1x8192xf32, #tpu.memory_space<hbm>> -> memref<8192xf32, #tpu.memory_space<hbm>>
        %dma_start3A_354 = tpu.memref_slice %arg5[%run_scoped3A_348, %add3A_339] : memref<20x2097152xf32, #tpu.memory_space<hbm>> -> memref<1x8192xf32, #tpu.memory_space<hbm>>
        %dma_start3A_355 = tpu.memref_squeeze %dma_start3A_354 : memref<1x8192xf32, #tpu.memory_space<hbm>> -> memref<8192xf32, #tpu.memory_space<hbm>>
        %dma_start3A_356 = arith.constant 24576 : i32
        %dma_start3A_357 = tpu.memref_slice %arg10[%dma_start3A_356] : memref<40960xf32, #tpu.memory_space<vmem>> -> memref<8192xf32, #tpu.memory_space<vmem>>
        tpu.enqueue_dma source(%dma_start3A_357 : memref<8192xf32, #tpu.memory_space<vmem>>) target(%dma_start3A_355 : memref<8192xf32, #tpu.memory_space<hbm>>) target_semaphore(%run_scoped3A_350 : memref<!tpu.dma_semaphore, #tpu.memory_space<semaphore_mem>>)
        %dma_wait3A = arith.constant 24576 : i32
        %dma_wait3A_358 = tpu.memref_slice %arg10[%dma_wait3A] : memref<40960xf32, #tpu.memory_space<vmem>> -> memref<8192xf32, #tpu.memory_space<vmem>>
        %dma_wait3A_359 = tpu.memref_slice %arg5[%run_scoped3A_348, %add3A_339] : memref<20x2097152xf32, #tpu.memory_space<hbm>> -> memref<1x8192xf32, #tpu.memory_space<hbm>>
        %dma_wait3A_360 = tpu.memref_squeeze %dma_wait3A_359 : memref<1x8192xf32, #tpu.memory_space<hbm>> -> memref<8192xf32, #tpu.memory_space<hbm>>
        %dma_wait3A_361 = tpu.memref_slice %arg5[%run_scoped3A_348, %add3A_339] : memref<20x2097152xf32, #tpu.memory_space<hbm>> -> memref<1x8192xf32, #tpu.memory_space<hbm>>
        %dma_wait3A_362 = tpu.memref_squeeze %dma_wait3A_361 : memref<1x8192xf32, #tpu.memory_space<hbm>> -> memref<8192xf32, #tpu.memory_space<hbm>>
        %dma_wait3A_363 = arith.constant 24576 : i32
        %dma_wait3A_364 = tpu.memref_slice %arg10[%dma_wait3A_363] : memref<40960xf32, #tpu.memory_space<vmem>> -> memref<8192xf32, #tpu.memory_space<vmem>>
        tpu.wait_dma2 semaphore(%run_scoped3A_350 : memref<!tpu.dma_semaphore, #tpu.memory_space<semaphore_mem>>) src(%dma_wait3A_364 : memref<8192xf32, #tpu.memory_space<vmem>>) dst(%dma_wait3A_362 : memref<8192xf32, #tpu.memory_space<hbm>>)
        tpu.yield
      }) : () -> ()
      %run_scoped3A_349 = arith.constant 19 : i32
      "tpu.region"() ({
        %run_scoped3A_350 = tpu.sem_alloc : memref<!tpu.dma_semaphore, #tpu.memory_space<semaphore_mem>>
        %dma_start3A = arith.constant 32768 : i32
        %dma_start3A_351 = tpu.memref_slice %arg10[%dma_start3A] : memref<40960xf32, #tpu.memory_space<vmem>> -> memref<8192xf32, #tpu.memory_space<vmem>>
        %dma_start3A_352 = tpu.memref_slice %arg5[%run_scoped3A_349, %add3A_339] : memref<20x2097152xf32, #tpu.memory_space<hbm>> -> memref<1x8192xf32, #tpu.memory_space<hbm>>
        %dma_start3A_353 = tpu.memref_squeeze %dma_start3A_352 : memref<1x8192xf32, #tpu.memory_space<hbm>> -> memref<8192xf32, #tpu.memory_space<hbm>>
        %dma_start3A_354 = tpu.memref_slice %arg5[%run_scoped3A_349, %add3A_339] : memref<20x2097152xf32, #tpu.memory_space<hbm>> -> memref<1x8192xf32, #tpu.memory_space<hbm>>
        %dma_start3A_355 = tpu.memref_squeeze %dma_start3A_354 : memref<1x8192xf32, #tpu.memory_space<hbm>> -> memref<8192xf32, #tpu.memory_space<hbm>>
        %dma_start3A_356 = arith.constant 32768 : i32
        %dma_start3A_357 = tpu.memref_slice %arg10[%dma_start3A_356] : memref<40960xf32, #tpu.memory_space<vmem>> -> memref<8192xf32, #tpu.memory_space<vmem>>
        tpu.enqueue_dma source(%dma_start3A_357 : memref<8192xf32, #tpu.memory_space<vmem>>) target(%dma_start3A_355 : memref<8192xf32, #tpu.memory_space<hbm>>) target_semaphore(%run_scoped3A_350 : memref<!tpu.dma_semaphore, #tpu.memory_space<semaphore_mem>>)
        %dma_wait3A = arith.constant 32768 : i32
        %dma_wait3A_358 = tpu.memref_slice %arg10[%dma_wait3A] : memref<40960xf32, #tpu.memory_space<vmem>> -> memref<8192xf32, #tpu.memory_space<vmem>>
        %dma_wait3A_359 = tpu.memref_slice %arg5[%run_scoped3A_349, %add3A_339] : memref<20x2097152xf32, #tpu.memory_space<hbm>> -> memref<1x8192xf32, #tpu.memory_space<hbm>>
        %dma_wait3A_360 = tpu.memref_squeeze %dma_wait3A_359 : memref<1x8192xf32, #tpu.memory_space<hbm>> -> memref<8192xf32, #tpu.memory_space<hbm>>
        %dma_wait3A_361 = tpu.memref_slice %arg5[%run_scoped3A_349, %add3A_339] : memref<20x2097152xf32, #tpu.memory_space<hbm>> -> memref<1x8192xf32, #tpu.memory_space<hbm>>
        %dma_wait3A_362 = tpu.memref_squeeze %dma_wait3A_361 : memref<1x8192xf32, #tpu.memory_space<hbm>> -> memref<8192xf32, #tpu.memory_space<hbm>>
        %dma_wait3A_363 = arith.constant 32768 : i32
        %dma_wait3A_364 = tpu.memref_slice %arg10[%dma_wait3A_363] : memref<40960xf32, #tpu.memory_space<vmem>> -> memref<8192xf32, #tpu.memory_space<vmem>>
        tpu.wait_dma2 semaphore(%run_scoped3A_350 : memref<!tpu.dma_semaphore, #tpu.memory_space<semaphore_mem>>) src(%dma_wait3A_364 : memref<8192xf32, #tpu.memory_space<vmem>>) dst(%dma_wait3A_362 : memref<8192xf32, #tpu.memory_space<hbm>>)
        tpu.yield
      }) : () -> ()
    }
    %scan3A_335 = arith.constant 8 : i32
    return
  }
}

</mosaic_0001>

<sc_bundles>
// kernel: kernel.3.cloned.1.call-start
scs
__scs_entry_jumppad:
0x0: {  	(pc) =	sbr.rel $0x88, $3  }
0x1: {  	(tag) =	ssettag $0x0;
	lr =	simm.s32 $0x1  }
0x2: {  	[smem:$0x3F9E] =	sst lr;
	_ =	strace $0xD0000000  }
0x3: {  	_ = 	snop  }
0x4: {  	_ = 	snop  }
0x5: {  	_ = 	snop  }
0x6: {  	_ = 	snop  }
0x7: {  	_ = 	snop  }
__scs_overlays_trampoline_lowered:
0x8: {  	[smem:$0x3FAD] =	sst s0  }
0x9: {  	[smem:$0x3FAE] =	sst s1  }
0xa: {  	[smem:$0x3FAF] =	sst s2  }
0xb: {  	[smem:$0x3FB0] =	sst s3  }
0xc: {  	[smem:$0x3FB1] =	sst s4  }
0xd: {  	[smem:$0x3FB2] =	sst s5  }
0xe: {  	[smem:$0x3FB3] =	sst s6  }
0xf: {  	[smem:$0x3FB4] =	sst s7  }
0x10: {  	[smem:$0x3FB5] =	sst s8  }
0x11: {  	[smem:$0x3FB6] =	sst s9;
	s0 =	simm.s32 @!p0 $0x0  }
0x12: {  	s1 =	sld [smem:$0x3F9C];
	s0 =	simm.s32 @p0 $0x1  }
0x13: {  	[smem:$0x3FB7] =	sst s0;
	s0 =	simm.s32 @!p1 $0x0  }
0x14: {  	s2 =	sld [smem:$0x3F9B];
	s0 =	simm.s32 @p1 $0x1  }
0x15: {  	[smem:$0x3FB8] =	sst s0;
	s0 =	simm.s32 @!p2 $0x0  }
0x16: {  	s3 =	sld [smem:$0x3FDB];
	s0 =	simm.s32 @p2 $0x1  }
0x17: {  	s4 =	simm.s32 $0x1BF5;
	[smem:$0x3FBA] =	sst s0  }
0x18: {  	s0 =	sld [smem:$0x3F9D];
	_ =	swait.ge [sflag:s4], $0x0  }
0x19: {  	s7 =	sld [smem:$0x3F9E]  }
0x1a: {  	s8 =	sadd.s32 $0xFFFFE003, lr  }
0x1b: {  	s9 =	sadd.s32 $0xFFFFFEF7, lr;
	s5 =	simm.s32 $0xFFFFFFFF;
	p2 =	slt.u32 s8, $0xFFFFF086  }
0x1c: {  	p1 =	slt.u32 s9, $0xF7A;
	s5 =	simm.s32 @!p2 $0x0  }
0x1d: {  	s5 =	simm.s32 @p1 $0x1;
	p0 =	seq.s32 s7, s2  }
0x1e: {  	s7 =	smul.u32 @!p0 $0xF7A, s2;
	p2 =	seq.s32 @!p0 s5, $0x0  }
0x1f: {  	s9 =	smul.u32 $0xF7A, s1;
	s8 =	simm.s32 @!p0 $0x1BF5;
	p2 =	por !p2, p0  }
0x20: {  	[sflag:s8] =	ssyncset.s32 @!p0 $0xFFFFF086;
	s6 =	sadd.s32 @!p0 s3, s7;
	s7 =	simm.s32 @!p0 $0x108  }
0x21: {  	s3 =	sadd.s32 s3, s9;
	s6 =	sadd.s32 @!p0 $0x88, s6;
	s7 =	simm.s32 @p2 $0x1082  }
0x22: {  	[simem:s7], [sflag:s8] =	dma.local @!p0 [hbm:s6], $0xF7A  }
0x23: {  	s9 =	sor.u32 $0xD0000000, s2;
	s6 =	simm.s32 $0x108;
	_ =	swait.ge @!p0 [sflag:s8], $0x0  }
0x24: {  	s3 =	sadd.s32 $0x88, s3;
	s6 =	simm.s32 @!p1 $0x1082;
	[sflag:s4] =	ssyncset.s32 $0xFFFFF086  }
0x25: {  	[simem:s6], [sflag:s4] =	dma.local [hbm:s3], $0xF7A  }
0x26: {  	[smem:$0x3F9E] =	sst s1;
	(tag) =	ssettag s2;
	_ =	strace s9  }
0x27: {  	s1 =	sld [smem:$0x3FAE]  }
0x28: {  	s2 =	sld [smem:$0x3FAF]  }
0x29: {  	s4 =	sld [smem:$0x3FB1]  }
0x2a: {  	p0 =	seq.s32 s5, $0x0;
	s5 =	sld [smem:$0x3FB2]  }
0x2b: {  	s6 =	sld [smem:$0x3FB3]  }
0x2c: {  	s7 =	sld [smem:$0x3FB4]  }
0x2d: {  	s3 =	simm.s32 $0x108;
	s8 =	sld [smem:$0x3FB5]  }
0x2e: {  	s3 =	simm.s32 @!p0 $0x1082;
	s9 =	sld [smem:$0x3FB6]  }
0x2f: {  	lr =	sadd.s32 s0, s3;
	s0 =	sld [smem:$0x3FAD]  }
0x30: {  	s3 =	sld [smem:$0x3FB0]  }
0x31: {  	[smem:$0x3FB9] =	sst s10  }
0x32: {  	s10 =	sld [smem:$0x3FB7];
	_ =	sdelay $0x3  }
0x33: {  	p0 =	seq.s32 s10, $0x1;
	s10 =	sld [smem:$0x3FB9];
	_ =	sdelay $0x3  }
0x34: {  	[smem:$0x3FB9] =	sst s10  }
0x35: {  	s10 =	sld [smem:$0x3FB8];
	_ =	sdelay $0x3  }
0x36: {  	p1 =	seq.s32 s10, $0x1;
	s10 =	sld [smem:$0x3FB9];
	_ =	sdelay $0x3  }
0x37: {  	[smem:$0x3FB9] =	sst s10  }
0x38: {  	s10 =	sld [smem:$0x3FBA]  }
0x39: {  	_ = 	snop;
	(pc) =	sbr.ind lr, $3  }
0x3a: {  	_ = 	snop  }
0x3b: {  	_ = 	snop  }
0x3c: {  	p2 =	seq.s32 s10, $0x1;
	s10 =	sld [smem:$0x3FB9]  }
0x3d: {  	_ =	shalt  }
0x3e: {  	_ =	shalt  }
0x3f: {  	_ =	shalt  }
0x40: {  	_ =	shalt  }
0x41: {  	_ =	shalt  }
0x42: {  	_ =	shalt  }
0x43: {  	_ =	shalt  }
0x44: {  	_ =	shalt  }
0x45: {  	_ =	shalt  }
0x46: {  	_ =	shalt  }
0x47: {  	_ =	shalt  }
0x48: {  	_ =	shalt  }
0x49: {  	_ =	shalt  }
0x4a: {  	_ =	shalt  }
0x4b: {  	_ =	shalt  }
0x4c: {  	_ =	shalt  }
0x4d: {  	_ =	shalt  }
0x4e: {  	_ =	shalt  }
0x4f: {  	_ =	shalt  }
0x50: {  	_ =	shalt  }
0x51: {  	_ =	shalt  }
0x52: {  	_ =	shalt  }
0x53: {  	_ =	shalt  }
0x54: {  	_ =	shalt  }
0x55: {  	_ =	shalt  }
0x56: {  	_ =	shalt  }
0x57: {  	_ =	shalt  }
0x58: {  	_ =	shalt  }
0x59: {  	_ =	shalt  }
0x5a: {  	_ =	shalt  }
0x5b: {  	_ =	shalt  }
0x5c: {  	_ =	shalt  }
0x5d: {  	_ =	shalt  }
0x5e: {  	_ =	shalt  }
0x5f: {  	_ =	shalt  }
0x60: {  	_ =	shalt  }
0x61: {  	_ =	shalt  }
0x62: {  	_ =	shalt  }
0x63: {  	_ =	shalt  }
0x64: {  	_ =	shalt  }
0x65: {  	_ =	shalt  }
0x66: {  	_ =	shalt  }
0x67: {  	_ =	shalt  }
0x68: {  	_ =	shalt  }
0x69: {  	_ =	shalt  }
0x6a: {  	_ =	shalt  }
0x6b: {  	_ =	shalt  }
0x6c: {  	_ =	shalt  }
0x6d: {  	_ =	shalt  }
0x6e: {  	_ =	shalt  }
0x6f: {  	_ =	shalt  }
0x70: {  	_ =	shalt  }
0x71: {  	_ =	shalt  }
0x72: {  	_ =	shalt  }
0x73: {  	_ =	shalt  }
0x74: {  	_ =	shalt  }
0x75: {  	_ =	shalt  }
0x76: {  	_ =	shalt  }
0x77: {  	_ =	shalt  }
0x78: {  	_ =	shalt  }
0x79: {  	_ =	shalt  }
0x7a: {  	_ =	shalt  }
0x7b: {  	_ =	shalt  }
0x7c: {  	_ =	shalt  }
0x7d: {  	_ =	shalt  }
0x7e: {  	_ =	shalt  }
0x7f: {  	_ =	shalt  }
0x80: {  	_ =	shalt  }
0x81: {  	_ =	shalt  }
0x82: {  	_ =	shalt  }
0x83: {  	_ =	shalt  }
0x84: {  	_ =	shalt  }
0x85: {  	_ =	shalt  }
0x86: {  	_ =	shalt  }
0x87: {  	_ =	shalt  }
.Lfunc_end0:
.L_simem_size_0:
called_computation.1_lowered:
.L_overlay_start_0:
0x88: {  	s2 =	sld [smem:$0x3FD9]  }
0x89: {  	s3 =	sld [smem:$0x3FFE];
	_ =	sdelay $0x1  }
0x8a: {  	s1 =	srdreg.scid  }
0x8b: {  	s0 =	sand.u32 $0x1, s1  }
0x8c: {  	s17 =	sshll.u32 s0, $0xA;
	s2 =	sadd.s32 s3, s2  }
0x8d: {  	s2 =	sadd.s32 s2, s17  }
0x8e: {  	[smem:$0x3FC5] =	sst s2  }
0x8f: {  	_ = 	snop  }
0x90: {  	s2 =	sld [smem:$0x3FD0];
	(tm) =	ssettm $0x1  }
0x91: {  	s18 =	sld [smem:$0x3FFB];
	_ =	sdelay $0x3  }
0x92: {  	_ =	strace s18  }
0x93: {  	s3 =	sld [smem:$0x3FFC];
	_ =	sdelay $0x3  }
0x94: {  	_ =	strace s3  }
0x95: {  	s3 =	sld [smem:$0x3FFD];
	_ =	sdelay $0x3  }
0x96: {  	_ =	strace s3  }
0x97: {  	_ =	strace $0x8FFFFFFF  }
0x98: {  	s19 =	sld [smem:$0x3FDB];
	_ =	sdelay $0x1  }
0x99: {  	s4 =	simm.s32 $_scs_section_size  }
0x9a: {  	s5 =	simm.s32 $_size__tile_overlayer_lowered;
	s6 =	simm.s32 $_tile_overlayer_lowered  }
0x9b: {  	s22 =	simm.s32 $0x1BFF;
	s21 =	sshll.u32 s6, $0x1;
	s3 =	sadd.s32 s4, s19  }
0x9c: {  	s7 =	simm.s32 $0x0;
	s20 =	sshll.u32 s5, $0x1;
	s5 =	sadd.s32 s21, s3  }
0x9d: {  	[timem:s7], [sflag:s22] =	dma.local [hbm:s5], s20  }
0x9e: {  	_ =	swait.ge [sflag:s22], s20  }
0x9f: {  	s4 =	ssub.s32 $0x0, s20;
	[sflag:s22] =	ssyncset.done $0x0  }
0xa0: {  	[sflag:s22] =	ssyncadd.s32 s4;
	_ =	sdelay $0x1  }
0xa1: {  	s23 =	simm.s32 $0x1B8B  }
0xa2: {  	_ =	swait.ge [sflag:s23], $0x1  }
0xa3: {  	[sflag:s23] =	ssyncset.done $0x0  }
0xa4: {  	s25 =	simm.s32 $0x1B8E;
	s24 =	sld [smem:$0x3FFE];
	[sflag:s23] =	ssyncadd.s32 $0xFFFFFFFF  }
0xa5: {  	s26 =	simm.s32 $execute0_lowered;
	[smem:$0x3FD2] =	sst s25  }
0xa6: {  	s5 =	sshll.u32 s26, $0x1;
	_ =	strace $0x80000049;
	[dreg:$0x1] =	wrdreg $0xFFFFFFFF  }
0xa7: {  	s28 =	simm.s32 $_size_execute0_lowered;
	s3 =	sadd.s32 s3, s5;
	[dreg:$0x0] =	wrdreg $0x0  }
0xa8: {  	s5 =	sshll.u32 s28, $0x1;
	[dreg:$0x2] =	wrdreg s3  }
0xa9: {  	[dreg:$0x3] =	wrdreg s5  }
0xaa: {  	[dreg:$0x4] =	wrdreg $0xC0  }
0xab: {  	_ =	task [dreg:s7], $0x5FFFF  }
0xac: {  	[dreg:$0x1] =	wrdreg $0xFFFFFFFF  }
0xad: {  	[dreg:$0x0] =	wrdreg $0x60  }
0xae: {  	[dreg:$0x2] =	wrdreg s24  }
0xaf: {  	[dreg:$0x3] =	wrdreg s2  }
0xb0: {  	[dreg:$0x4] =	wrdreg $0x9  }
0xb1: {  	_ =	task.clear_ibuf [dreg:s7], $0x5FFFF;
	_ =	strace $0x90000049  }
0xb2: {  	s29 =	simm.s32 $0x9;
	_ =	strace $0x8000004B  }
0xb3: {  	_ =	swait.ge [sflag:s29], $0x1  }
0xb4: {  	[sflag:s29] =	ssyncadd.s32 $0xFFFFFFFF  }
0xb5: {  	_ =	strace $0x9000004B  }
0xb6: {  	_ =	sfence  }
0xb7: {  	s30 =	sld [smem:$0x0];
	_ =	sdelay $0x2  }
0xb8: {  	s31 =	sshll.u32 s1, $0xD;
	s1 =	sshrl.u32 s1, $0x2  }
0xb9: {  	s3 =	sand.u32 $0x4000, s31;
	s1 =	sadd.s32 s1, s30  }
0xba: {  	s0 =	sor.u32 s3, s0;
	s1 =	sshll.u32 s1, $0x11  }
0xbb: {  	s0 =	sor.u32 s1, s0  }
0xbc: {  	s0 =	sadd.s32 $0x8F2B, s0  }
0xbd: {  	[sflag:s0] =	ssyncadd.remote.s32 $0x1  }
0xbe: {  	_ =	sfence.sel $0xFFFF  }
0xbf: {  	[dreg:$0x0] =	wrdreg $0xFFFFFFFF;
	(pc) =	sbr.abs _section_cstart, $3  }
0xc0: {  	[dreg:$0x1] =	wrdreg $0xFFFFFFFF  }
0xc1: {  	_ =	task.clear_ibuf [dreg:s7], $0x2FFFF;
	_ =	strace $0x9FFFFFFF  }
0xc2: {  	(tm) =	ssettm $0x7FFFFFFF  }
0xc3: {  	_ =	shalt  }
tec
execute0_lowered:
.L_overlay_start_1:
0x0: {  	(tag) =	ssettag $0x1  }
0x1: {  	s0 =	rddreg [dreg:$0x0];
	s1 =	simm.s32 $0x0  }
0x2: {  	s25 =	srdreg.scid;
	s5 =	stileid.u32;
	s16 =	simm.s32 $0x1  }
0x3: {  	s17 =	simm.s32 $0x80;
	s18 =	simm.s32 $0x400;
	s19 =	simm.s32 $0x1480  }
0x4: {  	s20 =	simm.s32 $0x3480;
	s21 =	simm.s32 $0x5480;
	s22 =	simm.s32 $0x7480  }
0x5: {  	s23 =	simm.s32 $0x9480;
	s24 =	simm.s32 $0xB480;
	[smem:$0x7FF] =	sst s1  }
0x6: {  	s4 =	sadd.s32 $0x600A00, s0;
	s2 =	sadd.s32 $0xC00A00, s0;
	s1 =	sand.u32 $0x1, s25  }
0x7: {  	s6 =	sadd.s32 $0xA00, s0;
	s5 =	sshll.u32 s5, $0x14;
	s11 =	sadd.s32 $0xA10, s0  }
0x8: {  	s28 =	sadd.s32 $0xA20, s0;
	s29 =	sadd.s32 $0xA30, s0;
	s30 =	sadd.s32 $0xA40, s0  }
0x9: {  	s12 =	sadd.s32 $0xA50, s0;
	_ =	strace $0x8000004A;
	[dreg:$0x3] =	wrdreg s2  }
0xa: {  	s13 =	sadd.s32 $0xA60, s0;
	s26 =	ssub.s32 $0x2, s1;
	[dreg:$0x5] =	wrdreg s28  }
0xb: {  	s14 =	sadd.s32 $0xA70, s0;
	[dreg:$0x6] =	wrdreg s29;
	s3 =	sshrl.u32 s26, $0x1  }
0xc: {  	s25 =	simm.s32 $0xD480;
	[dreg:$0x7] =	wrdreg s30;
	s2 =	ssub.s32 s26, s3  }
0xd: {  	s1 =	sshll.u32 s1, $0x13;
	[dreg:$0x4] =	wrdreg s11;
	s31 =	smax.u32 s2, $0x1  }
0xe: {  	s7 =	sor.u32 s1, s5;
	s1 =	simm.s32 $0x0;
	[dreg:$0x8] =	wrdreg s31  }
.LBB2_1:
0xf: {  	[dreg:$0x9] =	wrdreg s1  }
0x10: {  	s26 =	simm.s32 $0x0;
	s0 =	rddreg [dreg:$0x3]  }
0x11: {  	[tilespmem:s26], [sflag:$0x1] =	stream.linear.gather [hbm4b:s0+s26], $0x80, $0x38;
	[tilespmem:$0xF480] =	vst v63  }
0x12: {  	_ =	swait.ge [sflag:s16], $0x80  }
0x13: {  	[sflag:s16] =	ssyncset.done $0x0  }
0x14: {  	[sflag:s16] =	ssyncadd.s32 $0xFFFFFF80  }
0x15: {  	s31 =	rddreg [dreg:$0x1]  }
0x16: {  	[tilespmem:s17], [sflag:$0x1] =	stream.linear.gather [hbm4b:s31+s26], $0x1400, $0x38;
	[tilespmem:$0xF480] =	vst v63  }
0x17: {  	_ =	swait.ge [sflag:s16], $0x1400  }
0x18: {  	[sflag:s16] =	ssyncset.done $0x0  }
0x19: {  	[sflag:s16] =	ssyncadd.s32 $0xFFFFEC00  }
0x1a: {  	v0 =	vld [tilespmem:$0x0];
	_ =	sdelay $0x4  }
0x1b: {  	(v2sf) =	vpush v0, $0x0  }
0x1c: {  	(v2sf) =	vpush v0, $0x1;
	_ =	sdelay $0x2  }
0x1d: {  	(v2sf) =	vpush v0, $0x2;
	_ =	sdelay $0x2  }
0x1e: {  	(v2sf) =	vpush v0, $0x3;
	_ =	sdelay $0x2  }
0x1f: {  	(v2sf) =	vpush v0, $0x4;
	_ =	sdelay $0x4  }
0x20: {  	s0 =	spop (v2sf)  }
0x21: {  	s1 =	spop (v2sf)  }
0x22: {  	p0 =	sgt.f32 s1, s0  }
0x23: {  	s2 =	smov.u32 s0  }
0x24: {  	s3 =	spop (v2sf);
	s2 =	smov.u32 @p0 s1  }
0x25: {  	p1 =	sgt.f32 s3, s2;
	_ =	sdelay $0x1  }
0x26: {  	s5 =	spop (v2sf);
	s2 =	smov.u32 @p1 s3  }
0x27: {  	p2 =	sgt.f32 s5, s2  }
0x28: {  	s9 =	simm.s32 $0x1  }
0x29: {  	s8 =	spop (v2sf);
	s9 =	simm.s32 @!p0 $0x0;
	s2 =	smov.u32 @p2 s5  }
0x2a: {  	s9 =	simm.s32 @p1 $0x2;
	p1 =	sgt.f32 s8, s2  }
0x2b: {  	s9 =	simm.s32 @p2 $0x3  }
0x2c: {  	s9 =	simm.s32 @p1 $0x4  }
0x2d: {  	p2 =	sgt.f32 s0, $-Inf;
	p0 =	sne.s32 s9, $0x0  }
0x2e: {  	s0 =	simm.s32 @!p0 $0xFF800000  }
0x2f: {  	s0 =	simm.s32 @!p2 $0xFF800000  }
0x30: {  	p2 =	sgt.f32 s1, s0  }
0x31: {  	p3 =	sne.s32 s9, $0x1  }
0x32: {  	p0 =	por !p3, !p2  }
0x33: {  	p0 =	por !p0, !p0  }
0x34: {  	s0 =	smov.u32 @p0 s1  }
0x35: {  	p4 =	sgt.f32 s3, s0  }
0x36: {  	p3 =	sne.s32 s9, $0x2  }
0x37: {  	p2 =	por !p3, !p4  }
0x38: {  	p2 =	por !p2, !p2  }
0x39: {  	s0 =	smov.u32 @p2 s3  }
0x3a: {  	p5 =	sgt.f32 s5, s0  }
0x3b: {  	p4 =	sne.s32 s9, $0x3  }
0x3c: {  	p3 =	por !p4, !p5  }
0x3d: {  	p3 =	por !p3, !p3  }
0x3e: {  	s0 =	smov.u32 @p3 s5  }
0x3f: {  	p6 =	sgt.f32 s8, s0  }
0x40: {  	p5 =	por !p1, !p1  }
0x41: {  	p4 =	por !p5, !p6  }
0x42: {  	p4 =	por !p4, !p4  }
0x43: {  	s2 =	smov.u32 @p1 s8;
	s0 =	smov.u32 @p4 s8  }
0x44: {  	s0 =	ssub.f32 s0, s2;
	_ =	sdelay $0x1  }
0x45: {  	v1 =	vmov s0  }
0x46: {  	v1 =	vmul.f32 $1.442695020e+00, v1;
	_ =	sdelay $0x1  }
0x47: {  	v1 =	vbroadcast v1, $0x0;
	_ =	sdelay $0x1  }
0x48: {  	(erf) = vpow2.f32 v1;
	_ =	sdelay $0x8  }
0x49: {  	v1 =	vpop (erf)  }
0x4a: {  	v2 =	vadd.f32 $1.000000000e+00, v1;
	_ =	sdelay $0x1  }
0x4b: {  	(erf) = vrcp.f32 v2;
	_ =	sdelay $0x7  }
0x4c: {  	s28 =	simm.s32 $0x80  }
0x4d: {  	s28 =	simm.s32 @!p0 $0x0;
	v2 =	vpop (erf)  }
0x4e: {  	s28 =	simm.s32 @p2 $0x100;
	v2 =	vmul.f32 v2, v1  }
0x4f: {  	s28 =	simm.s32 @p3 $0x180  }
0x50: {  	s30 =	simm.s32 $0x0;
	s29 =	sshll.u32 s9, $0x7;
	s28 =	simm.s32 @p4 $0x200;
	v1 =	vld [tilespmem:$0x10];
	v3 =	vsub.f32 $1.000000000e+00, v2  }
.LBB2_2:
0x51: {  	s0 =	sshll.u32 s30, $0x10  }
0x52: {  	s31 =	sadd.s32 s7, s0  }
0x53: {  	s0 =	sor.u32 s29, s31  }
0x54: {  	s0 =	sshrl.u32 s0, $0x3  }
0x55: {  	s0 =	sadd.s32 s4, s0  }
0x56: {  	[tilespmem:s19], [sflag:$0x1] =	stream.strided.gather [hbm4b:s0+s17], $0x2000, s18, s17, $0x38;
	[tilespmem:$0xF480] =	vst v63  }
0x57: {  	s26 =	sor.u32 s28, s31;
	_ =	swait.ge [sflag:s16], $0x2000  }
0x58: {  	s0 =	sshrl.u32 s26, $0x3;
	[sflag:s16] =	ssyncset.done $0x0  }
0x59: {  	s0 =	sadd.s32 s4, s0;
	[sflag:s16] =	ssyncadd.s32 $0xFFFFE000  }
0x5a: {  	[tilespmem:s20], [sflag:$0x1] =	stream.strided.gather [hbm4b:s0+s17], $0x2000, s18, s17, $0x38;
	[tilespmem:$0xF480] =	vst v63  }
0x5b: {  	_ =	swait.ge [sflag:s16], $0x2000  }
0x5c: {  	[sflag:s16] =	ssyncset.done $0x0  }
0x5d: {  	s3 =	simm.s32 $0x4480;
	[sflag:s16] =	ssyncadd.s32 $0xFFFFE000  }
0x5e: {  	s1 =	simm.s32 $0x2480;
	v4 =	vld [tilespmem:s3+$0xFFFFF000]  }
0x5f: {  	v7 =	vld [tilespmem:s1+$0xFFFFF000];
	_ =	sdelay $0x2  }
0x60: {  	s2 =	simm.s32 $0x880  }
0x61: {  	v6 =	vld [tilespmem:s2+$0xFFFFF800]  }
0x62: {  	v5 =	vld [tilespmem:s2+$0x800];
	v8 =	vmul.f32 v7, v3;
	v9 =	vmul.f32 v4, v2  }
0x63: {  	v7 =	vld [tilespmem:s2+$0x0]  }
0x64: {  	v4 =	vld [tilespmem:s2+$0x400];
	v9 =	vadd.f32 v9, v8  }
0x65: {  	v8 =	vld [tilespmem:s2+$0xFFFFFC00]  }
0x66: {  	v10 =	vadd.f32 v9, v6  }
0x67: {  	s5 =	simm.s32 $0x0;
	s0 =	simm.s32 $0x6480;
	v11 =	vadd.f32 v9, v5  }
0x68: {  	s5 =	sand.u32 $0x3F0, s5;
	v12 =	vadd.f32 v9, v7;
	[tilespmem:s0+$0xFFFFF000] =	vst v10  }
0x69: {  	v10 =	vadd.f32 v9, v4;
	[tilespmem:s5+$0xD480] =	vst v11  }
0x6a: {  	v9 =	vadd.f32 v9, v8;
	[tilespmem:s5+$0x9480] =	vst v12  }
0x6b: {  	[tilespmem:s5+$0xB480] =	vst v10  }
0x6c: {  	[tilespmem:s5+$0x7480] =	vst v9  }
0x6d: {  	v9 =	vld [tilespmem:s1+$0xFFFFF400]  }
0x6e: {  	v10 =	vld [tilespmem:s3+$0xFFFFF400];
	_ =	sdelay $0x4  }
0x6f: {  	v9 =	vmul.f32 v9, v3;
	v10 =	vmul.f32 v10, v2;
	_ =	sdelay $0x1  }
0x70: {  	v9 =	vadd.f32 v10, v9;
	_ =	sdelay $0x1  }
0x71: {  	v10 =	vadd.f32 v9, v6  }
0x72: {  	v11 =	vadd.f32 v9, v8  }
0x73: {  	v59 =	vadd.f32 v9, v5;
	[tilespmem:s0+$0xFFFFF400] =	vst v10  }
0x74: {  	v10 =	vadd.f32 v9, v7;
	[tilespmem:s5+$0x7880] =	vst v11  }
0x75: {  	v9 =	vadd.f32 v9, v4;
	[tilespmem:s5+$0xD880] =	vst v59  }
0x76: {  	[tilespmem:s5+$0x9880] =	vst v10  }
0x77: {  	[tilespmem:s5+$0xB880] =	vst v9  }
0x78: {  	v9 =	vld [tilespmem:s1+$0xFFFFF800]  }
0x79: {  	v10 =	vld [tilespmem:s3+$0xFFFFF800];
	_ =	sdelay $0x4  }
0x7a: {  	v9 =	vmul.f32 v9, v3;
	v10 =	vmul.f32 v10, v2;
	_ =	sdelay $0x1  }
0x7b: {  	v9 =	vadd.f32 v10, v9;
	_ =	sdelay $0x1  }
0x7c: {  	v10 =	vadd.f32 v9, v6  }
0x7d: {  	v11 =	vadd.f32 v9, v8  }
0x7e: {  	v60 =	vadd.f32 v9, v5;
	[tilespmem:s0+$0xFFFFF800] =	vst v10  }
0x7f: {  	v10 =	vadd.f32 v9, v7;
	[tilespmem:s5+$0x7C80] =	vst v11  }
0x80: {  	v9 =	vadd.f32 v9, v4;
	[tilespmem:s5+$0xDC80] =	vst v60  }
0x81: {  	[tilespmem:s5+$0x9C80] =	vst v10  }
0x82: {  	[tilespmem:s5+$0xBC80] =	vst v9  }
0x83: {  	v9 =	vld [tilespmem:s1+$0xFFFFFC00]  }
0x84: {  	v10 =	vld [tilespmem:s3+$0xFFFFFC00];
	_ =	sdelay $0x4  }
0x85: {  	v9 =	vmul.f32 v9, v3;
	v10 =	vmul.f32 v10, v2;
	_ =	sdelay $0x1  }
0x86: {  	v9 =	vadd.f32 v10, v9;
	_ =	sdelay $0x1  }
0x87: {  	v10 =	vadd.f32 v9, v6  }
0x88: {  	v11 =	vadd.f32 v9, v8  }
0x89: {  	v61 =	vadd.f32 v9, v5;
	[tilespmem:s0+$0xFFFFFC00] =	vst v10  }
0x8a: {  	v10 =	vadd.f32 v9, v7;
	[tilespmem:s5+$0x8080] =	vst v11  }
0x8b: {  	v9 =	vadd.f32 v9, v4;
	[tilespmem:s5+$0xE080] =	vst v61  }
0x8c: {  	[tilespmem:s5+$0xA080] =	vst v10  }
0x8d: {  	[tilespmem:s5+$0xC080] =	vst v9  }
0x8e: {  	v9 =	vld [tilespmem:s1+$0x0]  }
0x8f: {  	v10 =	vld [tilespmem:s3+$0x0];
	_ =	sdelay $0x4  }
0x90: {  	v9 =	vmul.f32 v9, v3;
	v10 =	vmul.f32 v10, v2;
	_ =	sdelay $0x1  }
0x91: {  	v9 =	vadd.f32 v10, v9;
	_ =	sdelay $0x1  }
0x92: {  	v10 =	vadd.f32 v9, v6  }
0x93: {  	v11 =	vadd.f32 v9, v5  }
0x94: {  	v62 =	vadd.f32 v9, v4;
	[tilespmem:s0+$0x0] =	vst v10  }
0x95: {  	v10 =	vadd.f32 v9, v7;
	[tilespmem:s5+$0xE480] =	vst v11  }
0x96: {  	v9 =	vadd.f32 v9, v8;
	[tilespmem:s5+$0xC480] =	vst v62  }
0x97: {  	[tilespmem:s5+$0xA480] =	vst v10  }
0x98: {  	[tilespmem:s5+$0x8480] =	vst v9  }
0x99: {  	v9 =	vld [tilespmem:s1+$0x400]  }
0x9a: {  	v10 =	vld [tilespmem:s3+$0x400];
	_ =	sdelay $0x4  }
0x9b: {  	v9 =	vmul.f32 v9, v3;
	v10 =	vmul.f32 v10, v2;
	_ =	sdelay $0x1  }
0x9c: {  	v9 =	vadd.f32 v10, v9;
	_ =	sdelay $0x1  }
0x9d: {  	v10 =	vadd.f32 v9, v6  }
0x9e: {  	v11 =	vadd.f32 v9, v4  }
0x9f: {  	v63 =	vadd.f32 v9, v8;
	[tilespmem:s0+$0x400] =	vst v10  }
0xa0: {  	v10 =	vadd.f32 v9, v7;
	[tilespmem:s5+$0xC880] =	vst v11  }
0xa1: {  	v9 =	vadd.f32 v9, v5;
	[tilespmem:s5+$0x8880] =	vst v63  }
0xa2: {  	[tilespmem:s5+$0xA880] =	vst v10  }
0xa3: {  	[tilespmem:s5+$0xE880] =	vst v9  }
0xa4: {  	s8 =	simm.s32 $0x10;
	v9 =	vld [tilespmem:s1+$0x800]  }
0xa5: {  	s9 =	simm.s32 $0x6490;
	s15 =	simm.s32 $0x2480;
	s26 =	simm.s32 $0x4480;
	v10 =	vld [tilespmem:s3+$0x800]  }
.LBB2_3:
0xa6: {  	s2 =	sadd.s32 $0x10, s2;
	s1 =	sadd.s32 $0x10, s1;
	s3 =	sadd.s32 $0x10, s3  }
0xa7: {  	p0 =	sne.s32 s8, $0x3F0;
	s10 =	smov.u32 s8;
	s8 =	sadd.s32 $0x10, s8  }
0xa8: {  	_ = 	snop  }
0xa9: {  	v9 =	vmul.f32 v9, v3  }
0xaa: {  	v10 =	vmul.f32 v10, v2;
	_ =	sdelay $0x1  }
0xab: {  	v9 =	vadd.f32 v10, v9;
	_ =	sdelay $0x1  }
0xac: {  	v10 =	vadd.f32 v9, v6  }
0xad: {  	v11 =	vadd.f32 v9, v4;
	v12 =	vadd.f32 v9, v5  }
0xae: {  	[tilespmem:s0+$0x800] =	vst v10;
	v10 =	vadd.f32 v9, v8;
	v9 =	vadd.f32 v9, v7  }
0xaf: {  	[tilespmem:s5+$0xCC80] =	vst v11  }
0xb0: {  	[tilespmem:s5+$0xEC80] =	vst v12  }
0xb1: {  	[tilespmem:s5+$0x8C80] =	vst v10  }
0xb2: {  	[tilespmem:s5+$0xAC80] =	vst v9  }
0xb3: {  	v9 =	vld [tilespmem:s15+$0xC00];
	s15 =	smov.u32 s1  }
0xb4: {  	v10 =	vld [tilespmem:s26+$0xC00];
	s26 =	smov.u32 s3;
	_ =	sdelay $0x3  }
0xb5: {  	v9 =	vmul.f32 v9, v3  }
0xb6: {  	v10 =	vmul.f32 v10, v2;
	_ =	sdelay $0x1  }
0xb7: {  	v9 =	vadd.f32 v10, v9;
	_ =	sdelay $0x1  }
0xb8: {  	v6 =	vadd.f32 v9, v6  }
0xb9: {  	v8 =	vadd.f32 v9, v8  }
0xba: {  	v5 =	vadd.f32 v9, v5;
	[tilespmem:s0+$0xC00] =	vst v6;
	v6 =	vadd.f32 v9, v7;
	s0 =	smov.u32 s9  }
0xbb: {  	v4 =	vadd.f32 v9, v4;
	[tilespmem:s5+$0x9080] =	vst v8  }
0xbc: {  	[tilespmem:s5+$0xF080] =	vst v5  }
0xbd: {  	[tilespmem:s5+$0xD080] =	vst v4  }
0xbe: {  	[tilespmem:s5+$0xB080] =	vst v6  }
0xbf: {  	v7 =	vld [tilespmem:s3+$0xFFFFF000]  }
0xc0: {  	v9 =	vld [tilespmem:s1+$0xFFFFF000];
	_ =	sdelay $0x1  }
0xc1: {  	v4 =	vld [tilespmem:s2+$0x400]  }
0xc2: {  	v5 =	vld [tilespmem:s2+$0x800]  }
0xc3: {  	v6 =	vld [tilespmem:s2+$0xFFFFF800]  }
0xc4: {  	v10 =	vmul.f32 v7, v2;
	v8 =	vld [tilespmem:s2+$0xFFFFFC00];
	v9 =	vmul.f32 v9, v3  }
0xc5: {  	v7 =	vld [tilespmem:s2+$0x0]  }
0xc6: {  	v9 =	vadd.f32 v10, v9;
	_ =	sdelay $0x1  }
0xc7: {  	v10 =	vadd.f32 v9, v6  }
0xc8: {  	v12 =	vadd.f32 v9, v5;
	v11 =	vadd.f32 v9, v8  }
0xc9: {  	s5 =	sand.u32 $0x3F0, s10;
	[tilespmem:s9+$0xFFFFF000] =	vst v10;
	v10 =	vadd.f32 v9, v7;
	v9 =	vadd.f32 v9, v4  }
0xca: {  	[tilespmem:s5+$0xD480] =	vst v12  }
0xcb: {  	[tilespmem:s5+$0xB480] =	vst v9  }
0xcc: {  	[tilespmem:s5+$0x9480] =	vst v10  }
0xcd: {  	[tilespmem:s5+$0x7480] =	vst v11  }
0xce: {  	v9 =	vld [tilespmem:s1+$0xFFFFF400]  }
0xcf: {  	v10 =	vld [tilespmem:s3+$0xFFFFF400];
	_ =	sdelay $0x4  }
0xd0: {  	v9 =	vmul.f32 v9, v3;
	v10 =	vmul.f32 v10, v2;
	_ =	sdelay $0x1  }
0xd1: {  	v9 =	vadd.f32 v10, v9;
	_ =	sdelay $0x1  }
0xd2: {  	v10 =	vadd.f32 v9, v6;
	v11 =	vadd.f32 v9, v5  }
0xd3: {  	v12 =	vadd.f32 v9, v8  }
0xd4: {  	[tilespmem:s9+$0xFFFFF400] =	vst v10;
	v10 =	vadd.f32 v9, v7  }
0xd5: {  	v9 =	vadd.f32 v9, v4;
	[tilespmem:s5+$0x7880] =	vst v12  }
0xd6: {  	[tilespmem:s5+$0x9880] =	vst v10  }
0xd7: {  	[tilespmem:s5+$0xD880] =	vst v11  }
0xd8: {  	[tilespmem:s5+$0xB880] =	vst v9  }
0xd9: {  	v9 =	vld [tilespmem:s1+$0xFFFFF800]  }
0xda: {  	v10 =	vld [tilespmem:s3+$0xFFFFF800];
	_ =	sdelay $0x4  }
0xdb: {  	v9 =	vmul.f32 v9, v3;
	v10 =	vmul.f32 v10, v2;
	_ =	sdelay $0x1  }
0xdc: {  	v9 =	vadd.f32 v10, v9;
	_ =	sdelay $0x1  }
0xdd: {  	v10 =	vadd.f32 v9, v6  }
0xde: {  	v11 =	vadd.f32 v9, v8;
	v12 =	vadd.f32 v9, v5  }
0xdf: {  	[tilespmem:s9+$0xFFFFF800] =	vst v10;
	v10 =	vadd.f32 v9, v7  }
0xe0: {  	v9 =	vadd.f32 v9, v4;
	[tilespmem:s5+$0x7C80] =	vst v11  }
0xe1: {  	[tilespmem:s5+$0x9C80] =	vst v10  }
0xe2: {  	[tilespmem:s5+$0xDC80] =	vst v12  }
0xe3: {  	[tilespmem:s5+$0xBC80] =	vst v9  }
0xe4: {  	v9 =	vld [tilespmem:s1+$0xFFFFFC00]  }
0xe5: {  	v10 =	vld [tilespmem:s3+$0xFFFFFC00];
	_ =	sdelay $0x4  }
0xe6: {  	v9 =	vmul.f32 v9, v3;
	v10 =	vmul.f32 v10, v2;
	_ =	sdelay $0x1  }
0xe7: {  	v9 =	vadd.f32 v10, v9;
	_ =	sdelay $0x1  }
0xe8: {  	v10 =	vadd.f32 v9, v6  }
0xe9: {  	v11 =	vadd.f32 v9, v8;
	v12 =	vadd.f32 v9, v5  }
0xea: {  	[tilespmem:s9+$0xFFFFFC00] =	vst v10;
	v10 =	vadd.f32 v9, v7  }
0xeb: {  	[tilespmem:s5+$0x8080] =	vst v11  }
0xec: {  	v9 =	vadd.f32 v9, v4;
	[tilespmem:s5+$0xA080] =	vst v10  }
0xed: {  	[tilespmem:s5+$0xE080] =	vst v12  }
0xee: {  	[tilespmem:s5+$0xC080] =	vst v9  }
0xef: {  	v9 =	vld [tilespmem:s1+$0x0]  }
0xf0: {  	v10 =	vld [tilespmem:s3+$0x0];
	_ =	sdelay $0x3  }
0xf1: {  	v9 =	vmul.f32 v9, v3  }
0xf2: {  	v10 =	vmul.f32 v10, v2;
	_ =	sdelay $0x1  }
0xf3: {  	v9 =	vadd.f32 v10, v9;
	_ =	sdelay $0x1  }
0xf4: {  	v10 =	vadd.f32 v9, v6  }
0xf5: {  	v11 =	vadd.f32 v9, v5  }
0xf6: {  	[tilespmem:s9+$0x0] =	vst v10;
	v10 =	vadd.f32 v9, v7  }
0xf7: {  	v12 =	vadd.f32 v9, v4;
	[tilespmem:s5+$0xE480] =	vst v11  }
0xf8: {  	v9 =	vadd.f32 v9, v8;
	[tilespmem:s5+$0xA480] =	vst v10  }
0xf9: {  	[tilespmem:s5+$0xC480] =	vst v12  }
0xfa: {  	[tilespmem:s5+$0x8480] =	vst v9  }
0xfb: {  	v9 =	vld [tilespmem:s1+$0x400]  }
0xfc: {  	v10 =	vld [tilespmem:s3+$0x400];
	_ =	sdelay $0x3  }
0xfd: {  	v9 =	vmul.f32 v9, v3  }
0xfe: {  	v10 =	vmul.f32 v10, v2;
	_ =	sdelay $0x1  }
0xff: {  	v9 =	vadd.f32 v10, v9;
	_ =	sdelay $0x1  }
0x100: {  	v10 =	vadd.f32 v9, v6;
	v11 =	vadd.f32 v9, v4  }
0x101: {  	v12 =	vadd.f32 v9, v8;
	v13 =	vadd.f32 v9, v5  }
0x102: {  	v9 =	vadd.f32 v9, v7;
	[tilespmem:s9+$0x400] =	vst v10  }
0x103: {  	[tilespmem:s5+$0xC880] =	vst v11  }
.Ltmp0:
0x104: {  	[tilespmem:s5+$0x8880] =	vst v12;
	(pc) =	sbr.rel @p0 .LBB2_3-.Ltmp0, $4  }
0x105: {  	[tilespmem:s5+$0xA880] =	vst v9  }
0x106: {  	[tilespmem:s5+$0xE880] =	vst v13  }
0x107: {  	v9 =	vld [tilespmem:s1+$0x800]  }
0x108: {  	s9 =	sadd.s32 $0x10, s9;
	v10 =	vld [tilespmem:s3+$0x800]  }
0x109: {  	_ =	sdelay $0x3  }
0x10a: {  	v9 =	vmul.f32 v9, v3;
	v10 =	vmul.f32 v10, v2;
	_ =	sdelay $0x1  }
0x10b: {  	v9 =	vadd.f32 v10, v9;
	_ =	sdelay $0x1  }
0x10c: {  	v10 =	vadd.f32 v9, v6  }
0x10d: {  	v11 =	vadd.f32 v9, v4  }
0x10e: {  	v12 =	vadd.f32 v9, v5;
	[tilespmem:s0+$0x800] =	vst v10  }
0x10f: {  	v60 =	vadd.f32 v9, v8;
	[tilespmem:s5+$0xCC80] =	vst v11  }
0x110: {  	v9 =	vadd.f32 v9, v7;
	[tilespmem:s5+$0xEC80] =	vst v12  }
0x111: {  	[tilespmem:s5+$0x8C80] =	vst v60  }
0x112: {  	[tilespmem:s5+$0xAC80] =	vst v9  }
0x113: {  	v9 =	vld [tilespmem:s15+$0xC00]  }
0x114: {  	v10 =	vld [tilespmem:s26+$0xC00];
	_ =	sdelay $0x4  }
0x115: {  	v9 =	vmul.f32 v9, v3;
	v10 =	vmul.f32 v10, v2;
	_ =	sdelay $0x1  }
0x116: {  	v9 =	vadd.f32 v10, v9;
	_ =	sdelay $0x1  }
0x117: {  	v61 =	vadd.f32 v9, v6  }
0x118: {  	v62 =	vadd.f32 v9, v8  }
0x119: {  	v5 =	vadd.f32 v9, v5;
	[tilespmem:s0+$0xC00] =	vst v61  }
0x11a: {  	v4 =	vadd.f32 v9, v4;
	[tilespmem:s5+$0x9080] =	vst v62  }
0x11b: {  	v63 =	vadd.f32 v9, v7;
	[tilespmem:s5+$0xF080] =	vst v5  }
0x11c: {  	s9 =	sshrl.u32 s31, $0x3;
	[tilespmem:s5+$0xD080] =	vst v4  }
0x11d: {  	s1 =	sadd.s32 s6, s9;
	[tilespmem:s5+$0xB080] =	vst v63  }
0x11e: {  	[hbm4b:s1+s17] =	stream.strided.scatter [tilespmem:s21], [sflag:$0x1], $0x2000, s18, s17, $0x38;
	[tilespmem:$0xF480] =	vst v63  }
0x11f: {  	_ =	swait.ge [sflag:s16], $0x2000  }
0x120: {  	[sflag:s16] =	ssyncset.done $0x0  }
0x121: {  	s10 =	sadd.s32 s9, s11;
	[sflag:s16] =	ssyncadd.s32 $0xFFFFE000  }
0x122: {  	[hbm4b:s10+s17] =	stream.strided.scatter [tilespmem:s22], [sflag:$0x1], $0x2000, s18, s17, $0x38;
	[tilespmem:$0xF480] =	vst v63  }
0x123: {  	_ =	swait.ge [sflag:s16], $0x2000  }
0x124: {  	[sflag:s16] =	ssyncset.done $0x0;
	s15 =	rddreg [dreg:$0x5]  }
0x125: {  	[sflag:s16] =	ssyncadd.s32 $0xFFFFE000;
	s1 =	sadd.s32 s9, s15  }
0x126: {  	[hbm4b:s1+s17] =	stream.strided.scatter [tilespmem:s23], [sflag:$0x1], $0x2000, s18, s17, $0x38;
	[tilespmem:$0xF480] =	vst v63  }
0x127: {  	_ =	swait.ge [sflag:s16], $0x2000  }
0x128: {  	[sflag:s16] =	ssyncset.done $0x0;
	s26 =	rddreg [dreg:$0x6]  }
0x129: {  	[sflag:s16] =	ssyncadd.s32 $0xFFFFE000;
	s1 =	sadd.s32 s9, s26  }
0x12a: {  	[hbm4b:s1+s17] =	stream.strided.scatter [tilespmem:s24], [sflag:$0x1], $0x2000, s18, s17, $0x38;
	[tilespmem:$0xF480] =	vst v63  }
0x12b: {  	s30 =	sadd.s32 $0x1, s30;
	_ =	swait.ge [sflag:s16], $0x2000  }
0x12c: {  	p0 =	sne.s32 s30, $0x8;
	[sflag:s16] =	ssyncset.done $0x0;
	s31 =	rddreg [dreg:$0x7]  }
.Ltmp1:
0x12d: {  	[sflag:s16] =	ssyncadd.s32 $0xFFFFE000;
	s0 =	sadd.s32 s9, s31;
	(pc) =	sbr.rel @p0 .LBB2_2-.Ltmp1, $4  }
0x12e: {  	[hbm4b:s0+s17] =	stream.strided.scatter [tilespmem:s25], [sflag:$0x1], $0x2000, s18, s17, $0x38;
	[tilespmem:$0xF480] =	vst v63  }
0x12f: {  	_ =	swait.ge [sflag:s16], $0x2000  }
0x130: {  	[sflag:s16] =	ssyncset.done $0x0  }
0x131: {  	[sflag:s16] =	ssyncadd.s32 $0xFFFFE000  }
0x132: {  	(v2sf) =	vpush v0, $0x5  }
0x133: {  	(v2sf) =	vpush v0, $0x6;
	_ =	sdelay $0x2  }
0x134: {  	(v2sf) =	vpush v0, $0x7;
	_ =	sdelay $0x2  }
0x135: {  	(v2sf) =	vpush v0, $0x8;
	_ =	sdelay $0x2  }
0x136: {  	(v2sf) =	vpush v0, $0x9;
	_ =	sdelay $0x4  }
0x137: {  	s0 =	spop (v2sf)  }
0x138: {  	s1 =	spop (v2sf)  }
0x139: {  	p0 =	sgt.f32 s1, s0  }
0x13a: {  	s2 =	smov.u32 s0  }
0x13b: {  	s3 =	spop (v2sf);
	s2 =	smov.u32 @p0 s1  }
0x13c: {  	p1 =	sgt.f32 s3, s2;
	_ =	sdelay $0x1  }
0x13d: {  	s5 =	spop (v2sf);
	s2 =	smov.u32 @p1 s3  }
0x13e: {  	p2 =	sgt.f32 s5, s2  }
0x13f: {  	s9 =	simm.s32 $0x1  }
0x140: {  	s8 =	spop (v2sf);
	s9 =	simm.s32 @!p0 $0x0;
	s2 =	smov.u32 @p2 s5  }
0x141: {  	s9 =	simm.s32 @p1 $0x2;
	p1 =	sgt.f32 s8, s2  }
0x142: {  	s9 =	simm.s32 @p2 $0x3  }
0x143: {  	s9 =	simm.s32 @p1 $0x4  }
0x144: {  	p2 =	sgt.f32 s0, $-Inf;
	p0 =	sne.s32 s9, $0x0  }
0x145: {  	s0 =	simm.s32 @!p0 $0xFF800000  }
0x146: {  	s0 =	simm.s32 @!p2 $0xFF800000  }
0x147: {  	p2 =	sgt.f32 s1, s0  }
0x148: {  	p3 =	sne.s32 s9, $0x1  }
0x149: {  	p0 =	por !p3, !p2  }
0x14a: {  	p0 =	por !p0, !p0  }
0x14b: {  	s0 =	smov.u32 @p0 s1  }
0x14c: {  	p4 =	sgt.f32 s3, s0  }
0x14d: {  	p3 =	sne.s32 s9, $0x2  }
0x14e: {  	p2 =	por !p3, !p4  }
0x14f: {  	p2 =	por !p2, !p2  }
0x150: {  	s0 =	smov.u32 @p2 s3  }
0x151: {  	p5 =	sgt.f32 s5, s0  }
0x152: {  	p4 =	sne.s32 s9, $0x3  }
0x153: {  	p3 =	por !p4, !p5  }
0x154: {  	p3 =	por !p3, !p3  }
0x155: {  	s0 =	smov.u32 @p3 s5  }
0x156: {  	p6 =	sgt.f32 s8, s0  }
0x157: {  	p5 =	por !p1, !p1  }
0x158: {  	p4 =	por !p5, !p6  }
0x159: {  	p4 =	por !p4, !p4  }
0x15a: {  	s2 =	smov.u32 @p1 s8;
	s0 =	smov.u32 @p4 s8  }
0x15b: {  	s0 =	ssub.f32 s0, s2;
	_ =	sdelay $0x1  }
0x15c: {  	v2 =	vmov s0  }
0x15d: {  	v2 =	vmul.f32 $1.442695020e+00, v2;
	_ =	sdelay $0x1  }
0x15e: {  	v2 =	vbroadcast v2, $0x0;
	_ =	sdelay $0x1  }
0x15f: {  	(erf) = vpow2.f32 v2;
	_ =	sdelay $0x8  }
0x160: {  	v2 =	vpop (erf)  }
0x161: {  	v3 =	vadd.f32 $1.000000000e+00, v2;
	_ =	sdelay $0x1  }
0x162: {  	(erf) = vrcp.f32 v3;
	_ =	sdelay $0x4  }
0x163: {  	s0 =	simm.s32 $0x6  }
0x164: {  	s0 =	simm.s32 @!p0 $0x5  }
0x165: {  	s0 =	simm.s32 @p2 $0x7  }
0x166: {  	s11 =	sadd.s32 $0x5, s9;
	s0 =	simm.s32 @p3 $0x8  }
0x167: {  	s15 =	sshll.u32 s11, $0x7;
	s0 =	simm.s32 @p4 $0x9;
	v3 =	vpop (erf)  }
0x168: {  	s1 =	sshll.u32 s11, $0x15;
	s26 =	sshll.u32 s0, $0x7;
	s0 =	sshll.u32 s0, $0x15;
	v2 =	vmul.f32 v3, v2  }
0x169: {  	s30 =	simm.s32 $0x0;
	s1 =	sor.u32 s15, s1;
	s0 =	sor.u32 s26, s0  }
0x16a: {  	s31 =	simm.s32 $0x0;
	s28 =	sand.u32 $0x7F000380, s1;
	s29 =	sand.u32 $0x1000380, s0;
	v3 =	vsub.f32 $1.000000000e+00, v2  }
.LBB2_6:
0x16b: {  	s0 =	sshll.u32 s31, $0x10  }
0x16c: {  	s0 =	sadd.s32 s7, s0  }
0x16d: {  	s1 =	sor.u32 s0, s28  }
0x16e: {  	s1 =	sshrl.u32 s1, $0x3  }
0x16f: {  	s1 =	sadd.s32 s4, s1  }
0x170: {  	[tilespmem:s19], [sflag:$0x1] =	stream.strided.gather [hbm4b:s1+s17], $0x2000, s18, s17, $0x38;
	[tilespmem:$0xF480] =	vst v63  }
0x171: {  	s26 =	sor.u32 s0, s29;
	_ =	swait.ge [sflag:s16], $0x2000  }
0x172: {  	s1 =	sshrl.u32 s26, $0x3;
	[sflag:s16] =	ssyncset.done $0x0  }
0x173: {  	s1 =	sadd.s32 s4, s1;
	[sflag:s16] =	ssyncadd.s32 $0xFFFFE000  }
0x174: {  	[tilespmem:s20], [sflag:$0x1] =	stream.strided.gather [hbm4b:s1+s17], $0x2000, s18, s17, $0x38;
	[tilespmem:$0xF480] =	vst v63  }
0x175: {  	_ =	swait.ge [sflag:s16], $0x2000  }
0x176: {  	[sflag:s16] =	ssyncset.done $0x0  }
0x177: {  	s1 =	simm.s32 $0x4480;
	[sflag:s16] =	ssyncadd.s32 $0xFFFFE000  }
0x178: {  	s2 =	simm.s32 $0x2480;
	v4 =	vld [tilespmem:s1+$0xFFFFF000]  }
0x179: {  	v7 =	vld [tilespmem:s2+$0xFFFFF000];
	_ =	sdelay $0x2  }
0x17a: {  	s5 =	simm.s32 $0x880  }
0x17b: {  	v6 =	vld [tilespmem:s5+$0xFFFFF800]  }
0x17c: {  	v5 =	vld [tilespmem:s5+$0x800];
	v8 =	vmul.f32 v7, v3;
	v9 =	vmul.f32 v4, v2  }
0x17d: {  	v7 =	vld [tilespmem:s5+$0x0]  }
0x17e: {  	v4 =	vld [tilespmem:s5+$0x400];
	v9 =	vadd.f32 v9, v8  }
0x17f: {  	v8 =	vld [tilespmem:s5+$0xFFFFFC00]  }
0x180: {  	v10 =	vadd.f32 v9, v6  }
0x181: {  	s3 =	simm.s32 $0x6480;
	v11 =	vadd.f32 v9, v5  }
0x182: {  	s15 =	sand.u32 $0x3F0, s30;
	v12 =	vadd.f32 v9, v7;
	[tilespmem:s3+$0xFFFFF000] =	vst v10  }
0x183: {  	v10 =	vadd.f32 v9, v4;
	[tilespmem:s15+$0xD480] =	vst v11  }
0x184: {  	v9 =	vadd.f32 v9, v8;
	[tilespmem:s15+$0x9480] =	vst v12  }
0x185: {  	[tilespmem:s15+$0xB480] =	vst v10  }
0x186: {  	[tilespmem:s15+$0x7480] =	vst v9  }
0x187: {  	v9 =	vld [tilespmem:s2+$0xFFFFF400]  }
0x188: {  	v10 =	vld [tilespmem:s1+$0xFFFFF400];
	_ =	sdelay $0x4  }
0x189: {  	v9 =	vmul.f32 v9, v3;
	v10 =	vmul.f32 v10, v2;
	_ =	sdelay $0x1  }
0x18a: {  	v9 =	vadd.f32 v10, v9;
	_ =	sdelay $0x1  }
0x18b: {  	v10 =	vadd.f32 v9, v6  }
0x18c: {  	v11 =	vadd.f32 v9, v8  }
0x18d: {  	v59 =	vadd.f32 v9, v5;
	[tilespmem:s3+$0xFFFFF400] =	vst v10  }
0x18e: {  	v10 =	vadd.f32 v9, v7;
	[tilespmem:s15+$0x7880] =	vst v11  }
0x18f: {  	v9 =	vadd.f32 v9, v4;
	[tilespmem:s15+$0xD880] =	vst v59  }
0x190: {  	[tilespmem:s15+$0x9880] =	vst v10  }
0x191: {  	[tilespmem:s15+$0xB880] =	vst v9  }
0x192: {  	v9 =	vld [tilespmem:s2+$0xFFFFF800]  }
0x193: {  	v10 =	vld [tilespmem:s1+$0xFFFFF800];
	_ =	sdelay $0x4  }
0x194: {  	v9 =	vmul.f32 v9, v3;
	v10 =	vmul.f32 v10, v2;
	_ =	sdelay $0x1  }
0x195: {  	v9 =	vadd.f32 v10, v9;
	_ =	sdelay $0x1  }
0x196: {  	v10 =	vadd.f32 v9, v6  }
0x197: {  	v11 =	vadd.f32 v9, v8  }
0x198: {  	v60 =	vadd.f32 v9, v5;
	[tilespmem:s3+$0xFFFFF800] =	vst v10  }
0x199: {  	v10 =	vadd.f32 v9, v7;
	[tilespmem:s15+$0x7C80] =	vst v11  }
0x19a: {  	v9 =	vadd.f32 v9, v4;
	[tilespmem:s15+$0xDC80] =	vst v60  }
0x19b: {  	[tilespmem:s15+$0x9C80] =	vst v10  }
0x19c: {  	[tilespmem:s15+$0xBC80] =	vst v9  }
0x19d: {  	v9 =	vld [tilespmem:s2+$0xFFFFFC00]  }
0x19e: {  	v10 =	vld [tilespmem:s1+$0xFFFFFC00];
	_ =	sdelay $0x4  }
0x19f: {  	v9 =	vmul.f32 v9, v3;
	v10 =	vmul.f32 v10, v2;
	_ =	sdelay $0x1  }
0x1a0: {  	v9 =	vadd.f32 v10, v9;
	_ =	sdelay $0x1  }
0x1a1: {  	v10 =	vadd.f32 v9, v6  }
0x1a2: {  	v11 =	vadd.f32 v9, v8  }
0x1a3: {  	v61 =	vadd.f32 v9, v5;
	[tilespmem:s3+$0xFFFFFC00] =	vst v10  }
0x1a4: {  	v10 =	vadd.f32 v9, v7;
	[tilespmem:s15+$0x8080] =	vst v11  }
0x1a5: {  	v9 =	vadd.f32 v9, v4;
	[tilespmem:s15+$0xE080] =	vst v61  }
0x1a6: {  	[tilespmem:s15+$0xA080] =	vst v10  }
0x1a7: {  	[tilespmem:s15+$0xC080] =	vst v9  }
0x1a8: {  	v9 =	vld [tilespmem:s2+$0x0]  }
0x1a9: {  	v10 =	vld [tilespmem:s1+$0x0];
	_ =	sdelay $0x4  }
0x1aa: {  	v9 =	vmul.f32 v9, v3;
	v10 =	vmul.f32 v10, v2;
	_ =	sdelay $0x1  }
0x1ab: {  	v9 =	vadd.f32 v10, v9;
	_ =	sdelay $0x1  }
0x1ac: {  	v10 =	vadd.f32 v9, v6  }
0x1ad: {  	v11 =	vadd.f32 v9, v5  }
0x1ae: {  	v62 =	vadd.f32 v9, v4;
	[tilespmem:s3+$0x0] =	vst v10  }
0x1af: {  	v10 =	vadd.f32 v9, v7;
	[tilespmem:s15+$0xE480] =	vst v11  }
0x1b0: {  	v9 =	vadd.f32 v9, v8;
	[tilespmem:s15+$0xC480] =	vst v62  }
0x1b1: {  	[tilespmem:s15+$0xA480] =	vst v10  }
0x1b2: {  	[tilespmem:s15+$0x8480] =	vst v9  }
0x1b3: {  	v9 =	vld [tilespmem:s2+$0x400]  }
0x1b4: {  	v10 =	vld [tilespmem:s1+$0x400];
	_ =	sdelay $0x4  }
0x1b5: {  	v9 =	vmul.f32 v9, v3;
	v10 =	vmul.f32 v10, v2;
	_ =	sdelay $0x1  }
0x1b6: {  	v9 =	vadd.f32 v10, v9;
	_ =	sdelay $0x1  }
0x1b7: {  	v10 =	vadd.f32 v9, v6  }
0x1b8: {  	v11 =	vadd.f32 v9, v4  }
0x1b9: {  	v63 =	vadd.f32 v9, v8;
	[tilespmem:s3+$0x400] =	vst v10  }
0x1ba: {  	v10 =	vadd.f32 v9, v7;
	[tilespmem:s15+$0xC880] =	vst v11  }
0x1bb: {  	v9 =	vadd.f32 v9, v5;
	[tilespmem:s15+$0x8880] =	vst v63  }
0x1bc: {  	[tilespmem:s15+$0xA880] =	vst v10  }
0x1bd: {  	[tilespmem:s15+$0xE880] =	vst v9  }
0x1be: {  	s9 =	simm.s32 $0x10;
	v9 =	vld [tilespmem:s2+$0x800]  }
0x1bf: {  	s10 =	simm.s32 $0x6490;
	s8 =	simm.s32 $0x4480;
	s26 =	simm.s32 $0x2480;
	v10 =	vld [tilespmem:s1+$0x800]  }
.LBB2_7:
0x1c0: {  	s5 =	sadd.s32 $0x10, s5;
	s2 =	sadd.s32 $0x10, s2;
	s1 =	sadd.s32 $0x10, s1  }
0x1c1: {  	p0 =	sne.s32 s9, $0x3F0;
	s11 =	smov.u32 s9;
	s9 =	sadd.s32 $0x10, s9  }
0x1c2: {  	_ = 	snop  }
0x1c3: {  	v9 =	vmul.f32 v9, v3  }
0x1c4: {  	v10 =	vmul.f32 v10, v2;
	_ =	sdelay $0x1  }
0x1c5: {  	v9 =	vadd.f32 v10, v9;
	_ =	sdelay $0x1  }
0x1c6: {  	v10 =	vadd.f32 v9, v6  }
0x1c7: {  	v11 =	vadd.f32 v9, v4;
	v12 =	vadd.f32 v9, v5  }
0x1c8: {  	[tilespmem:s3+$0x800] =	vst v10;
	v10 =	vadd.f32 v9, v8;
	v9 =	vadd.f32 v9, v7  }
0x1c9: {  	[tilespmem:s15+$0xCC80] =	vst v11  }
0x1ca: {  	[tilespmem:s15+$0xEC80] =	vst v12  }
0x1cb: {  	[tilespmem:s15+$0x8C80] =	vst v10  }
0x1cc: {  	[tilespmem:s15+$0xAC80] =	vst v9  }
0x1cd: {  	v9 =	vld [tilespmem:s26+$0xC00];
	s26 =	smov.u32 s2  }
0x1ce: {  	v10 =	vld [tilespmem:s8+$0xC00];
	s8 =	smov.u32 s1;
	_ =	sdelay $0x3  }
0x1cf: {  	v9 =	vmul.f32 v9, v3  }
0x1d0: {  	v10 =	vmul.f32 v10, v2;
	_ =	sdelay $0x1  }
0x1d1: {  	v9 =	vadd.f32 v10, v9;
	_ =	sdelay $0x1  }
0x1d2: {  	v6 =	vadd.f32 v9, v6  }
0x1d3: {  	v8 =	vadd.f32 v9, v8  }
0x1d4: {  	v5 =	vadd.f32 v9, v5;
	[tilespmem:s3+$0xC00] =	vst v6;
	v6 =	vadd.f32 v9, v7;
	s3 =	smov.u32 s10  }
0x1d5: {  	v4 =	vadd.f32 v9, v4;
	[tilespmem:s15+$0x9080] =	vst v8  }
0x1d6: {  	[tilespmem:s15+$0xF080] =	vst v5  }
0x1d7: {  	[tilespmem:s15+$0xD080] =	vst v4  }
0x1d8: {  	[tilespmem:s15+$0xB080] =	vst v6  }
0x1d9: {  	v7 =	vld [tilespmem:s1+$0xFFFFF000]  }
0x1da: {  	v9 =	vld [tilespmem:s2+$0xFFFFF000];
	_ =	sdelay $0x1  }
0x1db: {  	v4 =	vld [tilespmem:s5+$0x400]  }
0x1dc: {  	v5 =	vld [tilespmem:s5+$0x800]  }
0x1dd: {  	v6 =	vld [tilespmem:s5+$0xFFFFF800]  }
0x1de: {  	v10 =	vmul.f32 v7, v2;
	v8 =	vld [tilespmem:s5+$0xFFFFFC00];
	v9 =	vmul.f32 v9, v3  }
0x1df: {  	v7 =	vld [tilespmem:s5+$0x0]  }
0x1e0: {  	v9 =	vadd.f32 v10, v9;
	_ =	sdelay $0x1  }
0x1e1: {  	v10 =	vadd.f32 v9, v6  }
0x1e2: {  	v12 =	vadd.f32 v9, v5;
	v11 =	vadd.f32 v9, v8  }
0x1e3: {  	s15 =	sand.u32 $0x3F0, s11;
	[tilespmem:s10+$0xFFFFF000] =	vst v10;
	v10 =	vadd.f32 v9, v7;
	v9 =	vadd.f32 v9, v4  }
0x1e4: {  	[tilespmem:s15+$0xD480] =	vst v12  }
0x1e5: {  	[tilespmem:s15+$0xB480] =	vst v9  }
0x1e6: {  	[tilespmem:s15+$0x9480] =	vst v10  }
0x1e7: {  	[tilespmem:s15+$0x7480] =	vst v11  }
0x1e8: {  	v9 =	vld [tilespmem:s2+$0xFFFFF400]  }
0x1e9: {  	v10 =	vld [tilespmem:s1+$0xFFFFF400];
	_ =	sdelay $0x4  }
0x1ea: {  	v9 =	vmul.f32 v9, v3;
	v10 =	vmul.f32 v10, v2;
	_ =	sdelay $0x1  }
0x1eb: {  	v9 =	vadd.f32 v10, v9;
	_ =	sdelay $0x1  }
0x1ec: {  	v10 =	vadd.f32 v9, v6;
	v11 =	vadd.f32 v9, v5  }
0x1ed: {  	v12 =	vadd.f32 v9, v8  }
0x1ee: {  	[tilespmem:s10+$0xFFFFF400] =	vst v10;
	v10 =	vadd.f32 v9, v7  }
0x1ef: {  	v9 =	vadd.f32 v9, v4;
	[tilespmem:s15+$0x7880] =	vst v12  }
0x1f0: {  	[tilespmem:s15+$0x9880] =	vst v10  }
0x1f1: {  	[tilespmem:s15+$0xD880] =	vst v11  }
0x1f2: {  	[tilespmem:s15+$0xB880] =	vst v9  }
0x1f3: {  	v9 =	vld [tilespmem:s2+$0xFFFFF800]  }
0x1f4: {  	v10 =	vld [tilespmem:s1+$0xFFFFF800];
	_ =	sdelay $0x4  }
0x1f5: {  	v9 =	vmul.f32 v9, v3;
	v10 =	vmul.f32 v10, v2;
	_ =	sdelay $0x1  }
0x1f6: {  	v9 =	vadd.f32 v10, v9;
	_ =	sdelay $0x1  }
0x1f7: {  	v10 =	vadd.f32 v9, v6  }
0x1f8: {  	v11 =	vadd.f32 v9, v8;
	v12 =	vadd.f32 v9, v5  }
0x1f9: {  	[tilespmem:s10+$0xFFFFF800] =	vst v10;
	v10 =	vadd.f32 v9, v7  }
0x1fa: {  	v9 =	vadd.f32 v9, v4;
	[tilespmem:s15+$0x7C80] =	vst v11  }
0x1fb: {  	[tilespmem:s15+$0x9C80] =	vst v10  }
0x1fc: {  	[tilespmem:s15+$0xDC80] =	vst v12  }
0x1fd: {  	[tilespmem:s15+$0xBC80] =	vst v9  }
0x1fe: {  	v9 =	vld [tilespmem:s2+$0xFFFFFC00]  }
0x1ff: {  	v10 =	vld [tilespmem:s1+$0xFFFFFC00];
	_ =	sdelay $0x4  }
0x200: {  	v9 =	vmul.f32 v9, v3;
	v10 =	vmul.f32 v10, v2;
	_ =	sdelay $0x1  }
0x201: {  	v9 =	vadd.f32 v10, v9;
	_ =	sdelay $0x1  }
0x202: {  	v10 =	vadd.f32 v9, v6  }
0x203: {  	v11 =	vadd.f32 v9, v8;
	v12 =	vadd.f32 v9, v5  }
0x204: {  	[tilespmem:s10+$0xFFFFFC00] =	vst v10;
	v10 =	vadd.f32 v9, v7  }
0x205: {  	[tilespmem:s15+$0x8080] =	vst v11  }
0x206: {  	v9 =	vadd.f32 v9, v4;
	[tilespmem:s15+$0xA080] =	vst v10  }
0x207: {  	[tilespmem:s15+$0xE080] =	vst v12  }
0x208: {  	[tilespmem:s15+$0xC080] =	vst v9  }
0x209: {  	v9 =	vld [tilespmem:s2+$0x0]  }
0x20a: {  	v10 =	vld [tilespmem:s1+$0x0];
	_ =	sdelay $0x3  }
0x20b: {  	v9 =	vmul.f32 v9, v3  }
0x20c: {  	v10 =	vmul.f32 v10, v2;
	_ =	sdelay $0x1  }
0x20d: {  	v9 =	vadd.f32 v10, v9;
	_ =	sdelay $0x1  }
0x20e: {  	v10 =	vadd.f32 v9, v6  }
0x20f: {  	v11 =	vadd.f32 v9, v5  }
0x210: {  	[tilespmem:s10+$0x0] =	vst v10;
	v10 =	vadd.f32 v9, v7  }
0x211: {  	v12 =	vadd.f32 v9, v4;
	[tilespmem:s15+$0xE480] =	vst v11  }
0x212: {  	v9 =	vadd.f32 v9, v8;
	[tilespmem:s15+$0xA480] =	vst v10  }
0x213: {  	[tilespmem:s15+$0xC480] =	vst v12  }
0x214: {  	[tilespmem:s15+$0x8480] =	vst v9  }
0x215: {  	v9 =	vld [tilespmem:s2+$0x400]  }
0x216: {  	v10 =	vld [tilespmem:s1+$0x400];
	_ =	sdelay $0x3  }
0x217: {  	v9 =	vmul.f32 v9, v3  }
0x218: {  	v10 =	vmul.f32 v10, v2;
	_ =	sdelay $0x1  }
0x219: {  	v9 =	vadd.f32 v10, v9;
	_ =	sdelay $0x1  }
0x21a: {  	v10 =	vadd.f32 v9, v6;
	v11 =	vadd.f32 v9, v4  }
0x21b: {  	v12 =	vadd.f32 v9, v8;
	v13 =	vadd.f32 v9, v5  }
0x21c: {  	v9 =	vadd.f32 v9, v7;
	[tilespmem:s10+$0x400] =	vst v10  }
0x21d: {  	[tilespmem:s15+$0xC880] =	vst v11  }
.Ltmp2:
0x21e: {  	[tilespmem:s15+$0x8880] =	vst v12;
	(pc) =	sbr.rel @p0 .LBB2_7-.Ltmp2, $4  }
0x21f: {  	[tilespmem:s15+$0xA880] =	vst v9  }
0x220: {  	[tilespmem:s15+$0xE880] =	vst v13  }
0x221: {  	v9 =	vld [tilespmem:s2+$0x800]  }
0x222: {  	s10 =	sadd.s32 $0x10, s10;
	v10 =	vld [tilespmem:s1+$0x800]  }
0x223: {  	_ =	sdelay $0x3  }
0x224: {  	v9 =	vmul.f32 v9, v3;
	v10 =	vmul.f32 v10, v2;
	_ =	sdelay $0x1  }
0x225: {  	v9 =	vadd.f32 v10, v9;
	_ =	sdelay $0x1  }
0x226: {  	v10 =	vadd.f32 v9, v6  }
0x227: {  	v11 =	vadd.f32 v9, v4  }
0x228: {  	v12 =	vadd.f32 v9, v5;
	[tilespmem:s3+$0x800] =	vst v10  }
0x229: {  	v60 =	vadd.f32 v9, v8;
	[tilespmem:s15+$0xCC80] =	vst v11  }
0x22a: {  	v9 =	vadd.f32 v9, v7;
	[tilespmem:s15+$0xEC80] =	vst v12  }
0x22b: {  	[tilespmem:s15+$0x8C80] =	vst v60  }
0x22c: {  	[tilespmem:s15+$0xAC80] =	vst v9  }
0x22d: {  	v9 =	vld [tilespmem:s26+$0xC00]  }
0x22e: {  	v10 =	vld [tilespmem:s8+$0xC00];
	_ =	sdelay $0x4  }
0x22f: {  	v9 =	vmul.f32 v9, v3;
	v10 =	vmul.f32 v10, v2;
	_ =	sdelay $0x1  }
0x230: {  	v9 =	vadd.f32 v10, v9;
	_ =	sdelay $0x1  }
0x231: {  	v61 =	vadd.f32 v9, v6  }
0x232: {  	v62 =	vadd.f32 v9, v8  }
0x233: {  	v5 =	vadd.f32 v9, v5;
	[tilespmem:s3+$0xC00] =	vst v61  }
0x234: {  	v4 =	vadd.f32 v9, v4;
	[tilespmem:s15+$0x9080] =	vst v62  }
0x235: {  	v63 =	vadd.f32 v9, v7;
	[tilespmem:s15+$0xF080] =	vst v5  }
0x236: {  	s0 =	sshrl.u32 s0, $0x3;
	[tilespmem:s15+$0xD080] =	vst v4  }
0x237: {  	s1 =	sadd.s32 s0, s12;
	[tilespmem:s15+$0xB080] =	vst v63  }
0x238: {  	[hbm4b:s1+s17] =	stream.strided.scatter [tilespmem:s21], [sflag:$0x1], $0x2000, s18, s17, $0x38;
	[tilespmem:$0xF480] =	vst v63  }
0x239: {  	_ =	swait.ge [sflag:s16], $0x2000  }
0x23a: {  	[sflag:s16] =	ssyncset.done $0x0  }
0x23b: {  	s11 =	sadd.s32 s0, s13;
	[sflag:s16] =	ssyncadd.s32 $0xFFFFE000  }
0x23c: {  	[hbm4b:s11+s17] =	stream.strided.scatter [tilespmem:s22], [sflag:$0x1], $0x2000, s18, s17, $0x38;
	[tilespmem:$0xF480] =	vst v63  }
0x23d: {  	_ =	swait.ge [sflag:s16], $0x2000  }
0x23e: {  	[sflag:s16] =	ssyncset.done $0x0  }
0x23f: {  	s15 =	sadd.s32 s0, s14;
	[sflag:s16] =	ssyncadd.s32 $0xFFFFE000  }
0x240: {  	[hbm4b:s15+s17] =	stream.strided.scatter [tilespmem:s23], [sflag:$0x1], $0x2000, s18, s17, $0x38;
	[tilespmem:$0xF480] =	vst v63  }
0x241: {  	_ =	swait.ge [sflag:s16], $0x2000  }
0x242: {  	s26 =	sor.u32 $0x200000, s0;
	[sflag:s16] =	ssyncset.done $0x0  }
0x243: {  	s1 =	sadd.s32 s6, s26;
	[sflag:s16] =	ssyncadd.s32 $0xFFFFE000  }
0x244: {  	[hbm4b:s1+s17] =	stream.strided.scatter [tilespmem:s24], [sflag:$0x1], $0x2000, s18, s17, $0x38;
	[tilespmem:$0xF480] =	vst v63  }
0x245: {  	s31 =	sadd.s32 $0x1, s31;
	_ =	swait.ge [sflag:s16], $0x2000  }
0x246: {  	p0 =	sne.s32 s31, $0x8;
	s0 =	sor.u32 $0x200010, s0;
	[sflag:s16] =	ssyncset.done $0x0  }
.Ltmp3:
0x247: {  	s0 =	sadd.s32 s6, s0;
	[sflag:s16] =	ssyncadd.s32 $0xFFFFE000;
	(pc) =	sbr.rel @p0 .LBB2_6-.Ltmp3, $4  }
0x248: {  	[hbm4b:s0+s17] =	stream.strided.scatter [tilespmem:s25], [sflag:$0x1], $0x2000, s18, s17, $0x38;
	[tilespmem:$0xF480] =	vst v63  }
0x249: {  	_ =	swait.ge [sflag:s16], $0x2000  }
0x24a: {  	[sflag:s16] =	ssyncset.done $0x0  }
0x24b: {  	[sflag:s16] =	ssyncadd.s32 $0xFFFFE000  }
0x24c: {  	(v2sf) =	vpush v0, $0xA  }
0x24d: {  	(v2sf) =	vpush v0, $0xB;
	_ =	sdelay $0x2  }
0x24e: {  	(v2sf) =	vpush v0, $0xC;
	_ =	sdelay $0x2  }
0x24f: {  	(v2sf) =	vpush v0, $0xD;
	_ =	sdelay $0x2  }
0x250: {  	(v2sf) =	vpush v0, $0xE;
	_ =	sdelay $0x4  }
0x251: {  	s0 =	spop (v2sf)  }
0x252: {  	s1 =	spop (v2sf)  }
0x253: {  	p0 =	sgt.f32 s1, s0  }
0x254: {  	s2 =	smov.u32 s0  }
0x255: {  	s3 =	spop (v2sf);
	s2 =	smov.u32 @p0 s1  }
0x256: {  	p1 =	sgt.f32 s3, s2;
	_ =	sdelay $0x1  }
0x257: {  	s5 =	spop (v2sf);
	s2 =	smov.u32 @p1 s3  }
0x258: {  	p3 =	sgt.f32 s5, s2  }
0x259: {  	s9 =	simm.s32 $0x1  }
0x25a: {  	s8 =	spop (v2sf);
	s9 =	simm.s32 @!p0 $0x0;
	s2 =	smov.u32 @p3 s5  }
0x25b: {  	s9 =	simm.s32 @p1 $0x2;
	p2 =	sgt.f32 s8, s2  }
0x25c: {  	s9 =	simm.s32 @p3 $0x3  }
0x25d: {  	s9 =	simm.s32 @p2 $0x4  }
0x25e: {  	p1 =	sgt.f32 s0, $-Inf;
	p0 =	sne.s32 s9, $0x0  }
0x25f: {  	s0 =	simm.s32 @!p0 $0xFF800000  }
0x260: {  	s0 =	simm.s32 @!p1 $0xFF800000  }
0x261: {  	p5 =	sgt.f32 s1, s0  }
0x262: {  	p6 =	sne.s32 s9, $0x1  }
0x263: {  	p0 =	por !p6, !p5  }
0x264: {  	p0 =	por !p0, !p0  }
0x265: {  	s0 =	smov.u32 @p0 s1  }
0x266: {  	p3 =	sgt.f32 s3, s0  }
0x267: {  	p4 =	sne.s32 s9, $0x2  }
0x268: {  	p1 =	por !p4, !p3  }
0x269: {  	p1 =	por !p1, !p1  }
0x26a: {  	s0 =	smov.u32 @p1 s3  }
0x26b: {  	p5 =	sgt.f32 s5, s0  }
0x26c: {  	p4 =	sne.s32 s9, $0x3  }
0x26d: {  	p3 =	por !p4, !p5  }
0x26e: {  	p3 =	por !p3, !p3  }
0x26f: {  	s0 =	smov.u32 @p3 s5  }
0x270: {  	p6 =	sgt.f32 s8, s0  }
0x271: {  	p5 =	por !p2, !p2  }
0x272: {  	p4 =	por !p5, !p6  }
0x273: {  	p4 =	por !p4, !p4  }
0x274: {  	s2 =	smov.u32 @p2 s8;
	s0 =	smov.u32 @p4 s8  }
0x275: {  	s0 =	ssub.f32 s0, s2;
	_ =	sdelay $0x1  }
0x276: {  	v2 =	vmov s0  }
0x277: {  	v2 =	vmul.f32 $1.442695020e+00, v2;
	_ =	sdelay $0x1  }
0x278: {  	v2 =	vbroadcast v2, $0x0;
	_ =	sdelay $0x1  }
0x279: {  	(erf) = vpow2.f32 v2;
	_ =	sdelay $0x8  }
0x27a: {  	v2 =	vpop (erf)  }
0x27b: {  	v3 =	vadd.f32 $1.000000000e+00, v2;
	_ =	sdelay $0x1  }
0x27c: {  	(erf) = vrcp.f32 v3;
	_ =	sdelay $0x7  }
0x27d: {  	s28 =	simm.s32 $0x180  }
0x27e: {  	s28 =	simm.s32 @!p0 $0x100;
	v3 =	vpop (erf)  }
0x27f: {  	s26 =	sshll.u32 s9, $0x7;
	s28 =	simm.s32 @p1 $0x200;
	v2 =	vmul.f32 v3, v2  }
0x280: {  	s30 =	simm.s32 $0x0;
	s28 =	simm.s32 @p3 $0x280;
	s0 =	sadd.s32 $0x100, s26  }
0x281: {  	s31 =	simm.s32 $0x0;
	s28 =	simm.s32 @p4 $0x300;
	s29 =	sand.u32 $0x380, s0;
	v3 =	vsub.f32 $1.000000000e+00, v2  }
.LBB2_10:
0x282: {  	s0 =	sshll.u32 s31, $0x10  }
0x283: {  	s0 =	sadd.s32 s7, s0  }
0x284: {  	s1 =	sor.u32 s29, s0  }
0x285: {  	s1 =	sshrl.u32 s1, $0x3  }
0x286: {  	s1 =	sor.u32 $0x200000, s1  }
0x287: {  	s26 =	sor.u32 s28, s0;
	s1 =	sadd.s32 s4, s1  }
0x288: {  	[tilespmem:s19], [sflag:$0x1] =	stream.strided.gather [hbm4b:s1+s17], $0x2000, s18, s17, $0x38;
	[tilespmem:$0xF480] =	vst v63  }
0x289: {  	s1 =	sshrl.u32 s26, $0x3;
	_ =	swait.ge [sflag:s16], $0x2000  }
0x28a: {  	s1 =	sor.u32 $0x200000, s1;
	[sflag:s16] =	ssyncset.done $0x0  }
0x28b: {  	s1 =	sadd.s32 s4, s1;
	[sflag:s16] =	ssyncadd.s32 $0xFFFFE000  }
0x28c: {  	[tilespmem:s20], [sflag:$0x1] =	stream.strided.gather [hbm4b:s1+s17], $0x2000, s18, s17, $0x38;
	[tilespmem:$0xF480] =	vst v63  }
0x28d: {  	_ =	swait.ge [sflag:s16], $0x2000  }
0x28e: {  	[sflag:s16] =	ssyncset.done $0x0  }
0x28f: {  	s1 =	simm.s32 $0x4480;
	[sflag:s16] =	ssyncadd.s32 $0xFFFFE000  }
0x290: {  	s2 =	simm.s32 $0x2480;
	v4 =	vld [tilespmem:s1+$0xFFFFF000]  }
0x291: {  	v7 =	vld [tilespmem:s2+$0xFFFFF000];
	_ =	sdelay $0x2  }
0x292: {  	s5 =	simm.s32 $0x880  }
0x293: {  	v6 =	vld [tilespmem:s5+$0xFFFFF800]  }
0x294: {  	v5 =	vld [tilespmem:s5+$0x800];
	v8 =	vmul.f32 v7, v3;
	v9 =	vmul.f32 v4, v2  }
0x295: {  	v7 =	vld [tilespmem:s5+$0x0]  }
0x296: {  	v4 =	vld [tilespmem:s5+$0x400];
	v9 =	vadd.f32 v9, v8  }
0x297: {  	v8 =	vld [tilespmem:s5+$0xFFFFFC00]  }
0x298: {  	v10 =	vadd.f32 v9, v6  }
0x299: {  	s3 =	simm.s32 $0x6480;
	v11 =	vadd.f32 v9, v5  }
0x29a: {  	s15 =	sand.u32 $0x3F0, s30;
	v12 =	vadd.f32 v9, v7;
	[tilespmem:s3+$0xFFFFF000] =	vst v10  }
0x29b: {  	v10 =	vadd.f32 v9, v4;
	[tilespmem:s15+$0xD480] =	vst v11  }
0x29c: {  	v9 =	vadd.f32 v9, v8;
	[tilespmem:s15+$0x9480] =	vst v12  }
0x29d: {  	[tilespmem:s15+$0xB480] =	vst v10  }
0x29e: {  	[tilespmem:s15+$0x7480] =	vst v9  }
0x29f: {  	v9 =	vld [tilespmem:s2+$0xFFFFF400]  }
0x2a0: {  	v10 =	vld [tilespmem:s1+$0xFFFFF400];
	_ =	sdelay $0x4  }
0x2a1: {  	v9 =	vmul.f32 v9, v3;
	v10 =	vmul.f32 v10, v2;
	_ =	sdelay $0x1  }
0x2a2: {  	v9 =	vadd.f32 v10, v9;
	_ =	sdelay $0x1  }
0x2a3: {  	v10 =	vadd.f32 v9, v6  }
0x2a4: {  	v11 =	vadd.f32 v9, v8  }
0x2a5: {  	v59 =	vadd.f32 v9, v5;
	[tilespmem:s3+$0xFFFFF400] =	vst v10  }
0x2a6: {  	v10 =	vadd.f32 v9, v7;
	[tilespmem:s15+$0x7880] =	vst v11  }
0x2a7: {  	v9 =	vadd.f32 v9, v4;
	[tilespmem:s15+$0xD880] =	vst v59  }
0x2a8: {  	[tilespmem:s15+$0x9880] =	vst v10  }
0x2a9: {  	[tilespmem:s15+$0xB880] =	vst v9  }
0x2aa: {  	v9 =	vld [tilespmem:s2+$0xFFFFF800]  }
0x2ab: {  	v10 =	vld [tilespmem:s1+$0xFFFFF800];
	_ =	sdelay $0x4  }
0x2ac: {  	v9 =	vmul.f32 v9, v3;
	v10 =	vmul.f32 v10, v2;
	_ =	sdelay $0x1  }
0x2ad: {  	v9 =	vadd.f32 v10, v9;
	_ =	sdelay $0x1  }
0x2ae: {  	v10 =	vadd.f32 v9, v6  }
0x2af: {  	v11 =	vadd.f32 v9, v8  }
0x2b0: {  	v60 =	vadd.f32 v9, v5;
	[tilespmem:s3+$0xFFFFF800] =	vst v10  }
0x2b1: {  	v10 =	vadd.f32 v9, v7;
	[tilespmem:s15+$0x7C80] =	vst v11  }
0x2b2: {  	v9 =	vadd.f32 v9, v4;
	[tilespmem:s15+$0xDC80] =	vst v60  }
0x2b3: {  	[tilespmem:s15+$0x9C80] =	vst v10  }
0x2b4: {  	[tilespmem:s15+$0xBC80] =	vst v9  }
0x2b5: {  	v9 =	vld [tilespmem:s2+$0xFFFFFC00]  }
0x2b6: {  	v10 =	vld [tilespmem:s1+$0xFFFFFC00];
	_ =	sdelay $0x4  }
0x2b7: {  	v9 =	vmul.f32 v9, v3;
	v10 =	vmul.f32 v10, v2;
	_ =	sdelay $0x1  }
0x2b8: {  	v9 =	vadd.f32 v10, v9;
	_ =	sdelay $0x1  }
0x2b9: {  	v10 =	vadd.f32 v9, v6  }
0x2ba: {  	v11 =	vadd.f32 v9, v8  }
0x2bb: {  	v61 =	vadd.f32 v9, v5;
	[tilespmem:s3+$0xFFFFFC00] =	vst v10  }
0x2bc: {  	v10 =	vadd.f32 v9, v7;
	[tilespmem:s15+$0x8080] =	vst v11  }
0x2bd: {  	v9 =	vadd.f32 v9, v4;
	[tilespmem:s15+$0xE080] =	vst v61  }
0x2be: {  	[tilespmem:s15+$0xA080] =	vst v10  }
0x2bf: {  	[tilespmem:s15+$0xC080] =	vst v9  }
0x2c0: {  	v9 =	vld [tilespmem:s2+$0x0]  }
0x2c1: {  	v10 =	vld [tilespmem:s1+$0x0];
	_ =	sdelay $0x4  }
0x2c2: {  	v9 =	vmul.f32 v9, v3;
	v10 =	vmul.f32 v10, v2;
	_ =	sdelay $0x1  }
0x2c3: {  	v9 =	vadd.f32 v10, v9;
	_ =	sdelay $0x1  }
0x2c4: {  	v10 =	vadd.f32 v9, v6  }
0x2c5: {  	v11 =	vadd.f32 v9, v5  }
0x2c6: {  	v62 =	vadd.f32 v9, v4;
	[tilespmem:s3+$0x0] =	vst v10  }
0x2c7: {  	v10 =	vadd.f32 v9, v7;
	[tilespmem:s15+$0xE480] =	vst v11  }
0x2c8: {  	v9 =	vadd.f32 v9, v8;
	[tilespmem:s15+$0xC480] =	vst v62  }
0x2c9: {  	[tilespmem:s15+$0xA480] =	vst v10  }
0x2ca: {  	[tilespmem:s15+$0x8480] =	vst v9  }
0x2cb: {  	v9 =	vld [tilespmem:s2+$0x400]  }
0x2cc: {  	v10 =	vld [tilespmem:s1+$0x400];
	_ =	sdelay $0x4  }
0x2cd: {  	v9 =	vmul.f32 v9, v3;
	v10 =	vmul.f32 v10, v2;
	_ =	sdelay $0x1  }
0x2ce: {  	v9 =	vadd.f32 v10, v9;
	_ =	sdelay $0x1  }
0x2cf: {  	v10 =	vadd.f32 v9, v6  }
0x2d0: {  	v11 =	vadd.f32 v9, v4  }
0x2d1: {  	v63 =	vadd.f32 v9, v8;
	[tilespmem:s3+$0x400] =	vst v10  }
0x2d2: {  	v10 =	vadd.f32 v9, v7;
	[tilespmem:s15+$0xC880] =	vst v11  }
0x2d3: {  	v9 =	vadd.f32 v9, v5;
	[tilespmem:s15+$0x8880] =	vst v63  }
0x2d4: {  	[tilespmem:s15+$0xA880] =	vst v10  }
0x2d5: {  	[tilespmem:s15+$0xE880] =	vst v9  }
0x2d6: {  	s9 =	simm.s32 $0x10;
	v9 =	vld [tilespmem:s2+$0x800]  }
0x2d7: {  	s10 =	simm.s32 $0x6490;
	s8 =	simm.s32 $0x2480;
	s26 =	simm.s32 $0x4480;
	v10 =	vld [tilespmem:s1+$0x800]  }
.LBB2_11:
0x2d8: {  	s5 =	sadd.s32 $0x10, s5;
	s2 =	sadd.s32 $0x10, s2;
	s1 =	sadd.s32 $0x10, s1  }
0x2d9: {  	p0 =	sne.s32 s9, $0x3F0;
	s11 =	smov.u32 s9;
	s9 =	sadd.s32 $0x10, s9  }
0x2da: {  	_ = 	snop  }
0x2db: {  	v9 =	vmul.f32 v9, v3  }
0x2dc: {  	v10 =	vmul.f32 v10, v2;
	_ =	sdelay $0x1  }
0x2dd: {  	v9 =	vadd.f32 v10, v9;
	_ =	sdelay $0x1  }
0x2de: {  	v10 =	vadd.f32 v9, v6  }
0x2df: {  	v11 =	vadd.f32 v9, v4;
	v12 =	vadd.f32 v9, v5  }
0x2e0: {  	[tilespmem:s3+$0x800] =	vst v10;
	v10 =	vadd.f32 v9, v8;
	v9 =	vadd.f32 v9, v7  }
0x2e1: {  	[tilespmem:s15+$0xCC80] =	vst v11  }
0x2e2: {  	[tilespmem:s15+$0xEC80] =	vst v12  }
0x2e3: {  	[tilespmem:s15+$0x8C80] =	vst v10  }
0x2e4: {  	[tilespmem:s15+$0xAC80] =	vst v9  }
0x2e5: {  	v9 =	vld [tilespmem:s8+$0xC00];
	s8 =	smov.u32 s2  }
0x2e6: {  	v10 =	vld [tilespmem:s26+$0xC00];
	s26 =	smov.u32 s1;
	_ =	sdelay $0x3  }
0x2e7: {  	v9 =	vmul.f32 v9, v3  }
0x2e8: {  	v10 =	vmul.f32 v10, v2;
	_ =	sdelay $0x1  }
0x2e9: {  	v9 =	vadd.f32 v10, v9;
	_ =	sdelay $0x1  }
0x2ea: {  	v6 =	vadd.f32 v9, v6  }
0x2eb: {  	v8 =	vadd.f32 v9, v8  }
0x2ec: {  	v5 =	vadd.f32 v9, v5;
	[tilespmem:s3+$0xC00] =	vst v6;
	v6 =	vadd.f32 v9, v7;
	s3 =	smov.u32 s10  }
0x2ed: {  	v4 =	vadd.f32 v9, v4;
	[tilespmem:s15+$0x9080] =	vst v8  }
0x2ee: {  	[tilespmem:s15+$0xF080] =	vst v5  }
0x2ef: {  	[tilespmem:s15+$0xD080] =	vst v4  }
0x2f0: {  	[tilespmem:s15+$0xB080] =	vst v6  }
0x2f1: {  	v7 =	vld [tilespmem:s1+$0xFFFFF000]  }
0x2f2: {  	v9 =	vld [tilespmem:s2+$0xFFFFF000];
	_ =	sdelay $0x1  }
0x2f3: {  	v4 =	vld [tilespmem:s5+$0x400]  }
0x2f4: {  	v5 =	vld [tilespmem:s5+$0x800]  }
0x2f5: {  	v6 =	vld [tilespmem:s5+$0xFFFFF800]  }
0x2f6: {  	v10 =	vmul.f32 v7, v2;
	v8 =	vld [tilespmem:s5+$0xFFFFFC00];
	v9 =	vmul.f32 v9, v3  }
0x2f7: {  	v7 =	vld [tilespmem:s5+$0x0]  }
0x2f8: {  	v9 =	vadd.f32 v10, v9;
	_ =	sdelay $0x1  }
0x2f9: {  	v10 =	vadd.f32 v9, v6  }
0x2fa: {  	v12 =	vadd.f32 v9, v5;
	v11 =	vadd.f32 v9, v8  }
0x2fb: {  	s15 =	sand.u32 $0x3F0, s11;
	[tilespmem:s10+$0xFFFFF000] =	vst v10;
	v10 =	vadd.f32 v9, v7;
	v9 =	vadd.f32 v9, v4  }
0x2fc: {  	[tilespmem:s15+$0xD480] =	vst v12  }
0x2fd: {  	[tilespmem:s15+$0xB480] =	vst v9  }
0x2fe: {  	[tilespmem:s15+$0x9480] =	vst v10  }
0x2ff: {  	[tilespmem:s15+$0x7480] =	vst v11  }
0x300: {  	v9 =	vld [tilespmem:s2+$0xFFFFF400]  }
0x301: {  	v10 =	vld [tilespmem:s1+$0xFFFFF400];
	_ =	sdelay $0x4  }
0x302: {  	v9 =	vmul.f32 v9, v3;
	v10 =	vmul.f32 v10, v2;
	_ =	sdelay $0x1  }
0x303: {  	v9 =	vadd.f32 v10, v9;
	_ =	sdelay $0x1  }
0x304: {  	v10 =	vadd.f32 v9, v6;
	v11 =	vadd.f32 v9, v5  }
0x305: {  	v12 =	vadd.f32 v9, v8  }
0x306: {  	[tilespmem:s10+$0xFFFFF400] =	vst v10;
	v10 =	vadd.f32 v9, v7  }
0x307: {  	v9 =	vadd.f32 v9, v4;
	[tilespmem:s15+$0x7880] =	vst v12  }
0x308: {  	[tilespmem:s15+$0x9880] =	vst v10  }
0x309: {  	[tilespmem:s15+$0xD880] =	vst v11  }
0x30a: {  	[tilespmem:s15+$0xB880] =	vst v9  }
0x30b: {  	v9 =	vld [tilespmem:s2+$0xFFFFF800]  }
0x30c: {  	v10 =	vld [tilespmem:s1+$0xFFFFF800];
	_ =	sdelay $0x4  }
0x30d: {  	v9 =	vmul.f32 v9, v3;
	v10 =	vmul.f32 v10, v2;
	_ =	sdelay $0x1  }
0x30e: {  	v9 =	vadd.f32 v10, v9;
	_ =	sdelay $0x1  }
0x30f: {  	v10 =	vadd.f32 v9, v6  }
0x310: {  	v11 =	vadd.f32 v9, v8;
	v12 =	vadd.f32 v9, v5  }
0x311: {  	[tilespmem:s10+$0xFFFFF800] =	vst v10;
	v10 =	vadd.f32 v9, v7  }
0x312: {  	v9 =	vadd.f32 v9, v4;
	[tilespmem:s15+$0x7C80] =	vst v11  }
0x313: {  	[tilespmem:s15+$0x9C80] =	vst v10  }
0x314: {  	[tilespmem:s15+$0xDC80] =	vst v12  }
0x315: {  	[tilespmem:s15+$0xBC80] =	vst v9  }
0x316: {  	v9 =	vld [tilespmem:s2+$0xFFFFFC00]  }
0x317: {  	v10 =	vld [tilespmem:s1+$0xFFFFFC00];
	_ =	sdelay $0x4  }
0x318: {  	v9 =	vmul.f32 v9, v3;
	v10 =	vmul.f32 v10, v2;
	_ =	sdelay $0x1  }
0x319: {  	v9 =	vadd.f32 v10, v9;
	_ =	sdelay $0x1  }
0x31a: {  	v10 =	vadd.f32 v9, v6  }
0x31b: {  	v11 =	vadd.f32 v9, v8;
	v12 =	vadd.f32 v9, v5  }
0x31c: {  	[tilespmem:s10+$0xFFFFFC00] =	vst v10;
	v10 =	vadd.f32 v9, v7  }
0x31d: {  	[tilespmem:s15+$0x8080] =	vst v11  }
0x31e: {  	v9 =	vadd.f32 v9, v4;
	[tilespmem:s15+$0xA080] =	vst v10  }
0x31f: {  	[tilespmem:s15+$0xE080] =	vst v12  }
0x320: {  	[tilespmem:s15+$0xC080] =	vst v9  }
0x321: {  	v9 =	vld [tilespmem:s2+$0x0]  }
0x322: {  	v10 =	vld [tilespmem:s1+$0x0];
	_ =	sdelay $0x3  }
0x323: {  	v9 =	vmul.f32 v9, v3  }
0x324: {  	v10 =	vmul.f32 v10, v2;
	_ =	sdelay $0x1  }
0x325: {  	v9 =	vadd.f32 v10, v9;
	_ =	sdelay $0x1  }
0x326: {  	v10 =	vadd.f32 v9, v6  }
0x327: {  	v11 =	vadd.f32 v9, v5  }
0x328: {  	[tilespmem:s10+$0x0] =	vst v10;
	v10 =	vadd.f32 v9, v7  }
0x329: {  	v12 =	vadd.f32 v9, v4;
	[tilespmem:s15+$0xE480] =	vst v11  }
0x32a: {  	v9 =	vadd.f32 v9, v8;
	[tilespmem:s15+$0xA480] =	vst v10  }
0x32b: {  	[tilespmem:s15+$0xC480] =	vst v12  }
0x32c: {  	[tilespmem:s15+$0x8480] =	vst v9  }
0x32d: {  	v9 =	vld [tilespmem:s2+$0x400]  }
0x32e: {  	v10 =	vld [tilespmem:s1+$0x400];
	_ =	sdelay $0x3  }
0x32f: {  	v9 =	vmul.f32 v9, v3  }
0x330: {  	v10 =	vmul.f32 v10, v2;
	_ =	sdelay $0x1  }
0x331: {  	v9 =	vadd.f32 v10, v9;
	_ =	sdelay $0x1  }
0x332: {  	v10 =	vadd.f32 v9, v6;
	v11 =	vadd.f32 v9, v4  }
0x333: {  	v12 =	vadd.f32 v9, v8;
	v13 =	vadd.f32 v9, v5  }
0x334: {  	v9 =	vadd.f32 v9, v7;
	[tilespmem:s10+$0x400] =	vst v10  }
0x335: {  	[tilespmem:s15+$0xC880] =	vst v11  }
.Ltmp4:
0x336: {  	[tilespmem:s15+$0x8880] =	vst v12;
	(pc) =	sbr.rel @p0 .LBB2_11-.Ltmp4, $4  }
0x337: {  	[tilespmem:s15+$0xA880] =	vst v9  }
0x338: {  	[tilespmem:s15+$0xE880] =	vst v13  }
0x339: {  	v9 =	vld [tilespmem:s2+$0x800]  }
0x33a: {  	s10 =	sadd.s32 $0x10, s10;
	v10 =	vld [tilespmem:s1+$0x800]  }
0x33b: {  	_ =	sdelay $0x3  }
0x33c: {  	v9 =	vmul.f32 v9, v3;
	v10 =	vmul.f32 v10, v2;
	_ =	sdelay $0x1  }
0x33d: {  	v9 =	vadd.f32 v10, v9;
	_ =	sdelay $0x1  }
0x33e: {  	v10 =	vadd.f32 v9, v6  }
0x33f: {  	v11 =	vadd.f32 v9, v4  }
0x340: {  	v12 =	vadd.f32 v9, v5;
	[tilespmem:s3+$0x800] =	vst v10  }
0x341: {  	v60 =	vadd.f32 v9, v8;
	[tilespmem:s15+$0xCC80] =	vst v11  }
0x342: {  	v9 =	vadd.f32 v9, v7;
	[tilespmem:s15+$0xEC80] =	vst v12  }
0x343: {  	[tilespmem:s15+$0x8C80] =	vst v60  }
0x344: {  	[tilespmem:s15+$0xAC80] =	vst v9  }
0x345: {  	v9 =	vld [tilespmem:s8+$0xC00]  }
0x346: {  	v10 =	vld [tilespmem:s26+$0xC00];
	_ =	sdelay $0x4  }
0x347: {  	v9 =	vmul.f32 v9, v3;
	v10 =	vmul.f32 v10, v2;
	_ =	sdelay $0x1  }
0x348: {  	v9 =	vadd.f32 v10, v9;
	_ =	sdelay $0x1  }
0x349: {  	v61 =	vadd.f32 v9, v6  }
0x34a: {  	v62 =	vadd.f32 v9, v8  }
0x34b: {  	v5 =	vadd.f32 v9, v5;
	[tilespmem:s3+$0xC00] =	vst v61  }
0x34c: {  	v4 =	vadd.f32 v9, v4;
	[tilespmem:s15+$0x9080] =	vst v62  }
0x34d: {  	s0 =	sshrl.u32 s0, $0x3;
	v63 =	vadd.f32 v9, v7;
	[tilespmem:s15+$0xF080] =	vst v5  }
0x34e: {  	s1 =	sor.u32 $0x200020, s0;
	[tilespmem:s15+$0xD080] =	vst v4  }
0x34f: {  	s1 =	sadd.s32 s6, s1;
	[tilespmem:s15+$0xB080] =	vst v63  }
0x350: {  	[hbm4b:s1+s17] =	stream.strided.scatter [tilespmem:s21], [sflag:$0x1], $0x2000, s18, s17, $0x38;
	[tilespmem:$0xF480] =	vst v63  }
0x351: {  	_ =	swait.ge [sflag:s16], $0x2000  }
0x352: {  	s11 =	sor.u32 $0x200030, s0;
	[sflag:s16] =	ssyncset.done $0x0  }
0x353: {  	s1 =	sadd.s32 s6, s11;
	[sflag:s16] =	ssyncadd.s32 $0xFFFFE000  }
0x354: {  	[hbm4b:s1+s17] =	stream.strided.scatter [tilespmem:s22], [sflag:$0x1], $0x2000, s18, s17, $0x38;
	[tilespmem:$0xF480] =	vst v63  }
0x355: {  	_ =	swait.ge [sflag:s16], $0x2000  }
0x356: {  	s15 =	sor.u32 $0x200040, s0;
	[sflag:s16] =	ssyncset.done $0x0  }
0x357: {  	s1 =	sadd.s32 s6, s15;
	[sflag:s16] =	ssyncadd.s32 $0xFFFFE000  }
0x358: {  	[hbm4b:s1+s17] =	stream.strided.scatter [tilespmem:s23], [sflag:$0x1], $0x2000, s18, s17, $0x38;
	[tilespmem:$0xF480] =	vst v63  }
0x359: {  	_ =	swait.ge [sflag:s16], $0x2000  }
0x35a: {  	s26 =	sor.u32 $0x200050, s0;
	[sflag:s16] =	ssyncset.done $0x0  }
0x35b: {  	s1 =	sadd.s32 s6, s26;
	[sflag:s16] =	ssyncadd.s32 $0xFFFFE000  }
0x35c: {  	[hbm4b:s1+s17] =	stream.strided.scatter [tilespmem:s24], [sflag:$0x1], $0x2000, s18, s17, $0x38;
	[tilespmem:$0xF480] =	vst v63  }
0x35d: {  	s31 =	sadd.s32 $0x1, s31;
	_ =	swait.ge [sflag:s16], $0x2000  }
0x35e: {  	p0 =	sne.s32 s31, $0x8;
	s0 =	sor.u32 $0x200060, s0;
	[sflag:s16] =	ssyncset.done $0x0  }
.Ltmp5:
0x35f: {  	s0 =	sadd.s32 s6, s0;
	[sflag:s16] =	ssyncadd.s32 $0xFFFFE000;
	(pc) =	sbr.rel @p0 .LBB2_10-.Ltmp5, $4  }
0x360: {  	[hbm4b:s0+s17] =	stream.strided.scatter [tilespmem:s25], [sflag:$0x1], $0x2000, s18, s17, $0x38;
	[tilespmem:$0xF480] =	vst v63  }
0x361: {  	_ =	swait.ge [sflag:s16], $0x2000  }
0x362: {  	[sflag:s16] =	ssyncset.done $0x0  }
0x363: {  	[sflag:s16] =	ssyncadd.s32 $0xFFFFE000  }
0x364: {  	(v2sf) =	vpush v0, $0xF  }
0x365: {  	(v2sf) =	vpush v1, $0x0;
	_ =	sdelay $0x2  }
0x366: {  	(v2sf) =	vpush v1, $0x1;
	_ =	sdelay $0x2  }
0x367: {  	(v2sf) =	vpush v1, $0x2;
	_ =	sdelay $0x2  }
0x368: {  	(v2sf) =	vpush v1, $0x3;
	_ =	sdelay $0x4  }
0x369: {  	s0 =	spop (v2sf)  }
0x36a: {  	s1 =	spop (v2sf)  }
0x36b: {  	p0 =	sgt.f32 s1, s0  }
0x36c: {  	s2 =	smov.u32 s0  }
0x36d: {  	s3 =	spop (v2sf);
	s2 =	smov.u32 @p0 s1  }
0x36e: {  	p1 =	sgt.f32 s3, s2;
	_ =	sdelay $0x1  }
0x36f: {  	s5 =	spop (v2sf);
	s2 =	smov.u32 @p1 s3  }
0x370: {  	p2 =	sgt.f32 s5, s2  }
0x371: {  	s9 =	simm.s32 $0x1  }
0x372: {  	s8 =	spop (v2sf);
	s9 =	simm.s32 @!p0 $0x0;
	s2 =	smov.u32 @p2 s5  }
0x373: {  	s9 =	simm.s32 @p1 $0x2;
	p1 =	sgt.f32 s8, s2  }
0x374: {  	s9 =	simm.s32 @p2 $0x3  }
0x375: {  	s9 =	simm.s32 @p1 $0x4  }
0x376: {  	p2 =	sgt.f32 s0, $-Inf;
	p0 =	sne.s32 s9, $0x0  }
0x377: {  	s0 =	simm.s32 @!p0 $0xFF800000  }
0x378: {  	s0 =	simm.s32 @!p2 $0xFF800000  }
0x379: {  	p2 =	sgt.f32 s1, s0  }
0x37a: {  	p3 =	sne.s32 s9, $0x1  }
0x37b: {  	p0 =	por !p3, !p2  }
0x37c: {  	p0 =	por !p0, !p0  }
0x37d: {  	s0 =	smov.u32 @p0 s1  }
0x37e: {  	p4 =	sgt.f32 s3, s0  }
0x37f: {  	p3 =	sne.s32 s9, $0x2  }
0x380: {  	p2 =	por !p3, !p4  }
0x381: {  	p2 =	por !p2, !p2  }
0x382: {  	s0 =	smov.u32 @p2 s3  }
0x383: {  	p5 =	sgt.f32 s5, s0  }
0x384: {  	p4 =	sne.s32 s9, $0x3  }
0x385: {  	p3 =	por !p4, !p5  }
0x386: {  	p3 =	por !p3, !p3  }
0x387: {  	s0 =	smov.u32 @p3 s5  }
0x388: {  	p6 =	sgt.f32 s8, s0  }
0x389: {  	p5 =	por !p1, !p1  }
0x38a: {  	p4 =	por !p5, !p6  }
0x38b: {  	p4 =	por !p4, !p4  }
0x38c: {  	s2 =	smov.u32 @p1 s8;
	s0 =	smov.u32 @p4 s8  }
0x38d: {  	s0 =	ssub.f32 s0, s2;
	_ =	sdelay $0x1  }
0x38e: {  	v0 =	vmov s0  }
0x38f: {  	v0 =	vmul.f32 $1.442695020e+00, v0;
	_ =	sdelay $0x1  }
0x390: {  	v0 =	vbroadcast v0, $0x0;
	_ =	sdelay $0x1  }
0x391: {  	(erf) = vpow2.f32 v0;
	_ =	sdelay $0x8  }
0x392: {  	v0 =	vpop (erf)  }
0x393: {  	v1 =	vadd.f32 $1.000000000e+00, v0;
	_ =	sdelay $0x1  }
0x394: {  	(erf) = vrcp.f32 v1;
	_ =	sdelay $0x4  }
0x395: {  	s0 =	simm.s32 $0x10  }
0x396: {  	s0 =	simm.s32 @!p0 $0xF  }
0x397: {  	s0 =	simm.s32 @p2 $0x11  }
0x398: {  	s11 =	sadd.s32 $0xF, s9;
	s0 =	simm.s32 @p3 $0x12  }
0x399: {  	s15 =	sshll.u32 s11, $0x7;
	s0 =	simm.s32 @p4 $0x13;
	v1 =	vpop (erf)  }
0x39a: {  	s1 =	sshll.u32 s11, $0x15;
	s26 =	sshll.u32 s0, $0x7;
	s0 =	sshll.u32 s0, $0x15;
	v0 =	vmul.f32 v1, v0  }
0x39b: {  	s30 =	simm.s32 $0x0;
	s1 =	sor.u32 s15, s1;
	s0 =	sor.u32 s26, s0  }
0x39c: {  	s31 =	simm.s32 $0x0;
	s28 =	sand.u32 $0x7F000380, s1;
	s29 =	sand.u32 $0x3000380, s0;
	v1 =	vsub.f32 $1.000000000e+00, v0  }
.LBB2_14:
0x39d: {  	s0 =	sshll.u32 s31, $0x10  }
0x39e: {  	s0 =	sadd.s32 s7, s0  }
0x39f: {  	s1 =	sor.u32 s0, s28  }
0x3a0: {  	s1 =	sshrl.u32 s1, $0x3  }
0x3a1: {  	s1 =	sadd.s32 s4, s1  }
0x3a2: {  	[tilespmem:s19], [sflag:$0x1] =	stream.strided.gather [hbm4b:s1+s17], $0x2000, s18, s17, $0x38;
	[tilespmem:$0xF480] =	vst v63  }
0x3a3: {  	s26 =	sor.u32 s0, s29;
	_ =	swait.ge [sflag:s16], $0x2000  }
0x3a4: {  	s1 =	sshrl.u32 s26, $0x3;
	[sflag:s16] =	ssyncset.done $0x0  }
0x3a5: {  	s1 =	sadd.s32 s4, s1;
	[sflag:s16] =	ssyncadd.s32 $0xFFFFE000  }
0x3a6: {  	[tilespmem:s20], [sflag:$0x1] =	stream.strided.gather [hbm4b:s1+s17], $0x2000, s18, s17, $0x38;
	[tilespmem:$0xF480] =	vst v63  }
0x3a7: {  	_ =	swait.ge [sflag:s16], $0x2000  }
0x3a8: {  	[sflag:s16] =	ssyncset.done $0x0  }
0x3a9: {  	s1 =	simm.s32 $0x4480;
	[sflag:s16] =	ssyncadd.s32 $0xFFFFE000  }
0x3aa: {  	s2 =	simm.s32 $0x2480;
	v2 =	vld [tilespmem:s1+$0xFFFFF000]  }
0x3ab: {  	v5 =	vld [tilespmem:s2+$0xFFFFF000];
	_ =	sdelay $0x2  }
0x3ac: {  	s5 =	simm.s32 $0x880  }
0x3ad: {  	v4 =	vld [tilespmem:s5+$0xFFFFF800]  }
0x3ae: {  	v3 =	vld [tilespmem:s5+$0x800];
	v6 =	vmul.f32 v5, v1;
	v7 =	vmul.f32 v2, v0  }
0x3af: {  	v5 =	vld [tilespmem:s5+$0x0]  }
0x3b0: {  	v2 =	vld [tilespmem:s5+$0x400];
	v7 =	vadd.f32 v7, v6  }
0x3b1: {  	v6 =	vld [tilespmem:s5+$0xFFFFFC00]  }
0x3b2: {  	v8 =	vadd.f32 v7, v4  }
0x3b3: {  	s3 =	simm.s32 $0x6480;
	v9 =	vadd.f32 v7, v3  }
0x3b4: {  	s15 =	sand.u32 $0x3F0, s30;
	v10 =	vadd.f32 v7, v5;
	[tilespmem:s3+$0xFFFFF000] =	vst v8  }
0x3b5: {  	v8 =	vadd.f32 v7, v2;
	[tilespmem:s15+$0xD480] =	vst v9  }
0x3b6: {  	v7 =	vadd.f32 v7, v6;
	[tilespmem:s15+$0x9480] =	vst v10  }
0x3b7: {  	[tilespmem:s15+$0xB480] =	vst v8  }
0x3b8: {  	[tilespmem:s15+$0x7480] =	vst v7  }
0x3b9: {  	v7 =	vld [tilespmem:s2+$0xFFFFF400]  }
0x3ba: {  	v8 =	vld [tilespmem:s1+$0xFFFFF400];
	_ =	sdelay $0x4  }
0x3bb: {  	v7 =	vmul.f32 v7, v1;
	v8 =	vmul.f32 v8, v0;
	_ =	sdelay $0x1  }
0x3bc: {  	v7 =	vadd.f32 v8, v7;
	_ =	sdelay $0x1  }
0x3bd: {  	v8 =	vadd.f32 v7, v4  }
0x3be: {  	v9 =	vadd.f32 v7, v6  }
0x3bf: {  	v10 =	vadd.f32 v7, v3;
	[tilespmem:s3+$0xFFFFF400] =	vst v8  }
0x3c0: {  	v8 =	vadd.f32 v7, v5;
	[tilespmem:s15+$0x7880] =	vst v9  }
0x3c1: {  	v7 =	vadd.f32 v7, v2;
	[tilespmem:s15+$0xD880] =	vst v10  }
0x3c2: {  	[tilespmem:s15+$0x9880] =	vst v8  }
0x3c3: {  	[tilespmem:s15+$0xB880] =	vst v7  }
0x3c4: {  	v7 =	vld [tilespmem:s2+$0xFFFFF800]  }
0x3c5: {  	v8 =	vld [tilespmem:s1+$0xFFFFF800];
	_ =	sdelay $0x4  }
0x3c6: {  	v7 =	vmul.f32 v7, v1;
	v8 =	vmul.f32 v8, v0;
	_ =	sdelay $0x1  }
0x3c7: {  	v7 =	vadd.f32 v8, v7;
	_ =	sdelay $0x1  }
0x3c8: {  	v8 =	vadd.f32 v7, v4  }
0x3c9: {  	v9 =	vadd.f32 v7, v6  }
0x3ca: {  	v10 =	vadd.f32 v7, v3;
	[tilespmem:s3+$0xFFFFF800] =	vst v8  }
0x3cb: {  	v8 =	vadd.f32 v7, v5;
	[tilespmem:s15+$0x7C80] =	vst v9  }
0x3cc: {  	v7 =	vadd.f32 v7, v2;
	[tilespmem:s15+$0xDC80] =	vst v10  }
0x3cd: {  	[tilespmem:s15+$0x9C80] =	vst v8  }
0x3ce: {  	[tilespmem:s15+$0xBC80] =	vst v7  }
0x3cf: {  	v7 =	vld [tilespmem:s2+$0xFFFFFC00]  }
0x3d0: {  	v8 =	vld [tilespmem:s1+$0xFFFFFC00];
	_ =	sdelay $0x4  }
0x3d1: {  	v7 =	vmul.f32 v7, v1;
	v8 =	vmul.f32 v8, v0;
	_ =	sdelay $0x1  }
0x3d2: {  	v7 =	vadd.f32 v8, v7;
	_ =	sdelay $0x1  }
0x3d3: {  	v8 =	vadd.f32 v7, v4  }
0x3d4: {  	v9 =	vadd.f32 v7, v6  }
0x3d5: {  	v10 =	vadd.f32 v7, v3;
	[tilespmem:s3+$0xFFFFFC00] =	vst v8  }
0x3d6: {  	v8 =	vadd.f32 v7, v5;
	[tilespmem:s15+$0x8080] =	vst v9  }
0x3d7: {  	v7 =	vadd.f32 v7, v2;
	[tilespmem:s15+$0xE080] =	vst v10  }
0x3d8: {  	[tilespmem:s15+$0xA080] =	vst v8  }
0x3d9: {  	[tilespmem:s15+$0xC080] =	vst v7  }
0x3da: {  	v7 =	vld [tilespmem:s2+$0x0]  }
0x3db: {  	v8 =	vld [tilespmem:s1+$0x0];
	_ =	sdelay $0x4  }
0x3dc: {  	v7 =	vmul.f32 v7, v1;
	v8 =	vmul.f32 v8, v0;
	_ =	sdelay $0x1  }
0x3dd: {  	v7 =	vadd.f32 v8, v7;
	_ =	sdelay $0x1  }
0x3de: {  	v8 =	vadd.f32 v7, v4  }
0x3df: {  	v9 =	vadd.f32 v7, v3  }
0x3e0: {  	v10 =	vadd.f32 v7, v2;
	[tilespmem:s3+$0x0] =	vst v8  }
0x3e1: {  	v8 =	vadd.f32 v7, v5;
	[tilespmem:s15+$0xE480] =	vst v9  }
0x3e2: {  	v7 =	vadd.f32 v7, v6;
	[tilespmem:s15+$0xC480] =	vst v10  }
0x3e3: {  	[tilespmem:s15+$0xA480] =	vst v8  }
0x3e4: {  	[tilespmem:s15+$0x8480] =	vst v7  }
0x3e5: {  	v7 =	vld [tilespmem:s2+$0x400]  }
0x3e6: {  	v8 =	vld [tilespmem:s1+$0x400];
	_ =	sdelay $0x4  }
0x3e7: {  	v7 =	vmul.f32 v7, v1;
	v8 =	vmul.f32 v8, v0;
	_ =	sdelay $0x1  }
0x3e8: {  	v7 =	vadd.f32 v8, v7;
	_ =	sdelay $0x1  }
0x3e9: {  	v8 =	vadd.f32 v7, v4  }
0x3ea: {  	v9 =	vadd.f32 v7, v2  }
0x3eb: {  	v10 =	vadd.f32 v7, v6;
	[tilespmem:s3+$0x400] =	vst v8  }
0x3ec: {  	v8 =	vadd.f32 v7, v5;
	[tilespmem:s15+$0xC880] =	vst v9  }
0x3ed: {  	v7 =	vadd.f32 v7, v3;
	[tilespmem:s15+$0x8880] =	vst v10  }
0x3ee: {  	[tilespmem:s15+$0xA880] =	vst v8  }
0x3ef: {  	[tilespmem:s15+$0xE880] =	vst v7  }
0x3f0: {  	s9 =	simm.s32 $0x10;
	v7 =	vld [tilespmem:s2+$0x800]  }
0x3f1: {  	s10 =	simm.s32 $0x6490;
	s8 =	simm.s32 $0x2480;
	s26 =	simm.s32 $0x4480;
	v8 =	vld [tilespmem:s1+$0x800]  }
.LBB2_15:
0x3f2: {  	s5 =	sadd.s32 $0x10, s5;
	s2 =	sadd.s32 $0x10, s2;
	s1 =	sadd.s32 $0x10, s1  }
0x3f3: {  	p0 =	sne.s32 s9, $0x3F0;
	s11 =	smov.u32 s9;
	s9 =	sadd.s32 $0x10, s9  }
0x3f4: {  	_ = 	snop  }
0x3f5: {  	v7 =	vmul.f32 v7, v1  }
0x3f6: {  	v8 =	vmul.f32 v8, v0;
	_ =	sdelay $0x1  }
0x3f7: {  	v7 =	vadd.f32 v8, v7;
	_ =	sdelay $0x1  }
0x3f8: {  	v8 =	vadd.f32 v7, v4  }
0x3f9: {  	v9 =	vadd.f32 v7, v2;
	v10 =	vadd.f32 v7, v3  }
0x3fa: {  	[tilespmem:s3+$0x800] =	vst v8;
	v8 =	vadd.f32 v7, v6;
	v7 =	vadd.f32 v7, v5  }
0x3fb: {  	[tilespmem:s15+$0xCC80] =	vst v9  }
0x3fc: {  	[tilespmem:s15+$0xEC80] =	vst v10  }
0x3fd: {  	[tilespmem:s15+$0x8C80] =	vst v8  }
0x3fe: {  	[tilespmem:s15+$0xAC80] =	vst v7  }
0x3ff: {  	v7 =	vld [tilespmem:s8+$0xC00];
	s8 =	smov.u32 s2  }
0x400: {  	v8 =	vld [tilespmem:s26+$0xC00];
	s26 =	smov.u32 s1;
	_ =	sdelay $0x3  }
0x401: {  	v7 =	vmul.f32 v7, v1  }
0x402: {  	v8 =	vmul.f32 v8, v0;
	_ =	sdelay $0x1  }
0x403: {  	v7 =	vadd.f32 v8, v7;
	_ =	sdelay $0x1  }
0x404: {  	v4 =	vadd.f32 v7, v4  }
0x405: {  	v6 =	vadd.f32 v7, v6  }
0x406: {  	v3 =	vadd.f32 v7, v3;
	[tilespmem:s3+$0xC00] =	vst v4;
	v4 =	vadd.f32 v7, v5;
	s3 =	smov.u32 s10  }
0x407: {  	v2 =	vadd.f32 v7, v2;
	[tilespmem:s15+$0x9080] =	vst v6  }
0x408: {  	[tilespmem:s15+$0xF080] =	vst v3  }
0x409: {  	[tilespmem:s15+$0xD080] =	vst v2  }
0x40a: {  	[tilespmem:s15+$0xB080] =	vst v4  }
0x40b: {  	v5 =	vld [tilespmem:s1+$0xFFFFF000]  }
0x40c: {  	v7 =	vld [tilespmem:s2+$0xFFFFF000];
	_ =	sdelay $0x1  }
0x40d: {  	v2 =	vld [tilespmem:s5+$0x400]  }
0x40e: {  	v3 =	vld [tilespmem:s5+$0x800]  }
0x40f: {  	v4 =	vld [tilespmem:s5+$0xFFFFF800]  }
0x410: {  	v8 =	vmul.f32 v5, v0;
	v6 =	vld [tilespmem:s5+$0xFFFFFC00];
	v7 =	vmul.f32 v7, v1  }
0x411: {  	v5 =	vld [tilespmem:s5+$0x0]  }
0x412: {  	v7 =	vadd.f32 v8, v7;
	_ =	sdelay $0x1  }
0x413: {  	v8 =	vadd.f32 v7, v4  }
0x414: {  	v10 =	vadd.f32 v7, v3;
	v9 =	vadd.f32 v7, v6  }
0x415: {  	s15 =	sand.u32 $0x3F0, s11;
	[tilespmem:s10+$0xFFFFF000] =	vst v8;
	v8 =	vadd.f32 v7, v5;
	v7 =	vadd.f32 v7, v2  }
0x416: {  	[tilespmem:s15+$0xD480] =	vst v10  }
0x417: {  	[tilespmem:s15+$0xB480] =	vst v7  }
0x418: {  	[tilespmem:s15+$0x9480] =	vst v8  }
0x419: {  	[tilespmem:s15+$0x7480] =	vst v9  }
0x41a: {  	v7 =	vld [tilespmem:s2+$0xFFFFF400]  }
0x41b: {  	v8 =	vld [tilespmem:s1+$0xFFFFF400];
	_ =	sdelay $0x4  }
0x41c: {  	v7 =	vmul.f32 v7, v1;
	v8 =	vmul.f32 v8, v0;
	_ =	sdelay $0x1  }
0x41d: {  	v7 =	vadd.f32 v8, v7;
	_ =	sdelay $0x1  }
0x41e: {  	v8 =	vadd.f32 v7, v4;
	v9 =	vadd.f32 v7, v3  }
0x41f: {  	v10 =	vadd.f32 v7, v6  }
0x420: {  	[tilespmem:s10+$0xFFFFF400] =	vst v8;
	v8 =	vadd.f32 v7, v5  }
0x421: {  	v7 =	vadd.f32 v7, v2;
	[tilespmem:s15+$0x7880] =	vst v10  }
0x422: {  	[tilespmem:s15+$0x9880] =	vst v8  }
0x423: {  	[tilespmem:s15+$0xD880] =	vst v9  }
0x424: {  	[tilespmem:s15+$0xB880] =	vst v7  }
0x425: {  	v7 =	vld [tilespmem:s2+$0xFFFFF800]  }
0x426: {  	v8 =	vld [tilespmem:s1+$0xFFFFF800];
	_ =	sdelay $0x4  }
0x427: {  	v7 =	vmul.f32 v7, v1;
	v8 =	vmul.f32 v8, v0;
	_ =	sdelay $0x1  }
0x428: {  	v7 =	vadd.f32 v8, v7;
	_ =	sdelay $0x1  }
0x429: {  	v8 =	vadd.f32 v7, v4  }
0x42a: {  	v9 =	vadd.f32 v7, v6;
	v10 =	vadd.f32 v7, v3  }
0x42b: {  	[tilespmem:s10+$0xFFFFF800] =	vst v8;
	v8 =	vadd.f32 v7, v5  }
0x42c: {  	v7 =	vadd.f32 v7, v2;
	[tilespmem:s15+$0x7C80] =	vst v9  }
0x42d: {  	[tilespmem:s15+$0x9C80] =	vst v8  }
0x42e: {  	[tilespmem:s15+$0xDC80] =	vst v10  }
0x42f: {  	[tilespmem:s15+$0xBC80] =	vst v7  }
0x430: {  	v7 =	vld [tilespmem:s2+$0xFFFFFC00]  }
0x431: {  	v8 =	vld [tilespmem:s1+$0xFFFFFC00];
	_ =	sdelay $0x4  }
0x432: {  	v7 =	vmul.f32 v7, v1;
	v8 =	vmul.f32 v8, v0;
	_ =	sdelay $0x1  }
0x433: {  	v7 =	vadd.f32 v8, v7;
	_ =	sdelay $0x1  }
0x434: {  	v8 =	vadd.f32 v7, v4  }
0x435: {  	v9 =	vadd.f32 v7, v6;
	v10 =	vadd.f32 v7, v3  }
0x436: {  	[tilespmem:s10+$0xFFFFFC00] =	vst v8;
	v8 =	vadd.f32 v7, v5  }
0x437: {  	[tilespmem:s15+$0x8080] =	vst v9  }
0x438: {  	v7 =	vadd.f32 v7, v2;
	[tilespmem:s15+$0xA080] =	vst v8  }
0x439: {  	[tilespmem:s15+$0xE080] =	vst v10  }
0x43a: {  	[tilespmem:s15+$0xC080] =	vst v7  }
0x43b: {  	v7 =	vld [tilespmem:s2+$0x0]  }
0x43c: {  	v8 =	vld [tilespmem:s1+$0x0];
	_ =	sdelay $0x3  }
0x43d: {  	v7 =	vmul.f32 v7, v1  }
0x43e: {  	v8 =	vmul.f32 v8, v0;
	_ =	sdelay $0x1  }
0x43f: {  	v7 =	vadd.f32 v8, v7;
	_ =	sdelay $0x1  }
0x440: {  	v8 =	vadd.f32 v7, v4  }
0x441: {  	v9 =	vadd.f32 v7, v3  }
0x442: {  	[tilespmem:s10+$0x0] =	vst v8;
	v8 =	vadd.f32 v7, v5  }
0x443: {  	v10 =	vadd.f32 v7, v2;
	[tilespmem:s15+$0xE480] =	vst v9  }
0x444: {  	v7 =	vadd.f32 v7, v6;
	[tilespmem:s15+$0xA480] =	vst v8  }
0x445: {  	[tilespmem:s15+$0xC480] =	vst v10  }
0x446: {  	[tilespmem:s15+$0x8480] =	vst v7  }
0x447: {  	v7 =	vld [tilespmem:s2+$0x400]  }
0x448: {  	v8 =	vld [tilespmem:s1+$0x400];
	_ =	sdelay $0x3  }
0x449: {  	v7 =	vmul.f32 v7, v1  }
0x44a: {  	v8 =	vmul.f32 v8, v0;
	_ =	sdelay $0x1  }
0x44b: {  	v7 =	vadd.f32 v8, v7;
	_ =	sdelay $0x1  }
0x44c: {  	v8 =	vadd.f32 v7, v4;
	v9 =	vadd.f32 v7, v2  }
0x44d: {  	v10 =	vadd.f32 v7, v6;
	v11 =	vadd.f32 v7, v3  }
0x44e: {  	v7 =	vadd.f32 v7, v5;
	[tilespmem:s10+$0x400] =	vst v8  }
0x44f: {  	[tilespmem:s15+$0xC880] =	vst v9  }
.Ltmp6:
0x450: {  	[tilespmem:s15+$0x8880] =	vst v10;
	(pc) =	sbr.rel @p0 .LBB2_15-.Ltmp6, $4  }
0x451: {  	[tilespmem:s15+$0xA880] =	vst v7  }
0x452: {  	[tilespmem:s15+$0xE880] =	vst v11  }
0x453: {  	v7 =	vld [tilespmem:s2+$0x800]  }
0x454: {  	s10 =	sadd.s32 $0x10, s10;
	v8 =	vld [tilespmem:s1+$0x800]  }
0x455: {  	_ =	sdelay $0x3  }
0x456: {  	v7 =	vmul.f32 v7, v1;
	v8 =	vmul.f32 v8, v0;
	_ =	sdelay $0x1  }
0x457: {  	v7 =	vadd.f32 v8, v7;
	_ =	sdelay $0x1  }
0x458: {  	v8 =	vadd.f32 v7, v4  }
0x459: {  	v9 =	vadd.f32 v7, v2  }
0x45a: {  	v10 =	vadd.f32 v7, v3;
	[tilespmem:s3+$0x800] =	vst v8  }
0x45b: {  	v60 =	vadd.f32 v7, v6;
	[tilespmem:s15+$0xCC80] =	vst v9  }
0x45c: {  	v7 =	vadd.f32 v7, v5;
	[tilespmem:s15+$0xEC80] =	vst v10  }
0x45d: {  	[tilespmem:s15+$0x8C80] =	vst v60  }
0x45e: {  	[tilespmem:s15+$0xAC80] =	vst v7  }
0x45f: {  	v7 =	vld [tilespmem:s8+$0xC00]  }
0x460: {  	v8 =	vld [tilespmem:s26+$0xC00];
	_ =	sdelay $0x4  }
0x461: {  	v7 =	vmul.f32 v7, v1;
	v8 =	vmul.f32 v8, v0;
	_ =	sdelay $0x1  }
0x462: {  	v7 =	vadd.f32 v8, v7;
	_ =	sdelay $0x1  }
0x463: {  	v61 =	vadd.f32 v7, v4  }
0x464: {  	v62 =	vadd.f32 v7, v6  }
0x465: {  	v3 =	vadd.f32 v7, v3;
	[tilespmem:s3+$0xC00] =	vst v61  }
0x466: {  	v2 =	vadd.f32 v7, v2;
	[tilespmem:s15+$0x9080] =	vst v62  }
0x467: {  	s0 =	sshrl.u32 s0, $0x3;
	v63 =	vadd.f32 v7, v5;
	[tilespmem:s15+$0xF080] =	vst v3  }
0x468: {  	s1 =	sor.u32 $0x200070, s0;
	[tilespmem:s15+$0xD080] =	vst v2  }
0x469: {  	s1 =	sadd.s32 s6, s1;
	[tilespmem:s15+$0xB080] =	vst v63  }
0x46a: {  	[hbm4b:s1+s17] =	stream.strided.scatter [tilespmem:s21], [sflag:$0x1], $0x2000, s18, s17, $0x38;
	[tilespmem:$0xF480] =	vst v63  }
0x46b: {  	_ =	swait.ge [sflag:s16], $0x2000  }
0x46c: {  	s11 =	sor.u32 $0x400000, s0;
	[sflag:s16] =	ssyncset.done $0x0  }
0x46d: {  	s1 =	sadd.s32 s6, s11;
	[sflag:s16] =	ssyncadd.s32 $0xFFFFE000  }
0x46e: {  	[hbm4b:s1+s17] =	stream.strided.scatter [tilespmem:s22], [sflag:$0x1], $0x2000, s18, s17, $0x38;
	[tilespmem:$0xF480] =	vst v63  }
0x46f: {  	_ =	swait.ge [sflag:s16], $0x2000  }
0x470: {  	s15 =	sor.u32 $0x400010, s0;
	[sflag:s16] =	ssyncset.done $0x0  }
0x471: {  	s1 =	sadd.s32 s6, s15;
	[sflag:s16] =	ssyncadd.s32 $0xFFFFE000  }
0x472: {  	[hbm4b:s1+s17] =	stream.strided.scatter [tilespmem:s23], [sflag:$0x1], $0x2000, s18, s17, $0x38;
	[tilespmem:$0xF480] =	vst v63  }
0x473: {  	_ =	swait.ge [sflag:s16], $0x2000  }
0x474: {  	s26 =	sor.u32 $0x400020, s0;
	[sflag:s16] =	ssyncset.done $0x0  }
0x475: {  	s1 =	sadd.s32 s6, s26;
	[sflag:s16] =	ssyncadd.s32 $0xFFFFE000  }
0x476: {  	[hbm4b:s1+s17] =	stream.strided.scatter [tilespmem:s24], [sflag:$0x1], $0x2000, s18, s17, $0x38;
	[tilespmem:$0xF480] =	vst v63  }
0x477: {  	s31 =	sadd.s32 $0x1, s31;
	_ =	swait.ge [sflag:s16], $0x2000  }
0x478: {  	p0 =	sne.s32 s31, $0x8;
	s0 =	sor.u32 $0x400030, s0;
	[sflag:s16] =	ssyncset.done $0x0  }
.Ltmp7:
0x479: {  	s0 =	sadd.s32 s6, s0;
	[sflag:s16] =	ssyncadd.s32 $0xFFFFE000;
	(pc) =	sbr.rel @p0 .LBB2_14-.Ltmp7, $4  }
0x47a: {  	[hbm4b:s0+s17] =	stream.strided.scatter [tilespmem:s25], [sflag:$0x1], $0x2000, s18, s17, $0x38;
	[tilespmem:$0xF480] =	vst v63  }
0x47b: {  	_ =	swait.ge [sflag:s16], $0x2000  }
0x47c: {  	[sflag:s16] =	ssyncset.done $0x0  }
0x47d: {  	[sflag:s16] =	ssyncadd.s32 $0xFFFFE000  }
0x47e: {  	s1 =	rddreg [dreg:$0x9]  }
0x47f: {  	s0 =	rddreg [dreg:$0x8];
	s1 =	sadd.s32 $0x1, s1  }
0x480: {  	p0 =	sne.s32 s1, s0  }
.Ltmp8:
0x481: {  	_ = 	snop;
	(pc) =	sbr.rel @p0 .LBB2_1-.Ltmp8, $2  }
0x482: {  	_ =	sdelay $0x2  }
0x483: {  	s11 =	rddreg [dreg:$0x4]  }
0x484: {  	_ =	sfence.sel $0x180000  }
0x485: {  	[bflag:$0x0] =	sbarrier.arrive $0xFFFF  }
0x486: {  	_ =	strace $0x9000004A  }
0x487: {  	s0 =	stileid.u32;
	[bflag:$0x2] =	sbarrier.arrive $0xFFFF  }
0x488: {  	p0 =	sne.s32 s0, $0x0;
	s0 =	rddreg [dreg:$0x2]  }
0x489: {  	s0 =	sadd.s32 @!p0 $0x100000, s0  }
0x48a: {  	[sflag:s0] =	ssyncadd.tile.s32 @!p0 $0x1;
	_ =	shalt  }
.Lfunc_end2:
_tile_overlayer_lowered:
.L_overlay_start_2:
0x48b: {  	(tag) =	ssettag $0x2  }
0x48c: {  	s0 =	rddreg [dreg:$0x0];
	s2 =	stileid.u32  }
0x48d: {  	s1 =	rddreg [dreg:$0x1];
	p0 =	sne.s32 s2, $0x0  }
0x48e: {  	s3 =	rddreg [dreg:$0x2];
	[bflag:$0x3] =	sbarrier.arrive $0xFFFF;
	s2 =	simm.s32 @!p0 $0x1C01  }
0x48f: {  	[timem:s3], [sflag:s2] =	dma.local @!p0 [hbm:s0], s1  }
0x490: {  	s0 =	simm.s32 @!p0 $0x1  }
0x491: {  	_ =	swait.ge @!p0 [sflag:s0], s1  }
0x492: {  	s1 =	ssub.s32 @!p0 $0x0, s1;
	[sflag:s0] =	ssyncset.done @!p0 $0x0  }
0x493: {  	[sflag:s0] =	ssyncadd.s32 @!p0 s1  }
0x494: {  	[bflag:$0x3] =	sbarrier.arrive $0xFFFF  }
0x495: {  	_ =	shalt  }

// kernel: sparse-core-data-format-call.cloned.1.call-start
scs
called_computation_lowered:
.L_overlay_start_0:
0x0: {  	s1 =	sld [smem:$0x3FD9]  }
0x1: {  	s2 =	sld [smem:$0x3FFE];
	_ =	sdelay $0x1  }
0x2: {  	s3 =	srdreg.scid  }
0x3: {  	s0 =	sand.u32 $0x1, s3  }
0x4: {  	s17 =	sshll.u32 s0, $0xA;
	s1 =	sadd.s32 s2, s1  }
0x5: {  	s1 =	sadd.s32 s1, s17  }
0x6: {  	[smem:$0x3FC5] =	sst s1  }
0x7: {  	_ = 	snop  }
0x8: {  	(tm) =	ssettm $0x1  }
0x9: {  	s18 =	sld [smem:$0x3FFB];
	_ =	sdelay $0x3  }
0xa: {  	_ =	strace s18  }
0xb: {  	s1 =	sld [smem:$0x3FFC];
	_ =	sdelay $0x3  }
0xc: {  	_ =	strace s1  }
0xd: {  	s1 =	sld [smem:$0x3FFD];
	_ =	sdelay $0x3  }
0xe: {  	_ =	strace s1  }
0xf: {  	_ =	strace $0x8FFFFFFF  }
0x10: {  	s19 =	sld [smem:$0x3FDB];
	_ =	sdelay $0x1  }
0x11: {  	s20 =	simm.s32 $_scs_section_size  }
0x12: {  	s4 =	simm.s32 $_size__tile_overlayer_lowered;
	s5 =	simm.s32 $_tile_overlayer_lowered  }
0x13: {  	s23 =	simm.s32 $0x1BFF;
	s22 =	sshll.u32 s5, $0x1;
	s1 =	sadd.s32 s20, s19  }
0x14: {  	s6 =	simm.s32 $0x0;
	s21 =	sshll.u32 s4, $0x1;
	s4 =	sadd.s32 s22, s1  }
0x15: {  	[timem:s6], [sflag:s23] =	dma.local [hbm:s4], s21  }
0x16: {  	_ =	swait.ge [sflag:s23], s21  }
0x17: {  	s2 =	ssub.s32 $0x0, s21;
	[sflag:s23] =	ssyncset.done $0x0  }
0x18: {  	[sflag:s23] =	ssyncadd.s32 s2;
	_ =	sdelay $0x1  }
0x19: {  	s24 =	simm.s32 $0x1B8B  }
0x1a: {  	_ =	swait.ge [sflag:s24], $0x1  }
0x1b: {  	[sflag:s24] =	ssyncset.done $0x0  }
0x1c: {  	s26 =	simm.s32 $0x1B8E;
	s25 =	sld [smem:$0x3FFE];
	[sflag:s24] =	ssyncadd.s32 $0xFFFFFFFF  }
0x1d: {  	s27 =	simm.s32 $execute0_lowered;
	[smem:$0x3FD2] =	sst s26  }
0x1e: {  	s4 =	sshll.u32 s27, $0x1;
	_ =	strace $0x80000046;
	[dreg:$0x1] =	wrdreg $0xFFFFFFFF  }
0x1f: {  	s28 =	simm.s32 $_size_execute0_lowered;
	s1 =	sadd.s32 s1, s4;
	[dreg:$0x0] =	wrdreg $0x0  }
0x20: {  	s4 =	sshll.u32 s28, $0x1;
	[dreg:$0x2] =	wrdreg s1  }
0x21: {  	[dreg:$0x3] =	wrdreg s4  }
0x22: {  	[dreg:$0x4] =	wrdreg $0xC0  }
0x23: {  	_ =	task [dreg:s6], $0x5FFFF  }
0x24: {  	[dreg:$0x1] =	wrdreg $0xFFFFFFFF  }
0x25: {  	[dreg:$0x0] =	wrdreg $0x60  }
0x26: {  	[dreg:$0x2] =	wrdreg s25  }
0x27: {  	[dreg:$0x3] =	wrdreg $0x9  }
0x28: {  	_ =	task.clear_ibuf [dreg:s6], $0x4FFFF;
	_ =	strace $0x90000046  }
0x29: {  	s29 =	simm.s32 $0x9;
	_ =	strace $0x80000048  }
0x2a: {  	_ =	swait.ge [sflag:s29], $0x1  }
0x2b: {  	[sflag:s29] =	ssyncadd.s32 $0xFFFFFFFF  }
0x2c: {  	_ =	strace $0x90000048  }
0x2d: {  	_ =	sfence  }
0x2e: {  	s30 =	sld [smem:$0x0];
	_ =	sdelay $0x2  }
0x2f: {  	s31 =	sshll.u32 s3, $0xD;
	s3 =	sshrl.u32 s3, $0x2  }
0x30: {  	s2 =	sand.u32 $0x4000, s31;
	s1 =	sadd.s32 s3, s30  }
0x31: {  	s0 =	sor.u32 s2, s0;
	s1 =	sshll.u32 s1, $0x11  }
0x32: {  	s0 =	sor.u32 s1, s0  }
0x33: {  	s0 =	sadd.s32 $0x8F2B, s0  }
0x34: {  	[sflag:s0] =	ssyncadd.remote.s32 $0x1  }
0x35: {  	_ =	sfence.sel $0xFFFF  }
0x36: {  	[dreg:$0x0] =	wrdreg $0xFFFFFFFF;
	(pc) =	sbr.abs _section_cstart, $3  }
0x37: {  	[dreg:$0x1] =	wrdreg $0xFFFFFFFF  }
0x38: {  	_ =	task.clear_ibuf [dreg:s6], $0x2FFFF;
	_ =	strace $0x9FFFFFFF  }
0x39: {  	(tm) =	ssettm $0x7FFFFFFF  }
tec
execute0_lowered:
.L_overlay_start_1:
0x0: {  	(tag) =	ssettag $0x1  }
0x1: {  	s0 =	stileid.u32  }
0x2: {  	s1 =	srdreg.scid;
	s6 =	rddreg [dreg:$0x0];
	s4 =	simm.s32 $0x1  }
0x3: {  	s8 =	simm.s32 $0x2;
	s2 =	sshll.u32 s0, $0x4;
	s1 =	sshll.u32 s1, $0x8  }
0x4: {  	s16 =	simm.s32 $0x0;
	s9 =	simm.s32 $0x2000;
	s1 =	sor.u32 s2, s1  }
0x5: {  	s10 =	simm.s32 $0x0;
	s17 =	simm.s32 $0x0;
	s2 =	sand.u32 $0x180, s1  }
0x6: {  	s19 =	simm.s32 $0x0;
	s18 =	simm.s32 $0x0;
	s3 =	ssub.s32 $0x800, s2  }
0x7: {  	s11 =	simm.s32 $0x0;
	s14 =	simm.s32 $0x0;
	s31 =	sand.u32 $0x180, s3  }
0x8: {  	s15 =	simm.s32 $0x0;
	s7 =	sand.u32 $0x7, s0;
	p0 =	sne.s32 s31, $0x0  }
.Ltmp0:
0x9: {  	s3 =	sshrl.u32 s3, $0x9;
	s4 =	simm.s32 @!p0 $0x0;
	(pc) =	sbr.rel .LBB1_1-.Ltmp0, $4  }
0xa: {  	s13 =	smov.u32 s7;
	s1 =	rddreg [dreg:$0x1];
	s5 =	sadd.s32 s4, s3  }
0xb: {  	_ =	strace $0x80000047;
	s4 =	simm.s32 $0x1;
	s5 =	smul.u32 $0x18, s5  }
0xc: {  	s12 =	smov.u32 s2;
	s3 =	sadd.s32 $0xA00, s6;
	[sflag:s4] =	ssyncpa.u1 $0x0  }
0xd: {  	s6 =	sadd.s32 $0x600A00, s6;
	[sflag:s8] =	ssyncpa.u1 $0x0;
	s8 =	sor.u32 $0x1, s5  }
.LBB1_4:
0xe: {  	_ =	sdelay $0x3  }
0xf: {  	[tilespmem:v0+s22+$0xFFFFFFA0 ss:$0x1] =	vst.idx.msk $0xffff, v6  }
0x10: {  	v56 =	vld.idx.msk [tilespmem:v1+s21+$0x30 ss:$0x1], $0xffff;
	[tilespmem:v0+s22+$0xFFFFFFB0 ss:$0x1] =	vst.idx.msk $0xffff, v4  }
0x11: {  	v57 =	vld.idx.msk [tilespmem:v1+s21+$0xFFFFFFC0 ss:$0x1], $0xffff;
	[tilespmem:v0+s22+$0xFFFFFFC0 ss:$0x1] =	vst.idx.msk $0xffff, v2  }
0x12: {  	v58 =	vld.idx.msk [tilespmem:v1+s21+$0xFFFFFFD0 ss:$0x1], $0xffff;
	[tilespmem:v0+s22+$0xFFFFFFD0 ss:$0x1] =	vst.idx.msk $0xffff, v3  }
0x13: {  	v59 =	vld.idx.msk [tilespmem:v1+s21+$0xFFFFFFE0 ss:$0x1], $0xffff;
	[tilespmem:v0+s22+$0xFFFFFFE0 ss:$0x1] =	vst.idx.msk $0xffff, v5  }
0x14: {  	v60 =	vld.idx.msk [tilespmem:v1+s21+$0xFFFFFFF0 ss:$0x1], $0xffff;
	[tilespmem:v0+s22+$0xFFFFFFF0 ss:$0x1] =	vst.idx.msk $0xffff, v7  }
0x15: {  	v61 =	vld.idx.msk [tilespmem:v1+s21+$0x0 ss:$0x1], $0xffff;
	[tilespmem:v0+s21+$0x0 ss:$0x1] =	vst.idx.msk $0xffff, v56  }
0x16: {  	v62 =	vld.idx.msk [tilespmem:v1+s21+$0x10 ss:$0x1], $0xffff;
	[tilespmem:v0+s21+$0xFFFFFF90 ss:$0x1] =	vst.idx.msk $0xffff, v57  }
0x17: {  	v63 =	vld.idx.msk [tilespmem:v1+s21+$0x20 ss:$0x1], $0xffff;
	s19 =	sshll.u32 s19, $0x7;
	[tilespmem:v0+s21+$0xFFFFFFA0 ss:$0x1] =	vst.idx.msk $0xffff, v58  }
0x18: {  	s28 =	sand.u32 $0x78, s16;
	s18 =	sshll.u32 s18, $0x15;
	s17 =	sshll.u32 s17, $0xA;
	[tilespmem:v0+s21+$0xFFFFFFB0 ss:$0x1] =	vst.idx.msk $0xffff, v59  }
0x19: {  	s29 =	sand.u32 $0x380, s16;
	s19 =	sand.u32 $0x380, s19;
	s18 =	sadd.s32 s6, s18;
	[tilespmem:v0+s21+$0xFFFFFFC0 ss:$0x1] =	vst.idx.msk $0xffff, v60  }
0x1a: {  	s30 =	sand.u32 $0x7, s16;
	s19 =	sor.u32 s19, s28;
	s17 =	sadd.s32 s17, s18;
	[tilespmem:v0+s21+$0xFFFFFFD0 ss:$0x1] =	vst.idx.msk $0xffff, v61  }
0x1b: {  	s16 =	sshll.u32 s30, $0x12;
	s31 =	sshrl.u32 s19, $0x3;
	s17 =	sadd.s32 s29, s17;
	[tilespmem:v0+s21+$0xFFFFFFE0 ss:$0x1] =	vst.idx.msk $0xffff, v62  }
0x1c: {  	s16 =	sor.u32 $0x80, s16;
	s17 =	sadd.s32 s31, s17;
	[tilespmem:v0+s21+$0xFFFFFFF0 ss:$0x1] =	vst.idx.msk $0xffff, v63  }
0x1d: {  	[hbm4b:s17+s16] =	stream.strided.scatter [tilespmem:s20], [sflag:$0x2], $0x4000, s9, s16, $0x38;
	[tilespmem:$0x10000] =	vst v63  }
.LBB1_5:
0x1e: {  	s20 =	sadd.s32 $0x80, s11  }
0x1f: {  	s16 =	sadd.s32 $0x200, s12;
	s21 =	smov.u32 s12;
	p1 =	sgt.s32 s20, $0x3FF  }
0x20: {  	s21 =	smov.u32 @p1 s16  }
0x21: {  	s22 =	smov.u32 s13;
	s16 =	sadd.s32 $0x8, s13;
	p2 =	sgt.s32 s21, $0x7FF  }
0x22: {  	s22 =	smov.u32 @p2 s16  }
0x23: {  	s16 =	simm.s32 $0x1;
	p3 =	sgt.s32 s22, $0x7  }
0x24: {  	s16 =	simm.s32 @!p3 $0x0  }
0x25: {  	p0 =	slt.u32 s15, $0x2;
	s24 =	sadd.s32 s16, s14  }
0x26: {  	s17 =	smov.u32 s12;
	s20 =	simm.s32 @p1 $0x0;
	p1 =	sgt.s32 s24, $0x2  }
0x27: {  	s23 =	simm.s32 @!p0 $0x2;
	s24 =	simm.s32 @p1 $0x0;
	p1 =	sne.s32 s15, s8  }
.Ltmp1:
0x28: {  	s19 =	smov.u32 s13;
	_ =	swait.ge @!p0 [sflag:s23], $0x4000;
	(pc) =	sbr.rel @!p1 .LBB1_6-.Ltmp1, $4  }
0x29: {  	s18 =	smov.u32 s14;
	[sflag:s23] =	ssyncset.done @!p0 $0x0;
	s21 =	smov.u32 @p2 s2  }
0x2a: {  	s10 =	sadd.s32 $0x4000, s10;
	[sflag:s23] =	ssyncadd.s32 @!p0 $0xFFFFC000;
	s12 =	smov.u32 s21  }
0x2b: {  	s22 =	smov.u32 @p3 s7;
	s16 =	smov.u32 s11;
	s11 =	smov.u32 s20  }
0x2c: {  	s13 =	smov.u32 s22;
	s15 =	sadd.s32 $0x1, s15;
	s14 =	smov.u32 s24  }
.LBB1_1:
0x2d: {  	p0 =	sge.u32 s15, s5;
	s31 =	sadd.s32 $0xFFFFFFFF, s15  }
0x2e: {  	s20 =	sxor.u32 @!p0 $0xFFFFFFFF, s15;
	s21 =	sshll.u32 @!p0 s12, $0x7;
	s22 =	sand.u32 @!p0 $0x78, s11  }
0x2f: {  	s24 =	sshll.u32 @!p0 s13, $0x12;
	s20 =	sshll.u32 @!p0 s20, $0xE;
	s23 =	sand.u32 @!p0 $0x380, s21  }
0x30: {  	s21 =	sand.u32 @!p0 $0x3FC00, s21;
	s22 =	sor.u32 @!p0 s22, s23;
	s23 =	sshll.u32 @!p0 s14, $0x15  }
0x31: {  	s20 =	sand.u32 @!p0 $0x4000, s20;
	s21 =	sadd.s32 @!p0 s11, s21;
	s23 =	sadd.s32 @!p0 s3, s23  }
0x32: {  	s22 =	sshrl.u32 @!p0 s22, $0x3;
	s23 =	sadd.s32 @!p0 s24, s23;
	s24 =	sand.u32 @!p0 $0x7, s11  }
0x33: {  	s21 =	sand.u32 @!p0 $0x3FF80, s21;
	s22 =	sadd.s32 @!p0 s22, s23;
	s23 =	sshll.u32 @!p0 s24, $0x12  }
0x34: {  	s21 =	sadd.s32 @!p0 s21, s22;
	s22 =	sor.u32 @!p0 $0x400, s23;
	s23 =	simm.s32 @!p0 $0x2000  }
0x35: {  	[tilespmem:s20], [sflag:$0x1] =	stream.strided.gather @!p0 [hbm4b:s21+s22], $0x4000, s23, s22, $0x38;
	[tilespmem:$0x10000] =	vst v63  }
0x36: {  	p0 =	sge.u32 s31, s5  }
.Ltmp2:
0x37: {  	_ = 	snop;
	(pc) =	sbr.rel @p0 .LBB1_5-.Ltmp2, $1  }
0x38: {  	_ =	sdelay $0x3  }
0x39: {  	s20 =	sand.u32 $0x4000, s10  }
0x3a: {  	s21 =	sor.u32 $0x40, s20  }
0x3b: {  	v1 =	vmov s21;
	_ =	sdelay $0x1  }
0x3c: {  	_ =	swait.ge [sflag:s4], $0x4000  }
0x3d: {  	[sflag:s4] =	ssyncset.done $0x0  }
0x3e: {  	s22 =	simm.s32 $0x0;
	[sflag:s4] =	ssyncadd.s32 $0xFFFFC000  }
0x3f: {  	s20 =	sor.u32 $0x8070, s20;
	v7 =	vld.idx.msk [tilespmem:v1+s22+$0x30 ss:$0x1], $0xffff  }
0x40: {  	v0 =	vmov s20;
	v8 =	vld.idx.msk [tilespmem:v1+s22+$0xFFFFFFC0 ss:$0x1], $0xffff  }
0x41: {  	v6 =	vld.idx.msk [tilespmem:v1+s22+$0xFFFFFFD0 ss:$0x1], $0xffff  }
0x42: {  	v4 =	vld.idx.msk [tilespmem:v1+s22+$0xFFFFFFE0 ss:$0x1], $0xffff  }
0x43: {  	v2 =	vld.idx.msk [tilespmem:v1+s22+$0xFFFFFFF0 ss:$0x1], $0xffff  }
0x44: {  	s31 =	sshll.u32 s15, $0xE;
	v3 =	vld.idx.msk [tilespmem:v1+s22+$0x0 ss:$0x1], $0xffff  }
0x45: {  	s20 =	sand.u32 $0x4000, s31;
	v5 =	vld.idx.msk [tilespmem:v1+s22+$0x10 ss:$0x1], $0xffff;
	[tilespmem:v0+s22+$0x0 ss:$0x1] =	vst.idx.msk $0xffff, v7  }
0x46: {  	s23 =	simm.s32 $0x400;
	s21 =	simm.s32 $0x80;
	s20 =	sor.u32 $0x8000, s20;
	[tilespmem:v0+s22+$0xFFFFFF90 ss:$0x1] =	vst.idx.msk $0xffff, v8;
	v7 =	vld.idx.msk [tilespmem:v1+s22+$0x20 ss:$0x1], $0xffff  }
.LBB1_3:
0x47: {  	p0 =	sne.s32 s23, $0xFE00;
	v8 =	vld.idx.msk [tilespmem:v1+s21+$0x30 ss:$0x1], $0xffff;
	[tilespmem:v0+s22+$0xFFFFFFA0 ss:$0x1] =	vst.idx.msk $0xffff, v6  }
0x48: {  	v9 =	vld.idx.msk [tilespmem:v1+s21+$0xFFFFFFC0 ss:$0x1], $0xffff;
	[tilespmem:v0+s22+$0xFFFFFFB0 ss:$0x1] =	vst.idx.msk $0xffff, v4  }
0x49: {  	v6 =	vld.idx.msk [tilespmem:v1+s21+$0xFFFFFFD0 ss:$0x1], $0xffff;
	[tilespmem:v0+s22+$0xFFFFFFC0 ss:$0x1] =	vst.idx.msk $0xffff, v2  }
.Ltmp3:
0x4a: {  	v4 =	vld.idx.msk [tilespmem:v1+s21+$0xFFFFFFE0 ss:$0x1], $0xffff;
	[tilespmem:v0+s22+$0xFFFFFFD0 ss:$0x1] =	vst.idx.msk $0xffff, v3;
	(pc) =	sbr.rel @p0 .LBB1_3-.Ltmp3, $4  }
0x4b: {  	v2 =	vld.idx.msk [tilespmem:v1+s21+$0xFFFFFFF0 ss:$0x1], $0xffff;
	[tilespmem:v0+s22+$0xFFFFFFE0 ss:$0x1] =	vst.idx.msk $0xffff, v5  }
0x4c: {  	v3 =	vld.idx.msk [tilespmem:v1+s21+$0x0 ss:$0x1], $0xffff;
	[tilespmem:v0+s22+$0xFFFFFFF0 ss:$0x1] =	vst.idx.msk $0xffff, v7;
	s22 =	smov.u32 s21  }
0x4d: {  	v5 =	vld.idx.msk [tilespmem:v1+s22+$0x10 ss:$0x1], $0xffff;
	[tilespmem:v0+s22+$0x0 ss:$0x1] =	vst.idx.msk $0xffff, v8  }
0x4e: {  	s21 =	sshra.s32 s23, $0x2;
	s23 =	sadd.s32 $0x200, s23;
	[tilespmem:v0+s22+$0xFFFFFF90 ss:$0x1] =	vst.idx.msk $0xffff, v9;
	v7 =	vld.idx.msk [tilespmem:v1+s22+$0x20 ss:$0x1], $0xffff  }
.Ltmp4:
0x4f: {  	_ = 	snop;
	(pc) =	sbr.rel .LBB1_4-.Ltmp4, $1  }
0x50: {  	_ =	sdelay $0x3  }
.LBB1_6:
0x51: {  	_ =	sfence.sel $0x180000  }
0x52: {  	s2 =	simm.s32 $0x1;
	[bflag:$0x0] =	sbarrier.arrive $0xFFFF  }
0x53: {  	s31 =	simm.s32 $0x2;
	[sflag:s2] =	ssyncpa.u1 $0x1  }
0x54: {  	[sflag:s31] =	ssyncpa.u1 $0x1  }
0x55: {  	p0 =	sne.s32 s0, $0x0;
	_ =	strace $0x90000047  }
0x56: {  	s0 =	sadd.s32 @!p0 $0x100000, s1;
	[bflag:$0x2] =	sbarrier.arrive $0xFFFF  }
0x57: {  	[sflag:s0] =	ssyncadd.tile.s32 @!p0 $0x1;
	_ =	shalt  }
.Lfunc_end1:
_tile_overlayer_lowered:
.L_overlay_start_2:
0x58: {  	(tag) =	ssettag $0x2  }
0x59: {  	s0 =	rddreg [dreg:$0x0];
	s2 =	stileid.u32  }
0x5a: {  	s1 =	rddreg [dreg:$0x1];
	p0 =	sne.s32 s2, $0x0  }
0x5b: {  	s3 =	rddreg [dreg:$0x2];
	[bflag:$0x3] =	sbarrier.arrive $0xFFFF;
	s2 =	simm.s32 @!p0 $0x1C01  }
0x5c: {  	[timem:s3], [sflag:s2] =	dma.local @!p0 [hbm:s0], s1  }
0x5d: {  	s0 =	simm.s32 @!p0 $0x1  }
0x5e: {  	_ =	swait.ge @!p0 [sflag:s0], s1  }
0x5f: {  	s1 =	ssub.s32 @!p0 $0x0, s1;
	[sflag:s0] =	ssyncset.done @!p0 $0x0  }
0x60: {  	[sflag:s0] =	ssyncadd.s32 @!p0 s1  }
0x61: {  	[bflag:$0x3] =	sbarrier.arrive $0xFFFF  }
0x62: {  	_ =	shalt  }

</sc_bundles>
